<compile_context>
chip_gen: v7x
topology: tpu7x:2x2x1
jax: 0.10.2.dev20260603
libtpu: 0.0.44.dev20260713+nightly
codegen_flags: <defaults>
</compile_context>

<pallas_src>
import functools

import jax
import jax.numpy as jnp
from jax import lax
from jax.experimental import pallas as pl
from jax.experimental.pallas import tpu as pltpu
from jax.experimental.pallas import tpu_sc as plsc

S = 64.0
MEAN = 0.35
SIGMA = 0.0125

N_ROWS = 1024
N_COLS = 100000
NC, NS, L = 2, 16, 16
NW = NC * NS
RB = 16
NB = N_COLS // RB
NIT = (NB + NW - 1) // NW
NSLOT = 4
NQ = N_ROWS // L

_mesh = plsc.VectorSubcoreMesh(
    core_axis_name="c", subcore_axis_name="s", num_cores=NC, num_subcores=NS
)


@functools.partial(
    pl.kernel,
    out_type=jax.ShapeDtypeStruct((N_COLS, N_ROWS), jnp.float32),
    mesh=_mesh,
    scratch_types=[
        pltpu.VMEM((N_ROWS,), jnp.int32),
        pltpu.VMEM((N_ROWS,), jnp.float32),
        pltpu.VMEM((NSLOT, RB, N_ROWS), jnp.float32),
        pltpu.SemaphoreType.DMA,
        pltpu.SemaphoreType.DMA,
    ],
    compiler_params=pltpu.CompilerParams(needs_layout_passes=False),
)
def _sc_scale_t(lt_hbm, labels_hbm, ela_hbm, out_hbm, lab_v, ela_v, buf,
                in_sem, out_sem):
    wid = lax.axis_index("s") * NC + lax.axis_index("c")
    pltpu.sync_copy(labels_hbm, lab_v)
    pltpu.sync_copy(ela_hbm, ela_v)
    lanes = lax.iota(jnp.int32, L)

    def block_of(t):
        return t * NW + wid

    def valid(t):
        return block_of(t) < NB

    def row0_of(t):
        return pl.multiple_of(block_of(t) * RB, RB)

    def src(t):
        return lt_hbm.at[pl.ds(row0_of(t), RB), :]

    def dst(t):
        return out_hbm.at[pl.ds(row0_of(t), RB), :]

    @pl.when(valid(0))
    def _():
        pltpu.async_copy(src(0), buf.at[0], in_sem)

    @pl.when(valid(1))
    def _():
        pltpu.async_copy(src(1), buf.at[1], in_sem)

    def step(t, k):
        kn = (k + 2) % NSLOT

        @pl.when((t >= 2) & valid(jnp.maximum(t - 2, 0)))
        def _():
            tp = jnp.maximum(t - 2, 0)
            pltpu.make_async_copy(buf.at[kn], dst(tp), out_sem).wait()

        @pl.when((t + 2 < NIT) & valid(jnp.minimum(t + 2, NIT - 1)))
        def _():
            tn = jnp.minimum(t + 2, NIT - 1)
            pltpu.async_copy(src(tn), buf.at[kn], in_sem)

        @pl.when(valid(t))
        def _():
            pltpu.make_async_copy(src(t), buf.at[k], in_sem).wait()

            def scale_loop(q, carry):
                o = q * L
                for r in range(RB):
                    buf[k, r, pl.ds(o, L)] = buf[k, r, pl.ds(o, L)] * S
                return carry

            lax.fori_loop(0, NQ, scale_loop, 0, unroll=2)

            row0 = block_of(t) * RB

            def margin_loop(q, carry):
                o = pl.multiple_of(q * L, L)
                lab16 = lab_v[pl.ds(o, L)]
                ela16 = ela_v[pl.ds(o, L)]
                off = lab16 - row0
                m = (off >= 0) & (off < RB)
                offc = jnp.clip(off, 0, RB - 1)
                cols16 = o + lanes
                slot = buf.at[k]
                v = plsc.load_gather(slot, [offc, cols16], mask=m)
                plsc.store_scatter(slot, [offc, cols16], v - ela16, mask=m)
                return carry

            lax.fori_loop(0, NQ, margin_loop, 0)

            pltpu.async_copy(buf.at[k], dst(t), out_sem)

    def ring_loop(tt, carry):
        for kk in range(NSLOT):
            step(tt * NSLOT + kk, kk)
        return carry

    lax.fori_loop(0, NIT // NSLOT, ring_loop, 0)

    for back in (2, 1):
        tl = NIT - back

        @pl.when(valid(tl))
        def _():
            pltpu.make_async_copy(buf.at[tl % NSLOT], dst(tl), out_sem).wait()


def kernel(logits, labels):
    ekey = jax.random.key(42)
    ela_s = (MEAN + SIGMA * jax.random.normal(ekey, (N_ROWS,), dtype=jnp.float32)) * S
    lt = jnp.swapaxes(logits, 0, 1)
    out_t = _sc_scale_t(lt, labels, ela_s)
    return jnp.swapaxes(out_t, 0, 1)

# --- scband reference (transcript-rebuilt; emitter-appended) ---
"""Pipeline reference for scband-elastic-cos-69295002354041 (READ-ONLY COPY).

The authoritative reference and input builder live on the scoring server;
editing this copy changes nothing except your own understanding.
"""

import jax, jax.numpy as jnp
import numpy as np

S = 64.0
MEAN = 0.35
SIGMA = 0.0125


def setup_inputs(seed: int = 0) -> dict:
    key = jax.random.key(seed)
    k1, k2 = jax.random.split(key)
    logits = jax.random.normal(k1, (1024, 100000), dtype=jnp.float32)
    labels = jax.random.randint(k2, (1024,), 0, 100000, dtype=jnp.int32)
    return {"logits": logits, "labels": labels}


def reference(logits, labels):
    # index = torch.where(labels != -1)[0]
    idx = jnp.nonzero(labels != -1, size=labels.shape[0])[0]
    tl = labels[idx]
    # target_logit = logits[index, labels[index]]
    target_logit = logits[idx, tl]
    # elastic = torch.normal(mean, sigma, [len(index), 1]) -> per-target gaussian margin
    ekey = jax.random.key(42)
    elastic = MEAN + SIGMA * jax.random.normal(ekey, (idx.shape[0],), dtype=jnp.float32)
    final_target_logit = target_logit - elastic
    # logits[index, labels[index]] = final_target_logit (scatter-overwrite)
    logits = logits.at[idx, tl].set(final_target_logit)
    # logits = logits * s
    return logits * S

if __name__ == "__main__":
    import jax
    _d = setup_inputs()
    print(jax.jit(kernel)(*tuple(_d.values())))

</pallas_src>

<mosaic_0001>
#map = affine_map<(d0, d1) -> (0, 0)>
#map1 = affine_map<(d0, d1) -> (0)>
module attributes {stable_mosaic.version = 14 : i64} {
  func.func @_sc_scale_t(%arg0: i32, %arg1: i32, %arg2: memref<100000x1024xf32, #tpu.memory_space<hbm>>, %arg3: memref<1024xi32, #tpu.memory_space<hbm>>, %arg4: memref<1024xf32, #tpu.memory_space<hbm>>, %arg5: memref<100000x1024xf32, #tpu.memory_space<hbm>>, %arg6: memref<1024xi32, #tpu.memory_space<vmem>>, %arg7: memref<1024xf32, #tpu.memory_space<vmem>>, %arg8: memref<4x16x1024xf32, #tpu.memory_space<vmem>>, %arg9: memref<!tpu.dma_semaphore, #tpu.memory_space<semaphore_mem>>, %arg10: memref<!tpu.dma_semaphore, #tpu.memory_space<semaphore_mem>>) attributes {dimension_semantics = [#tpu.dimension_semantics<core_parallel>, #tpu.dimension_semantics<subcore_parallel>], iteration_bounds = array<i64: 2, 16>, scalar_prefetch = 0 : i64, scratch_operands = 5 : i64, tpu.core_type = #tpu.core_type<sc_vector_subcore>, window_params = [{transform_indices = #map}, {transform_indices = #map1}, {transform_indices = #map1}, {transform_indices = #map}]} {
    %mul3A = arith.constant 2 : i32
    %mul3A_0 = arith.muli %arg1, %mul3A : i32
    %add3A = arith.addi %mul3A_0, %arg0 : i32
    "tpu.region"() ({
      %run_scoped3A = tpu.sem_alloc : memref<!tpu.dma_semaphore, #tpu.memory_space<semaphore_mem>>
      tpu.enqueue_dma source(%arg3 : memref<1024xi32, #tpu.memory_space<hbm>>) target(%arg6 : memref<1024xi32, #tpu.memory_space<vmem>>) target_semaphore(%run_scoped3A : memref<!tpu.dma_semaphore, #tpu.memory_space<semaphore_mem>>)
      tpu.wait_dma2 semaphore(%run_scoped3A : memref<!tpu.dma_semaphore, #tpu.memory_space<semaphore_mem>>) src(%arg3 : memref<1024xi32, #tpu.memory_space<hbm>>) dst(%arg6 : memref<1024xi32, #tpu.memory_space<vmem>>)
      tpu.yield
    }) : () -> ()
    "tpu.region"() ({
      %run_scoped3A = tpu.sem_alloc : memref<!tpu.dma_semaphore, #tpu.memory_space<semaphore_mem>>
      tpu.enqueue_dma source(%arg4 : memref<1024xf32, #tpu.memory_space<hbm>>) target(%arg7 : memref<1024xf32, #tpu.memory_space<vmem>>) target_semaphore(%run_scoped3A : memref<!tpu.dma_semaphore, #tpu.memory_space<semaphore_mem>>)
      tpu.wait_dma2 semaphore(%run_scoped3A : memref<!tpu.dma_semaphore, #tpu.memory_space<semaphore_mem>>) src(%arg4 : memref<1024xf32, #tpu.memory_space<hbm>>) dst(%arg7 : memref<1024xf32, #tpu.memory_space<vmem>>)
      tpu.yield
    }) : () -> ()
    %iota3A = tpu.iota {dimensions = array<i32: 0>} : vector<16xi32>
    %add3A_1 = arith.constant 0 : i32
    %add3A_2 = arith.addi %add3A_1, %add3A : i32
    %lt3A = arith.constant 6250 : i32
    %lt3A_3 = arith.cmpi slt, %add3A_2, %lt3A : i32
    %convert_element_type3A = arith.extui %lt3A_3 : i1 to i32
    %cond3A = arith.constant 0 : i32
    %cond3A_4 = arith.cmpi ne, %convert_element_type3A, %cond3A : i32
    scf.if %cond3A_4 {
      %add3A_31 = arith.constant 0 : i32
      %add3A_32 = arith.addi %add3A_31, %add3A : i32
      %mul3A_33 = arith.constant 16 : i32
      %mul3A_34 = arith.muli %add3A_32, %mul3A_33 : i32
      %multiple_of3A = tpu.assume_multiple %mul3A_34, 16 : i32
      %dma_start3A = arith.constant 0 : i32
      %dma_start3A_35 = arith.constant 0 : i32
      %dma_start3A_36 = arith.constant 0 : i32
      %dma_start3A_37 = tpu.memref_slice %arg8[%dma_start3A, %dma_start3A_35, %dma_start3A_36] : memref<4x16x1024xf32, #tpu.memory_space<vmem>> -> memref<1x16x1024xf32, #tpu.memory_space<vmem>>
      %dma_start3A_38 = tpu.memref_squeeze %dma_start3A_37 : memref<1x16x1024xf32, #tpu.memory_space<vmem>> -> memref<16x1024xf32, #tpu.memory_space<vmem>>
      %dma_start3A_39 = arith.constant 0 : i32
      %dma_start3A_40 = tpu.memref_slice %arg2[%multiple_of3A, %dma_start3A_39] : memref<100000x1024xf32, #tpu.memory_space<hbm>> -> memref<16x1024xf32, #tpu.memory_space<hbm>>
      %dma_start3A_41 = arith.constant 0 : i32
      %dma_start3A_42 = arith.constant 0 : i32
      %dma_start3A_43 = tpu.memref_slice %arg8[%dma_start3A, %dma_start3A_41, %dma_start3A_42] : memref<4x16x1024xf32, #tpu.memory_space<vmem>> -> memref<1x16x1024xf32, #tpu.memory_space<vmem>>
      %dma_start3A_44 = tpu.memref_squeeze %dma_start3A_43 : memref<1x16x1024xf32, #tpu.memory_space<vmem>> -> memref<16x1024xf32, #tpu.memory_space<vmem>>
      %dma_start3A_45 = arith.constant 0 : i32
      %dma_start3A_46 = tpu.memref_slice %arg2[%multiple_of3A, %dma_start3A_45] : memref<100000x1024xf32, #tpu.memory_space<hbm>> -> memref<16x1024xf32, #tpu.memory_space<hbm>>
      tpu.enqueue_dma source(%dma_start3A_46 : memref<16x1024xf32, #tpu.memory_space<hbm>>) target(%dma_start3A_44 : memref<16x1024xf32, #tpu.memory_space<vmem>>) target_semaphore(%arg9 : memref<!tpu.dma_semaphore, #tpu.memory_space<semaphore_mem>>)
    } else {
    }
    %add3A_5 = arith.constant 32 : i32
    %add3A_6 = arith.addi %add3A_5, %add3A : i32
    %lt3A_7 = arith.constant 6250 : i32
    %lt3A_8 = arith.cmpi slt, %add3A_6, %lt3A_7 : i32
    %convert_element_type3A_9 = arith.extui %lt3A_8 : i1 to i32
    %cond3A_10 = arith.constant 0 : i32
    %cond3A_11 = arith.cmpi ne, %convert_element_type3A_9, %cond3A_10 : i32
    scf.if %cond3A_11 {
      %add3A_31 = arith.constant 32 : i32
      %add3A_32 = arith.addi %add3A_31, %add3A : i32
      %mul3A_33 = arith.constant 16 : i32
      %mul3A_34 = arith.muli %add3A_32, %mul3A_33 : i32
      %multiple_of3A = tpu.assume_multiple %mul3A_34, 16 : i32
      %dma_start3A = arith.constant 1 : i32
      %dma_start3A_35 = arith.constant 0 : i32
      %dma_start3A_36 = arith.constant 0 : i32
      %dma_start3A_37 = tpu.memref_slice %arg8[%dma_start3A, %dma_start3A_35, %dma_start3A_36] : memref<4x16x1024xf32, #tpu.memory_space<vmem>> -> memref<1x16x1024xf32, #tpu.memory_space<vmem>>
      %dma_start3A_38 = tpu.memref_squeeze %dma_start3A_37 : memref<1x16x1024xf32, #tpu.memory_space<vmem>> -> memref<16x1024xf32, #tpu.memory_space<vmem>>
      %dma_start3A_39 = arith.constant 0 : i32
      %dma_start3A_40 = tpu.memref_slice %arg2[%multiple_of3A, %dma_start3A_39] : memref<100000x1024xf32, #tpu.memory_space<hbm>> -> memref<16x1024xf32, #tpu.memory_space<hbm>>
      %dma_start3A_41 = arith.constant 0 : i32
      %dma_start3A_42 = arith.constant 0 : i32
      %dma_start3A_43 = tpu.memref_slice %arg8[%dma_start3A, %dma_start3A_41, %dma_start3A_42] : memref<4x16x1024xf32, #tpu.memory_space<vmem>> -> memref<1x16x1024xf32, #tpu.memory_space<vmem>>
      %dma_start3A_44 = tpu.memref_squeeze %dma_start3A_43 : memref<1x16x1024xf32, #tpu.memory_space<vmem>> -> memref<16x1024xf32, #tpu.memory_space<vmem>>
      %dma_start3A_45 = arith.constant 0 : i32
      %dma_start3A_46 = tpu.memref_slice %arg2[%multiple_of3A, %dma_start3A_45] : memref<100000x1024xf32, #tpu.memory_space<hbm>> -> memref<16x1024xf32, #tpu.memory_space<hbm>>
      tpu.enqueue_dma source(%dma_start3A_46 : memref<16x1024xf32, #tpu.memory_space<hbm>>) target(%dma_start3A_44 : memref<16x1024xf32, #tpu.memory_space<vmem>>) target_semaphore(%arg9 : memref<!tpu.dma_semaphore, #tpu.memory_space<semaphore_mem>>)
    } else {
    }
    %scan3A = arith.constant 0 : i32
    %scan3A_12 = arith.constant 0 : i32
    %scan3A_13 = arith.constant 49 : i32
    %scan3A_14 = arith.addi %scan3A_12, %scan3A_13 : i32
    %scan3A_15 = arith.constant 1 : i32
    scf.for %scan3A_31 = %scan3A_12 to %scan3A_14 step %scan3A_15  : i32 {
      %mul3A_32 = arith.constant 4 : i32
      %mul3A_33 = arith.muli %scan3A_31, %mul3A_32 : i32
      %add3A_34 = arith.constant 0 : i32
      %add3A_35 = arith.addi %mul3A_33, %add3A_34 : i32
      %ge3A = arith.constant 2 : i32
      %ge3A_36 = arith.cmpi sge, %add3A_35, %ge3A : i32
      %sub3A = arith.constant 2 : i32
      %sub3A_37 = arith.subi %add3A_35, %sub3A : i32
      %max3A = arith.constant 0 : i32
      %max3A_38 = arith.maxsi %sub3A_37, %max3A : i32
      %mul3A_39 = arith.constant 32 : i32
      %mul3A_40 = arith.muli %max3A_38, %mul3A_39 : i32
      %add3A_41 = arith.addi %mul3A_40, %add3A : i32
      %lt3A_42 = arith.constant 6250 : i32
      %lt3A_43 = arith.cmpi slt, %add3A_41, %lt3A_42 : i32
      %and3A = arith.andi %ge3A_36, %lt3A_43 : i1
      %convert_element_type3A_44 = arith.extui %and3A : i1 to i32
      %cond3A_45 = arith.constant 0 : i32
      %cond3A_46 = arith.cmpi ne, %convert_element_type3A_44, %cond3A_45 : i32
      scf.if %cond3A_46 {
        %sub3A_203 = arith.constant 2 : i32
        %sub3A_204 = arith.subi %add3A_35, %sub3A_203 : i32
        %max3A_205 = arith.constant 0 : i32
        %max3A_206 = arith.maxsi %sub3A_204, %max3A_205 : i32
        %mul3A_207 = arith.constant 32 : i32
        %mul3A_208 = arith.muli %max3A_206, %mul3A_207 : i32
        %add3A_209 = arith.addi %mul3A_208, %add3A : i32
        %mul3A_210 = arith.constant 16 : i32
        %mul3A_211 = arith.muli %add3A_209, %mul3A_210 : i32
        %multiple_of3A = tpu.assume_multiple %mul3A_211, 16 : i32
        %dma_wait3A = arith.constant 2 : i32
        %dma_wait3A_212 = arith.constant 0 : i32
        %dma_wait3A_213 = arith.constant 0 : i32
        %dma_wait3A_214 = tpu.memref_slice %arg8[%dma_wait3A, %dma_wait3A_212, %dma_wait3A_213] : memref<4x16x1024xf32, #tpu.memory_space<vmem>> -> memref<1x16x1024xf32, #tpu.memory_space<vmem>>
        %dma_wait3A_215 = tpu.memref_squeeze %dma_wait3A_214 : memref<1x16x1024xf32, #tpu.memory_space<vmem>> -> memref<16x1024xf32, #tpu.memory_space<vmem>>
        %dma_wait3A_216 = arith.constant 0 : i32
        %dma_wait3A_217 = tpu.memref_slice %arg5[%multiple_of3A, %dma_wait3A_216] : memref<100000x1024xf32, #tpu.memory_space<hbm>> -> memref<16x1024xf32, #tpu.memory_space<hbm>>
        %dma_wait3A_218 = arith.constant 0 : i32
        %dma_wait3A_219 = tpu.memref_slice %arg5[%multiple_of3A, %dma_wait3A_218] : memref<100000x1024xf32, #tpu.memory_space<hbm>> -> memref<16x1024xf32, #tpu.memory_space<hbm>>
        %dma_wait3A_220 = arith.constant 0 : i32
        %dma_wait3A_221 = arith.constant 0 : i32
        %dma_wait3A_222 = tpu.memref_slice %arg8[%dma_wait3A, %dma_wait3A_220, %dma_wait3A_221] : memref<4x16x1024xf32, #tpu.memory_space<vmem>> -> memref<1x16x1024xf32, #tpu.memory_space<vmem>>
        %dma_wait3A_223 = tpu.memref_squeeze %dma_wait3A_222 : memref<1x16x1024xf32, #tpu.memory_space<vmem>> -> memref<16x1024xf32, #tpu.memory_space<vmem>>
        tpu.wait_dma2 semaphore(%arg10 : memref<!tpu.dma_semaphore, #tpu.memory_space<semaphore_mem>>) src(%dma_wait3A_223 : memref<16x1024xf32, #tpu.memory_space<vmem>>) dst(%dma_wait3A_219 : memref<16x1024xf32, #tpu.memory_space<hbm>>)
      } else {
      }
      %add3A_47 = arith.constant 2 : i32
      %add3A_48 = arith.addi %add3A_35, %add3A_47 : i32
      %lt3A_49 = arith.constant 196 : i32
      %lt3A_50 = arith.cmpi slt, %add3A_48, %lt3A_49 : i32
      %add3A_51 = arith.constant 2 : i32
      %add3A_52 = arith.addi %add3A_35, %add3A_51 : i32
      %min3A = arith.constant 195 : i32
      %min3A_53 = arith.minsi %add3A_52, %min3A : i32
      %mul3A_54 = arith.constant 32 : i32
      %mul3A_55 = arith.muli %min3A_53, %mul3A_54 : i32
      %add3A_56 = arith.addi %mul3A_55, %add3A : i32
      %lt3A_57 = arith.constant 6250 : i32
      %lt3A_58 = arith.cmpi slt, %add3A_56, %lt3A_57 : i32
      %and3A_59 = arith.andi %lt3A_50, %lt3A_58 : i1
      %convert_element_type3A_60 = arith.extui %and3A_59 : i1 to i32
      %cond3A_61 = arith.constant 0 : i32
      %cond3A_62 = arith.cmpi ne, %convert_element_type3A_60, %cond3A_61 : i32
      scf.if %cond3A_62 {
        %add3A_203 = arith.constant 2 : i32
        %add3A_204 = arith.addi %add3A_35, %add3A_203 : i32
        %min3A_205 = arith.constant 195 : i32
        %min3A_206 = arith.minsi %add3A_204, %min3A_205 : i32
        %mul3A_207 = arith.constant 32 : i32
        %mul3A_208 = arith.muli %min3A_206, %mul3A_207 : i32
        %add3A_209 = arith.addi %mul3A_208, %add3A : i32
        %mul3A_210 = arith.constant 16 : i32
        %mul3A_211 = arith.muli %add3A_209, %mul3A_210 : i32
        %multiple_of3A = tpu.assume_multiple %mul3A_211, 16 : i32
        %dma_start3A = arith.constant 2 : i32
        %dma_start3A_212 = arith.constant 0 : i32
        %dma_start3A_213 = arith.constant 0 : i32
        %dma_start3A_214 = tpu.memref_slice %arg8[%dma_start3A, %dma_start3A_212, %dma_start3A_213] : memref<4x16x1024xf32, #tpu.memory_space<vmem>> -> memref<1x16x1024xf32, #tpu.memory_space<vmem>>
        %dma_start3A_215 = tpu.memref_squeeze %dma_start3A_214 : memref<1x16x1024xf32, #tpu.memory_space<vmem>> -> memref<16x1024xf32, #tpu.memory_space<vmem>>
        %dma_start3A_216 = arith.constant 0 : i32
        %dma_start3A_217 = tpu.memref_slice %arg2[%multiple_of3A, %dma_start3A_216] : memref<100000x1024xf32, #tpu.memory_space<hbm>> -> memref<16x1024xf32, #tpu.memory_space<hbm>>
        %dma_start3A_218 = arith.constant 0 : i32
        %dma_start3A_219 = arith.constant 0 : i32
        %dma_start3A_220 = tpu.memref_slice %arg8[%dma_start3A, %dma_start3A_218, %dma_start3A_219] : memref<4x16x1024xf32, #tpu.memory_space<vmem>> -> memref<1x16x1024xf32, #tpu.memory_space<vmem>>
        %dma_start3A_221 = tpu.memref_squeeze %dma_start3A_220 : memref<1x16x1024xf32, #tpu.memory_space<vmem>> -> memref<16x1024xf32, #tpu.memory_space<vmem>>
        %dma_start3A_222 = arith.constant 0 : i32
        %dma_start3A_223 = tpu.memref_slice %arg2[%multiple_of3A, %dma_start3A_222] : memref<100000x1024xf32, #tpu.memory_space<hbm>> -> memref<16x1024xf32, #tpu.memory_space<hbm>>
        tpu.enqueue_dma source(%dma_start3A_223 : memref<16x1024xf32, #tpu.memory_space<hbm>>) target(%dma_start3A_221 : memref<16x1024xf32, #tpu.memory_space<vmem>>) target_semaphore(%arg9 : memref<!tpu.dma_semaphore, #tpu.memory_space<semaphore_mem>>)
      } else {
      }
      %mul3A_63 = arith.constant 32 : i32
      %mul3A_64 = arith.muli %add3A_35, %mul3A_63 : i32
      %add3A_65 = arith.addi %mul3A_64, %add3A : i32
      %lt3A_66 = arith.constant 6250 : i32
      %lt3A_67 = arith.cmpi slt, %add3A_65, %lt3A_66 : i32
      %convert_element_type3A_68 = arith.extui %lt3A_67 : i1 to i32
      %cond3A_69 = arith.constant 0 : i32
      %cond3A_70 = arith.cmpi ne, %convert_element_type3A_68, %cond3A_69 : i32
      scf.if %cond3A_70 {
        %mul3A_203 = arith.constant 32 : i32
        %mul3A_204 = arith.muli %add3A_35, %mul3A_203 : i32
        %add3A_205 = arith.addi %mul3A_204, %add3A : i32
        %mul3A_206 = arith.constant 16 : i32
        %mul3A_207 = arith.muli %add3A_205, %mul3A_206 : i32
        %multiple_of3A = tpu.assume_multiple %mul3A_207, 16 : i32
        %dma_wait3A = arith.constant 0 : i32
        %dma_wait3A_208 = arith.constant 0 : i32
        %dma_wait3A_209 = arith.constant 0 : i32
        %dma_wait3A_210 = tpu.memref_slice %arg8[%dma_wait3A, %dma_wait3A_208, %dma_wait3A_209] : memref<4x16x1024xf32, #tpu.memory_space<vmem>> -> memref<1x16x1024xf32, #tpu.memory_space<vmem>>
        %dma_wait3A_211 = tpu.memref_squeeze %dma_wait3A_210 : memref<1x16x1024xf32, #tpu.memory_space<vmem>> -> memref<16x1024xf32, #tpu.memory_space<vmem>>
        %dma_wait3A_212 = arith.constant 0 : i32
        %dma_wait3A_213 = tpu.memref_slice %arg2[%multiple_of3A, %dma_wait3A_212] : memref<100000x1024xf32, #tpu.memory_space<hbm>> -> memref<16x1024xf32, #tpu.memory_space<hbm>>
        %dma_wait3A_214 = arith.constant 0 : i32
        %dma_wait3A_215 = arith.constant 0 : i32
        %dma_wait3A_216 = tpu.memref_slice %arg8[%dma_wait3A, %dma_wait3A_214, %dma_wait3A_215] : memref<4x16x1024xf32, #tpu.memory_space<vmem>> -> memref<1x16x1024xf32, #tpu.memory_space<vmem>>
        %dma_wait3A_217 = tpu.memref_squeeze %dma_wait3A_216 : memref<1x16x1024xf32, #tpu.memory_space<vmem>> -> memref<16x1024xf32, #tpu.memory_space<vmem>>
        %dma_wait3A_218 = arith.constant 0 : i32
        %dma_wait3A_219 = tpu.memref_slice %arg2[%multiple_of3A, %dma_wait3A_218] : memref<100000x1024xf32, #tpu.memory_space<hbm>> -> memref<16x1024xf32, #tpu.memory_space<hbm>>
        tpu.wait_dma2 semaphore(%arg9 : memref<!tpu.dma_semaphore, #tpu.memory_space<semaphore_mem>>) src(%dma_wait3A_219 : memref<16x1024xf32, #tpu.memory_space<hbm>>) dst(%dma_wait3A_217 : memref<16x1024xf32, #tpu.memory_space<vmem>>)
        %scan3A_220 = arith.constant 0 : i32
        %scan3A_221 = arith.constant 0 : i32
        %scan3A_222 = arith.constant 64 : i32
        %scan3A_223 = arith.addi %scan3A_221, %scan3A_222 : i32
        %scan3A_224 = arith.constant 2 : i32
        scf.for %scan3A_255 = %scan3A_221 to %scan3A_223 step %scan3A_224  : i32 {
          %mul3A_256 = arith.constant 16 : i32
          %mul3A_257 = arith.muli %scan3A_255, %mul3A_256 : i32
          %get3A = arith.constant 0 : i32
          %get3A_258 = arith.constant 0 : i32
          %get3A_259 = arith.index_cast %get3A : i32 to index
          %get3A_260 = arith.index_cast %get3A_258 : i32 to index
          %get3A_261 = arith.index_cast %mul3A_257 : i32 to index
          %get3A_262 = tpu.vector_load %arg8[%get3A_259, %get3A_260, %get3A_261] {strides = array<i32>} : memref<4x16x1024xf32, #tpu.memory_space<vmem>>, vector<16xf32>,
          %mul3A_263 = arith.constant 6.400000e+01 : f32
          %mul3A_264 = vector.broadcast %mul3A_263 : f32 to vector<16xf32>
          %mul3A_265 = arith.mulf %get3A_262, %mul3A_264 : vector<16xf32>
          %swap3A = arith.constant 0 : i32
          %swap3A_266 = arith.constant 0 : i32
          %swap3A_267 = arith.index_cast %swap3A : i32 to index
          %swap3A_268 = arith.index_cast %swap3A_266 : i32 to index
          %swap3A_269 = arith.index_cast %mul3A_257 : i32 to index
          %swap3A_270 = tpu.vector_load %arg8[%swap3A_267, %swap3A_268, %swap3A_269] {strides = array<i32>} : memref<4x16x1024xf32, #tpu.memory_space<vmem>>, vector<16xf32>,
          tpu.vector_store %arg8[%swap3A_267, %swap3A_268, %swap3A_269], %mul3A_265 {strides = array<i32>} : memref<4x16x1024xf32, #tpu.memory_space<vmem>>, vector<16xf32>,
          %get3A_271 = arith.constant 0 : i32
          %get3A_272 = arith.constant 1 : i32
          %get3A_273 = arith.index_cast %get3A_271 : i32 to index
          %get3A_274 = arith.index_cast %get3A_272 : i32 to index
          %get3A_275 = arith.index_cast %mul3A_257 : i32 to index
          %get3A_276 = tpu.vector_load %arg8[%get3A_273, %get3A_274, %get3A_275] {strides = array<i32>} : memref<4x16x1024xf32, #tpu.memory_space<vmem>>, vector<16xf32>,
          %mul3A_277 = arith.constant 6.400000e+01 : f32
          %mul3A_278 = vector.broadcast %mul3A_277 : f32 to vector<16xf32>
          %mul3A_279 = arith.mulf %get3A_276, %mul3A_278 : vector<16xf32>
          %swap3A_280 = arith.constant 0 : i32
          %swap3A_281 = arith.constant 1 : i32
          %swap3A_282 = arith.index_cast %swap3A_280 : i32 to index
          %swap3A_283 = arith.index_cast %swap3A_281 : i32 to index
          %swap3A_284 = arith.index_cast %mul3A_257 : i32 to index
          %swap3A_285 = tpu.vector_load %arg8[%swap3A_282, %swap3A_283, %swap3A_284] {strides = array<i32>} : memref<4x16x1024xf32, #tpu.memory_space<vmem>>, vector<16xf32>,
          tpu.vector_store %arg8[%swap3A_282, %swap3A_283, %swap3A_284], %mul3A_279 {strides = array<i32>} : memref<4x16x1024xf32, #tpu.memory_space<vmem>>, vector<16xf32>,
          %get3A_286 = arith.constant 0 : i32
          %get3A_287 = arith.constant 2 : i32
          %get3A_288 = arith.index_cast %get3A_286 : i32 to index
          %get3A_289 = arith.index_cast %get3A_287 : i32 to index
          %get3A_290 = arith.index_cast %mul3A_257 : i32 to index
          %get3A_291 = tpu.vector_load %arg8[%get3A_288, %get3A_289, %get3A_290] {strides = array<i32>} : memref<4x16x1024xf32, #tpu.memory_space<vmem>>, vector<16xf32>,
          %mul3A_292 = arith.constant 6.400000e+01 : f32
          %mul3A_293 = vector.broadcast %mul3A_292 : f32 to vector<16xf32>
          %mul3A_294 = arith.mulf %get3A_291, %mul3A_293 : vector<16xf32>
          %swap3A_295 = arith.constant 0 : i32
          %swap3A_296 = arith.constant 2 : i32
          %swap3A_297 = arith.index_cast %swap3A_295 : i32 to index
          %swap3A_298 = arith.index_cast %swap3A_296 : i32 to index
          %swap3A_299 = arith.index_cast %mul3A_257 : i32 to index
          %swap3A_300 = tpu.vector_load %arg8[%swap3A_297, %swap3A_298, %swap3A_299] {strides = array<i32>} : memref<4x16x1024xf32, #tpu.memory_space<vmem>>, vector<16xf32>,
          tpu.vector_store %arg8[%swap3A_297, %swap3A_298, %swap3A_299], %mul3A_294 {strides = array<i32>} : memref<4x16x1024xf32, #tpu.memory_space<vmem>>, vector<16xf32>,
          %get3A_301 = arith.constant 0 : i32
          %get3A_302 = arith.constant 3 : i32
          %get3A_303 = arith.index_cast %get3A_301 : i32 to index
          %get3A_304 = arith.index_cast %get3A_302 : i32 to index
          %get3A_305 = arith.index_cast %mul3A_257 : i32 to index
          %get3A_306 = tpu.vector_load %arg8[%get3A_303, %get3A_304, %get3A_305] {strides = array<i32>} : memref<4x16x1024xf32, #tpu.memory_space<vmem>>, vector<16xf32>,
          %mul3A_307 = arith.constant 6.400000e+01 : f32
          %mul3A_308 = vector.broadcast %mul3A_307 : f32 to vector<16xf32>
          %mul3A_309 = arith.mulf %get3A_306, %mul3A_308 : vector<16xf32>
          %swap3A_310 = arith.constant 0 : i32
          %swap3A_311 = arith.constant 3 : i32
          %swap3A_312 = arith.index_cast %swap3A_310 : i32 to index
          %swap3A_313 = arith.index_cast %swap3A_311 : i32 to index
          %swap3A_314 = arith.index_cast %mul3A_257 : i32 to index
          %swap3A_315 = tpu.vector_load %arg8[%swap3A_312, %swap3A_313, %swap3A_314] {strides = array<i32>} : memref<4x16x1024xf32, #tpu.memory_space<vmem>>, vector<16xf32>,
          tpu.vector_store %arg8[%swap3A_312, %swap3A_313, %swap3A_314], %mul3A_309 {strides = array<i32>} : memref<4x16x1024xf32, #tpu.memory_space<vmem>>, vector<16xf32>,
          %get3A_316 = arith.constant 0 : i32
          %get3A_317 = arith.constant 4 : i32
          %get3A_318 = arith.index_cast %get3A_316 : i32 to index
          %get3A_319 = arith.index_cast %get3A_317 : i32 to index
          %get3A_320 = arith.index_cast %mul3A_257 : i32 to index
          %get3A_321 = tpu.vector_load %arg8[%get3A_318, %get3A_319, %get3A_320] {strides = array<i32>} : memref<4x16x1024xf32, #tpu.memory_space<vmem>>, vector<16xf32>,
          %mul3A_322 = arith.constant 6.400000e+01 : f32
          %mul3A_323 = vector.broadcast %mul3A_322 : f32 to vector<16xf32>
          %mul3A_324 = arith.mulf %get3A_321, %mul3A_323 : vector<16xf32>
          %swap3A_325 = arith.constant 0 : i32
          %swap3A_326 = arith.constant 4 : i32
          %swap3A_327 = arith.index_cast %swap3A_325 : i32 to index
          %swap3A_328 = arith.index_cast %swap3A_326 : i32 to index
          %swap3A_329 = arith.index_cast %mul3A_257 : i32 to index
          %swap3A_330 = tpu.vector_load %arg8[%swap3A_327, %swap3A_328, %swap3A_329] {strides = array<i32>} : memref<4x16x1024xf32, #tpu.memory_space<vmem>>, vector<16xf32>,
          tpu.vector_store %arg8[%swap3A_327, %swap3A_328, %swap3A_329], %mul3A_324 {strides = array<i32>} : memref<4x16x1024xf32, #tpu.memory_space<vmem>>, vector<16xf32>,
          %get3A_331 = arith.constant 0 : i32
          %get3A_332 = arith.constant 5 : i32
          %get3A_333 = arith.index_cast %get3A_331 : i32 to index
          %get3A_334 = arith.index_cast %get3A_332 : i32 to index
          %get3A_335 = arith.index_cast %mul3A_257 : i32 to index
          %get3A_336 = tpu.vector_load %arg8[%get3A_333, %get3A_334, %get3A_335] {strides = array<i32>} : memref<4x16x1024xf32, #tpu.memory_space<vmem>>, vector<16xf32>,
          %mul3A_337 = arith.constant 6.400000e+01 : f32
          %mul3A_338 = vector.broadcast %mul3A_337 : f32 to vector<16xf32>
          %mul3A_339 = arith.mulf %get3A_336, %mul3A_338 : vector<16xf32>
          %swap3A_340 = arith.constant 0 : i32
          %swap3A_341 = arith.constant 5 : i32
          %swap3A_342 = arith.index_cast %swap3A_340 : i32 to index
          %swap3A_343 = arith.index_cast %swap3A_341 : i32 to index
          %swap3A_344 = arith.index_cast %mul3A_257 : i32 to index
          %swap3A_345 = tpu.vector_load %arg8[%swap3A_342, %swap3A_343, %swap3A_344] {strides = array<i32>} : memref<4x16x1024xf32, #tpu.memory_space<vmem>>, vector<16xf32>,
          tpu.vector_store %arg8[%swap3A_342, %swap3A_343, %swap3A_344], %mul3A_339 {strides = array<i32>} : memref<4x16x1024xf32, #tpu.memory_space<vmem>>, vector<16xf32>,
          %get3A_346 = arith.constant 0 : i32
          %get3A_347 = arith.constant 6 : i32
          %get3A_348 = arith.index_cast %get3A_346 : i32 to index
          %get3A_349 = arith.index_cast %get3A_347 : i32 to index
          %get3A_350 = arith.index_cast %mul3A_257 : i32 to index
          %get3A_351 = tpu.vector_load %arg8[%get3A_348, %get3A_349, %get3A_350] {strides = array<i32>} : memref<4x16x1024xf32, #tpu.memory_space<vmem>>, vector<16xf32>,
          %mul3A_352 = arith.constant 6.400000e+01 : f32
          %mul3A_353 = vector.broadcast %mul3A_352 : f32 to vector<16xf32>
          %mul3A_354 = arith.mulf %get3A_351, %mul3A_353 : vector<16xf32>
          %swap3A_355 = arith.constant 0 : i32
          %swap3A_356 = arith.constant 6 : i32
          %swap3A_357 = arith.index_cast %swap3A_355 : i32 to index
          %swap3A_358 = arith.index_cast %swap3A_356 : i32 to index
          %swap3A_359 = arith.index_cast %mul3A_257 : i32 to index
          %swap3A_360 = tpu.vector_load %arg8[%swap3A_357, %swap3A_358, %swap3A_359] {strides = array<i32>} : memref<4x16x1024xf32, #tpu.memory_space<vmem>>, vector<16xf32>,
          tpu.vector_store %arg8[%swap3A_357, %swap3A_358, %swap3A_359], %mul3A_354 {strides = array<i32>} : memref<4x16x1024xf32, #tpu.memory_space<vmem>>, vector<16xf32>,
          %get3A_361 = arith.constant 0 : i32
          %get3A_362 = arith.constant 7 : i32
          %get3A_363 = arith.index_cast %get3A_361 : i32 to index
          %get3A_364 = arith.index_cast %get3A_362 : i32 to index
          %get3A_365 = arith.index_cast %mul3A_257 : i32 to index
          %get3A_366 = tpu.vector_load %arg8[%get3A_363, %get3A_364, %get3A_365] {strides = array<i32>} : memref<4x16x1024xf32, #tpu.memory_space<vmem>>, vector<16xf32>,
          %mul3A_367 = arith.constant 6.400000e+01 : f32
          %mul3A_368 = vector.broadcast %mul3A_367 : f32 to vector<16xf32>
          %mul3A_369 = arith.mulf %get3A_366, %mul3A_368 : vector<16xf32>
          %swap3A_370 = arith.constant 0 : i32
          %swap3A_371 = arith.constant 7 : i32
          %swap3A_372 = arith.index_cast %swap3A_370 : i32 to index
          %swap3A_373 = arith.index_cast %swap3A_371 : i32 to index
          %swap3A_374 = arith.index_cast %mul3A_257 : i32 to index
          %swap3A_375 = tpu.vector_load %arg8[%swap3A_372, %swap3A_373, %swap3A_374] {strides = array<i32>} : memref<4x16x1024xf32, #tpu.memory_space<vmem>>, vector<16xf32>,
          tpu.vector_store %arg8[%swap3A_372, %swap3A_373, %swap3A_374], %mul3A_369 {strides = array<i32>} : memref<4x16x1024xf32, #tpu.memory_space<vmem>>, vector<16xf32>,
          %get3A_376 = arith.constant 0 : i32
          %get3A_377 = arith.constant 8 : i32
          %get3A_378 = arith.index_cast %get3A_376 : i32 to index
          %get3A_379 = arith.index_cast %get3A_377 : i32 to index
          %get3A_380 = arith.index_cast %mul3A_257 : i32 to index
          %get3A_381 = tpu.vector_load %arg8[%get3A_378, %get3A_379, %get3A_380] {strides = array<i32>} : memref<4x16x1024xf32, #tpu.memory_space<vmem>>, vector<16xf32>,
          %mul3A_382 = arith.constant 6.400000e+01 : f32
          %mul3A_383 = vector.broadcast %mul3A_382 : f32 to vector<16xf32>
          %mul3A_384 = arith.mulf %get3A_381, %mul3A_383 : vector<16xf32>
          %swap3A_385 = arith.constant 0 : i32
          %swap3A_386 = arith.constant 8 : i32
          %swap3A_387 = arith.index_cast %swap3A_385 : i32 to index
          %swap3A_388 = arith.index_cast %swap3A_386 : i32 to index
          %swap3A_389 = arith.index_cast %mul3A_257 : i32 to index
          %swap3A_390 = tpu.vector_load %arg8[%swap3A_387, %swap3A_388, %swap3A_389] {strides = array<i32>} : memref<4x16x1024xf32, #tpu.memory_space<vmem>>, vector<16xf32>,
          tpu.vector_store %arg8[%swap3A_387, %swap3A_388, %swap3A_389], %mul3A_384 {strides = array<i32>} : memref<4x16x1024xf32, #tpu.memory_space<vmem>>, vector<16xf32>,
          %get3A_391 = arith.constant 0 : i32
          %get3A_392 = arith.constant 9 : i32
          %get3A_393 = arith.index_cast %get3A_391 : i32 to index
          %get3A_394 = arith.index_cast %get3A_392 : i32 to index
          %get3A_395 = arith.index_cast %mul3A_257 : i32 to index
          %get3A_396 = tpu.vector_load %arg8[%get3A_393, %get3A_394, %get3A_395] {strides = array<i32>} : memref<4x16x1024xf32, #tpu.memory_space<vmem>>, vector<16xf32>,
          %mul3A_397 = arith.constant 6.400000e+01 : f32
          %mul3A_398 = vector.broadcast %mul3A_397 : f32 to vector<16xf32>
          %mul3A_399 = arith.mulf %get3A_396, %mul3A_398 : vector<16xf32>
          %swap3A_400 = arith.constant 0 : i32
          %swap3A_401 = arith.constant 9 : i32
          %swap3A_402 = arith.index_cast %swap3A_400 : i32 to index
          %swap3A_403 = arith.index_cast %swap3A_401 : i32 to index
          %swap3A_404 = arith.index_cast %mul3A_257 : i32 to index
          %swap3A_405 = tpu.vector_load %arg8[%swap3A_402, %swap3A_403, %swap3A_404] {strides = array<i32>} : memref<4x16x1024xf32, #tpu.memory_space<vmem>>, vector<16xf32>,
          tpu.vector_store %arg8[%swap3A_402, %swap3A_403, %swap3A_404], %mul3A_399 {strides = array<i32>} : memref<4x16x1024xf32, #tpu.memory_space<vmem>>, vector<16xf32>,
          %get3A_406 = arith.constant 0 : i32
          %get3A_407 = arith.constant 10 : i32
          %get3A_408 = arith.index_cast %get3A_406 : i32 to index
          %get3A_409 = arith.index_cast %get3A_407 : i32 to index
          %get3A_410 = arith.index_cast %mul3A_257 : i32 to index
          %get3A_411 = tpu.vector_load %arg8[%get3A_408, %get3A_409, %get3A_410] {strides = array<i32>} : memref<4x16x1024xf32, #tpu.memory_space<vmem>>, vector<16xf32>,
          %mul3A_412 = arith.constant 6.400000e+01 : f32
          %mul3A_413 = vector.broadcast %mul3A_412 : f32 to vector<16xf32>
          %mul3A_414 = arith.mulf %get3A_411, %mul3A_413 : vector<16xf32>
          %swap3A_415 = arith.constant 0 : i32
          %swap3A_416 = arith.constant 10 : i32
          %swap3A_417 = arith.index_cast %swap3A_415 : i32 to index
          %swap3A_418 = arith.index_cast %swap3A_416 : i32 to index
          %swap3A_419 = arith.index_cast %mul3A_257 : i32 to index
          %swap3A_420 = tpu.vector_load %arg8[%swap3A_417, %swap3A_418, %swap3A_419] {strides = array<i32>} : memref<4x16x1024xf32, #tpu.memory_space<vmem>>, vector<16xf32>,
          tpu.vector_store %arg8[%swap3A_417, %swap3A_418, %swap3A_419], %mul3A_414 {strides = array<i32>} : memref<4x16x1024xf32, #tpu.memory_space<vmem>>, vector<16xf32>,
          %get3A_421 = arith.constant 0 : i32
          %get3A_422 = arith.constant 11 : i32
          %get3A_423 = arith.index_cast %get3A_421 : i32 to index
          %get3A_424 = arith.index_cast %get3A_422 : i32 to index
          %get3A_425 = arith.index_cast %mul3A_257 : i32 to index
          %get3A_426 = tpu.vector_load %arg8[%get3A_423, %get3A_424, %get3A_425] {strides = array<i32>} : memref<4x16x1024xf32, #tpu.memory_space<vmem>>, vector<16xf32>,
          %mul3A_427 = arith.constant 6.400000e+01 : f32
          %mul3A_428 = vector.broadcast %mul3A_427 : f32 to vector<16xf32>
          %mul3A_429 = arith.mulf %get3A_426, %mul3A_428 : vector<16xf32>
          %swap3A_430 = arith.constant 0 : i32
          %swap3A_431 = arith.constant 11 : i32
          %swap3A_432 = arith.index_cast %swap3A_430 : i32 to index
          %swap3A_433 = arith.index_cast %swap3A_431 : i32 to index
          %swap3A_434 = arith.index_cast %mul3A_257 : i32 to index
          %swap3A_435 = tpu.vector_load %arg8[%swap3A_432, %swap3A_433, %swap3A_434] {strides = array<i32>} : memref<4x16x1024xf32, #tpu.memory_space<vmem>>, vector<16xf32>,
          tpu.vector_store %arg8[%swap3A_432, %swap3A_433, %swap3A_434], %mul3A_429 {strides = array<i32>} : memref<4x16x1024xf32, #tpu.memory_space<vmem>>, vector<16xf32>,
          %get3A_436 = arith.constant 0 : i32
          %get3A_437 = arith.constant 12 : i32
          %get3A_438 = arith.index_cast %get3A_436 : i32 to index
          %get3A_439 = arith.index_cast %get3A_437 : i32 to index
          %get3A_440 = arith.index_cast %mul3A_257 : i32 to index
          %get3A_441 = tpu.vector_load %arg8[%get3A_438, %get3A_439, %get3A_440] {strides = array<i32>} : memref<4x16x1024xf32, #tpu.memory_space<vmem>>, vector<16xf32>,
          %mul3A_442 = arith.constant 6.400000e+01 : f32
          %mul3A_443 = vector.broadcast %mul3A_442 : f32 to vector<16xf32>
          %mul3A_444 = arith.mulf %get3A_441, %mul3A_443 : vector<16xf32>
          %swap3A_445 = arith.constant 0 : i32
          %swap3A_446 = arith.constant 12 : i32
          %swap3A_447 = arith.index_cast %swap3A_445 : i32 to index
          %swap3A_448 = arith.index_cast %swap3A_446 : i32 to index
          %swap3A_449 = arith.index_cast %mul3A_257 : i32 to index
          %swap3A_450 = tpu.vector_load %arg8[%swap3A_447, %swap3A_448, %swap3A_449] {strides = array<i32>} : memref<4x16x1024xf32, #tpu.memory_space<vmem>>, vector<16xf32>,
          tpu.vector_store %arg8[%swap3A_447, %swap3A_448, %swap3A_449], %mul3A_444 {strides = array<i32>} : memref<4x16x1024xf32, #tpu.memory_space<vmem>>, vector<16xf32>,
          %get3A_451 = arith.constant 0 : i32
          %get3A_452 = arith.constant 13 : i32
          %get3A_453 = arith.index_cast %get3A_451 : i32 to index
          %get3A_454 = arith.index_cast %get3A_452 : i32 to index
          %get3A_455 = arith.index_cast %mul3A_257 : i32 to index
          %get3A_456 = tpu.vector_load %arg8[%get3A_453, %get3A_454, %get3A_455] {strides = array<i32>} : memref<4x16x1024xf32, #tpu.memory_space<vmem>>, vector<16xf32>,
          %mul3A_457 = arith.constant 6.400000e+01 : f32
          %mul3A_458 = vector.broadcast %mul3A_457 : f32 to vector<16xf32>
          %mul3A_459 = arith.mulf %get3A_456, %mul3A_458 : vector<16xf32>
          %swap3A_460 = arith.constant 0 : i32
          %swap3A_461 = arith.constant 13 : i32
          %swap3A_462 = arith.index_cast %swap3A_460 : i32 to index
          %swap3A_463 = arith.index_cast %swap3A_461 : i32 to index
          %swap3A_464 = arith.index_cast %mul3A_257 : i32 to index
          %swap3A_465 = tpu.vector_load %arg8[%swap3A_462, %swap3A_463, %swap3A_464] {strides = array<i32>} : memref<4x16x1024xf32, #tpu.memory_space<vmem>>, vector<16xf32>,
          tpu.vector_store %arg8[%swap3A_462, %swap3A_463, %swap3A_464], %mul3A_459 {strides = array<i32>} : memref<4x16x1024xf32, #tpu.memory_space<vmem>>, vector<16xf32>,
          %get3A_466 = arith.constant 0 : i32
          %get3A_467 = arith.constant 14 : i32
          %get3A_468 = arith.index_cast %get3A_466 : i32 to index
          %get3A_469 = arith.index_cast %get3A_467 : i32 to index
          %get3A_470 = arith.index_cast %mul3A_257 : i32 to index
          %get3A_471 = tpu.vector_load %arg8[%get3A_468, %get3A_469, %get3A_470] {strides = array<i32>} : memref<4x16x1024xf32, #tpu.memory_space<vmem>>, vector<16xf32>,
          %mul3A_472 = arith.constant 6.400000e+01 : f32
          %mul3A_473 = vector.broadcast %mul3A_472 : f32 to vector<16xf32>
          %mul3A_474 = arith.mulf %get3A_471, %mul3A_473 : vector<16xf32>
          %swap3A_475 = arith.constant 0 : i32
          %swap3A_476 = arith.constant 14 : i32
          %swap3A_477 = arith.index_cast %swap3A_475 : i32 to index
          %swap3A_478 = arith.index_cast %swap3A_476 : i32 to index
          %swap3A_479 = arith.index_cast %mul3A_257 : i32 to index
          %swap3A_480 = tpu.vector_load %arg8[%swap3A_477, %swap3A_478, %swap3A_479] {strides = array<i32>} : memref<4x16x1024xf32, #tpu.memory_space<vmem>>, vector<16xf32>,
          tpu.vector_store %arg8[%swap3A_477, %swap3A_478, %swap3A_479], %mul3A_474 {strides = array<i32>} : memref<4x16x1024xf32, #tpu.memory_space<vmem>>, vector<16xf32>,
          %get3A_481 = arith.constant 0 : i32
          %get3A_482 = arith.constant 15 : i32
          %get3A_483 = arith.index_cast %get3A_481 : i32 to index
          %get3A_484 = arith.index_cast %get3A_482 : i32 to index
          %get3A_485 = arith.index_cast %mul3A_257 : i32 to index
          %get3A_486 = tpu.vector_load %arg8[%get3A_483, %get3A_484, %get3A_485] {strides = array<i32>} : memref<4x16x1024xf32, #tpu.memory_space<vmem>>, vector<16xf32>,
          %mul3A_487 = arith.constant 6.400000e+01 : f32
          %mul3A_488 = vector.broadcast %mul3A_487 : f32 to vector<16xf32>
          %mul3A_489 = arith.mulf %get3A_486, %mul3A_488 : vector<16xf32>
          %swap3A_490 = arith.constant 0 : i32
          %swap3A_491 = arith.constant 15 : i32
          %swap3A_492 = arith.index_cast %swap3A_490 : i32 to index
          %swap3A_493 = arith.index_cast %swap3A_491 : i32 to index
          %swap3A_494 = arith.index_cast %mul3A_257 : i32 to index
          %swap3A_495 = tpu.vector_load %arg8[%swap3A_492, %swap3A_493, %swap3A_494] {strides = array<i32>} : memref<4x16x1024xf32, #tpu.memory_space<vmem>>, vector<16xf32>,
          tpu.vector_store %arg8[%swap3A_492, %swap3A_493, %swap3A_494], %mul3A_489 {strides = array<i32>} : memref<4x16x1024xf32, #tpu.memory_space<vmem>>, vector<16xf32>,
          %scan3A_496 = arith.constant 1 : i32
          %scan3A_497 = arith.addi %scan3A_255, %scan3A_496 : i32
          %mul3A_498 = arith.constant 16 : i32
          %mul3A_499 = arith.muli %scan3A_497, %mul3A_498 : i32
          %get3A_500 = arith.constant 0 : i32
          %get3A_501 = arith.constant 0 : i32
          %get3A_502 = arith.index_cast %get3A_500 : i32 to index
          %get3A_503 = arith.index_cast %get3A_501 : i32 to index
          %get3A_504 = arith.index_cast %mul3A_499 : i32 to index
          %get3A_505 = tpu.vector_load %arg8[%get3A_502, %get3A_503, %get3A_504] {strides = array<i32>} : memref<4x16x1024xf32, #tpu.memory_space<vmem>>, vector<16xf32>,
          %mul3A_506 = arith.constant 6.400000e+01 : f32
          %mul3A_507 = vector.broadcast %mul3A_506 : f32 to vector<16xf32>
          %mul3A_508 = arith.mulf %get3A_505, %mul3A_507 : vector<16xf32>
          %swap3A_509 = arith.constant 0 : i32
          %swap3A_510 = arith.constant 0 : i32
          %swap3A_511 = arith.index_cast %swap3A_509 : i32 to index
          %swap3A_512 = arith.index_cast %swap3A_510 : i32 to index
          %swap3A_513 = arith.index_cast %mul3A_499 : i32 to index
          %swap3A_514 = tpu.vector_load %arg8[%swap3A_511, %swap3A_512, %swap3A_513] {strides = array<i32>} : memref<4x16x1024xf32, #tpu.memory_space<vmem>>, vector<16xf32>,
          tpu.vector_store %arg8[%swap3A_511, %swap3A_512, %swap3A_513], %mul3A_508 {strides = array<i32>} : memref<4x16x1024xf32, #tpu.memory_space<vmem>>, vector<16xf32>,
          %get3A_515 = arith.constant 0 : i32
          %get3A_516 = arith.constant 1 : i32
          %get3A_517 = arith.index_cast %get3A_515 : i32 to index
          %get3A_518 = arith.index_cast %get3A_516 : i32 to index
          %get3A_519 = arith.index_cast %mul3A_499 : i32 to index
          %get3A_520 = tpu.vector_load %arg8[%get3A_517, %get3A_518, %get3A_519] {strides = array<i32>} : memref<4x16x1024xf32, #tpu.memory_space<vmem>>, vector<16xf32>,
          %mul3A_521 = arith.constant 6.400000e+01 : f32
          %mul3A_522 = vector.broadcast %mul3A_521 : f32 to vector<16xf32>
          %mul3A_523 = arith.mulf %get3A_520, %mul3A_522 : vector<16xf32>
          %swap3A_524 = arith.constant 0 : i32
          %swap3A_525 = arith.constant 1 : i32
          %swap3A_526 = arith.index_cast %swap3A_524 : i32 to index
          %swap3A_527 = arith.index_cast %swap3A_525 : i32 to index
          %swap3A_528 = arith.index_cast %mul3A_499 : i32 to index
          %swap3A_529 = tpu.vector_load %arg8[%swap3A_526, %swap3A_527, %swap3A_528] {strides = array<i32>} : memref<4x16x1024xf32, #tpu.memory_space<vmem>>, vector<16xf32>,
          tpu.vector_store %arg8[%swap3A_526, %swap3A_527, %swap3A_528], %mul3A_523 {strides = array<i32>} : memref<4x16x1024xf32, #tpu.memory_space<vmem>>, vector<16xf32>,
          %get3A_530 = arith.constant 0 : i32
          %get3A_531 = arith.constant 2 : i32
          %get3A_532 = arith.index_cast %get3A_530 : i32 to index
          %get3A_533 = arith.index_cast %get3A_531 : i32 to index
          %get3A_534 = arith.index_cast %mul3A_499 : i32 to index
          %get3A_535 = tpu.vector_load %arg8[%get3A_532, %get3A_533, %get3A_534] {strides = array<i32>} : memref<4x16x1024xf32, #tpu.memory_space<vmem>>, vector<16xf32>,
          %mul3A_536 = arith.constant 6.400000e+01 : f32
          %mul3A_537 = vector.broadcast %mul3A_536 : f32 to vector<16xf32>
          %mul3A_538 = arith.mulf %get3A_535, %mul3A_537 : vector<16xf32>
          %swap3A_539 = arith.constant 0 : i32
          %swap3A_540 = arith.constant 2 : i32
          %swap3A_541 = arith.index_cast %swap3A_539 : i32 to index
          %swap3A_542 = arith.index_cast %swap3A_540 : i32 to index
          %swap3A_543 = arith.index_cast %mul3A_499 : i32 to index
          %swap3A_544 = tpu.vector_load %arg8[%swap3A_541, %swap3A_542, %swap3A_543] {strides = array<i32>} : memref<4x16x1024xf32, #tpu.memory_space<vmem>>, vector<16xf32>,
          tpu.vector_store %arg8[%swap3A_541, %swap3A_542, %swap3A_543], %mul3A_538 {strides = array<i32>} : memref<4x16x1024xf32, #tpu.memory_space<vmem>>, vector<16xf32>,
          %get3A_545 = arith.constant 0 : i32
          %get3A_546 = arith.constant 3 : i32
          %get3A_547 = arith.index_cast %get3A_545 : i32 to index
          %get3A_548 = arith.index_cast %get3A_546 : i32 to index
          %get3A_549 = arith.index_cast %mul3A_499 : i32 to index
          %get3A_550 = tpu.vector_load %arg8[%get3A_547, %get3A_548, %get3A_549] {strides = array<i32>} : memref<4x16x1024xf32, #tpu.memory_space<vmem>>, vector<16xf32>,
          %mul3A_551 = arith.constant 6.400000e+01 : f32
          %mul3A_552 = vector.broadcast %mul3A_551 : f32 to vector<16xf32>
          %mul3A_553 = arith.mulf %get3A_550, %mul3A_552 : vector<16xf32>
          %swap3A_554 = arith.constant 0 : i32
          %swap3A_555 = arith.constant 3 : i32
          %swap3A_556 = arith.index_cast %swap3A_554 : i32 to index
          %swap3A_557 = arith.index_cast %swap3A_555 : i32 to index
          %swap3A_558 = arith.index_cast %mul3A_499 : i32 to index
          %swap3A_559 = tpu.vector_load %arg8[%swap3A_556, %swap3A_557, %swap3A_558] {strides = array<i32>} : memref<4x16x1024xf32, #tpu.memory_space<vmem>>, vector<16xf32>,
          tpu.vector_store %arg8[%swap3A_556, %swap3A_557, %swap3A_558], %mul3A_553 {strides = array<i32>} : memref<4x16x1024xf32, #tpu.memory_space<vmem>>, vector<16xf32>,
          %get3A_560 = arith.constant 0 : i32
          %get3A_561 = arith.constant 4 : i32
          %get3A_562 = arith.index_cast %get3A_560 : i32 to index
          %get3A_563 = arith.index_cast %get3A_561 : i32 to index
          %get3A_564 = arith.index_cast %mul3A_499 : i32 to index
          %get3A_565 = tpu.vector_load %arg8[%get3A_562, %get3A_563, %get3A_564] {strides = array<i32>} : memref<4x16x1024xf32, #tpu.memory_space<vmem>>, vector<16xf32>,
          %mul3A_566 = arith.constant 6.400000e+01 : f32
          %mul3A_567 = vector.broadcast %mul3A_566 : f32 to vector<16xf32>
          %mul3A_568 = arith.mulf %get3A_565, %mul3A_567 : vector<16xf32>
          %swap3A_569 = arith.constant 0 : i32
          %swap3A_570 = arith.constant 4 : i32
          %swap3A_571 = arith.index_cast %swap3A_569 : i32 to index
          %swap3A_572 = arith.index_cast %swap3A_570 : i32 to index
          %swap3A_573 = arith.index_cast %mul3A_499 : i32 to index
          %swap3A_574 = tpu.vector_load %arg8[%swap3A_571, %swap3A_572, %swap3A_573] {strides = array<i32>} : memref<4x16x1024xf32, #tpu.memory_space<vmem>>, vector<16xf32>,
          tpu.vector_store %arg8[%swap3A_571, %swap3A_572, %swap3A_573], %mul3A_568 {strides = array<i32>} : memref<4x16x1024xf32, #tpu.memory_space<vmem>>, vector<16xf32>,
          %get3A_575 = arith.constant 0 : i32
          %get3A_576 = arith.constant 5 : i32
          %get3A_577 = arith.index_cast %get3A_575 : i32 to index
          %get3A_578 = arith.index_cast %get3A_576 : i32 to index
          %get3A_579 = arith.index_cast %mul3A_499 : i32 to index
          %get3A_580 = tpu.vector_load %arg8[%get3A_577, %get3A_578, %get3A_579] {strides = array<i32>} : memref<4x16x1024xf32, #tpu.memory_space<vmem>>, vector<16xf32>,
          %mul3A_581 = arith.constant 6.400000e+01 : f32
          %mul3A_582 = vector.broadcast %mul3A_581 : f32 to vector<16xf32>
          %mul3A_583 = arith.mulf %get3A_580, %mul3A_582 : vector<16xf32>
          %swap3A_584 = arith.constant 0 : i32
          %swap3A_585 = arith.constant 5 : i32
          %swap3A_586 = arith.index_cast %swap3A_584 : i32 to index
          %swap3A_587 = arith.index_cast %swap3A_585 : i32 to index
          %swap3A_588 = arith.index_cast %mul3A_499 : i32 to index
          %swap3A_589 = tpu.vector_load %arg8[%swap3A_586, %swap3A_587, %swap3A_588] {strides = array<i32>} : memref<4x16x1024xf32, #tpu.memory_space<vmem>>, vector<16xf32>,
          tpu.vector_store %arg8[%swap3A_586, %swap3A_587, %swap3A_588], %mul3A_583 {strides = array<i32>} : memref<4x16x1024xf32, #tpu.memory_space<vmem>>, vector<16xf32>,
          %get3A_590 = arith.constant 0 : i32
          %get3A_591 = arith.constant 6 : i32
          %get3A_592 = arith.index_cast %get3A_590 : i32 to index
          %get3A_593 = arith.index_cast %get3A_591 : i32 to index
          %get3A_594 = arith.index_cast %mul3A_499 : i32 to index
          %get3A_595 = tpu.vector_load %arg8[%get3A_592, %get3A_593, %get3A_594] {strides = array<i32>} : memref<4x16x1024xf32, #tpu.memory_space<vmem>>, vector<16xf32>,
          %mul3A_596 = arith.constant 6.400000e+01 : f32
          %mul3A_597 = vector.broadcast %mul3A_596 : f32 to vector<16xf32>
          %mul3A_598 = arith.mulf %get3A_595, %mul3A_597 : vector<16xf32>
          %swap3A_599 = arith.constant 0 : i32
          %swap3A_600 = arith.constant 6 : i32
          %swap3A_601 = arith.index_cast %swap3A_599 : i32 to index
          %swap3A_602 = arith.index_cast %swap3A_600 : i32 to index
          %swap3A_603 = arith.index_cast %mul3A_499 : i32 to index
          %swap3A_604 = tpu.vector_load %arg8[%swap3A_601, %swap3A_602, %swap3A_603] {strides = array<i32>} : memref<4x16x1024xf32, #tpu.memory_space<vmem>>, vector<16xf32>,
          tpu.vector_store %arg8[%swap3A_601, %swap3A_602, %swap3A_603], %mul3A_598 {strides = array<i32>} : memref<4x16x1024xf32, #tpu.memory_space<vmem>>, vector<16xf32>,
          %get3A_605 = arith.constant 0 : i32
          %get3A_606 = arith.constant 7 : i32
          %get3A_607 = arith.index_cast %get3A_605 : i32 to index
          %get3A_608 = arith.index_cast %get3A_606 : i32 to index
          %get3A_609 = arith.index_cast %mul3A_499 : i32 to index
          %get3A_610 = tpu.vector_load %arg8[%get3A_607, %get3A_608, %get3A_609] {strides = array<i32>} : memref<4x16x1024xf32, #tpu.memory_space<vmem>>, vector<16xf32>,
          %mul3A_611 = arith.constant 6.400000e+01 : f32
          %mul3A_612 = vector.broadcast %mul3A_611 : f32 to vector<16xf32>
          %mul3A_613 = arith.mulf %get3A_610, %mul3A_612 : vector<16xf32>
          %swap3A_614 = arith.constant 0 : i32
          %swap3A_615 = arith.constant 7 : i32
          %swap3A_616 = arith.index_cast %swap3A_614 : i32 to index
          %swap3A_617 = arith.index_cast %swap3A_615 : i32 to index
          %swap3A_618 = arith.index_cast %mul3A_499 : i32 to index
          %swap3A_619 = tpu.vector_load %arg8[%swap3A_616, %swap3A_617, %swap3A_618] {strides = array<i32>} : memref<4x16x1024xf32, #tpu.memory_space<vmem>>, vector<16xf32>,
          tpu.vector_store %arg8[%swap3A_616, %swap3A_617, %swap3A_618], %mul3A_613 {strides = array<i32>} : memref<4x16x1024xf32, #tpu.memory_space<vmem>>, vector<16xf32>,
          %get3A_620 = arith.constant 0 : i32
          %get3A_621 = arith.constant 8 : i32
          %get3A_622 = arith.index_cast %get3A_620 : i32 to index
          %get3A_623 = arith.index_cast %get3A_621 : i32 to index
          %get3A_624 = arith.index_cast %mul3A_499 : i32 to index
          %get3A_625 = tpu.vector_load %arg8[%get3A_622, %get3A_623, %get3A_624] {strides = array<i32>} : memref<4x16x1024xf32, #tpu.memory_space<vmem>>, vector<16xf32>,
          %mul3A_626 = arith.constant 6.400000e+01 : f32
          %mul3A_627 = vector.broadcast %mul3A_626 : f32 to vector<16xf32>
          %mul3A_628 = arith.mulf %get3A_625, %mul3A_627 : vector<16xf32>
          %swap3A_629 = arith.constant 0 : i32
          %swap3A_630 = arith.constant 8 : i32
          %swap3A_631 = arith.index_cast %swap3A_629 : i32 to index
          %swap3A_632 = arith.index_cast %swap3A_630 : i32 to index
          %swap3A_633 = arith.index_cast %mul3A_499 : i32 to index
          %swap3A_634 = tpu.vector_load %arg8[%swap3A_631, %swap3A_632, %swap3A_633] {strides = array<i32>} : memref<4x16x1024xf32, #tpu.memory_space<vmem>>, vector<16xf32>,
          tpu.vector_store %arg8[%swap3A_631, %swap3A_632, %swap3A_633], %mul3A_628 {strides = array<i32>} : memref<4x16x1024xf32, #tpu.memory_space<vmem>>, vector<16xf32>,
          %get3A_635 = arith.constant 0 : i32
          %get3A_636 = arith.constant 9 : i32
          %get3A_637 = arith.index_cast %get3A_635 : i32 to index
          %get3A_638 = arith.index_cast %get3A_636 : i32 to index
          %get3A_639 = arith.index_cast %mul3A_499 : i32 to index
          %get3A_640 = tpu.vector_load %arg8[%get3A_637, %get3A_638, %get3A_639] {strides = array<i32>} : memref<4x16x1024xf32, #tpu.memory_space<vmem>>, vector<16xf32>,
          %mul3A_641 = arith.constant 6.400000e+01 : f32
          %mul3A_642 = vector.broadcast %mul3A_641 : f32 to vector<16xf32>
          %mul3A_643 = arith.mulf %get3A_640, %mul3A_642 : vector<16xf32>
          %swap3A_644 = arith.constant 0 : i32
          %swap3A_645 = arith.constant 9 : i32
          %swap3A_646 = arith.index_cast %swap3A_644 : i32 to index
          %swap3A_647 = arith.index_cast %swap3A_645 : i32 to index
          %swap3A_648 = arith.index_cast %mul3A_499 : i32 to index
          %swap3A_649 = tpu.vector_load %arg8[%swap3A_646, %swap3A_647, %swap3A_648] {strides = array<i32>} : memref<4x16x1024xf32, #tpu.memory_space<vmem>>, vector<16xf32>,
          tpu.vector_store %arg8[%swap3A_646, %swap3A_647, %swap3A_648], %mul3A_643 {strides = array<i32>} : memref<4x16x1024xf32, #tpu.memory_space<vmem>>, vector<16xf32>,
          %get3A_650 = arith.constant 0 : i32
          %get3A_651 = arith.constant 10 : i32
          %get3A_652 = arith.index_cast %get3A_650 : i32 to index
          %get3A_653 = arith.index_cast %get3A_651 : i32 to index
          %get3A_654 = arith.index_cast %mul3A_499 : i32 to index
          %get3A_655 = tpu.vector_load %arg8[%get3A_652, %get3A_653, %get3A_654] {strides = array<i32>} : memref<4x16x1024xf32, #tpu.memory_space<vmem>>, vector<16xf32>,
          %mul3A_656 = arith.constant 6.400000e+01 : f32
          %mul3A_657 = vector.broadcast %mul3A_656 : f32 to vector<16xf32>
          %mul3A_658 = arith.mulf %get3A_655, %mul3A_657 : vector<16xf32>
          %swap3A_659 = arith.constant 0 : i32
          %swap3A_660 = arith.constant 10 : i32
          %swap3A_661 = arith.index_cast %swap3A_659 : i32 to index
          %swap3A_662 = arith.index_cast %swap3A_660 : i32 to index
          %swap3A_663 = arith.index_cast %mul3A_499 : i32 to index
          %swap3A_664 = tpu.vector_load %arg8[%swap3A_661, %swap3A_662, %swap3A_663] {strides = array<i32>} : memref<4x16x1024xf32, #tpu.memory_space<vmem>>, vector<16xf32>,
          tpu.vector_store %arg8[%swap3A_661, %swap3A_662, %swap3A_663], %mul3A_658 {strides = array<i32>} : memref<4x16x1024xf32, #tpu.memory_space<vmem>>, vector<16xf32>,
          %get3A_665 = arith.constant 0 : i32
          %get3A_666 = arith.constant 11 : i32
          %get3A_667 = arith.index_cast %get3A_665 : i32 to index
          %get3A_668 = arith.index_cast %get3A_666 : i32 to index
          %get3A_669 = arith.index_cast %mul3A_499 : i32 to index
          %get3A_670 = tpu.vector_load %arg8[%get3A_667, %get3A_668, %get3A_669] {strides = array<i32>} : memref<4x16x1024xf32, #tpu.memory_space<vmem>>, vector<16xf32>,
          %mul3A_671 = arith.constant 6.400000e+01 : f32
          %mul3A_672 = vector.broadcast %mul3A_671 : f32 to vector<16xf32>
          %mul3A_673 = arith.mulf %get3A_670, %mul3A_672 : vector<16xf32>
          %swap3A_674 = arith.constant 0 : i32
          %swap3A_675 = arith.constant 11 : i32
          %swap3A_676 = arith.index_cast %swap3A_674 : i32 to index
          %swap3A_677 = arith.index_cast %swap3A_675 : i32 to index
          %swap3A_678 = arith.index_cast %mul3A_499 : i32 to index
          %swap3A_679 = tpu.vector_load %arg8[%swap3A_676, %swap3A_677, %swap3A_678] {strides = array<i32>} : memref<4x16x1024xf32, #tpu.memory_space<vmem>>, vector<16xf32>,
          tpu.vector_store %arg8[%swap3A_676, %swap3A_677, %swap3A_678], %mul3A_673 {strides = array<i32>} : memref<4x16x1024xf32, #tpu.memory_space<vmem>>, vector<16xf32>,
          %get3A_680 = arith.constant 0 : i32
          %get3A_681 = arith.constant 12 : i32
          %get3A_682 = arith.index_cast %get3A_680 : i32 to index
          %get3A_683 = arith.index_cast %get3A_681 : i32 to index
          %get3A_684 = arith.index_cast %mul3A_499 : i32 to index
          %get3A_685 = tpu.vector_load %arg8[%get3A_682, %get3A_683, %get3A_684] {strides = array<i32>} : memref<4x16x1024xf32, #tpu.memory_space<vmem>>, vector<16xf32>,
          %mul3A_686 = arith.constant 6.400000e+01 : f32
          %mul3A_687 = vector.broadcast %mul3A_686 : f32 to vector<16xf32>
          %mul3A_688 = arith.mulf %get3A_685, %mul3A_687 : vector<16xf32>
          %swap3A_689 = arith.constant 0 : i32
          %swap3A_690 = arith.constant 12 : i32
          %swap3A_691 = arith.index_cast %swap3A_689 : i32 to index
          %swap3A_692 = arith.index_cast %swap3A_690 : i32 to index
          %swap3A_693 = arith.index_cast %mul3A_499 : i32 to index
          %swap3A_694 = tpu.vector_load %arg8[%swap3A_691, %swap3A_692, %swap3A_693] {strides = array<i32>} : memref<4x16x1024xf32, #tpu.memory_space<vmem>>, vector<16xf32>,
          tpu.vector_store %arg8[%swap3A_691, %swap3A_692, %swap3A_693], %mul3A_688 {strides = array<i32>} : memref<4x16x1024xf32, #tpu.memory_space<vmem>>, vector<16xf32>,
          %get3A_695 = arith.constant 0 : i32
          %get3A_696 = arith.constant 13 : i32
          %get3A_697 = arith.index_cast %get3A_695 : i32 to index
          %get3A_698 = arith.index_cast %get3A_696 : i32 to index
          %get3A_699 = arith.index_cast %mul3A_499 : i32 to index
          %get3A_700 = tpu.vector_load %arg8[%get3A_697, %get3A_698, %get3A_699] {strides = array<i32>} : memref<4x16x1024xf32, #tpu.memory_space<vmem>>, vector<16xf32>,
          %mul3A_701 = arith.constant 6.400000e+01 : f32
          %mul3A_702 = vector.broadcast %mul3A_701 : f32 to vector<16xf32>
          %mul3A_703 = arith.mulf %get3A_700, %mul3A_702 : vector<16xf32>
          %swap3A_704 = arith.constant 0 : i32
          %swap3A_705 = arith.constant 13 : i32
          %swap3A_706 = arith.index_cast %swap3A_704 : i32 to index
          %swap3A_707 = arith.index_cast %swap3A_705 : i32 to index
          %swap3A_708 = arith.index_cast %mul3A_499 : i32 to index
          %swap3A_709 = tpu.vector_load %arg8[%swap3A_706, %swap3A_707, %swap3A_708] {strides = array<i32>} : memref<4x16x1024xf32, #tpu.memory_space<vmem>>, vector<16xf32>,
          tpu.vector_store %arg8[%swap3A_706, %swap3A_707, %swap3A_708], %mul3A_703 {strides = array<i32>} : memref<4x16x1024xf32, #tpu.memory_space<vmem>>, vector<16xf32>,
          %get3A_710 = arith.constant 0 : i32
          %get3A_711 = arith.constant 14 : i32
          %get3A_712 = arith.index_cast %get3A_710 : i32 to index
          %get3A_713 = arith.index_cast %get3A_711 : i32 to index
          %get3A_714 = arith.index_cast %mul3A_499 : i32 to index
          %get3A_715 = tpu.vector_load %arg8[%get3A_712, %get3A_713, %get3A_714] {strides = array<i32>} : memref<4x16x1024xf32, #tpu.memory_space<vmem>>, vector<16xf32>,
          %mul3A_716 = arith.constant 6.400000e+01 : f32
          %mul3A_717 = vector.broadcast %mul3A_716 : f32 to vector<16xf32>
          %mul3A_718 = arith.mulf %get3A_715, %mul3A_717 : vector<16xf32>
          %swap3A_719 = arith.constant 0 : i32
          %swap3A_720 = arith.constant 14 : i32
          %swap3A_721 = arith.index_cast %swap3A_719 : i32 to index
          %swap3A_722 = arith.index_cast %swap3A_720 : i32 to index
          %swap3A_723 = arith.index_cast %mul3A_499 : i32 to index
          %swap3A_724 = tpu.vector_load %arg8[%swap3A_721, %swap3A_722, %swap3A_723] {strides = array<i32>} : memref<4x16x1024xf32, #tpu.memory_space<vmem>>, vector<16xf32>,
          tpu.vector_store %arg8[%swap3A_721, %swap3A_722, %swap3A_723], %mul3A_718 {strides = array<i32>} : memref<4x16x1024xf32, #tpu.memory_space<vmem>>, vector<16xf32>,
          %get3A_725 = arith.constant 0 : i32
          %get3A_726 = arith.constant 15 : i32
          %get3A_727 = arith.index_cast %get3A_725 : i32 to index
          %get3A_728 = arith.index_cast %get3A_726 : i32 to index
          %get3A_729 = arith.index_cast %mul3A_499 : i32 to index
          %get3A_730 = tpu.vector_load %arg8[%get3A_727, %get3A_728, %get3A_729] {strides = array<i32>} : memref<4x16x1024xf32, #tpu.memory_space<vmem>>, vector<16xf32>,
          %mul3A_731 = arith.constant 6.400000e+01 : f32
          %mul3A_732 = vector.broadcast %mul3A_731 : f32 to vector<16xf32>
          %mul3A_733 = arith.mulf %get3A_730, %mul3A_732 : vector<16xf32>
          %swap3A_734 = arith.constant 0 : i32
          %swap3A_735 = arith.constant 15 : i32
          %swap3A_736 = arith.index_cast %swap3A_734 : i32 to index
          %swap3A_737 = arith.index_cast %swap3A_735 : i32 to index
          %swap3A_738 = arith.index_cast %mul3A_499 : i32 to index
          %swap3A_739 = tpu.vector_load %arg8[%swap3A_736, %swap3A_737, %swap3A_738] {strides = array<i32>} : memref<4x16x1024xf32, #tpu.memory_space<vmem>>, vector<16xf32>,
          tpu.vector_store %arg8[%swap3A_736, %swap3A_737, %swap3A_738], %mul3A_733 {strides = array<i32>} : memref<4x16x1024xf32, #tpu.memory_space<vmem>>, vector<16xf32>,
        }
        %scan3A_225 = arith.constant 64 : i32
        %mul3A_226 = arith.constant 32 : i32
        %mul3A_227 = arith.muli %add3A_35, %mul3A_226 : i32
        %add3A_228 = arith.addi %mul3A_227, %add3A : i32
        %mul3A_229 = arith.constant 16 : i32
        %mul3A_230 = arith.muli %add3A_228, %mul3A_229 : i32
        %scan3A_231 = arith.constant 0 : i32
        %scan3A_232 = arith.constant 0 : i32
        %scan3A_233 = arith.constant 64 : i32
        %scan3A_234 = arith.addi %scan3A_232, %scan3A_233 : i32
        %scan3A_235 = arith.constant 1 : i32
        scf.for %scan3A_255 = %scan3A_232 to %scan3A_234 step %scan3A_235  : i32 {
          %mul3A_256 = arith.constant 16 : i32
          %mul3A_257 = arith.muli %scan3A_255, %mul3A_256 : i32
          %multiple_of3A_258 = tpu.assume_multiple %mul3A_257, 16 : i32
          %get3A = arith.index_cast %multiple_of3A_258 : i32 to index
          %get3A_259 = tpu.vector_load %arg6[%get3A] {strides = array<i32>} : memref<1024xi32, #tpu.memory_space<vmem>>, vector<16xi32>,
          %get3A_260 = arith.index_cast %multiple_of3A_258 : i32 to index
          %get3A_261 = tpu.vector_load %arg7[%get3A_260] {strides = array<i32>} : memref<1024xf32, #tpu.memory_space<vmem>>, vector<16xf32>,
          %sub3A_262 = vector.broadcast %mul3A_230 : i32 to vector<16xi32>
          %sub3A_263 = arith.subi %get3A_259, %sub3A_262 : vector<16xi32>
          %ge3A_264 = arith.constant 0 : i32
          %ge3A_265 = vector.broadcast %ge3A_264 : i32 to vector<16xi32>
          %ge3A_266 = arith.cmpi sge, %sub3A_263, %ge3A_265 : vector<16xi32>
          %lt3A_267 = arith.constant 16 : i32
          %lt3A_268 = vector.broadcast %lt3A_267 : i32 to vector<16xi32>
          %lt3A_269 = arith.cmpi slt, %sub3A_263, %lt3A_268 : vector<16xi32>
          %and3A_270 = arith.andi %ge3A_266, %lt3A_269 : vector<16xi1>
          %jit3A = arith.constant 0 : i32
          %jit3A_271 = arith.constant 15 : i32
          %max3A_272 = vector.broadcast %jit3A : i32 to vector<16xi32>
          %max3A_273 = arith.maxsi %max3A_272, %sub3A_263 : vector<16xi32>
          %min3A_274 = vector.broadcast %jit3A_271 : i32 to vector<16xi32>
          %min3A_275 = arith.minsi %min3A_274, %max3A_273 : vector<16xi32>
          %add3A_276 = vector.broadcast %multiple_of3A_258 : i32 to vector<16xi32>
          %add3A_277 = arith.addi %add3A_276, %iota3A : vector<16xi32>
          %gather3A = arith.constant 0 : i32
          %gather3A_278 = arith.constant 0 : i32
          %gather3A_279 = arith.constant 0 : i32
          %gather3A_280 = tpu.memref_slice %arg8[%gather3A, %gather3A_278, %gather3A_279] : memref<4x16x1024xf32, #tpu.memory_space<vmem>> -> memref<1x16x1024xf32, #tpu.memory_space<vmem>>
          %gather3A_281 = tpu.memref_squeeze %gather3A_280 : memref<1x16x1024xf32, #tpu.memory_space<vmem>> -> memref<16x1024xf32, #tpu.memory_space<vmem>>
          %gather3A_282 = tpu.vector_load_idx %gather3A_281[%min3A_275, %add3A_277] masked %and3A_270 : memref<16x1024xf32, #tpu.memory_space<vmem>>[vector<16xi32>, vector<16xi32>], vector<16xf32>, vector<16xi1>
          %sub3A_283 = arith.subf %gather3A_282, %get3A_261 : vector<16xf32>
          %scatter3A = arith.constant 0 : i32
          %scatter3A_284 = arith.constant 0 : i32
          %scatter3A_285 = arith.constant 0 : i32
          %scatter3A_286 = tpu.memref_slice %arg8[%scatter3A, %scatter3A_284, %scatter3A_285] : memref<4x16x1024xf32, #tpu.memory_space<vmem>> -> memref<1x16x1024xf32, #tpu.memory_space<vmem>>
          %scatter3A_287 = tpu.memref_squeeze %scatter3A_286 : memref<1x16x1024xf32, #tpu.memory_space<vmem>> -> memref<16x1024xf32, #tpu.memory_space<vmem>>
          tpu.vector_store_idx %scatter3A_287[%min3A_275, %add3A_277], %sub3A_283 masked %and3A_270 : memref<16x1024xf32, #tpu.memory_space<vmem>>[vector<16xi32>, vector<16xi32>], vector<16xf32>, vector<16xi1>
        }
        %scan3A_236 = arith.constant 64 : i32
        %mul3A_237 = arith.constant 32 : i32
        %mul3A_238 = arith.muli %add3A_35, %mul3A_237 : i32
        %add3A_239 = arith.addi %mul3A_238, %add3A : i32
        %mul3A_240 = arith.constant 16 : i32
        %mul3A_241 = arith.muli %add3A_239, %mul3A_240 : i32
        %multiple_of3A_242 = tpu.assume_multiple %mul3A_241, 16 : i32
        %dma_start3A = arith.constant 0 : i32
        %dma_start3A_243 = arith.constant 0 : i32
        %dma_start3A_244 = arith.constant 0 : i32
        %dma_start3A_245 = tpu.memref_slice %arg8[%dma_start3A, %dma_start3A_243, %dma_start3A_244] : memref<4x16x1024xf32, #tpu.memory_space<vmem>> -> memref<1x16x1024xf32, #tpu.memory_space<vmem>>
        %dma_start3A_246 = tpu.memref_squeeze %dma_start3A_245 : memref<1x16x1024xf32, #tpu.memory_space<vmem>> -> memref<16x1024xf32, #tpu.memory_space<vmem>>
        %dma_start3A_247 = arith.constant 0 : i32
        %dma_start3A_248 = tpu.memref_slice %arg5[%multiple_of3A_242, %dma_start3A_247] : memref<100000x1024xf32, #tpu.memory_space<hbm>> -> memref<16x1024xf32, #tpu.memory_space<hbm>>
        %dma_start3A_249 = arith.constant 0 : i32
        %dma_start3A_250 = tpu.memref_slice %arg5[%multiple_of3A_242, %dma_start3A_249] : memref<100000x1024xf32, #tpu.memory_space<hbm>> -> memref<16x1024xf32, #tpu.memory_space<hbm>>
        %dma_start3A_251 = arith.constant 0 : i32
        %dma_start3A_252 = arith.constant 0 : i32
        %dma_start3A_253 = tpu.memref_slice %arg8[%dma_start3A, %dma_start3A_251, %dma_start3A_252] : memref<4x16x1024xf32, #tpu.memory_space<vmem>> -> memref<1x16x1024xf32, #tpu.memory_space<vmem>>
        %dma_start3A_254 = tpu.memref_squeeze %dma_start3A_253 : memref<1x16x1024xf32, #tpu.memory_space<vmem>> -> memref<16x1024xf32, #tpu.memory_space<vmem>>
        tpu.enqueue_dma source(%dma_start3A_254 : memref<16x1024xf32, #tpu.memory_space<vmem>>) target(%dma_start3A_250 : memref<16x1024xf32, #tpu.memory_space<hbm>>) target_semaphore(%arg10 : memref<!tpu.dma_semaphore, #tpu.memory_space<semaphore_mem>>)
      } else {
      }
      %mul3A_71 = arith.constant 4 : i32
      %mul3A_72 = arith.muli %scan3A_31, %mul3A_71 : i32
      %add3A_73 = arith.constant 1 : i32
      %add3A_74 = arith.addi %mul3A_72, %add3A_73 : i32
      %ge3A_75 = arith.constant 2 : i32
      %ge3A_76 = arith.cmpi sge, %add3A_74, %ge3A_75 : i32
      %sub3A_77 = arith.constant 2 : i32
      %sub3A_78 = arith.subi %add3A_74, %sub3A_77 : i32
      %max3A_79 = arith.constant 0 : i32
      %max3A_80 = arith.maxsi %sub3A_78, %max3A_79 : i32
      %mul3A_81 = arith.constant 32 : i32
      %mul3A_82 = arith.muli %max3A_80, %mul3A_81 : i32
      %add3A_83 = arith.addi %mul3A_82, %add3A : i32
      %lt3A_84 = arith.constant 6250 : i32
      %lt3A_85 = arith.cmpi slt, %add3A_83, %lt3A_84 : i32
      %and3A_86 = arith.andi %ge3A_76, %lt3A_85 : i1
      %convert_element_type3A_87 = arith.extui %and3A_86 : i1 to i32
      %cond3A_88 = arith.constant 0 : i32
      %cond3A_89 = arith.cmpi ne, %convert_element_type3A_87, %cond3A_88 : i32
      scf.if %cond3A_89 {
        %sub3A_203 = arith.constant 2 : i32
        %sub3A_204 = arith.subi %add3A_74, %sub3A_203 : i32
        %max3A_205 = arith.constant 0 : i32
        %max3A_206 = arith.maxsi %sub3A_204, %max3A_205 : i32
        %mul3A_207 = arith.constant 32 : i32
        %mul3A_208 = arith.muli %max3A_206, %mul3A_207 : i32
        %add3A_209 = arith.addi %mul3A_208, %add3A : i32
        %mul3A_210 = arith.constant 16 : i32
        %mul3A_211 = arith.muli %add3A_209, %mul3A_210 : i32
        %multiple_of3A = tpu.assume_multiple %mul3A_211, 16 : i32
        %dma_wait3A = arith.constant 3 : i32
        %dma_wait3A_212 = arith.constant 0 : i32
        %dma_wait3A_213 = arith.constant 0 : i32
        %dma_wait3A_214 = tpu.memref_slice %arg8[%dma_wait3A, %dma_wait3A_212, %dma_wait3A_213] : memref<4x16x1024xf32, #tpu.memory_space<vmem>> -> memref<1x16x1024xf32, #tpu.memory_space<vmem>>
        %dma_wait3A_215 = tpu.memref_squeeze %dma_wait3A_214 : memref<1x16x1024xf32, #tpu.memory_space<vmem>> -> memref<16x1024xf32, #tpu.memory_space<vmem>>
        %dma_wait3A_216 = arith.constant 0 : i32
        %dma_wait3A_217 = tpu.memref_slice %arg5[%multiple_of3A, %dma_wait3A_216] : memref<100000x1024xf32, #tpu.memory_space<hbm>> -> memref<16x1024xf32, #tpu.memory_space<hbm>>
        %dma_wait3A_218 = arith.constant 0 : i32
        %dma_wait3A_219 = tpu.memref_slice %arg5[%multiple_of3A, %dma_wait3A_218] : memref<100000x1024xf32, #tpu.memory_space<hbm>> -> memref<16x1024xf32, #tpu.memory_space<hbm>>
        %dma_wait3A_220 = arith.constant 0 : i32
        %dma_wait3A_221 = arith.constant 0 : i32
        %dma_wait3A_222 = tpu.memref_slice %arg8[%dma_wait3A, %dma_wait3A_220, %dma_wait3A_221] : memref<4x16x1024xf32, #tpu.memory_space<vmem>> -> memref<1x16x1024xf32, #tpu.memory_space<vmem>>
        %dma_wait3A_223 = tpu.memref_squeeze %dma_wait3A_222 : memref<1x16x1024xf32, #tpu.memory_space<vmem>> -> memref<16x1024xf32, #tpu.memory_space<vmem>>
        tpu.wait_dma2 semaphore(%arg10 : memref<!tpu.dma_semaphore, #tpu.memory_space<semaphore_mem>>) src(%dma_wait3A_223 : memref<16x1024xf32, #tpu.memory_space<vmem>>) dst(%dma_wait3A_219 : memref<16x1024xf32, #tpu.memory_space<hbm>>)
      } else {
      }
      %add3A_90 = arith.constant 2 : i32
      %add3A_91 = arith.addi %add3A_74, %add3A_90 : i32
      %lt3A_92 = arith.constant 196 : i32
      %lt3A_93 = arith.cmpi slt, %add3A_91, %lt3A_92 : i32
      %add3A_94 = arith.constant 2 : i32
      %add3A_95 = arith.addi %add3A_74, %add3A_94 : i32
      %min3A_96 = arith.constant 195 : i32
      %min3A_97 = arith.minsi %add3A_95, %min3A_96 : i32
      %mul3A_98 = arith.constant 32 : i32
      %mul3A_99 = arith.muli %min3A_97, %mul3A_98 : i32
      %add3A_100 = arith.addi %mul3A_99, %add3A : i32
      %lt3A_101 = arith.constant 6250 : i32
      %lt3A_102 = arith.cmpi slt, %add3A_100, %lt3A_101 : i32
      %and3A_103 = arith.andi %lt3A_93, %lt3A_102 : i1
      %convert_element_type3A_104 = arith.extui %and3A_103 : i1 to i32
      %cond3A_105 = arith.constant 0 : i32
      %cond3A_106 = arith.cmpi ne, %convert_element_type3A_104, %cond3A_105 : i32
      scf.if %cond3A_106 {
        %add3A_203 = arith.constant 2 : i32
        %add3A_204 = arith.addi %add3A_74, %add3A_203 : i32
        %min3A_205 = arith.constant 195 : i32
        %min3A_206 = arith.minsi %add3A_204, %min3A_205 : i32
        %mul3A_207 = arith.constant 32 : i32
        %mul3A_208 = arith.muli %min3A_206, %mul3A_207 : i32
        %add3A_209 = arith.addi %mul3A_208, %add3A : i32
        %mul3A_210 = arith.constant 16 : i32
        %mul3A_211 = arith.muli %add3A_209, %mul3A_210 : i32
        %multiple_of3A = tpu.assume_multiple %mul3A_211, 16 : i32
        %dma_start3A = arith.constant 3 : i32
        %dma_start3A_212 = arith.constant 0 : i32
        %dma_start3A_213 = arith.constant 0 : i32
        %dma_start3A_214 = tpu.memref_slice %arg8[%dma_start3A, %dma_start3A_212, %dma_start3A_213] : memref<4x16x1024xf32, #tpu.memory_space<vmem>> -> memref<1x16x1024xf32, #tpu.memory_space<vmem>>
        %dma_start3A_215 = tpu.memref_squeeze %dma_start3A_214 : memref<1x16x1024xf32, #tpu.memory_space<vmem>> -> memref<16x1024xf32, #tpu.memory_space<vmem>>
        %dma_start3A_216 = arith.constant 0 : i32
        %dma_start3A_217 = tpu.memref_slice %arg2[%multiple_of3A, %dma_start3A_216] : memref<100000x1024xf32, #tpu.memory_space<hbm>> -> memref<16x1024xf32, #tpu.memory_space<hbm>>
        %dma_start3A_218 = arith.constant 0 : i32
        %dma_start3A_219 = arith.constant 0 : i32
        %dma_start3A_220 = tpu.memref_slice %arg8[%dma_start3A, %dma_start3A_218, %dma_start3A_219] : memref<4x16x1024xf32, #tpu.memory_space<vmem>> -> memref<1x16x1024xf32, #tpu.memory_space<vmem>>
        %dma_start3A_221 = tpu.memref_squeeze %dma_start3A_220 : memref<1x16x1024xf32, #tpu.memory_space<vmem>> -> memref<16x1024xf32, #tpu.memory_space<vmem>>
        %dma_start3A_222 = arith.constant 0 : i32
        %dma_start3A_223 = tpu.memref_slice %arg2[%multiple_of3A, %dma_start3A_222] : memref<100000x1024xf32, #tpu.memory_space<hbm>> -> memref<16x1024xf32, #tpu.memory_space<hbm>>
        tpu.enqueue_dma source(%dma_start3A_223 : memref<16x1024xf32, #tpu.memory_space<hbm>>) target(%dma_start3A_221 : memref<16x1024xf32, #tpu.memory_space<vmem>>) target_semaphore(%arg9 : memref<!tpu.dma_semaphore, #tpu.memory_space<semaphore_mem>>)
      } else {
      }
      %mul3A_107 = arith.constant 32 : i32
      %mul3A_108 = arith.muli %add3A_74, %mul3A_107 : i32
      %add3A_109 = arith.addi %mul3A_108, %add3A : i32
      %lt3A_110 = arith.constant 6250 : i32
      %lt3A_111 = arith.cmpi slt, %add3A_109, %lt3A_110 : i32
      %convert_element_type3A_112 = arith.extui %lt3A_111 : i1 to i32
      %cond3A_113 = arith.constant 0 : i32
      %cond3A_114 = arith.cmpi ne, %convert_element_type3A_112, %cond3A_113 : i32
      scf.if %cond3A_114 {
        %mul3A_203 = arith.constant 32 : i32
        %mul3A_204 = arith.muli %add3A_74, %mul3A_203 : i32
        %add3A_205 = arith.addi %mul3A_204, %add3A : i32
        %mul3A_206 = arith.constant 16 : i32
        %mul3A_207 = arith.muli %add3A_205, %mul3A_206 : i32
        %multiple_of3A = tpu.assume_multiple %mul3A_207, 16 : i32
        %dma_wait3A = arith.constant 1 : i32
        %dma_wait3A_208 = arith.constant 0 : i32
        %dma_wait3A_209 = arith.constant 0 : i32
        %dma_wait3A_210 = tpu.memref_slice %arg8[%dma_wait3A, %dma_wait3A_208, %dma_wait3A_209] : memref<4x16x1024xf32, #tpu.memory_space<vmem>> -> memref<1x16x1024xf32, #tpu.memory_space<vmem>>
        %dma_wait3A_211 = tpu.memref_squeeze %dma_wait3A_210 : memref<1x16x1024xf32, #tpu.memory_space<vmem>> -> memref<16x1024xf32, #tpu.memory_space<vmem>>
        %dma_wait3A_212 = arith.constant 0 : i32
        %dma_wait3A_213 = tpu.memref_slice %arg2[%multiple_of3A, %dma_wait3A_212] : memref<100000x1024xf32, #tpu.memory_space<hbm>> -> memref<16x1024xf32, #tpu.memory_space<hbm>>
        %dma_wait3A_214 = arith.constant 0 : i32
        %dma_wait3A_215 = arith.constant 0 : i32
        %dma_wait3A_216 = tpu.memref_slice %arg8[%dma_wait3A, %dma_wait3A_214, %dma_wait3A_215] : memref<4x16x1024xf32, #tpu.memory_space<vmem>> -> memref<1x16x1024xf32, #tpu.memory_space<vmem>>
        %dma_wait3A_217 = tpu.memref_squeeze %dma_wait3A_216 : memref<1x16x1024xf32, #tpu.memory_space<vmem>> -> memref<16x1024xf32, #tpu.memory_space<vmem>>
        %dma_wait3A_218 = arith.constant 0 : i32
        %dma_wait3A_219 = tpu.memref_slice %arg2[%multiple_of3A, %dma_wait3A_218] : memref<100000x1024xf32, #tpu.memory_space<hbm>> -> memref<16x1024xf32, #tpu.memory_space<hbm>>
        tpu.wait_dma2 semaphore(%arg9 : memref<!tpu.dma_semaphore, #tpu.memory_space<semaphore_mem>>) src(%dma_wait3A_219 : memref<16x1024xf32, #tpu.memory_space<hbm>>) dst(%dma_wait3A_217 : memref<16x1024xf32, #tpu.memory_space<vmem>>)
        %scan3A_220 = arith.constant 0 : i32
        %scan3A_221 = arith.constant 0 : i32
        %scan3A_222 = arith.constant 64 : i32
        %scan3A_223 = arith.addi %scan3A_221, %scan3A_222 : i32
        %scan3A_224 = arith.constant 2 : i32
        scf.for %scan3A_255 = %scan3A_221 to %scan3A_223 step %scan3A_224  : i32 {
          %mul3A_256 = arith.constant 16 : i32
          %mul3A_257 = arith.muli %scan3A_255, %mul3A_256 : i32
          %get3A = arith.constant 1 : i32
          %get3A_258 = arith.constant 0 : i32
          %get3A_259 = arith.index_cast %get3A : i32 to index
          %get3A_260 = arith.index_cast %get3A_258 : i32 to index
          %get3A_261 = arith.index_cast %mul3A_257 : i32 to index
          %get3A_262 = tpu.vector_load %arg8[%get3A_259, %get3A_260, %get3A_261] {strides = array<i32>} : memref<4x16x1024xf32, #tpu.memory_space<vmem>>, vector<16xf32>,
          %mul3A_263 = arith.constant 6.400000e+01 : f32
          %mul3A_264 = vector.broadcast %mul3A_263 : f32 to vector<16xf32>
          %mul3A_265 = arith.mulf %get3A_262, %mul3A_264 : vector<16xf32>
          %swap3A = arith.constant 1 : i32
          %swap3A_266 = arith.constant 0 : i32
          %swap3A_267 = arith.index_cast %swap3A : i32 to index
          %swap3A_268 = arith.index_cast %swap3A_266 : i32 to index
          %swap3A_269 = arith.index_cast %mul3A_257 : i32 to index
          %swap3A_270 = tpu.vector_load %arg8[%swap3A_267, %swap3A_268, %swap3A_269] {strides = array<i32>} : memref<4x16x1024xf32, #tpu.memory_space<vmem>>, vector<16xf32>,
          tpu.vector_store %arg8[%swap3A_267, %swap3A_268, %swap3A_269], %mul3A_265 {strides = array<i32>} : memref<4x16x1024xf32, #tpu.memory_space<vmem>>, vector<16xf32>,
          %get3A_271 = arith.constant 1 : i32
          %get3A_272 = arith.constant 1 : i32
          %get3A_273 = arith.index_cast %get3A_271 : i32 to index
          %get3A_274 = arith.index_cast %get3A_272 : i32 to index
          %get3A_275 = arith.index_cast %mul3A_257 : i32 to index
          %get3A_276 = tpu.vector_load %arg8[%get3A_273, %get3A_274, %get3A_275] {strides = array<i32>} : memref<4x16x1024xf32, #tpu.memory_space<vmem>>, vector<16xf32>,
          %mul3A_277 = arith.constant 6.400000e+01 : f32
          %mul3A_278 = vector.broadcast %mul3A_277 : f32 to vector<16xf32>
          %mul3A_279 = arith.mulf %get3A_276, %mul3A_278 : vector<16xf32>
          %swap3A_280 = arith.constant 1 : i32
          %swap3A_281 = arith.constant 1 : i32
          %swap3A_282 = arith.index_cast %swap3A_280 : i32 to index
          %swap3A_283 = arith.index_cast %swap3A_281 : i32 to index
          %swap3A_284 = arith.index_cast %mul3A_257 : i32 to index
          %swap3A_285 = tpu.vector_load %arg8[%swap3A_282, %swap3A_283, %swap3A_284] {strides = array<i32>} : memref<4x16x1024xf32, #tpu.memory_space<vmem>>, vector<16xf32>,
          tpu.vector_store %arg8[%swap3A_282, %swap3A_283, %swap3A_284], %mul3A_279 {strides = array<i32>} : memref<4x16x1024xf32, #tpu.memory_space<vmem>>, vector<16xf32>,
          %get3A_286 = arith.constant 1 : i32
          %get3A_287 = arith.constant 2 : i32
          %get3A_288 = arith.index_cast %get3A_286 : i32 to index
          %get3A_289 = arith.index_cast %get3A_287 : i32 to index
          %get3A_290 = arith.index_cast %mul3A_257 : i32 to index
          %get3A_291 = tpu.vector_load %arg8[%get3A_288, %get3A_289, %get3A_290] {strides = array<i32>} : memref<4x16x1024xf32, #tpu.memory_space<vmem>>, vector<16xf32>,
          %mul3A_292 = arith.constant 6.400000e+01 : f32
          %mul3A_293 = vector.broadcast %mul3A_292 : f32 to vector<16xf32>
          %mul3A_294 = arith.mulf %get3A_291, %mul3A_293 : vector<16xf32>
          %swap3A_295 = arith.constant 1 : i32
          %swap3A_296 = arith.constant 2 : i32
          %swap3A_297 = arith.index_cast %swap3A_295 : i32 to index
          %swap3A_298 = arith.index_cast %swap3A_296 : i32 to index
          %swap3A_299 = arith.index_cast %mul3A_257 : i32 to index
          %swap3A_300 = tpu.vector_load %arg8[%swap3A_297, %swap3A_298, %swap3A_299] {strides = array<i32>} : memref<4x16x1024xf32, #tpu.memory_space<vmem>>, vector<16xf32>,
          tpu.vector_store %arg8[%swap3A_297, %swap3A_298, %swap3A_299], %mul3A_294 {strides = array<i32>} : memref<4x16x1024xf32, #tpu.memory_space<vmem>>, vector<16xf32>,
          %get3A_301 = arith.constant 1 : i32
          %get3A_302 = arith.constant 3 : i32
          %get3A_303 = arith.index_cast %get3A_301 : i32 to index
          %get3A_304 = arith.index_cast %get3A_302 : i32 to index
          %get3A_305 = arith.index_cast %mul3A_257 : i32 to index
          %get3A_306 = tpu.vector_load %arg8[%get3A_303, %get3A_304, %get3A_305] {strides = array<i32>} : memref<4x16x1024xf32, #tpu.memory_space<vmem>>, vector<16xf32>,
          %mul3A_307 = arith.constant 6.400000e+01 : f32
          %mul3A_308 = vector.broadcast %mul3A_307 : f32 to vector<16xf32>
          %mul3A_309 = arith.mulf %get3A_306, %mul3A_308 : vector<16xf32>
          %swap3A_310 = arith.constant 1 : i32
          %swap3A_311 = arith.constant 3 : i32
          %swap3A_312 = arith.index_cast %swap3A_310 : i32 to index
          %swap3A_313 = arith.index_cast %swap3A_311 : i32 to index
          %swap3A_314 = arith.index_cast %mul3A_257 : i32 to index
          %swap3A_315 = tpu.vector_load %arg8[%swap3A_312, %swap3A_313, %swap3A_314] {strides = array<i32>} : memref<4x16x1024xf32, #tpu.memory_space<vmem>>, vector<16xf32>,
          tpu.vector_store %arg8[%swap3A_312, %swap3A_313, %swap3A_314], %mul3A_309 {strides = array<i32>} : memref<4x16x1024xf32, #tpu.memory_space<vmem>>, vector<16xf32>,
          %get3A_316 = arith.constant 1 : i32
          %get3A_317 = arith.constant 4 : i32
          %get3A_318 = arith.index_cast %get3A_316 : i32 to index
          %get3A_319 = arith.index_cast %get3A_317 : i32 to index
          %get3A_320 = arith.index_cast %mul3A_257 : i32 to index
          %get3A_321 = tpu.vector_load %arg8[%get3A_318, %get3A_319, %get3A_320] {strides = array<i32>} : memref<4x16x1024xf32, #tpu.memory_space<vmem>>, vector<16xf32>,
          %mul3A_322 = arith.constant 6.400000e+01 : f32
          %mul3A_323 = vector.broadcast %mul3A_322 : f32 to vector<16xf32>
          %mul3A_324 = arith.mulf %get3A_321, %mul3A_323 : vector<16xf32>
          %swap3A_325 = arith.constant 1 : i32
          %swap3A_326 = arith.constant 4 : i32
          %swap3A_327 = arith.index_cast %swap3A_325 : i32 to index
          %swap3A_328 = arith.index_cast %swap3A_326 : i32 to index
          %swap3A_329 = arith.index_cast %mul3A_257 : i32 to index
          %swap3A_330 = tpu.vector_load %arg8[%swap3A_327, %swap3A_328, %swap3A_329] {strides = array<i32>} : memref<4x16x1024xf32, #tpu.memory_space<vmem>>, vector<16xf32>,
          tpu.vector_store %arg8[%swap3A_327, %swap3A_328, %swap3A_329], %mul3A_324 {strides = array<i32>} : memref<4x16x1024xf32, #tpu.memory_space<vmem>>, vector<16xf32>,
          %get3A_331 = arith.constant 1 : i32
          %get3A_332 = arith.constant 5 : i32
          %get3A_333 = arith.index_cast %get3A_331 : i32 to index
          %get3A_334 = arith.index_cast %get3A_332 : i32 to index
          %get3A_335 = arith.index_cast %mul3A_257 : i32 to index
          %get3A_336 = tpu.vector_load %arg8[%get3A_333, %get3A_334, %get3A_335] {strides = array<i32>} : memref<4x16x1024xf32, #tpu.memory_space<vmem>>, vector<16xf32>,
          %mul3A_337 = arith.constant 6.400000e+01 : f32
          %mul3A_338 = vector.broadcast %mul3A_337 : f32 to vector<16xf32>
          %mul3A_339 = arith.mulf %get3A_336, %mul3A_338 : vector<16xf32>
          %swap3A_340 = arith.constant 1 : i32
          %swap3A_341 = arith.constant 5 : i32
          %swap3A_342 = arith.index_cast %swap3A_340 : i32 to index
          %swap3A_343 = arith.index_cast %swap3A_341 : i32 to index
          %swap3A_344 = arith.index_cast %mul3A_257 : i32 to index
          %swap3A_345 = tpu.vector_load %arg8[%swap3A_342, %swap3A_343, %swap3A_344] {strides = array<i32>} : memref<4x16x1024xf32, #tpu.memory_space<vmem>>, vector<16xf32>,
          tpu.vector_store %arg8[%swap3A_342, %swap3A_343, %swap3A_344], %mul3A_339 {strides = array<i32>} : memref<4x16x1024xf32, #tpu.memory_space<vmem>>, vector<16xf32>,
          %get3A_346 = arith.constant 1 : i32
          %get3A_347 = arith.constant 6 : i32
          %get3A_348 = arith.index_cast %get3A_346 : i32 to index
          %get3A_349 = arith.index_cast %get3A_347 : i32 to index
          %get3A_350 = arith.index_cast %mul3A_257 : i32 to index
          %get3A_351 = tpu.vector_load %arg8[%get3A_348, %get3A_349, %get3A_350] {strides = array<i32>} : memref<4x16x1024xf32, #tpu.memory_space<vmem>>, vector<16xf32>,
          %mul3A_352 = arith.constant 6.400000e+01 : f32
          %mul3A_353 = vector.broadcast %mul3A_352 : f32 to vector<16xf32>
          %mul3A_354 = arith.mulf %get3A_351, %mul3A_353 : vector<16xf32>
          %swap3A_355 = arith.constant 1 : i32
          %swap3A_356 = arith.constant 6 : i32
          %swap3A_357 = arith.index_cast %swap3A_355 : i32 to index
          %swap3A_358 = arith.index_cast %swap3A_356 : i32 to index
          %swap3A_359 = arith.index_cast %mul3A_257 : i32 to index
          %swap3A_360 = tpu.vector_load %arg8[%swap3A_357, %swap3A_358, %swap3A_359] {strides = array<i32>} : memref<4x16x1024xf32, #tpu.memory_space<vmem>>, vector<16xf32>,
          tpu.vector_store %arg8[%swap3A_357, %swap3A_358, %swap3A_359], %mul3A_354 {strides = array<i32>} : memref<4x16x1024xf32, #tpu.memory_space<vmem>>, vector<16xf32>,
          %get3A_361 = arith.constant 1 : i32
          %get3A_362 = arith.constant 7 : i32
          %get3A_363 = arith.index_cast %get3A_361 : i32 to index
          %get3A_364 = arith.index_cast %get3A_362 : i32 to index
          %get3A_365 = arith.index_cast %mul3A_257 : i32 to index
          %get3A_366 = tpu.vector_load %arg8[%get3A_363, %get3A_364, %get3A_365] {strides = array<i32>} : memref<4x16x1024xf32, #tpu.memory_space<vmem>>, vector<16xf32>,
          %mul3A_367 = arith.constant 6.400000e+01 : f32
          %mul3A_368 = vector.broadcast %mul3A_367 : f32 to vector<16xf32>
          %mul3A_369 = arith.mulf %get3A_366, %mul3A_368 : vector<16xf32>
          %swap3A_370 = arith.constant 1 : i32
          %swap3A_371 = arith.constant 7 : i32
          %swap3A_372 = arith.index_cast %swap3A_370 : i32 to index
          %swap3A_373 = arith.index_cast %swap3A_371 : i32 to index
          %swap3A_374 = arith.index_cast %mul3A_257 : i32 to index
          %swap3A_375 = tpu.vector_load %arg8[%swap3A_372, %swap3A_373, %swap3A_374] {strides = array<i32>} : memref<4x16x1024xf32, #tpu.memory_space<vmem>>, vector<16xf32>,
          tpu.vector_store %arg8[%swap3A_372, %swap3A_373, %swap3A_374], %mul3A_369 {strides = array<i32>} : memref<4x16x1024xf32, #tpu.memory_space<vmem>>, vector<16xf32>,
          %get3A_376 = arith.constant 1 : i32
          %get3A_377 = arith.constant 8 : i32
          %get3A_378 = arith.index_cast %get3A_376 : i32 to index
          %get3A_379 = arith.index_cast %get3A_377 : i32 to index
          %get3A_380 = arith.index_cast %mul3A_257 : i32 to index
          %get3A_381 = tpu.vector_load %arg8[%get3A_378, %get3A_379, %get3A_380] {strides = array<i32>} : memref<4x16x1024xf32, #tpu.memory_space<vmem>>, vector<16xf32>,
          %mul3A_382 = arith.constant 6.400000e+01 : f32
          %mul3A_383 = vector.broadcast %mul3A_382 : f32 to vector<16xf32>
          %mul3A_384 = arith.mulf %get3A_381, %mul3A_383 : vector<16xf32>
          %swap3A_385 = arith.constant 1 : i32
          %swap3A_386 = arith.constant 8 : i32
          %swap3A_387 = arith.index_cast %swap3A_385 : i32 to index
          %swap3A_388 = arith.index_cast %swap3A_386 : i32 to index
          %swap3A_389 = arith.index_cast %mul3A_257 : i32 to index
          %swap3A_390 = tpu.vector_load %arg8[%swap3A_387, %swap3A_388, %swap3A_389] {strides = array<i32>} : memref<4x16x1024xf32, #tpu.memory_space<vmem>>, vector<16xf32>,
          tpu.vector_store %arg8[%swap3A_387, %swap3A_388, %swap3A_389], %mul3A_384 {strides = array<i32>} : memref<4x16x1024xf32, #tpu.memory_space<vmem>>, vector<16xf32>,
          %get3A_391 = arith.constant 1 : i32
          %get3A_392 = arith.constant 9 : i32
          %get3A_393 = arith.index_cast %get3A_391 : i32 to index
          %get3A_394 = arith.index_cast %get3A_392 : i32 to index
          %get3A_395 = arith.index_cast %mul3A_257 : i32 to index
          %get3A_396 = tpu.vector_load %arg8[%get3A_393, %get3A_394, %get3A_395] {strides = array<i32>} : memref<4x16x1024xf32, #tpu.memory_space<vmem>>, vector<16xf32>,
          %mul3A_397 = arith.constant 6.400000e+01 : f32
          %mul3A_398 = vector.broadcast %mul3A_397 : f32 to vector<16xf32>
          %mul3A_399 = arith.mulf %get3A_396, %mul3A_398 : vector<16xf32>
          %swap3A_400 = arith.constant 1 : i32
          %swap3A_401 = arith.constant 9 : i32
          %swap3A_402 = arith.index_cast %swap3A_400 : i32 to index
          %swap3A_403 = arith.index_cast %swap3A_401 : i32 to index
          %swap3A_404 = arith.index_cast %mul3A_257 : i32 to index
          %swap3A_405 = tpu.vector_load %arg8[%swap3A_402, %swap3A_403, %swap3A_404] {strides = array<i32>} : memref<4x16x1024xf32, #tpu.memory_space<vmem>>, vector<16xf32>,
          tpu.vector_store %arg8[%swap3A_402, %swap3A_403, %swap3A_404], %mul3A_399 {strides = array<i32>} : memref<4x16x1024xf32, #tpu.memory_space<vmem>>, vector<16xf32>,
          %get3A_406 = arith.constant 1 : i32
          %get3A_407 = arith.constant 10 : i32
          %get3A_408 = arith.index_cast %get3A_406 : i32 to index
          %get3A_409 = arith.index_cast %get3A_407 : i32 to index
          %get3A_410 = arith.index_cast %mul3A_257 : i32 to index
          %get3A_411 = tpu.vector_load %arg8[%get3A_408, %get3A_409, %get3A_410] {strides = array<i32>} : memref<4x16x1024xf32, #tpu.memory_space<vmem>>, vector<16xf32>,
          %mul3A_412 = arith.constant 6.400000e+01 : f32
          %mul3A_413 = vector.broadcast %mul3A_412 : f32 to vector<16xf32>
          %mul3A_414 = arith.mulf %get3A_411, %mul3A_413 : vector<16xf32>
          %swap3A_415 = arith.constant 1 : i32
          %swap3A_416 = arith.constant 10 : i32
          %swap3A_417 = arith.index_cast %swap3A_415 : i32 to index
          %swap3A_418 = arith.index_cast %swap3A_416 : i32 to index
          %swap3A_419 = arith.index_cast %mul3A_257 : i32 to index
          %swap3A_420 = tpu.vector_load %arg8[%swap3A_417, %swap3A_418, %swap3A_419] {strides = array<i32>} : memref<4x16x1024xf32, #tpu.memory_space<vmem>>, vector<16xf32>,
          tpu.vector_store %arg8[%swap3A_417, %swap3A_418, %swap3A_419], %mul3A_414 {strides = array<i32>} : memref<4x16x1024xf32, #tpu.memory_space<vmem>>, vector<16xf32>,
          %get3A_421 = arith.constant 1 : i32
          %get3A_422 = arith.constant 11 : i32
          %get3A_423 = arith.index_cast %get3A_421 : i32 to index
          %get3A_424 = arith.index_cast %get3A_422 : i32 to index
          %get3A_425 = arith.index_cast %mul3A_257 : i32 to index
          %get3A_426 = tpu.vector_load %arg8[%get3A_423, %get3A_424, %get3A_425] {strides = array<i32>} : memref<4x16x1024xf32, #tpu.memory_space<vmem>>, vector<16xf32>,
          %mul3A_427 = arith.constant 6.400000e+01 : f32
          %mul3A_428 = vector.broadcast %mul3A_427 : f32 to vector<16xf32>
          %mul3A_429 = arith.mulf %get3A_426, %mul3A_428 : vector<16xf32>
          %swap3A_430 = arith.constant 1 : i32
          %swap3A_431 = arith.constant 11 : i32
          %swap3A_432 = arith.index_cast %swap3A_430 : i32 to index
          %swap3A_433 = arith.index_cast %swap3A_431 : i32 to index
          %swap3A_434 = arith.index_cast %mul3A_257 : i32 to index
          %swap3A_435 = tpu.vector_load %arg8[%swap3A_432, %swap3A_433, %swap3A_434] {strides = array<i32>} : memref<4x16x1024xf32, #tpu.memory_space<vmem>>, vector<16xf32>,
          tpu.vector_store %arg8[%swap3A_432, %swap3A_433, %swap3A_434], %mul3A_429 {strides = array<i32>} : memref<4x16x1024xf32, #tpu.memory_space<vmem>>, vector<16xf32>,
          %get3A_436 = arith.constant 1 : i32
          %get3A_437 = arith.constant 12 : i32
          %get3A_438 = arith.index_cast %get3A_436 : i32 to index
          %get3A_439 = arith.index_cast %get3A_437 : i32 to index
          %get3A_440 = arith.index_cast %mul3A_257 : i32 to index
          %get3A_441 = tpu.vector_load %arg8[%get3A_438, %get3A_439, %get3A_440] {strides = array<i32>} : memref<4x16x1024xf32, #tpu.memory_space<vmem>>, vector<16xf32>,
          %mul3A_442 = arith.constant 6.400000e+01 : f32
          %mul3A_443 = vector.broadcast %mul3A_442 : f32 to vector<16xf32>
          %mul3A_444 = arith.mulf %get3A_441, %mul3A_443 : vector<16xf32>
          %swap3A_445 = arith.constant 1 : i32
          %swap3A_446 = arith.constant 12 : i32
          %swap3A_447 = arith.index_cast %swap3A_445 : i32 to index
          %swap3A_448 = arith.index_cast %swap3A_446 : i32 to index
          %swap3A_449 = arith.index_cast %mul3A_257 : i32 to index
          %swap3A_450 = tpu.vector_load %arg8[%swap3A_447, %swap3A_448, %swap3A_449] {strides = array<i32>} : memref<4x16x1024xf32, #tpu.memory_space<vmem>>, vector<16xf32>,
          tpu.vector_store %arg8[%swap3A_447, %swap3A_448, %swap3A_449], %mul3A_444 {strides = array<i32>} : memref<4x16x1024xf32, #tpu.memory_space<vmem>>, vector<16xf32>,
          %get3A_451 = arith.constant 1 : i32
          %get3A_452 = arith.constant 13 : i32
          %get3A_453 = arith.index_cast %get3A_451 : i32 to index
          %get3A_454 = arith.index_cast %get3A_452 : i32 to index
          %get3A_455 = arith.index_cast %mul3A_257 : i32 to index
          %get3A_456 = tpu.vector_load %arg8[%get3A_453, %get3A_454, %get3A_455] {strides = array<i32>} : memref<4x16x1024xf32, #tpu.memory_space<vmem>>, vector<16xf32>,
          %mul3A_457 = arith.constant 6.400000e+01 : f32
          %mul3A_458 = vector.broadcast %mul3A_457 : f32 to vector<16xf32>
          %mul3A_459 = arith.mulf %get3A_456, %mul3A_458 : vector<16xf32>
          %swap3A_460 = arith.constant 1 : i32
          %swap3A_461 = arith.constant 13 : i32
          %swap3A_462 = arith.index_cast %swap3A_460 : i32 to index
          %swap3A_463 = arith.index_cast %swap3A_461 : i32 to index
          %swap3A_464 = arith.index_cast %mul3A_257 : i32 to index
          %swap3A_465 = tpu.vector_load %arg8[%swap3A_462, %swap3A_463, %swap3A_464] {strides = array<i32>} : memref<4x16x1024xf32, #tpu.memory_space<vmem>>, vector<16xf32>,
          tpu.vector_store %arg8[%swap3A_462, %swap3A_463, %swap3A_464], %mul3A_459 {strides = array<i32>} : memref<4x16x1024xf32, #tpu.memory_space<vmem>>, vector<16xf32>,
          %get3A_466 = arith.constant 1 : i32
          %get3A_467 = arith.constant 14 : i32
          %get3A_468 = arith.index_cast %get3A_466 : i32 to index
          %get3A_469 = arith.index_cast %get3A_467 : i32 to index
          %get3A_470 = arith.index_cast %mul3A_257 : i32 to index
          %get3A_471 = tpu.vector_load %arg8[%get3A_468, %get3A_469, %get3A_470] {strides = array<i32>} : memref<4x16x1024xf32, #tpu.memory_space<vmem>>, vector<16xf32>,
          %mul3A_472 = arith.constant 6.400000e+01 : f32
          %mul3A_473 = vector.broadcast %mul3A_472 : f32 to vector<16xf32>
          %mul3A_474 = arith.mulf %get3A_471, %mul3A_473 : vector<16xf32>
          %swap3A_475 = arith.constant 1 : i32
          %swap3A_476 = arith.constant 14 : i32
          %swap3A_477 = arith.index_cast %swap3A_475 : i32 to index
          %swap3A_478 = arith.index_cast %swap3A_476 : i32 to index
          %swap3A_479 = arith.index_cast %mul3A_257 : i32 to index
          %swap3A_480 = tpu.vector_load %arg8[%swap3A_477, %swap3A_478, %swap3A_479] {strides = array<i32>} : memref<4x16x1024xf32, #tpu.memory_space<vmem>>, vector<16xf32>,
          tpu.vector_store %arg8[%swap3A_477, %swap3A_478, %swap3A_479], %mul3A_474 {strides = array<i32>} : memref<4x16x1024xf32, #tpu.memory_space<vmem>>, vector<16xf32>,
          %get3A_481 = arith.constant 1 : i32
          %get3A_482 = arith.constant 15 : i32
          %get3A_483 = arith.index_cast %get3A_481 : i32 to index
          %get3A_484 = arith.index_cast %get3A_482 : i32 to index
          %get3A_485 = arith.index_cast %mul3A_257 : i32 to index
          %get3A_486 = tpu.vector_load %arg8[%get3A_483, %get3A_484, %get3A_485] {strides = array<i32>} : memref<4x16x1024xf32, #tpu.memory_space<vmem>>, vector<16xf32>,
          %mul3A_487 = arith.constant 6.400000e+01 : f32
          %mul3A_488 = vector.broadcast %mul3A_487 : f32 to vector<16xf32>
          %mul3A_489 = arith.mulf %get3A_486, %mul3A_488 : vector<16xf32>
          %swap3A_490 = arith.constant 1 : i32
          %swap3A_491 = arith.constant 15 : i32
          %swap3A_492 = arith.index_cast %swap3A_490 : i32 to index
          %swap3A_493 = arith.index_cast %swap3A_491 : i32 to index
          %swap3A_494 = arith.index_cast %mul3A_257 : i32 to index
          %swap3A_495 = tpu.vector_load %arg8[%swap3A_492, %swap3A_493, %swap3A_494] {strides = array<i32>} : memref<4x16x1024xf32, #tpu.memory_space<vmem>>, vector<16xf32>,
          tpu.vector_store %arg8[%swap3A_492, %swap3A_493, %swap3A_494], %mul3A_489 {strides = array<i32>} : memref<4x16x1024xf32, #tpu.memory_space<vmem>>, vector<16xf32>,
          %scan3A_496 = arith.constant 1 : i32
          %scan3A_497 = arith.addi %scan3A_255, %scan3A_496 : i32
          %mul3A_498 = arith.constant 16 : i32
          %mul3A_499 = arith.muli %scan3A_497, %mul3A_498 : i32
          %get3A_500 = arith.constant 1 : i32
          %get3A_501 = arith.constant 0 : i32
          %get3A_502 = arith.index_cast %get3A_500 : i32 to index
          %get3A_503 = arith.index_cast %get3A_501 : i32 to index
          %get3A_504 = arith.index_cast %mul3A_499 : i32 to index
          %get3A_505 = tpu.vector_load %arg8[%get3A_502, %get3A_503, %get3A_504] {strides = array<i32>} : memref<4x16x1024xf32, #tpu.memory_space<vmem>>, vector<16xf32>,
          %mul3A_506 = arith.constant 6.400000e+01 : f32
          %mul3A_507 = vector.broadcast %mul3A_506 : f32 to vector<16xf32>
          %mul3A_508 = arith.mulf %get3A_505, %mul3A_507 : vector<16xf32>
          %swap3A_509 = arith.constant 1 : i32
          %swap3A_510 = arith.constant 0 : i32
          %swap3A_511 = arith.index_cast %swap3A_509 : i32 to index
          %swap3A_512 = arith.index_cast %swap3A_510 : i32 to index
          %swap3A_513 = arith.index_cast %mul3A_499 : i32 to index
          %swap3A_514 = tpu.vector_load %arg8[%swap3A_511, %swap3A_512, %swap3A_513] {strides = array<i32>} : memref<4x16x1024xf32, #tpu.memory_space<vmem>>, vector<16xf32>,
          tpu.vector_store %arg8[%swap3A_511, %swap3A_512, %swap3A_513], %mul3A_508 {strides = array<i32>} : memref<4x16x1024xf32, #tpu.memory_space<vmem>>, vector<16xf32>,
          %get3A_515 = arith.constant 1 : i32
          %get3A_516 = arith.constant 1 : i32
          %get3A_517 = arith.index_cast %get3A_515 : i32 to index
          %get3A_518 = arith.index_cast %get3A_516 : i32 to index
          %get3A_519 = arith.index_cast %mul3A_499 : i32 to index
          %get3A_520 = tpu.vector_load %arg8[%get3A_517, %get3A_518, %get3A_519] {strides = array<i32>} : memref<4x16x1024xf32, #tpu.memory_space<vmem>>, vector<16xf32>,
          %mul3A_521 = arith.constant 6.400000e+01 : f32
          %mul3A_522 = vector.broadcast %mul3A_521 : f32 to vector<16xf32>
          %mul3A_523 = arith.mulf %get3A_520, %mul3A_522 : vector<16xf32>
          %swap3A_524 = arith.constant 1 : i32
          %swap3A_525 = arith.constant 1 : i32
          %swap3A_526 = arith.index_cast %swap3A_524 : i32 to index
          %swap3A_527 = arith.index_cast %swap3A_525 : i32 to index
          %swap3A_528 = arith.index_cast %mul3A_499 : i32 to index
          %swap3A_529 = tpu.vector_load %arg8[%swap3A_526, %swap3A_527, %swap3A_528] {strides = array<i32>} : memref<4x16x1024xf32, #tpu.memory_space<vmem>>, vector<16xf32>,
          tpu.vector_store %arg8[%swap3A_526, %swap3A_527, %swap3A_528], %mul3A_523 {strides = array<i32>} : memref<4x16x1024xf32, #tpu.memory_space<vmem>>, vector<16xf32>,
          %get3A_530 = arith.constant 1 : i32
          %get3A_531 = arith.constant 2 : i32
          %get3A_532 = arith.index_cast %get3A_530 : i32 to index
          %get3A_533 = arith.index_cast %get3A_531 : i32 to index
          %get3A_534 = arith.index_cast %mul3A_499 : i32 to index
          %get3A_535 = tpu.vector_load %arg8[%get3A_532, %get3A_533, %get3A_534] {strides = array<i32>} : memref<4x16x1024xf32, #tpu.memory_space<vmem>>, vector<16xf32>,
          %mul3A_536 = arith.constant 6.400000e+01 : f32
          %mul3A_537 = vector.broadcast %mul3A_536 : f32 to vector<16xf32>
          %mul3A_538 = arith.mulf %get3A_535, %mul3A_537 : vector<16xf32>
          %swap3A_539 = arith.constant 1 : i32
          %swap3A_540 = arith.constant 2 : i32
          %swap3A_541 = arith.index_cast %swap3A_539 : i32 to index
          %swap3A_542 = arith.index_cast %swap3A_540 : i32 to index
          %swap3A_543 = arith.index_cast %mul3A_499 : i32 to index
          %swap3A_544 = tpu.vector_load %arg8[%swap3A_541, %swap3A_542, %swap3A_543] {strides = array<i32>} : memref<4x16x1024xf32, #tpu.memory_space<vmem>>, vector<16xf32>,
          tpu.vector_store %arg8[%swap3A_541, %swap3A_542, %swap3A_543], %mul3A_538 {strides = array<i32>} : memref<4x16x1024xf32, #tpu.memory_space<vmem>>, vector<16xf32>,
          %get3A_545 = arith.constant 1 : i32
          %get3A_546 = arith.constant 3 : i32
          %get3A_547 = arith.index_cast %get3A_545 : i32 to index
          %get3A_548 = arith.index_cast %get3A_546 : i32 to index
          %get3A_549 = arith.index_cast %mul3A_499 : i32 to index
          %get3A_550 = tpu.vector_load %arg8[%get3A_547, %get3A_548, %get3A_549] {strides = array<i32>} : memref<4x16x1024xf32, #tpu.memory_space<vmem>>, vector<16xf32>,
          %mul3A_551 = arith.constant 6.400000e+01 : f32
          %mul3A_552 = vector.broadcast %mul3A_551 : f32 to vector<16xf32>
          %mul3A_553 = arith.mulf %get3A_550, %mul3A_552 : vector<16xf32>
          %swap3A_554 = arith.constant 1 : i32
          %swap3A_555 = arith.constant 3 : i32
          %swap3A_556 = arith.index_cast %swap3A_554 : i32 to index
          %swap3A_557 = arith.index_cast %swap3A_555 : i32 to index
          %swap3A_558 = arith.index_cast %mul3A_499 : i32 to index
          %swap3A_559 = tpu.vector_load %arg8[%swap3A_556, %swap3A_557, %swap3A_558] {strides = array<i32>} : memref<4x16x1024xf32, #tpu.memory_space<vmem>>, vector<16xf32>,
          tpu.vector_store %arg8[%swap3A_556, %swap3A_557, %swap3A_558], %mul3A_553 {strides = array<i32>} : memref<4x16x1024xf32, #tpu.memory_space<vmem>>, vector<16xf32>,
          %get3A_560 = arith.constant 1 : i32
          %get3A_561 = arith.constant 4 : i32
          %get3A_562 = arith.index_cast %get3A_560 : i32 to index
          %get3A_563 = arith.index_cast %get3A_561 : i32 to index
          %get3A_564 = arith.index_cast %mul3A_499 : i32 to index
          %get3A_565 = tpu.vector_load %arg8[%get3A_562, %get3A_563, %get3A_564] {strides = array<i32>} : memref<4x16x1024xf32, #tpu.memory_space<vmem>>, vector<16xf32>,
          %mul3A_566 = arith.constant 6.400000e+01 : f32
          %mul3A_567 = vector.broadcast %mul3A_566 : f32 to vector<16xf32>
          %mul3A_568 = arith.mulf %get3A_565, %mul3A_567 : vector<16xf32>
          %swap3A_569 = arith.constant 1 : i32
          %swap3A_570 = arith.constant 4 : i32
          %swap3A_571 = arith.index_cast %swap3A_569 : i32 to index
          %swap3A_572 = arith.index_cast %swap3A_570 : i32 to index
          %swap3A_573 = arith.index_cast %mul3A_499 : i32 to index
          %swap3A_574 = tpu.vector_load %arg8[%swap3A_571, %swap3A_572, %swap3A_573] {strides = array<i32>} : memref<4x16x1024xf32, #tpu.memory_space<vmem>>, vector<16xf32>,
          tpu.vector_store %arg8[%swap3A_571, %swap3A_572, %swap3A_573], %mul3A_568 {strides = array<i32>} : memref<4x16x1024xf32, #tpu.memory_space<vmem>>, vector<16xf32>,
          %get3A_575 = arith.constant 1 : i32
          %get3A_576 = arith.constant 5 : i32
          %get3A_577 = arith.index_cast %get3A_575 : i32 to index
          %get3A_578 = arith.index_cast %get3A_576 : i32 to index
          %get3A_579 = arith.index_cast %mul3A_499 : i32 to index
          %get3A_580 = tpu.vector_load %arg8[%get3A_577, %get3A_578, %get3A_579] {strides = array<i32>} : memref<4x16x1024xf32, #tpu.memory_space<vmem>>, vector<16xf32>,
          %mul3A_581 = arith.constant 6.400000e+01 : f32
          %mul3A_582 = vector.broadcast %mul3A_581 : f32 to vector<16xf32>
          %mul3A_583 = arith.mulf %get3A_580, %mul3A_582 : vector<16xf32>
          %swap3A_584 = arith.constant 1 : i32
          %swap3A_585 = arith.constant 5 : i32
          %swap3A_586 = arith.index_cast %swap3A_584 : i32 to index
          %swap3A_587 = arith.index_cast %swap3A_585 : i32 to index
          %swap3A_588 = arith.index_cast %mul3A_499 : i32 to index
          %swap3A_589 = tpu.vector_load %arg8[%swap3A_586, %swap3A_587, %swap3A_588] {strides = array<i32>} : memref<4x16x1024xf32, #tpu.memory_space<vmem>>, vector<16xf32>,
          tpu.vector_store %arg8[%swap3A_586, %swap3A_587, %swap3A_588], %mul3A_583 {strides = array<i32>} : memref<4x16x1024xf32, #tpu.memory_space<vmem>>, vector<16xf32>,
          %get3A_590 = arith.constant 1 : i32
          %get3A_591 = arith.constant 6 : i32
          %get3A_592 = arith.index_cast %get3A_590 : i32 to index
          %get3A_593 = arith.index_cast %get3A_591 : i32 to index
          %get3A_594 = arith.index_cast %mul3A_499 : i32 to index
          %get3A_595 = tpu.vector_load %arg8[%get3A_592, %get3A_593, %get3A_594] {strides = array<i32>} : memref<4x16x1024xf32, #tpu.memory_space<vmem>>, vector<16xf32>,
          %mul3A_596 = arith.constant 6.400000e+01 : f32
          %mul3A_597 = vector.broadcast %mul3A_596 : f32 to vector<16xf32>
          %mul3A_598 = arith.mulf %get3A_595, %mul3A_597 : vector<16xf32>
          %swap3A_599 = arith.constant 1 : i32
          %swap3A_600 = arith.constant 6 : i32
          %swap3A_601 = arith.index_cast %swap3A_599 : i32 to index
          %swap3A_602 = arith.index_cast %swap3A_600 : i32 to index
          %swap3A_603 = arith.index_cast %mul3A_499 : i32 to index
          %swap3A_604 = tpu.vector_load %arg8[%swap3A_601, %swap3A_602, %swap3A_603] {strides = array<i32>} : memref<4x16x1024xf32, #tpu.memory_space<vmem>>, vector<16xf32>,
          tpu.vector_store %arg8[%swap3A_601, %swap3A_602, %swap3A_603], %mul3A_598 {strides = array<i32>} : memref<4x16x1024xf32, #tpu.memory_space<vmem>>, vector<16xf32>,
          %get3A_605 = arith.constant 1 : i32
          %get3A_606 = arith.constant 7 : i32
          %get3A_607 = arith.index_cast %get3A_605 : i32 to index
          %get3A_608 = arith.index_cast %get3A_606 : i32 to index
          %get3A_609 = arith.index_cast %mul3A_499 : i32 to index
          %get3A_610 = tpu.vector_load %arg8[%get3A_607, %get3A_608, %get3A_609] {strides = array<i32>} : memref<4x16x1024xf32, #tpu.memory_space<vmem>>, vector<16xf32>,
          %mul3A_611 = arith.constant 6.400000e+01 : f32
          %mul3A_612 = vector.broadcast %mul3A_611 : f32 to vector<16xf32>
          %mul3A_613 = arith.mulf %get3A_610, %mul3A_612 : vector<16xf32>
          %swap3A_614 = arith.constant 1 : i32
          %swap3A_615 = arith.constant 7 : i32
          %swap3A_616 = arith.index_cast %swap3A_614 : i32 to index
          %swap3A_617 = arith.index_cast %swap3A_615 : i32 to index
          %swap3A_618 = arith.index_cast %mul3A_499 : i32 to index
          %swap3A_619 = tpu.vector_load %arg8[%swap3A_616, %swap3A_617, %swap3A_618] {strides = array<i32>} : memref<4x16x1024xf32, #tpu.memory_space<vmem>>, vector<16xf32>,
          tpu.vector_store %arg8[%swap3A_616, %swap3A_617, %swap3A_618], %mul3A_613 {strides = array<i32>} : memref<4x16x1024xf32, #tpu.memory_space<vmem>>, vector<16xf32>,
          %get3A_620 = arith.constant 1 : i32
          %get3A_621 = arith.constant 8 : i32
          %get3A_622 = arith.index_cast %get3A_620 : i32 to index
          %get3A_623 = arith.index_cast %get3A_621 : i32 to index
          %get3A_624 = arith.index_cast %mul3A_499 : i32 to index
          %get3A_625 = tpu.vector_load %arg8[%get3A_622, %get3A_623, %get3A_624] {strides = array<i32>} : memref<4x16x1024xf32, #tpu.memory_space<vmem>>, vector<16xf32>,
          %mul3A_626 = arith.constant 6.400000e+01 : f32
          %mul3A_627 = vector.broadcast %mul3A_626 : f32 to vector<16xf32>
          %mul3A_628 = arith.mulf %get3A_625, %mul3A_627 : vector<16xf32>
          %swap3A_629 = arith.constant 1 : i32
          %swap3A_630 = arith.constant 8 : i32
          %swap3A_631 = arith.index_cast %swap3A_629 : i32 to index
          %swap3A_632 = arith.index_cast %swap3A_630 : i32 to index
          %swap3A_633 = arith.index_cast %mul3A_499 : i32 to index
          %swap3A_634 = tpu.vector_load %arg8[%swap3A_631, %swap3A_632, %swap3A_633] {strides = array<i32>} : memref<4x16x1024xf32, #tpu.memory_space<vmem>>, vector<16xf32>,
          tpu.vector_store %arg8[%swap3A_631, %swap3A_632, %swap3A_633], %mul3A_628 {strides = array<i32>} : memref<4x16x1024xf32, #tpu.memory_space<vmem>>, vector<16xf32>,
          %get3A_635 = arith.constant 1 : i32
          %get3A_636 = arith.constant 9 : i32
          %get3A_637 = arith.index_cast %get3A_635 : i32 to index
          %get3A_638 = arith.index_cast %get3A_636 : i32 to index
          %get3A_639 = arith.index_cast %mul3A_499 : i32 to index
          %get3A_640 = tpu.vector_load %arg8[%get3A_637, %get3A_638, %get3A_639] {strides = array<i32>} : memref<4x16x1024xf32, #tpu.memory_space<vmem>>, vector<16xf32>,
          %mul3A_641 = arith.constant 6.400000e+01 : f32
          %mul3A_642 = vector.broadcast %mul3A_641 : f32 to vector<16xf32>
          %mul3A_643 = arith.mulf %get3A_640, %mul3A_642 : vector<16xf32>
          %swap3A_644 = arith.constant 1 : i32
          %swap3A_645 = arith.constant 9 : i32
          %swap3A_646 = arith.index_cast %swap3A_644 : i32 to index
          %swap3A_647 = arith.index_cast %swap3A_645 : i32 to index
          %swap3A_648 = arith.index_cast %mul3A_499 : i32 to index
          %swap3A_649 = tpu.vector_load %arg8[%swap3A_646, %swap3A_647, %swap3A_648] {strides = array<i32>} : memref<4x16x1024xf32, #tpu.memory_space<vmem>>, vector<16xf32>,
          tpu.vector_store %arg8[%swap3A_646, %swap3A_647, %swap3A_648], %mul3A_643 {strides = array<i32>} : memref<4x16x1024xf32, #tpu.memory_space<vmem>>, vector<16xf32>,
          %get3A_650 = arith.constant 1 : i32
          %get3A_651 = arith.constant 10 : i32
          %get3A_652 = arith.index_cast %get3A_650 : i32 to index
          %get3A_653 = arith.index_cast %get3A_651 : i32 to index
          %get3A_654 = arith.index_cast %mul3A_499 : i32 to index
          %get3A_655 = tpu.vector_load %arg8[%get3A_652, %get3A_653, %get3A_654] {strides = array<i32>} : memref<4x16x1024xf32, #tpu.memory_space<vmem>>, vector<16xf32>,
          %mul3A_656 = arith.constant 6.400000e+01 : f32
          %mul3A_657 = vector.broadcast %mul3A_656 : f32 to vector<16xf32>
          %mul3A_658 = arith.mulf %get3A_655, %mul3A_657 : vector<16xf32>
          %swap3A_659 = arith.constant 1 : i32
          %swap3A_660 = arith.constant 10 : i32
          %swap3A_661 = arith.index_cast %swap3A_659 : i32 to index
          %swap3A_662 = arith.index_cast %swap3A_660 : i32 to index
          %swap3A_663 = arith.index_cast %mul3A_499 : i32 to index
          %swap3A_664 = tpu.vector_load %arg8[%swap3A_661, %swap3A_662, %swap3A_663] {strides = array<i32>} : memref<4x16x1024xf32, #tpu.memory_space<vmem>>, vector<16xf32>,
          tpu.vector_store %arg8[%swap3A_661, %swap3A_662, %swap3A_663], %mul3A_658 {strides = array<i32>} : memref<4x16x1024xf32, #tpu.memory_space<vmem>>, vector<16xf32>,
          %get3A_665 = arith.constant 1 : i32
          %get3A_666 = arith.constant 11 : i32
          %get3A_667 = arith.index_cast %get3A_665 : i32 to index
          %get3A_668 = arith.index_cast %get3A_666 : i32 to index
          %get3A_669 = arith.index_cast %mul3A_499 : i32 to index
          %get3A_670 = tpu.vector_load %arg8[%get3A_667, %get3A_668, %get3A_669] {strides = array<i32>} : memref<4x16x1024xf32, #tpu.memory_space<vmem>>, vector<16xf32>,
          %mul3A_671 = arith.constant 6.400000e+01 : f32
          %mul3A_672 = vector.broadcast %mul3A_671 : f32 to vector<16xf32>
          %mul3A_673 = arith.mulf %get3A_670, %mul3A_672 : vector<16xf32>
          %swap3A_674 = arith.constant 1 : i32
          %swap3A_675 = arith.constant 11 : i32
          %swap3A_676 = arith.index_cast %swap3A_674 : i32 to index
          %swap3A_677 = arith.index_cast %swap3A_675 : i32 to index
          %swap3A_678 = arith.index_cast %mul3A_499 : i32 to index
          %swap3A_679 = tpu.vector_load %arg8[%swap3A_676, %swap3A_677, %swap3A_678] {strides = array<i32>} : memref<4x16x1024xf32, #tpu.memory_space<vmem>>, vector<16xf32>,
          tpu.vector_store %arg8[%swap3A_676, %swap3A_677, %swap3A_678], %mul3A_673 {strides = array<i32>} : memref<4x16x1024xf32, #tpu.memory_space<vmem>>, vector<16xf32>,
          %get3A_680 = arith.constant 1 : i32
          %get3A_681 = arith.constant 12 : i32
          %get3A_682 = arith.index_cast %get3A_680 : i32 to index
          %get3A_683 = arith.index_cast %get3A_681 : i32 to index
          %get3A_684 = arith.index_cast %mul3A_499 : i32 to index
          %get3A_685 = tpu.vector_load %arg8[%get3A_682, %get3A_683, %get3A_684] {strides = array<i32>} : memref<4x16x1024xf32, #tpu.memory_space<vmem>>, vector<16xf32>,
          %mul3A_686 = arith.constant 6.400000e+01 : f32
          %mul3A_687 = vector.broadcast %mul3A_686 : f32 to vector<16xf32>
          %mul3A_688 = arith.mulf %get3A_685, %mul3A_687 : vector<16xf32>
          %swap3A_689 = arith.constant 1 : i32
          %swap3A_690 = arith.constant 12 : i32
          %swap3A_691 = arith.index_cast %swap3A_689 : i32 to index
          %swap3A_692 = arith.index_cast %swap3A_690 : i32 to index
          %swap3A_693 = arith.index_cast %mul3A_499 : i32 to index
          %swap3A_694 = tpu.vector_load %arg8[%swap3A_691, %swap3A_692, %swap3A_693] {strides = array<i32>} : memref<4x16x1024xf32, #tpu.memory_space<vmem>>, vector<16xf32>,
          tpu.vector_store %arg8[%swap3A_691, %swap3A_692, %swap3A_693], %mul3A_688 {strides = array<i32>} : memref<4x16x1024xf32, #tpu.memory_space<vmem>>, vector<16xf32>,
          %get3A_695 = arith.constant 1 : i32
          %get3A_696 = arith.constant 13 : i32
          %get3A_697 = arith.index_cast %get3A_695 : i32 to index
          %get3A_698 = arith.index_cast %get3A_696 : i32 to index
          %get3A_699 = arith.index_cast %mul3A_499 : i32 to index
          %get3A_700 = tpu.vector_load %arg8[%get3A_697, %get3A_698, %get3A_699] {strides = array<i32>} : memref<4x16x1024xf32, #tpu.memory_space<vmem>>, vector<16xf32>,
          %mul3A_701 = arith.constant 6.400000e+01 : f32
          %mul3A_702 = vector.broadcast %mul3A_701 : f32 to vector<16xf32>
          %mul3A_703 = arith.mulf %get3A_700, %mul3A_702 : vector<16xf32>
          %swap3A_704 = arith.constant 1 : i32
          %swap3A_705 = arith.constant 13 : i32
          %swap3A_706 = arith.index_cast %swap3A_704 : i32 to index
          %swap3A_707 = arith.index_cast %swap3A_705 : i32 to index
          %swap3A_708 = arith.index_cast %mul3A_499 : i32 to index
          %swap3A_709 = tpu.vector_load %arg8[%swap3A_706, %swap3A_707, %swap3A_708] {strides = array<i32>} : memref<4x16x1024xf32, #tpu.memory_space<vmem>>, vector<16xf32>,
          tpu.vector_store %arg8[%swap3A_706, %swap3A_707, %swap3A_708], %mul3A_703 {strides = array<i32>} : memref<4x16x1024xf32, #tpu.memory_space<vmem>>, vector<16xf32>,
          %get3A_710 = arith.constant 1 : i32
          %get3A_711 = arith.constant 14 : i32
          %get3A_712 = arith.index_cast %get3A_710 : i32 to index
          %get3A_713 = arith.index_cast %get3A_711 : i32 to index
          %get3A_714 = arith.index_cast %mul3A_499 : i32 to index
          %get3A_715 = tpu.vector_load %arg8[%get3A_712, %get3A_713, %get3A_714] {strides = array<i32>} : memref<4x16x1024xf32, #tpu.memory_space<vmem>>, vector<16xf32>,
          %mul3A_716 = arith.constant 6.400000e+01 : f32
          %mul3A_717 = vector.broadcast %mul3A_716 : f32 to vector<16xf32>
          %mul3A_718 = arith.mulf %get3A_715, %mul3A_717 : vector<16xf32>
          %swap3A_719 = arith.constant 1 : i32
          %swap3A_720 = arith.constant 14 : i32
          %swap3A_721 = arith.index_cast %swap3A_719 : i32 to index
          %swap3A_722 = arith.index_cast %swap3A_720 : i32 to index
          %swap3A_723 = arith.index_cast %mul3A_499 : i32 to index
          %swap3A_724 = tpu.vector_load %arg8[%swap3A_721, %swap3A_722, %swap3A_723] {strides = array<i32>} : memref<4x16x1024xf32, #tpu.memory_space<vmem>>, vector<16xf32>,
          tpu.vector_store %arg8[%swap3A_721, %swap3A_722, %swap3A_723], %mul3A_718 {strides = array<i32>} : memref<4x16x1024xf32, #tpu.memory_space<vmem>>, vector<16xf32>,
          %get3A_725 = arith.constant 1 : i32
          %get3A_726 = arith.constant 15 : i32
          %get3A_727 = arith.index_cast %get3A_725 : i32 to index
          %get3A_728 = arith.index_cast %get3A_726 : i32 to index
          %get3A_729 = arith.index_cast %mul3A_499 : i32 to index
          %get3A_730 = tpu.vector_load %arg8[%get3A_727, %get3A_728, %get3A_729] {strides = array<i32>} : memref<4x16x1024xf32, #tpu.memory_space<vmem>>, vector<16xf32>,
          %mul3A_731 = arith.constant 6.400000e+01 : f32
          %mul3A_732 = vector.broadcast %mul3A_731 : f32 to vector<16xf32>
          %mul3A_733 = arith.mulf %get3A_730, %mul3A_732 : vector<16xf32>
          %swap3A_734 = arith.constant 1 : i32
          %swap3A_735 = arith.constant 15 : i32
          %swap3A_736 = arith.index_cast %swap3A_734 : i32 to index
          %swap3A_737 = arith.index_cast %swap3A_735 : i32 to index
          %swap3A_738 = arith.index_cast %mul3A_499 : i32 to index
          %swap3A_739 = tpu.vector_load %arg8[%swap3A_736, %swap3A_737, %swap3A_738] {strides = array<i32>} : memref<4x16x1024xf32, #tpu.memory_space<vmem>>, vector<16xf32>,
          tpu.vector_store %arg8[%swap3A_736, %swap3A_737, %swap3A_738], %mul3A_733 {strides = array<i32>} : memref<4x16x1024xf32, #tpu.memory_space<vmem>>, vector<16xf32>,
        }
        %scan3A_225 = arith.constant 64 : i32
        %mul3A_226 = arith.constant 32 : i32
        %mul3A_227 = arith.muli %add3A_74, %mul3A_226 : i32
        %add3A_228 = arith.addi %mul3A_227, %add3A : i32
        %mul3A_229 = arith.constant 16 : i32
        %mul3A_230 = arith.muli %add3A_228, %mul3A_229 : i32
        %scan3A_231 = arith.constant 0 : i32
        %scan3A_232 = arith.constant 0 : i32
        %scan3A_233 = arith.constant 64 : i32
        %scan3A_234 = arith.addi %scan3A_232, %scan3A_233 : i32
        %scan3A_235 = arith.constant 1 : i32
        scf.for %scan3A_255 = %scan3A_232 to %scan3A_234 step %scan3A_235  : i32 {
          %mul3A_256 = arith.constant 16 : i32
          %mul3A_257 = arith.muli %scan3A_255, %mul3A_256 : i32
          %multiple_of3A_258 = tpu.assume_multiple %mul3A_257, 16 : i32
          %get3A = arith.index_cast %multiple_of3A_258 : i32 to index
          %get3A_259 = tpu.vector_load %arg6[%get3A] {strides = array<i32>} : memref<1024xi32, #tpu.memory_space<vmem>>, vector<16xi32>,
          %get3A_260 = arith.index_cast %multiple_of3A_258 : i32 to index
          %get3A_261 = tpu.vector_load %arg7[%get3A_260] {strides = array<i32>} : memref<1024xf32, #tpu.memory_space<vmem>>, vector<16xf32>,
          %sub3A_262 = vector.broadcast %mul3A_230 : i32 to vector<16xi32>
          %sub3A_263 = arith.subi %get3A_259, %sub3A_262 : vector<16xi32>
          %ge3A_264 = arith.constant 0 : i32
          %ge3A_265 = vector.broadcast %ge3A_264 : i32 to vector<16xi32>
          %ge3A_266 = arith.cmpi sge, %sub3A_263, %ge3A_265 : vector<16xi32>
          %lt3A_267 = arith.constant 16 : i32
          %lt3A_268 = vector.broadcast %lt3A_267 : i32 to vector<16xi32>
          %lt3A_269 = arith.cmpi slt, %sub3A_263, %lt3A_268 : vector<16xi32>
          %and3A_270 = arith.andi %ge3A_266, %lt3A_269 : vector<16xi1>
          %jit3A = arith.constant 0 : i32
          %jit3A_271 = arith.constant 15 : i32
          %max3A_272 = vector.broadcast %jit3A : i32 to vector<16xi32>
          %max3A_273 = arith.maxsi %max3A_272, %sub3A_263 : vector<16xi32>
          %min3A_274 = vector.broadcast %jit3A_271 : i32 to vector<16xi32>
          %min3A_275 = arith.minsi %min3A_274, %max3A_273 : vector<16xi32>
          %add3A_276 = vector.broadcast %multiple_of3A_258 : i32 to vector<16xi32>
          %add3A_277 = arith.addi %add3A_276, %iota3A : vector<16xi32>
          %gather3A = arith.constant 1 : i32
          %gather3A_278 = arith.constant 0 : i32
          %gather3A_279 = arith.constant 0 : i32
          %gather3A_280 = tpu.memref_slice %arg8[%gather3A, %gather3A_278, %gather3A_279] : memref<4x16x1024xf32, #tpu.memory_space<vmem>> -> memref<1x16x1024xf32, #tpu.memory_space<vmem>>
          %gather3A_281 = tpu.memref_squeeze %gather3A_280 : memref<1x16x1024xf32, #tpu.memory_space<vmem>> -> memref<16x1024xf32, #tpu.memory_space<vmem>>
          %gather3A_282 = tpu.vector_load_idx %gather3A_281[%min3A_275, %add3A_277] masked %and3A_270 : memref<16x1024xf32, #tpu.memory_space<vmem>>[vector<16xi32>, vector<16xi32>], vector<16xf32>, vector<16xi1>
          %sub3A_283 = arith.subf %gather3A_282, %get3A_261 : vector<16xf32>
          %scatter3A = arith.constant 1 : i32
          %scatter3A_284 = arith.constant 0 : i32
          %scatter3A_285 = arith.constant 0 : i32
          %scatter3A_286 = tpu.memref_slice %arg8[%scatter3A, %scatter3A_284, %scatter3A_285] : memref<4x16x1024xf32, #tpu.memory_space<vmem>> -> memref<1x16x1024xf32, #tpu.memory_space<vmem>>
          %scatter3A_287 = tpu.memref_squeeze %scatter3A_286 : memref<1x16x1024xf32, #tpu.memory_space<vmem>> -> memref<16x1024xf32, #tpu.memory_space<vmem>>
          tpu.vector_store_idx %scatter3A_287[%min3A_275, %add3A_277], %sub3A_283 masked %and3A_270 : memref<16x1024xf32, #tpu.memory_space<vmem>>[vector<16xi32>, vector<16xi32>], vector<16xf32>, vector<16xi1>
        }
        %scan3A_236 = arith.constant 64 : i32
        %mul3A_237 = arith.constant 32 : i32
        %mul3A_238 = arith.muli %add3A_74, %mul3A_237 : i32
        %add3A_239 = arith.addi %mul3A_238, %add3A : i32
        %mul3A_240 = arith.constant 16 : i32
        %mul3A_241 = arith.muli %add3A_239, %mul3A_240 : i32
        %multiple_of3A_242 = tpu.assume_multiple %mul3A_241, 16 : i32
        %dma_start3A = arith.constant 1 : i32
        %dma_start3A_243 = arith.constant 0 : i32
        %dma_start3A_244 = arith.constant 0 : i32
        %dma_start3A_245 = tpu.memref_slice %arg8[%dma_start3A, %dma_start3A_243, %dma_start3A_244] : memref<4x16x1024xf32, #tpu.memory_space<vmem>> -> memref<1x16x1024xf32, #tpu.memory_space<vmem>>
        %dma_start3A_246 = tpu.memref_squeeze %dma_start3A_245 : memref<1x16x1024xf32, #tpu.memory_space<vmem>> -> memref<16x1024xf32, #tpu.memory_space<vmem>>
        %dma_start3A_247 = arith.constant 0 : i32
        %dma_start3A_248 = tpu.memref_slice %arg5[%multiple_of3A_242, %dma_start3A_247] : memref<100000x1024xf32, #tpu.memory_space<hbm>> -> memref<16x1024xf32, #tpu.memory_space<hbm>>
        %dma_start3A_249 = arith.constant 0 : i32
        %dma_start3A_250 = tpu.memref_slice %arg5[%multiple_of3A_242, %dma_start3A_249] : memref<100000x1024xf32, #tpu.memory_space<hbm>> -> memref<16x1024xf32, #tpu.memory_space<hbm>>
        %dma_start3A_251 = arith.constant 0 : i32
        %dma_start3A_252 = arith.constant 0 : i32
        %dma_start3A_253 = tpu.memref_slice %arg8[%dma_start3A, %dma_start3A_251, %dma_start3A_252] : memref<4x16x1024xf32, #tpu.memory_space<vmem>> -> memref<1x16x1024xf32, #tpu.memory_space<vmem>>
        %dma_start3A_254 = tpu.memref_squeeze %dma_start3A_253 : memref<1x16x1024xf32, #tpu.memory_space<vmem>> -> memref<16x1024xf32, #tpu.memory_space<vmem>>
        tpu.enqueue_dma source(%dma_start3A_254 : memref<16x1024xf32, #tpu.memory_space<vmem>>) target(%dma_start3A_250 : memref<16x1024xf32, #tpu.memory_space<hbm>>) target_semaphore(%arg10 : memref<!tpu.dma_semaphore, #tpu.memory_space<semaphore_mem>>)
      } else {
      }
      %mul3A_115 = arith.constant 4 : i32
      %mul3A_116 = arith.muli %scan3A_31, %mul3A_115 : i32
      %add3A_117 = arith.constant 2 : i32
      %add3A_118 = arith.addi %mul3A_116, %add3A_117 : i32
      %ge3A_119 = arith.constant 2 : i32
      %ge3A_120 = arith.cmpi sge, %add3A_118, %ge3A_119 : i32
      %sub3A_121 = arith.constant 2 : i32
      %sub3A_122 = arith.subi %add3A_118, %sub3A_121 : i32
      %max3A_123 = arith.constant 0 : i32
      %max3A_124 = arith.maxsi %sub3A_122, %max3A_123 : i32
      %mul3A_125 = arith.constant 32 : i32
      %mul3A_126 = arith.muli %max3A_124, %mul3A_125 : i32
      %add3A_127 = arith.addi %mul3A_126, %add3A : i32
      %lt3A_128 = arith.constant 6250 : i32
      %lt3A_129 = arith.cmpi slt, %add3A_127, %lt3A_128 : i32
      %and3A_130 = arith.andi %ge3A_120, %lt3A_129 : i1
      %convert_element_type3A_131 = arith.extui %and3A_130 : i1 to i32
      %cond3A_132 = arith.constant 0 : i32
      %cond3A_133 = arith.cmpi ne, %convert_element_type3A_131, %cond3A_132 : i32
      scf.if %cond3A_133 {
        %sub3A_203 = arith.constant 2 : i32
        %sub3A_204 = arith.subi %add3A_118, %sub3A_203 : i32
        %max3A_205 = arith.constant 0 : i32
        %max3A_206 = arith.maxsi %sub3A_204, %max3A_205 : i32
        %mul3A_207 = arith.constant 32 : i32
        %mul3A_208 = arith.muli %max3A_206, %mul3A_207 : i32
        %add3A_209 = arith.addi %mul3A_208, %add3A : i32
        %mul3A_210 = arith.constant 16 : i32
        %mul3A_211 = arith.muli %add3A_209, %mul3A_210 : i32
        %multiple_of3A = tpu.assume_multiple %mul3A_211, 16 : i32
        %dma_wait3A = arith.constant 0 : i32
        %dma_wait3A_212 = arith.constant 0 : i32
        %dma_wait3A_213 = arith.constant 0 : i32
        %dma_wait3A_214 = tpu.memref_slice %arg8[%dma_wait3A, %dma_wait3A_212, %dma_wait3A_213] : memref<4x16x1024xf32, #tpu.memory_space<vmem>> -> memref<1x16x1024xf32, #tpu.memory_space<vmem>>
        %dma_wait3A_215 = tpu.memref_squeeze %dma_wait3A_214 : memref<1x16x1024xf32, #tpu.memory_space<vmem>> -> memref<16x1024xf32, #tpu.memory_space<vmem>>
        %dma_wait3A_216 = arith.constant 0 : i32
        %dma_wait3A_217 = tpu.memref_slice %arg5[%multiple_of3A, %dma_wait3A_216] : memref<100000x1024xf32, #tpu.memory_space<hbm>> -> memref<16x1024xf32, #tpu.memory_space<hbm>>
        %dma_wait3A_218 = arith.constant 0 : i32
        %dma_wait3A_219 = tpu.memref_slice %arg5[%multiple_of3A, %dma_wait3A_218] : memref<100000x1024xf32, #tpu.memory_space<hbm>> -> memref<16x1024xf32, #tpu.memory_space<hbm>>
        %dma_wait3A_220 = arith.constant 0 : i32
        %dma_wait3A_221 = arith.constant 0 : i32
        %dma_wait3A_222 = tpu.memref_slice %arg8[%dma_wait3A, %dma_wait3A_220, %dma_wait3A_221] : memref<4x16x1024xf32, #tpu.memory_space<vmem>> -> memref<1x16x1024xf32, #tpu.memory_space<vmem>>
        %dma_wait3A_223 = tpu.memref_squeeze %dma_wait3A_222 : memref<1x16x1024xf32, #tpu.memory_space<vmem>> -> memref<16x1024xf32, #tpu.memory_space<vmem>>
        tpu.wait_dma2 semaphore(%arg10 : memref<!tpu.dma_semaphore, #tpu.memory_space<semaphore_mem>>) src(%dma_wait3A_223 : memref<16x1024xf32, #tpu.memory_space<vmem>>) dst(%dma_wait3A_219 : memref<16x1024xf32, #tpu.memory_space<hbm>>)
      } else {
      }
      %add3A_134 = arith.constant 2 : i32
      %add3A_135 = arith.addi %add3A_118, %add3A_134 : i32
      %lt3A_136 = arith.constant 196 : i32
      %lt3A_137 = arith.cmpi slt, %add3A_135, %lt3A_136 : i32
      %add3A_138 = arith.constant 2 : i32
      %add3A_139 = arith.addi %add3A_118, %add3A_138 : i32
      %min3A_140 = arith.constant 195 : i32
      %min3A_141 = arith.minsi %add3A_139, %min3A_140 : i32
      %mul3A_142 = arith.constant 32 : i32
      %mul3A_143 = arith.muli %min3A_141, %mul3A_142 : i32
      %add3A_144 = arith.addi %mul3A_143, %add3A : i32
      %lt3A_145 = arith.constant 6250 : i32
      %lt3A_146 = arith.cmpi slt, %add3A_144, %lt3A_145 : i32
      %and3A_147 = arith.andi %lt3A_137, %lt3A_146 : i1
      %convert_element_type3A_148 = arith.extui %and3A_147 : i1 to i32
      %cond3A_149 = arith.constant 0 : i32
      %cond3A_150 = arith.cmpi ne, %convert_element_type3A_148, %cond3A_149 : i32
      scf.if %cond3A_150 {
        %add3A_203 = arith.constant 2 : i32
        %add3A_204 = arith.addi %add3A_118, %add3A_203 : i32
        %min3A_205 = arith.constant 195 : i32
        %min3A_206 = arith.minsi %add3A_204, %min3A_205 : i32
        %mul3A_207 = arith.constant 32 : i32
        %mul3A_208 = arith.muli %min3A_206, %mul3A_207 : i32
        %add3A_209 = arith.addi %mul3A_208, %add3A : i32
        %mul3A_210 = arith.constant 16 : i32
        %mul3A_211 = arith.muli %add3A_209, %mul3A_210 : i32
        %multiple_of3A = tpu.assume_multiple %mul3A_211, 16 : i32
        %dma_start3A = arith.constant 0 : i32
        %dma_start3A_212 = arith.constant 0 : i32
        %dma_start3A_213 = arith.constant 0 : i32
        %dma_start3A_214 = tpu.memref_slice %arg8[%dma_start3A, %dma_start3A_212, %dma_start3A_213] : memref<4x16x1024xf32, #tpu.memory_space<vmem>> -> memref<1x16x1024xf32, #tpu.memory_space<vmem>>
        %dma_start3A_215 = tpu.memref_squeeze %dma_start3A_214 : memref<1x16x1024xf32, #tpu.memory_space<vmem>> -> memref<16x1024xf32, #tpu.memory_space<vmem>>
        %dma_start3A_216 = arith.constant 0 : i32
        %dma_start3A_217 = tpu.memref_slice %arg2[%multiple_of3A, %dma_start3A_216] : memref<100000x1024xf32, #tpu.memory_space<hbm>> -> memref<16x1024xf32, #tpu.memory_space<hbm>>
        %dma_start3A_218 = arith.constant 0 : i32
        %dma_start3A_219 = arith.constant 0 : i32
        %dma_start3A_220 = tpu.memref_slice %arg8[%dma_start3A, %dma_start3A_218, %dma_start3A_219] : memref<4x16x1024xf32, #tpu.memory_space<vmem>> -> memref<1x16x1024xf32, #tpu.memory_space<vmem>>
        %dma_start3A_221 = tpu.memref_squeeze %dma_start3A_220 : memref<1x16x1024xf32, #tpu.memory_space<vmem>> -> memref<16x1024xf32, #tpu.memory_space<vmem>>
        %dma_start3A_222 = arith.constant 0 : i32
        %dma_start3A_223 = tpu.memref_slice %arg2[%multiple_of3A, %dma_start3A_222] : memref<100000x1024xf32, #tpu.memory_space<hbm>> -> memref<16x1024xf32, #tpu.memory_space<hbm>>
        tpu.enqueue_dma source(%dma_start3A_223 : memref<16x1024xf32, #tpu.memory_space<hbm>>) target(%dma_start3A_221 : memref<16x1024xf32, #tpu.memory_space<vmem>>) target_semaphore(%arg9 : memref<!tpu.dma_semaphore, #tpu.memory_space<semaphore_mem>>)
      } else {
      }
      %mul3A_151 = arith.constant 32 : i32
      %mul3A_152 = arith.muli %add3A_118, %mul3A_151 : i32
      %add3A_153 = arith.addi %mul3A_152, %add3A : i32
      %lt3A_154 = arith.constant 6250 : i32
      %lt3A_155 = arith.cmpi slt, %add3A_153, %lt3A_154 : i32
      %convert_element_type3A_156 = arith.extui %lt3A_155 : i1 to i32
      %cond3A_157 = arith.constant 0 : i32
      %cond3A_158 = arith.cmpi ne, %convert_element_type3A_156, %cond3A_157 : i32
      scf.if %cond3A_158 {
        %mul3A_203 = arith.constant 32 : i32
        %mul3A_204 = arith.muli %add3A_118, %mul3A_203 : i32
        %add3A_205 = arith.addi %mul3A_204, %add3A : i32
        %mul3A_206 = arith.constant 16 : i32
        %mul3A_207 = arith.muli %add3A_205, %mul3A_206 : i32
        %multiple_of3A = tpu.assume_multiple %mul3A_207, 16 : i32
        %dma_wait3A = arith.constant 2 : i32
        %dma_wait3A_208 = arith.constant 0 : i32
        %dma_wait3A_209 = arith.constant 0 : i32
        %dma_wait3A_210 = tpu.memref_slice %arg8[%dma_wait3A, %dma_wait3A_208, %dma_wait3A_209] : memref<4x16x1024xf32, #tpu.memory_space<vmem>> -> memref<1x16x1024xf32, #tpu.memory_space<vmem>>
        %dma_wait3A_211 = tpu.memref_squeeze %dma_wait3A_210 : memref<1x16x1024xf32, #tpu.memory_space<vmem>> -> memref<16x1024xf32, #tpu.memory_space<vmem>>
        %dma_wait3A_212 = arith.constant 0 : i32
        %dma_wait3A_213 = tpu.memref_slice %arg2[%multiple_of3A, %dma_wait3A_212] : memref<100000x1024xf32, #tpu.memory_space<hbm>> -> memref<16x1024xf32, #tpu.memory_space<hbm>>
        %dma_wait3A_214 = arith.constant 0 : i32
        %dma_wait3A_215 = arith.constant 0 : i32
        %dma_wait3A_216 = tpu.memref_slice %arg8[%dma_wait3A, %dma_wait3A_214, %dma_wait3A_215] : memref<4x16x1024xf32, #tpu.memory_space<vmem>> -> memref<1x16x1024xf32, #tpu.memory_space<vmem>>
        %dma_wait3A_217 = tpu.memref_squeeze %dma_wait3A_216 : memref<1x16x1024xf32, #tpu.memory_space<vmem>> -> memref<16x1024xf32, #tpu.memory_space<vmem>>
        %dma_wait3A_218 = arith.constant 0 : i32
        %dma_wait3A_219 = tpu.memref_slice %arg2[%multiple_of3A, %dma_wait3A_218] : memref<100000x1024xf32, #tpu.memory_space<hbm>> -> memref<16x1024xf32, #tpu.memory_space<hbm>>
        tpu.wait_dma2 semaphore(%arg9 : memref<!tpu.dma_semaphore, #tpu.memory_space<semaphore_mem>>) src(%dma_wait3A_219 : memref<16x1024xf32, #tpu.memory_space<hbm>>) dst(%dma_wait3A_217 : memref<16x1024xf32, #tpu.memory_space<vmem>>)
        %scan3A_220 = arith.constant 0 : i32
        %scan3A_221 = arith.constant 0 : i32
        %scan3A_222 = arith.constant 64 : i32
        %scan3A_223 = arith.addi %scan3A_221, %scan3A_222 : i32
        %scan3A_224 = arith.constant 2 : i32
        scf.for %scan3A_255 = %scan3A_221 to %scan3A_223 step %scan3A_224  : i32 {
          %mul3A_256 = arith.constant 16 : i32
          %mul3A_257 = arith.muli %scan3A_255, %mul3A_256 : i32
          %get3A = arith.constant 2 : i32
          %get3A_258 = arith.constant 0 : i32
          %get3A_259 = arith.index_cast %get3A : i32 to index
          %get3A_260 = arith.index_cast %get3A_258 : i32 to index
          %get3A_261 = arith.index_cast %mul3A_257 : i32 to index
          %get3A_262 = tpu.vector_load %arg8[%get3A_259, %get3A_260, %get3A_261] {strides = array<i32>} : memref<4x16x1024xf32, #tpu.memory_space<vmem>>, vector<16xf32>,
          %mul3A_263 = arith.constant 6.400000e+01 : f32
          %mul3A_264 = vector.broadcast %mul3A_263 : f32 to vector<16xf32>
          %mul3A_265 = arith.mulf %get3A_262, %mul3A_264 : vector<16xf32>
          %swap3A = arith.constant 2 : i32
          %swap3A_266 = arith.constant 0 : i32
          %swap3A_267 = arith.index_cast %swap3A : i32 to index
          %swap3A_268 = arith.index_cast %swap3A_266 : i32 to index
          %swap3A_269 = arith.index_cast %mul3A_257 : i32 to index
          %swap3A_270 = tpu.vector_load %arg8[%swap3A_267, %swap3A_268, %swap3A_269] {strides = array<i32>} : memref<4x16x1024xf32, #tpu.memory_space<vmem>>, vector<16xf32>,
          tpu.vector_store %arg8[%swap3A_267, %swap3A_268, %swap3A_269], %mul3A_265 {strides = array<i32>} : memref<4x16x1024xf32, #tpu.memory_space<vmem>>, vector<16xf32>,
          %get3A_271 = arith.constant 2 : i32
          %get3A_272 = arith.constant 1 : i32
          %get3A_273 = arith.index_cast %get3A_271 : i32 to index
          %get3A_274 = arith.index_cast %get3A_272 : i32 to index
          %get3A_275 = arith.index_cast %mul3A_257 : i32 to index
          %get3A_276 = tpu.vector_load %arg8[%get3A_273, %get3A_274, %get3A_275] {strides = array<i32>} : memref<4x16x1024xf32, #tpu.memory_space<vmem>>, vector<16xf32>,
          %mul3A_277 = arith.constant 6.400000e+01 : f32
          %mul3A_278 = vector.broadcast %mul3A_277 : f32 to vector<16xf32>
          %mul3A_279 = arith.mulf %get3A_276, %mul3A_278 : vector<16xf32>
          %swap3A_280 = arith.constant 2 : i32
          %swap3A_281 = arith.constant 1 : i32
          %swap3A_282 = arith.index_cast %swap3A_280 : i32 to index
          %swap3A_283 = arith.index_cast %swap3A_281 : i32 to index
          %swap3A_284 = arith.index_cast %mul3A_257 : i32 to index
          %swap3A_285 = tpu.vector_load %arg8[%swap3A_282, %swap3A_283, %swap3A_284] {strides = array<i32>} : memref<4x16x1024xf32, #tpu.memory_space<vmem>>, vector<16xf32>,
          tpu.vector_store %arg8[%swap3A_282, %swap3A_283, %swap3A_284], %mul3A_279 {strides = array<i32>} : memref<4x16x1024xf32, #tpu.memory_space<vmem>>, vector<16xf32>,
          %get3A_286 = arith.constant 2 : i32
          %get3A_287 = arith.constant 2 : i32
          %get3A_288 = arith.index_cast %get3A_286 : i32 to index
          %get3A_289 = arith.index_cast %get3A_287 : i32 to index
          %get3A_290 = arith.index_cast %mul3A_257 : i32 to index
          %get3A_291 = tpu.vector_load %arg8[%get3A_288, %get3A_289, %get3A_290] {strides = array<i32>} : memref<4x16x1024xf32, #tpu.memory_space<vmem>>, vector<16xf32>,
          %mul3A_292 = arith.constant 6.400000e+01 : f32
          %mul3A_293 = vector.broadcast %mul3A_292 : f32 to vector<16xf32>
          %mul3A_294 = arith.mulf %get3A_291, %mul3A_293 : vector<16xf32>
          %swap3A_295 = arith.constant 2 : i32
          %swap3A_296 = arith.constant 2 : i32
          %swap3A_297 = arith.index_cast %swap3A_295 : i32 to index
          %swap3A_298 = arith.index_cast %swap3A_296 : i32 to index
          %swap3A_299 = arith.index_cast %mul3A_257 : i32 to index
          %swap3A_300 = tpu.vector_load %arg8[%swap3A_297, %swap3A_298, %swap3A_299] {strides = array<i32>} : memref<4x16x1024xf32, #tpu.memory_space<vmem>>, vector<16xf32>,
          tpu.vector_store %arg8[%swap3A_297, %swap3A_298, %swap3A_299], %mul3A_294 {strides = array<i32>} : memref<4x16x1024xf32, #tpu.memory_space<vmem>>, vector<16xf32>,
          %get3A_301 = arith.constant 2 : i32
          %get3A_302 = arith.constant 3 : i32
          %get3A_303 = arith.index_cast %get3A_301 : i32 to index
          %get3A_304 = arith.index_cast %get3A_302 : i32 to index
          %get3A_305 = arith.index_cast %mul3A_257 : i32 to index
          %get3A_306 = tpu.vector_load %arg8[%get3A_303, %get3A_304, %get3A_305] {strides = array<i32>} : memref<4x16x1024xf32, #tpu.memory_space<vmem>>, vector<16xf32>,
          %mul3A_307 = arith.constant 6.400000e+01 : f32
          %mul3A_308 = vector.broadcast %mul3A_307 : f32 to vector<16xf32>
          %mul3A_309 = arith.mulf %get3A_306, %mul3A_308 : vector<16xf32>
          %swap3A_310 = arith.constant 2 : i32
          %swap3A_311 = arith.constant 3 : i32
          %swap3A_312 = arith.index_cast %swap3A_310 : i32 to index
          %swap3A_313 = arith.index_cast %swap3A_311 : i32 to index
          %swap3A_314 = arith.index_cast %mul3A_257 : i32 to index
          %swap3A_315 = tpu.vector_load %arg8[%swap3A_312, %swap3A_313, %swap3A_314] {strides = array<i32>} : memref<4x16x1024xf32, #tpu.memory_space<vmem>>, vector<16xf32>,
          tpu.vector_store %arg8[%swap3A_312, %swap3A_313, %swap3A_314], %mul3A_309 {strides = array<i32>} : memref<4x16x1024xf32, #tpu.memory_space<vmem>>, vector<16xf32>,
          %get3A_316 = arith.constant 2 : i32
          %get3A_317 = arith.constant 4 : i32
          %get3A_318 = arith.index_cast %get3A_316 : i32 to index
          %get3A_319 = arith.index_cast %get3A_317 : i32 to index
          %get3A_320 = arith.index_cast %mul3A_257 : i32 to index
          %get3A_321 = tpu.vector_load %arg8[%get3A_318, %get3A_319, %get3A_320] {strides = array<i32>} : memref<4x16x1024xf32, #tpu.memory_space<vmem>>, vector<16xf32>,
          %mul3A_322 = arith.constant 6.400000e+01 : f32
          %mul3A_323 = vector.broadcast %mul3A_322 : f32 to vector<16xf32>
          %mul3A_324 = arith.mulf %get3A_321, %mul3A_323 : vector<16xf32>
          %swap3A_325 = arith.constant 2 : i32
          %swap3A_326 = arith.constant 4 : i32
          %swap3A_327 = arith.index_cast %swap3A_325 : i32 to index
          %swap3A_328 = arith.index_cast %swap3A_326 : i32 to index
          %swap3A_329 = arith.index_cast %mul3A_257 : i32 to index
          %swap3A_330 = tpu.vector_load %arg8[%swap3A_327, %swap3A_328, %swap3A_329] {strides = array<i32>} : memref<4x16x1024xf32, #tpu.memory_space<vmem>>, vector<16xf32>,
          tpu.vector_store %arg8[%swap3A_327, %swap3A_328, %swap3A_329], %mul3A_324 {strides = array<i32>} : memref<4x16x1024xf32, #tpu.memory_space<vmem>>, vector<16xf32>,
          %get3A_331 = arith.constant 2 : i32
          %get3A_332 = arith.constant 5 : i32
          %get3A_333 = arith.index_cast %get3A_331 : i32 to index
          %get3A_334 = arith.index_cast %get3A_332 : i32 to index
          %get3A_335 = arith.index_cast %mul3A_257 : i32 to index
          %get3A_336 = tpu.vector_load %arg8[%get3A_333, %get3A_334, %get3A_335] {strides = array<i32>} : memref<4x16x1024xf32, #tpu.memory_space<vmem>>, vector<16xf32>,
          %mul3A_337 = arith.constant 6.400000e+01 : f32
          %mul3A_338 = vector.broadcast %mul3A_337 : f32 to vector<16xf32>
          %mul3A_339 = arith.mulf %get3A_336, %mul3A_338 : vector<16xf32>
          %swap3A_340 = arith.constant 2 : i32
          %swap3A_341 = arith.constant 5 : i32
          %swap3A_342 = arith.index_cast %swap3A_340 : i32 to index
          %swap3A_343 = arith.index_cast %swap3A_341 : i32 to index
          %swap3A_344 = arith.index_cast %mul3A_257 : i32 to index
          %swap3A_345 = tpu.vector_load %arg8[%swap3A_342, %swap3A_343, %swap3A_344] {strides = array<i32>} : memref<4x16x1024xf32, #tpu.memory_space<vmem>>, vector<16xf32>,
          tpu.vector_store %arg8[%swap3A_342, %swap3A_343, %swap3A_344], %mul3A_339 {strides = array<i32>} : memref<4x16x1024xf32, #tpu.memory_space<vmem>>, vector<16xf32>,
          %get3A_346 = arith.constant 2 : i32
          %get3A_347 = arith.constant 6 : i32
          %get3A_348 = arith.index_cast %get3A_346 : i32 to index
          %get3A_349 = arith.index_cast %get3A_347 : i32 to index
          %get3A_350 = arith.index_cast %mul3A_257 : i32 to index
          %get3A_351 = tpu.vector_load %arg8[%get3A_348, %get3A_349, %get3A_350] {strides = array<i32>} : memref<4x16x1024xf32, #tpu.memory_space<vmem>>, vector<16xf32>,
          %mul3A_352 = arith.constant 6.400000e+01 : f32
          %mul3A_353 = vector.broadcast %mul3A_352 : f32 to vector<16xf32>
          %mul3A_354 = arith.mulf %get3A_351, %mul3A_353 : vector<16xf32>
          %swap3A_355 = arith.constant 2 : i32
          %swap3A_356 = arith.constant 6 : i32
          %swap3A_357 = arith.index_cast %swap3A_355 : i32 to index
          %swap3A_358 = arith.index_cast %swap3A_356 : i32 to index
          %swap3A_359 = arith.index_cast %mul3A_257 : i32 to index
          %swap3A_360 = tpu.vector_load %arg8[%swap3A_357, %swap3A_358, %swap3A_359] {strides = array<i32>} : memref<4x16x1024xf32, #tpu.memory_space<vmem>>, vector<16xf32>,
          tpu.vector_store %arg8[%swap3A_357, %swap3A_358, %swap3A_359], %mul3A_354 {strides = array<i32>} : memref<4x16x1024xf32, #tpu.memory_space<vmem>>, vector<16xf32>,
          %get3A_361 = arith.constant 2 : i32
          %get3A_362 = arith.constant 7 : i32
          %get3A_363 = arith.index_cast %get3A_361 : i32 to index
          %get3A_364 = arith.index_cast %get3A_362 : i32 to index
          %get3A_365 = arith.index_cast %mul3A_257 : i32 to index
          %get3A_366 = tpu.vector_load %arg8[%get3A_363, %get3A_364, %get3A_365] {strides = array<i32>} : memref<4x16x1024xf32, #tpu.memory_space<vmem>>, vector<16xf32>,
          %mul3A_367 = arith.constant 6.400000e+01 : f32
          %mul3A_368 = vector.broadcast %mul3A_367 : f32 to vector<16xf32>
          %mul3A_369 = arith.mulf %get3A_366, %mul3A_368 : vector<16xf32>
          %swap3A_370 = arith.constant 2 : i32
          %swap3A_371 = arith.constant 7 : i32
          %swap3A_372 = arith.index_cast %swap3A_370 : i32 to index
          %swap3A_373 = arith.index_cast %swap3A_371 : i32 to index
          %swap3A_374 = arith.index_cast %mul3A_257 : i32 to index
          %swap3A_375 = tpu.vector_load %arg8[%swap3A_372, %swap3A_373, %swap3A_374] {strides = array<i32>} : memref<4x16x1024xf32, #tpu.memory_space<vmem>>, vector<16xf32>,
          tpu.vector_store %arg8[%swap3A_372, %swap3A_373, %swap3A_374], %mul3A_369 {strides = array<i32>} : memref<4x16x1024xf32, #tpu.memory_space<vmem>>, vector<16xf32>,
          %get3A_376 = arith.constant 2 : i32
          %get3A_377 = arith.constant 8 : i32
          %get3A_378 = arith.index_cast %get3A_376 : i32 to index
          %get3A_379 = arith.index_cast %get3A_377 : i32 to index
          %get3A_380 = arith.index_cast %mul3A_257 : i32 to index
          %get3A_381 = tpu.vector_load %arg8[%get3A_378, %get3A_379, %get3A_380] {strides = array<i32>} : memref<4x16x1024xf32, #tpu.memory_space<vmem>>, vector<16xf32>,
          %mul3A_382 = arith.constant 6.400000e+01 : f32
          %mul3A_383 = vector.broadcast %mul3A_382 : f32 to vector<16xf32>
          %mul3A_384 = arith.mulf %get3A_381, %mul3A_383 : vector<16xf32>
          %swap3A_385 = arith.constant 2 : i32
          %swap3A_386 = arith.constant 8 : i32
          %swap3A_387 = arith.index_cast %swap3A_385 : i32 to index
          %swap3A_388 = arith.index_cast %swap3A_386 : i32 to index
          %swap3A_389 = arith.index_cast %mul3A_257 : i32 to index
          %swap3A_390 = tpu.vector_load %arg8[%swap3A_387, %swap3A_388, %swap3A_389] {strides = array<i32>} : memref<4x16x1024xf32, #tpu.memory_space<vmem>>, vector<16xf32>,
          tpu.vector_store %arg8[%swap3A_387, %swap3A_388, %swap3A_389], %mul3A_384 {strides = array<i32>} : memref<4x16x1024xf32, #tpu.memory_space<vmem>>, vector<16xf32>,
          %get3A_391 = arith.constant 2 : i32
          %get3A_392 = arith.constant 9 : i32
          %get3A_393 = arith.index_cast %get3A_391 : i32 to index
          %get3A_394 = arith.index_cast %get3A_392 : i32 to index
          %get3A_395 = arith.index_cast %mul3A_257 : i32 to index
          %get3A_396 = tpu.vector_load %arg8[%get3A_393, %get3A_394, %get3A_395] {strides = array<i32>} : memref<4x16x1024xf32, #tpu.memory_space<vmem>>, vector<16xf32>,
          %mul3A_397 = arith.constant 6.400000e+01 : f32
          %mul3A_398 = vector.broadcast %mul3A_397 : f32 to vector<16xf32>
          %mul3A_399 = arith.mulf %get3A_396, %mul3A_398 : vector<16xf32>
          %swap3A_400 = arith.constant 2 : i32
          %swap3A_401 = arith.constant 9 : i32
          %swap3A_402 = arith.index_cast %swap3A_400 : i32 to index
          %swap3A_403 = arith.index_cast %swap3A_401 : i32 to index
          %swap3A_404 = arith.index_cast %mul3A_257 : i32 to index
          %swap3A_405 = tpu.vector_load %arg8[%swap3A_402, %swap3A_403, %swap3A_404] {strides = array<i32>} : memref<4x16x1024xf32, #tpu.memory_space<vmem>>, vector<16xf32>,
          tpu.vector_store %arg8[%swap3A_402, %swap3A_403, %swap3A_404], %mul3A_399 {strides = array<i32>} : memref<4x16x1024xf32, #tpu.memory_space<vmem>>, vector<16xf32>,
          %get3A_406 = arith.constant 2 : i32
          %get3A_407 = arith.constant 10 : i32
          %get3A_408 = arith.index_cast %get3A_406 : i32 to index
          %get3A_409 = arith.index_cast %get3A_407 : i32 to index
          %get3A_410 = arith.index_cast %mul3A_257 : i32 to index
          %get3A_411 = tpu.vector_load %arg8[%get3A_408, %get3A_409, %get3A_410] {strides = array<i32>} : memref<4x16x1024xf32, #tpu.memory_space<vmem>>, vector<16xf32>,
          %mul3A_412 = arith.constant 6.400000e+01 : f32
          %mul3A_413 = vector.broadcast %mul3A_412 : f32 to vector<16xf32>
          %mul3A_414 = arith.mulf %get3A_411, %mul3A_413 : vector<16xf32>
          %swap3A_415 = arith.constant 2 : i32
          %swap3A_416 = arith.constant 10 : i32
          %swap3A_417 = arith.index_cast %swap3A_415 : i32 to index
          %swap3A_418 = arith.index_cast %swap3A_416 : i32 to index
          %swap3A_419 = arith.index_cast %mul3A_257 : i32 to index
          %swap3A_420 = tpu.vector_load %arg8[%swap3A_417, %swap3A_418, %swap3A_419] {strides = array<i32>} : memref<4x16x1024xf32, #tpu.memory_space<vmem>>, vector<16xf32>,
          tpu.vector_store %arg8[%swap3A_417, %swap3A_418, %swap3A_419], %mul3A_414 {strides = array<i32>} : memref<4x16x1024xf32, #tpu.memory_space<vmem>>, vector<16xf32>,
          %get3A_421 = arith.constant 2 : i32
          %get3A_422 = arith.constant 11 : i32
          %get3A_423 = arith.index_cast %get3A_421 : i32 to index
          %get3A_424 = arith.index_cast %get3A_422 : i32 to index
          %get3A_425 = arith.index_cast %mul3A_257 : i32 to index
          %get3A_426 = tpu.vector_load %arg8[%get3A_423, %get3A_424, %get3A_425] {strides = array<i32>} : memref<4x16x1024xf32, #tpu.memory_space<vmem>>, vector<16xf32>,
          %mul3A_427 = arith.constant 6.400000e+01 : f32
          %mul3A_428 = vector.broadcast %mul3A_427 : f32 to vector<16xf32>
          %mul3A_429 = arith.mulf %get3A_426, %mul3A_428 : vector<16xf32>
          %swap3A_430 = arith.constant 2 : i32
          %swap3A_431 = arith.constant 11 : i32
          %swap3A_432 = arith.index_cast %swap3A_430 : i32 to index
          %swap3A_433 = arith.index_cast %swap3A_431 : i32 to index
          %swap3A_434 = arith.index_cast %mul3A_257 : i32 to index
          %swap3A_435 = tpu.vector_load %arg8[%swap3A_432, %swap3A_433, %swap3A_434] {strides = array<i32>} : memref<4x16x1024xf32, #tpu.memory_space<vmem>>, vector<16xf32>,
          tpu.vector_store %arg8[%swap3A_432, %swap3A_433, %swap3A_434], %mul3A_429 {strides = array<i32>} : memref<4x16x1024xf32, #tpu.memory_space<vmem>>, vector<16xf32>,
          %get3A_436 = arith.constant 2 : i32
          %get3A_437 = arith.constant 12 : i32
          %get3A_438 = arith.index_cast %get3A_436 : i32 to index
          %get3A_439 = arith.index_cast %get3A_437 : i32 to index
          %get3A_440 = arith.index_cast %mul3A_257 : i32 to index
          %get3A_441 = tpu.vector_load %arg8[%get3A_438, %get3A_439, %get3A_440] {strides = array<i32>} : memref<4x16x1024xf32, #tpu.memory_space<vmem>>, vector<16xf32>,
          %mul3A_442 = arith.constant 6.400000e+01 : f32
          %mul3A_443 = vector.broadcast %mul3A_442 : f32 to vector<16xf32>
          %mul3A_444 = arith.mulf %get3A_441, %mul3A_443 : vector<16xf32>
          %swap3A_445 = arith.constant 2 : i32
          %swap3A_446 = arith.constant 12 : i32
          %swap3A_447 = arith.index_cast %swap3A_445 : i32 to index
          %swap3A_448 = arith.index_cast %swap3A_446 : i32 to index
          %swap3A_449 = arith.index_cast %mul3A_257 : i32 to index
          %swap3A_450 = tpu.vector_load %arg8[%swap3A_447, %swap3A_448, %swap3A_449] {strides = array<i32>} : memref<4x16x1024xf32, #tpu.memory_space<vmem>>, vector<16xf32>,
          tpu.vector_store %arg8[%swap3A_447, %swap3A_448, %swap3A_449], %mul3A_444 {strides = array<i32>} : memref<4x16x1024xf32, #tpu.memory_space<vmem>>, vector<16xf32>,
          %get3A_451 = arith.constant 2 : i32
          %get3A_452 = arith.constant 13 : i32
          %get3A_453 = arith.index_cast %get3A_451 : i32 to index
          %get3A_454 = arith.index_cast %get3A_452 : i32 to index
          %get3A_455 = arith.index_cast %mul3A_257 : i32 to index
          %get3A_456 = tpu.vector_load %arg8[%get3A_453, %get3A_454, %get3A_455] {strides = array<i32>} : memref<4x16x1024xf32, #tpu.memory_space<vmem>>, vector<16xf32>,
          %mul3A_457 = arith.constant 6.400000e+01 : f32
          %mul3A_458 = vector.broadcast %mul3A_457 : f32 to vector<16xf32>
          %mul3A_459 = arith.mulf %get3A_456, %mul3A_458 : vector<16xf32>
          %swap3A_460 = arith.constant 2 : i32
          %swap3A_461 = arith.constant 13 : i32
          %swap3A_462 = arith.index_cast %swap3A_460 : i32 to index
          %swap3A_463 = arith.index_cast %swap3A_461 : i32 to index
          %swap3A_464 = arith.index_cast %mul3A_257 : i32 to index
          %swap3A_465 = tpu.vector_load %arg8[%swap3A_462, %swap3A_463, %swap3A_464] {strides = array<i32>} : memref<4x16x1024xf32, #tpu.memory_space<vmem>>, vector<16xf32>,
          tpu.vector_store %arg8[%swap3A_462, %swap3A_463, %swap3A_464], %mul3A_459 {strides = array<i32>} : memref<4x16x1024xf32, #tpu.memory_space<vmem>>, vector<16xf32>,
          %get3A_466 = arith.constant 2 : i32
          %get3A_467 = arith.constant 14 : i32
          %get3A_468 = arith.index_cast %get3A_466 : i32 to index
          %get3A_469 = arith.index_cast %get3A_467 : i32 to index
          %get3A_470 = arith.index_cast %mul3A_257 : i32 to index
          %get3A_471 = tpu.vector_load %arg8[%get3A_468, %get3A_469, %get3A_470] {strides = array<i32>} : memref<4x16x1024xf32, #tpu.memory_space<vmem>>, vector<16xf32>,
          %mul3A_472 = arith.constant 6.400000e+01 : f32
          %mul3A_473 = vector.broadcast %mul3A_472 : f32 to vector<16xf32>
          %mul3A_474 = arith.mulf %get3A_471, %mul3A_473 : vector<16xf32>
          %swap3A_475 = arith.constant 2 : i32
          %swap3A_476 = arith.constant 14 : i32
          %swap3A_477 = arith.index_cast %swap3A_475 : i32 to index
          %swap3A_478 = arith.index_cast %swap3A_476 : i32 to index
          %swap3A_479 = arith.index_cast %mul3A_257 : i32 to index
          %swap3A_480 = tpu.vector_load %arg8[%swap3A_477, %swap3A_478, %swap3A_479] {strides = array<i32>} : memref<4x16x1024xf32, #tpu.memory_space<vmem>>, vector<16xf32>,
          tpu.vector_store %arg8[%swap3A_477, %swap3A_478, %swap3A_479], %mul3A_474 {strides = array<i32>} : memref<4x16x1024xf32, #tpu.memory_space<vmem>>, vector<16xf32>,
          %get3A_481 = arith.constant 2 : i32
          %get3A_482 = arith.constant 15 : i32
          %get3A_483 = arith.index_cast %get3A_481 : i32 to index
          %get3A_484 = arith.index_cast %get3A_482 : i32 to index
          %get3A_485 = arith.index_cast %mul3A_257 : i32 to index
          %get3A_486 = tpu.vector_load %arg8[%get3A_483, %get3A_484, %get3A_485] {strides = array<i32>} : memref<4x16x1024xf32, #tpu.memory_space<vmem>>, vector<16xf32>,
          %mul3A_487 = arith.constant 6.400000e+01 : f32
          %mul3A_488 = vector.broadcast %mul3A_487 : f32 to vector<16xf32>
          %mul3A_489 = arith.mulf %get3A_486, %mul3A_488 : vector<16xf32>
          %swap3A_490 = arith.constant 2 : i32
          %swap3A_491 = arith.constant 15 : i32
          %swap3A_492 = arith.index_cast %swap3A_490 : i32 to index
          %swap3A_493 = arith.index_cast %swap3A_491 : i32 to index
          %swap3A_494 = arith.index_cast %mul3A_257 : i32 to index
          %swap3A_495 = tpu.vector_load %arg8[%swap3A_492, %swap3A_493, %swap3A_494] {strides = array<i32>} : memref<4x16x1024xf32, #tpu.memory_space<vmem>>, vector<16xf32>,
          tpu.vector_store %arg8[%swap3A_492, %swap3A_493, %swap3A_494], %mul3A_489 {strides = array<i32>} : memref<4x16x1024xf32, #tpu.memory_space<vmem>>, vector<16xf32>,
          %scan3A_496 = arith.constant 1 : i32
          %scan3A_497 = arith.addi %scan3A_255, %scan3A_496 : i32
          %mul3A_498 = arith.constant 16 : i32
          %mul3A_499 = arith.muli %scan3A_497, %mul3A_498 : i32
          %get3A_500 = arith.constant 2 : i32
          %get3A_501 = arith.constant 0 : i32
          %get3A_502 = arith.index_cast %get3A_500 : i32 to index
          %get3A_503 = arith.index_cast %get3A_501 : i32 to index
          %get3A_504 = arith.index_cast %mul3A_499 : i32 to index
          %get3A_505 = tpu.vector_load %arg8[%get3A_502, %get3A_503, %get3A_504] {strides = array<i32>} : memref<4x16x1024xf32, #tpu.memory_space<vmem>>, vector<16xf32>,
          %mul3A_506 = arith.constant 6.400000e+01 : f32
          %mul3A_507 = vector.broadcast %mul3A_506 : f32 to vector<16xf32>
          %mul3A_508 = arith.mulf %get3A_505, %mul3A_507 : vector<16xf32>
          %swap3A_509 = arith.constant 2 : i32
          %swap3A_510 = arith.constant 0 : i32
          %swap3A_511 = arith.index_cast %swap3A_509 : i32 to index
          %swap3A_512 = arith.index_cast %swap3A_510 : i32 to index
          %swap3A_513 = arith.index_cast %mul3A_499 : i32 to index
          %swap3A_514 = tpu.vector_load %arg8[%swap3A_511, %swap3A_512, %swap3A_513] {strides = array<i32>} : memref<4x16x1024xf32, #tpu.memory_space<vmem>>, vector<16xf32>,
          tpu.vector_store %arg8[%swap3A_511, %swap3A_512, %swap3A_513], %mul3A_508 {strides = array<i32>} : memref<4x16x1024xf32, #tpu.memory_space<vmem>>, vector<16xf32>,
          %get3A_515 = arith.constant 2 : i32
          %get3A_516 = arith.constant 1 : i32
          %get3A_517 = arith.index_cast %get3A_515 : i32 to index
          %get3A_518 = arith.index_cast %get3A_516 : i32 to index
          %get3A_519 = arith.index_cast %mul3A_499 : i32 to index
          %get3A_520 = tpu.vector_load %arg8[%get3A_517, %get3A_518, %get3A_519] {strides = array<i32>} : memref<4x16x1024xf32, #tpu.memory_space<vmem>>, vector<16xf32>,
          %mul3A_521 = arith.constant 6.400000e+01 : f32
          %mul3A_522 = vector.broadcast %mul3A_521 : f32 to vector<16xf32>
          %mul3A_523 = arith.mulf %get3A_520, %mul3A_522 : vector<16xf32>
          %swap3A_524 = arith.constant 2 : i32
          %swap3A_525 = arith.constant 1 : i32
          %swap3A_526 = arith.index_cast %swap3A_524 : i32 to index
          %swap3A_527 = arith.index_cast %swap3A_525 : i32 to index
          %swap3A_528 = arith.index_cast %mul3A_499 : i32 to index
          %swap3A_529 = tpu.vector_load %arg8[%swap3A_526, %swap3A_527, %swap3A_528] {strides = array<i32>} : memref<4x16x1024xf32, #tpu.memory_space<vmem>>, vector<16xf32>,
          tpu.vector_store %arg8[%swap3A_526, %swap3A_527, %swap3A_528], %mul3A_523 {strides = array<i32>} : memref<4x16x1024xf32, #tpu.memory_space<vmem>>, vector<16xf32>,
          %get3A_530 = arith.constant 2 : i32
          %get3A_531 = arith.constant 2 : i32
          %get3A_532 = arith.index_cast %get3A_530 : i32 to index
          %get3A_533 = arith.index_cast %get3A_531 : i32 to index
          %get3A_534 = arith.index_cast %mul3A_499 : i32 to index
          %get3A_535 = tpu.vector_load %arg8[%get3A_532, %get3A_533, %get3A_534] {strides = array<i32>} : memref<4x16x1024xf32, #tpu.memory_space<vmem>>, vector<16xf32>,
          %mul3A_536 = arith.constant 6.400000e+01 : f32
          %mul3A_537 = vector.broadcast %mul3A_536 : f32 to vector<16xf32>
          %mul3A_538 = arith.mulf %get3A_535, %mul3A_537 : vector<16xf32>
          %swap3A_539 = arith.constant 2 : i32
          %swap3A_540 = arith.constant 2 : i32
          %swap3A_541 = arith.index_cast %swap3A_539 : i32 to index
          %swap3A_542 = arith.index_cast %swap3A_540 : i32 to index
          %swap3A_543 = arith.index_cast %mul3A_499 : i32 to index
          %swap3A_544 = tpu.vector_load %arg8[%swap3A_541, %swap3A_542, %swap3A_543] {strides = array<i32>} : memref<4x16x1024xf32, #tpu.memory_space<vmem>>, vector<16xf32>,
          tpu.vector_store %arg8[%swap3A_541, %swap3A_542, %swap3A_543], %mul3A_538 {strides = array<i32>} : memref<4x16x1024xf32, #tpu.memory_space<vmem>>, vector<16xf32>,
          %get3A_545 = arith.constant 2 : i32
          %get3A_546 = arith.constant 3 : i32
          %get3A_547 = arith.index_cast %get3A_545 : i32 to index
          %get3A_548 = arith.index_cast %get3A_546 : i32 to index
          %get3A_549 = arith.index_cast %mul3A_499 : i32 to index
          %get3A_550 = tpu.vector_load %arg8[%get3A_547, %get3A_548, %get3A_549] {strides = array<i32>} : memref<4x16x1024xf32, #tpu.memory_space<vmem>>, vector<16xf32>,
          %mul3A_551 = arith.constant 6.400000e+01 : f32
          %mul3A_552 = vector.broadcast %mul3A_551 : f32 to vector<16xf32>
          %mul3A_553 = arith.mulf %get3A_550, %mul3A_552 : vector<16xf32>
          %swap3A_554 = arith.constant 2 : i32
          %swap3A_555 = arith.constant 3 : i32
          %swap3A_556 = arith.index_cast %swap3A_554 : i32 to index
          %swap3A_557 = arith.index_cast %swap3A_555 : i32 to index
          %swap3A_558 = arith.index_cast %mul3A_499 : i32 to index
          %swap3A_559 = tpu.vector_load %arg8[%swap3A_556, %swap3A_557, %swap3A_558] {strides = array<i32>} : memref<4x16x1024xf32, #tpu.memory_space<vmem>>, vector<16xf32>,
          tpu.vector_store %arg8[%swap3A_556, %swap3A_557, %swap3A_558], %mul3A_553 {strides = array<i32>} : memref<4x16x1024xf32, #tpu.memory_space<vmem>>, vector<16xf32>,
          %get3A_560 = arith.constant 2 : i32
          %get3A_561 = arith.constant 4 : i32
          %get3A_562 = arith.index_cast %get3A_560 : i32 to index
          %get3A_563 = arith.index_cast %get3A_561 : i32 to index
          %get3A_564 = arith.index_cast %mul3A_499 : i32 to index
          %get3A_565 = tpu.vector_load %arg8[%get3A_562, %get3A_563, %get3A_564] {strides = array<i32>} : memref<4x16x1024xf32, #tpu.memory_space<vmem>>, vector<16xf32>,
          %mul3A_566 = arith.constant 6.400000e+01 : f32
          %mul3A_567 = vector.broadcast %mul3A_566 : f32 to vector<16xf32>
          %mul3A_568 = arith.mulf %get3A_565, %mul3A_567 : vector<16xf32>
          %swap3A_569 = arith.constant 2 : i32
          %swap3A_570 = arith.constant 4 : i32
          %swap3A_571 = arith.index_cast %swap3A_569 : i32 to index
          %swap3A_572 = arith.index_cast %swap3A_570 : i32 to index
          %swap3A_573 = arith.index_cast %mul3A_499 : i32 to index
          %swap3A_574 = tpu.vector_load %arg8[%swap3A_571, %swap3A_572, %swap3A_573] {strides = array<i32>} : memref<4x16x1024xf32, #tpu.memory_space<vmem>>, vector<16xf32>,
          tpu.vector_store %arg8[%swap3A_571, %swap3A_572, %swap3A_573], %mul3A_568 {strides = array<i32>} : memref<4x16x1024xf32, #tpu.memory_space<vmem>>, vector<16xf32>,
          %get3A_575 = arith.constant 2 : i32
          %get3A_576 = arith.constant 5 : i32
          %get3A_577 = arith.index_cast %get3A_575 : i32 to index
          %get3A_578 = arith.index_cast %get3A_576 : i32 to index
          %get3A_579 = arith.index_cast %mul3A_499 : i32 to index
          %get3A_580 = tpu.vector_load %arg8[%get3A_577, %get3A_578, %get3A_579] {strides = array<i32>} : memref<4x16x1024xf32, #tpu.memory_space<vmem>>, vector<16xf32>,
          %mul3A_581 = arith.constant 6.400000e+01 : f32
          %mul3A_582 = vector.broadcast %mul3A_581 : f32 to vector<16xf32>
          %mul3A_583 = arith.mulf %get3A_580, %mul3A_582 : vector<16xf32>
          %swap3A_584 = arith.constant 2 : i32
          %swap3A_585 = arith.constant 5 : i32
          %swap3A_586 = arith.index_cast %swap3A_584 : i32 to index
          %swap3A_587 = arith.index_cast %swap3A_585 : i32 to index
          %swap3A_588 = arith.index_cast %mul3A_499 : i32 to index
          %swap3A_589 = tpu.vector_load %arg8[%swap3A_586, %swap3A_587, %swap3A_588] {strides = array<i32>} : memref<4x16x1024xf32, #tpu.memory_space<vmem>>, vector<16xf32>,
          tpu.vector_store %arg8[%swap3A_586, %swap3A_587, %swap3A_588], %mul3A_583 {strides = array<i32>} : memref<4x16x1024xf32, #tpu.memory_space<vmem>>, vector<16xf32>,
          %get3A_590 = arith.constant 2 : i32
          %get3A_591 = arith.constant 6 : i32
          %get3A_592 = arith.index_cast %get3A_590 : i32 to index
          %get3A_593 = arith.index_cast %get3A_591 : i32 to index
          %get3A_594 = arith.index_cast %mul3A_499 : i32 to index
          %get3A_595 = tpu.vector_load %arg8[%get3A_592, %get3A_593, %get3A_594] {strides = array<i32>} : memref<4x16x1024xf32, #tpu.memory_space<vmem>>, vector<16xf32>,
          %mul3A_596 = arith.constant 6.400000e+01 : f32
          %mul3A_597 = vector.broadcast %mul3A_596 : f32 to vector<16xf32>
          %mul3A_598 = arith.mulf %get3A_595, %mul3A_597 : vector<16xf32>
          %swap3A_599 = arith.constant 2 : i32
          %swap3A_600 = arith.constant 6 : i32
          %swap3A_601 = arith.index_cast %swap3A_599 : i32 to index
          %swap3A_602 = arith.index_cast %swap3A_600 : i32 to index
          %swap3A_603 = arith.index_cast %mul3A_499 : i32 to index
          %swap3A_604 = tpu.vector_load %arg8[%swap3A_601, %swap3A_602, %swap3A_603] {strides = array<i32>} : memref<4x16x1024xf32, #tpu.memory_space<vmem>>, vector<16xf32>,
          tpu.vector_store %arg8[%swap3A_601, %swap3A_602, %swap3A_603], %mul3A_598 {strides = array<i32>} : memref<4x16x1024xf32, #tpu.memory_space<vmem>>, vector<16xf32>,
          %get3A_605 = arith.constant 2 : i32
          %get3A_606 = arith.constant 7 : i32
          %get3A_607 = arith.index_cast %get3A_605 : i32 to index
          %get3A_608 = arith.index_cast %get3A_606 : i32 to index
          %get3A_609 = arith.index_cast %mul3A_499 : i32 to index
          %get3A_610 = tpu.vector_load %arg8[%get3A_607, %get3A_608, %get3A_609] {strides = array<i32>} : memref<4x16x1024xf32, #tpu.memory_space<vmem>>, vector<16xf32>,
          %mul3A_611 = arith.constant 6.400000e+01 : f32
          %mul3A_612 = vector.broadcast %mul3A_611 : f32 to vector<16xf32>
          %mul3A_613 = arith.mulf %get3A_610, %mul3A_612 : vector<16xf32>
          %swap3A_614 = arith.constant 2 : i32
          %swap3A_615 = arith.constant 7 : i32
          %swap3A_616 = arith.index_cast %swap3A_614 : i32 to index
          %swap3A_617 = arith.index_cast %swap3A_615 : i32 to index
          %swap3A_618 = arith.index_cast %mul3A_499 : i32 to index
          %swap3A_619 = tpu.vector_load %arg8[%swap3A_616, %swap3A_617, %swap3A_618] {strides = array<i32>} : memref<4x16x1024xf32, #tpu.memory_space<vmem>>, vector<16xf32>,
          tpu.vector_store %arg8[%swap3A_616, %swap3A_617, %swap3A_618], %mul3A_613 {strides = array<i32>} : memref<4x16x1024xf32, #tpu.memory_space<vmem>>, vector<16xf32>,
          %get3A_620 = arith.constant 2 : i32
          %get3A_621 = arith.constant 8 : i32
          %get3A_622 = arith.index_cast %get3A_620 : i32 to index
          %get3A_623 = arith.index_cast %get3A_621 : i32 to index
          %get3A_624 = arith.index_cast %mul3A_499 : i32 to index
          %get3A_625 = tpu.vector_load %arg8[%get3A_622, %get3A_623, %get3A_624] {strides = array<i32>} : memref<4x16x1024xf32, #tpu.memory_space<vmem>>, vector<16xf32>,
          %mul3A_626 = arith.constant 6.400000e+01 : f32
          %mul3A_627 = vector.broadcast %mul3A_626 : f32 to vector<16xf32>
          %mul3A_628 = arith.mulf %get3A_625, %mul3A_627 : vector<16xf32>
          %swap3A_629 = arith.constant 2 : i32
          %swap3A_630 = arith.constant 8 : i32
          %swap3A_631 = arith.index_cast %swap3A_629 : i32 to index
          %swap3A_632 = arith.index_cast %swap3A_630 : i32 to index
          %swap3A_633 = arith.index_cast %mul3A_499 : i32 to index
          %swap3A_634 = tpu.vector_load %arg8[%swap3A_631, %swap3A_632, %swap3A_633] {strides = array<i32>} : memref<4x16x1024xf32, #tpu.memory_space<vmem>>, vector<16xf32>,
          tpu.vector_store %arg8[%swap3A_631, %swap3A_632, %swap3A_633], %mul3A_628 {strides = array<i32>} : memref<4x16x1024xf32, #tpu.memory_space<vmem>>, vector<16xf32>,
          %get3A_635 = arith.constant 2 : i32
          %get3A_636 = arith.constant 9 : i32
          %get3A_637 = arith.index_cast %get3A_635 : i32 to index
          %get3A_638 = arith.index_cast %get3A_636 : i32 to index
          %get3A_639 = arith.index_cast %mul3A_499 : i32 to index
          %get3A_640 = tpu.vector_load %arg8[%get3A_637, %get3A_638, %get3A_639] {strides = array<i32>} : memref<4x16x1024xf32, #tpu.memory_space<vmem>>, vector<16xf32>,
          %mul3A_641 = arith.constant 6.400000e+01 : f32
          %mul3A_642 = vector.broadcast %mul3A_641 : f32 to vector<16xf32>
          %mul3A_643 = arith.mulf %get3A_640, %mul3A_642 : vector<16xf32>
          %swap3A_644 = arith.constant 2 : i32
          %swap3A_645 = arith.constant 9 : i32
          %swap3A_646 = arith.index_cast %swap3A_644 : i32 to index
          %swap3A_647 = arith.index_cast %swap3A_645 : i32 to index
          %swap3A_648 = arith.index_cast %mul3A_499 : i32 to index
          %swap3A_649 = tpu.vector_load %arg8[%swap3A_646, %swap3A_647, %swap3A_648] {strides = array<i32>} : memref<4x16x1024xf32, #tpu.memory_space<vmem>>, vector<16xf32>,
          tpu.vector_store %arg8[%swap3A_646, %swap3A_647, %swap3A_648], %mul3A_643 {strides = array<i32>} : memref<4x16x1024xf32, #tpu.memory_space<vmem>>, vector<16xf32>,
          %get3A_650 = arith.constant 2 : i32
          %get3A_651 = arith.constant 10 : i32
          %get3A_652 = arith.index_cast %get3A_650 : i32 to index
          %get3A_653 = arith.index_cast %get3A_651 : i32 to index
          %get3A_654 = arith.index_cast %mul3A_499 : i32 to index
          %get3A_655 = tpu.vector_load %arg8[%get3A_652, %get3A_653, %get3A_654] {strides = array<i32>} : memref<4x16x1024xf32, #tpu.memory_space<vmem>>, vector<16xf32>,
          %mul3A_656 = arith.constant 6.400000e+01 : f32
          %mul3A_657 = vector.broadcast %mul3A_656 : f32 to vector<16xf32>
          %mul3A_658 = arith.mulf %get3A_655, %mul3A_657 : vector<16xf32>
          %swap3A_659 = arith.constant 2 : i32
          %swap3A_660 = arith.constant 10 : i32
          %swap3A_661 = arith.index_cast %swap3A_659 : i32 to index
          %swap3A_662 = arith.index_cast %swap3A_660 : i32 to index
          %swap3A_663 = arith.index_cast %mul3A_499 : i32 to index
          %swap3A_664 = tpu.vector_load %arg8[%swap3A_661, %swap3A_662, %swap3A_663] {strides = array<i32>} : memref<4x16x1024xf32, #tpu.memory_space<vmem>>, vector<16xf32>,
          tpu.vector_store %arg8[%swap3A_661, %swap3A_662, %swap3A_663], %mul3A_658 {strides = array<i32>} : memref<4x16x1024xf32, #tpu.memory_space<vmem>>, vector<16xf32>,
          %get3A_665 = arith.constant 2 : i32
          %get3A_666 = arith.constant 11 : i32
          %get3A_667 = arith.index_cast %get3A_665 : i32 to index
          %get3A_668 = arith.index_cast %get3A_666 : i32 to index
          %get3A_669 = arith.index_cast %mul3A_499 : i32 to index
          %get3A_670 = tpu.vector_load %arg8[%get3A_667, %get3A_668, %get3A_669] {strides = array<i32>} : memref<4x16x1024xf32, #tpu.memory_space<vmem>>, vector<16xf32>,
          %mul3A_671 = arith.constant 6.400000e+01 : f32
          %mul3A_672 = vector.broadcast %mul3A_671 : f32 to vector<16xf32>
          %mul3A_673 = arith.mulf %get3A_670, %mul3A_672 : vector<16xf32>
          %swap3A_674 = arith.constant 2 : i32
          %swap3A_675 = arith.constant 11 : i32
          %swap3A_676 = arith.index_cast %swap3A_674 : i32 to index
          %swap3A_677 = arith.index_cast %swap3A_675 : i32 to index
          %swap3A_678 = arith.index_cast %mul3A_499 : i32 to index
          %swap3A_679 = tpu.vector_load %arg8[%swap3A_676, %swap3A_677, %swap3A_678] {strides = array<i32>} : memref<4x16x1024xf32, #tpu.memory_space<vmem>>, vector<16xf32>,
          tpu.vector_store %arg8[%swap3A_676, %swap3A_677, %swap3A_678], %mul3A_673 {strides = array<i32>} : memref<4x16x1024xf32, #tpu.memory_space<vmem>>, vector<16xf32>,
          %get3A_680 = arith.constant 2 : i32
          %get3A_681 = arith.constant 12 : i32
          %get3A_682 = arith.index_cast %get3A_680 : i32 to index
          %get3A_683 = arith.index_cast %get3A_681 : i32 to index
          %get3A_684 = arith.index_cast %mul3A_499 : i32 to index
          %get3A_685 = tpu.vector_load %arg8[%get3A_682, %get3A_683, %get3A_684] {strides = array<i32>} : memref<4x16x1024xf32, #tpu.memory_space<vmem>>, vector<16xf32>,
          %mul3A_686 = arith.constant 6.400000e+01 : f32
          %mul3A_687 = vector.broadcast %mul3A_686 : f32 to vector<16xf32>
          %mul3A_688 = arith.mulf %get3A_685, %mul3A_687 : vector<16xf32>
          %swap3A_689 = arith.constant 2 : i32
          %swap3A_690 = arith.constant 12 : i32
          %swap3A_691 = arith.index_cast %swap3A_689 : i32 to index
          %swap3A_692 = arith.index_cast %swap3A_690 : i32 to index
          %swap3A_693 = arith.index_cast %mul3A_499 : i32 to index
          %swap3A_694 = tpu.vector_load %arg8[%swap3A_691, %swap3A_692, %swap3A_693] {strides = array<i32>} : memref<4x16x1024xf32, #tpu.memory_space<vmem>>, vector<16xf32>,
          tpu.vector_store %arg8[%swap3A_691, %swap3A_692, %swap3A_693], %mul3A_688 {strides = array<i32>} : memref<4x16x1024xf32, #tpu.memory_space<vmem>>, vector<16xf32>,
          %get3A_695 = arith.constant 2 : i32
          %get3A_696 = arith.constant 13 : i32
          %get3A_697 = arith.index_cast %get3A_695 : i32 to index
          %get3A_698 = arith.index_cast %get3A_696 : i32 to index
          %get3A_699 = arith.index_cast %mul3A_499 : i32 to index
          %get3A_700 = tpu.vector_load %arg8[%get3A_697, %get3A_698, %get3A_699] {strides = array<i32>} : memref<4x16x1024xf32, #tpu.memory_space<vmem>>, vector<16xf32>,
          %mul3A_701 = arith.constant 6.400000e+01 : f32
          %mul3A_702 = vector.broadcast %mul3A_701 : f32 to vector<16xf32>
          %mul3A_703 = arith.mulf %get3A_700, %mul3A_702 : vector<16xf32>
          %swap3A_704 = arith.constant 2 : i32
          %swap3A_705 = arith.constant 13 : i32
          %swap3A_706 = arith.index_cast %swap3A_704 : i32 to index
          %swap3A_707 = arith.index_cast %swap3A_705 : i32 to index
          %swap3A_708 = arith.index_cast %mul3A_499 : i32 to index
          %swap3A_709 = tpu.vector_load %arg8[%swap3A_706, %swap3A_707, %swap3A_708] {strides = array<i32>} : memref<4x16x1024xf32, #tpu.memory_space<vmem>>, vector<16xf32>,
          tpu.vector_store %arg8[%swap3A_706, %swap3A_707, %swap3A_708], %mul3A_703 {strides = array<i32>} : memref<4x16x1024xf32, #tpu.memory_space<vmem>>, vector<16xf32>,
          %get3A_710 = arith.constant 2 : i32
          %get3A_711 = arith.constant 14 : i32
          %get3A_712 = arith.index_cast %get3A_710 : i32 to index
          %get3A_713 = arith.index_cast %get3A_711 : i32 to index
          %get3A_714 = arith.index_cast %mul3A_499 : i32 to index
          %get3A_715 = tpu.vector_load %arg8[%get3A_712, %get3A_713, %get3A_714] {strides = array<i32>} : memref<4x16x1024xf32, #tpu.memory_space<vmem>>, vector<16xf32>,
          %mul3A_716 = arith.constant 6.400000e+01 : f32
          %mul3A_717 = vector.broadcast %mul3A_716 : f32 to vector<16xf32>
          %mul3A_718 = arith.mulf %get3A_715, %mul3A_717 : vector<16xf32>
          %swap3A_719 = arith.constant 2 : i32
          %swap3A_720 = arith.constant 14 : i32
          %swap3A_721 = arith.index_cast %swap3A_719 : i32 to index
          %swap3A_722 = arith.index_cast %swap3A_720 : i32 to index
          %swap3A_723 = arith.index_cast %mul3A_499 : i32 to index
          %swap3A_724 = tpu.vector_load %arg8[%swap3A_721, %swap3A_722, %swap3A_723] {strides = array<i32>} : memref<4x16x1024xf32, #tpu.memory_space<vmem>>, vector<16xf32>,
          tpu.vector_store %arg8[%swap3A_721, %swap3A_722, %swap3A_723], %mul3A_718 {strides = array<i32>} : memref<4x16x1024xf32, #tpu.memory_space<vmem>>, vector<16xf32>,
          %get3A_725 = arith.constant 2 : i32
          %get3A_726 = arith.constant 15 : i32
          %get3A_727 = arith.index_cast %get3A_725 : i32 to index
          %get3A_728 = arith.index_cast %get3A_726 : i32 to index
          %get3A_729 = arith.index_cast %mul3A_499 : i32 to index
          %get3A_730 = tpu.vector_load %arg8[%get3A_727, %get3A_728, %get3A_729] {strides = array<i32>} : memref<4x16x1024xf32, #tpu.memory_space<vmem>>, vector<16xf32>,
          %mul3A_731 = arith.constant 6.400000e+01 : f32
          %mul3A_732 = vector.broadcast %mul3A_731 : f32 to vector<16xf32>
          %mul3A_733 = arith.mulf %get3A_730, %mul3A_732 : vector<16xf32>
          %swap3A_734 = arith.constant 2 : i32
          %swap3A_735 = arith.constant 15 : i32
          %swap3A_736 = arith.index_cast %swap3A_734 : i32 to index
          %swap3A_737 = arith.index_cast %swap3A_735 : i32 to index
          %swap3A_738 = arith.index_cast %mul3A_499 : i32 to index
          %swap3A_739 = tpu.vector_load %arg8[%swap3A_736, %swap3A_737, %swap3A_738] {strides = array<i32>} : memref<4x16x1024xf32, #tpu.memory_space<vmem>>, vector<16xf32>,
          tpu.vector_store %arg8[%swap3A_736, %swap3A_737, %swap3A_738], %mul3A_733 {strides = array<i32>} : memref<4x16x1024xf32, #tpu.memory_space<vmem>>, vector<16xf32>,
        }
        %scan3A_225 = arith.constant 64 : i32
        %mul3A_226 = arith.constant 32 : i32
        %mul3A_227 = arith.muli %add3A_118, %mul3A_226 : i32
        %add3A_228 = arith.addi %mul3A_227, %add3A : i32
        %mul3A_229 = arith.constant 16 : i32
        %mul3A_230 = arith.muli %add3A_228, %mul3A_229 : i32
        %scan3A_231 = arith.constant 0 : i32
        %scan3A_232 = arith.constant 0 : i32
        %scan3A_233 = arith.constant 64 : i32
        %scan3A_234 = arith.addi %scan3A_232, %scan3A_233 : i32
        %scan3A_235 = arith.constant 1 : i32
        scf.for %scan3A_255 = %scan3A_232 to %scan3A_234 step %scan3A_235  : i32 {
          %mul3A_256 = arith.constant 16 : i32
          %mul3A_257 = arith.muli %scan3A_255, %mul3A_256 : i32
          %multiple_of3A_258 = tpu.assume_multiple %mul3A_257, 16 : i32
          %get3A = arith.index_cast %multiple_of3A_258 : i32 to index
          %get3A_259 = tpu.vector_load %arg6[%get3A] {strides = array<i32>} : memref<1024xi32, #tpu.memory_space<vmem>>, vector<16xi32>,
          %get3A_260 = arith.index_cast %multiple_of3A_258 : i32 to index
          %get3A_261 = tpu.vector_load %arg7[%get3A_260] {strides = array<i32>} : memref<1024xf32, #tpu.memory_space<vmem>>, vector<16xf32>,
          %sub3A_262 = vector.broadcast %mul3A_230 : i32 to vector<16xi32>
          %sub3A_263 = arith.subi %get3A_259, %sub3A_262 : vector<16xi32>
          %ge3A_264 = arith.constant 0 : i32
          %ge3A_265 = vector.broadcast %ge3A_264 : i32 to vector<16xi32>
          %ge3A_266 = arith.cmpi sge, %sub3A_263, %ge3A_265 : vector<16xi32>
          %lt3A_267 = arith.constant 16 : i32
          %lt3A_268 = vector.broadcast %lt3A_267 : i32 to vector<16xi32>
          %lt3A_269 = arith.cmpi slt, %sub3A_263, %lt3A_268 : vector<16xi32>
          %and3A_270 = arith.andi %ge3A_266, %lt3A_269 : vector<16xi1>
          %jit3A = arith.constant 0 : i32
          %jit3A_271 = arith.constant 15 : i32
          %max3A_272 = vector.broadcast %jit3A : i32 to vector<16xi32>
          %max3A_273 = arith.maxsi %max3A_272, %sub3A_263 : vector<16xi32>
          %min3A_274 = vector.broadcast %jit3A_271 : i32 to vector<16xi32>
          %min3A_275 = arith.minsi %min3A_274, %max3A_273 : vector<16xi32>
          %add3A_276 = vector.broadcast %multiple_of3A_258 : i32 to vector<16xi32>
          %add3A_277 = arith.addi %add3A_276, %iota3A : vector<16xi32>
          %gather3A = arith.constant 2 : i32
          %gather3A_278 = arith.constant 0 : i32
          %gather3A_279 = arith.constant 0 : i32
          %gather3A_280 = tpu.memref_slice %arg8[%gather3A, %gather3A_278, %gather3A_279] : memref<4x16x1024xf32, #tpu.memory_space<vmem>> -> memref<1x16x1024xf32, #tpu.memory_space<vmem>>
          %gather3A_281 = tpu.memref_squeeze %gather3A_280 : memref<1x16x1024xf32, #tpu.memory_space<vmem>> -> memref<16x1024xf32, #tpu.memory_space<vmem>>
          %gather3A_282 = tpu.vector_load_idx %gather3A_281[%min3A_275, %add3A_277] masked %and3A_270 : memref<16x1024xf32, #tpu.memory_space<vmem>>[vector<16xi32>, vector<16xi32>], vector<16xf32>, vector<16xi1>
          %sub3A_283 = arith.subf %gather3A_282, %get3A_261 : vector<16xf32>
          %scatter3A = arith.constant 2 : i32
          %scatter3A_284 = arith.constant 0 : i32
          %scatter3A_285 = arith.constant 0 : i32
          %scatter3A_286 = tpu.memref_slice %arg8[%scatter3A, %scatter3A_284, %scatter3A_285] : memref<4x16x1024xf32, #tpu.memory_space<vmem>> -> memref<1x16x1024xf32, #tpu.memory_space<vmem>>
          %scatter3A_287 = tpu.memref_squeeze %scatter3A_286 : memref<1x16x1024xf32, #tpu.memory_space<vmem>> -> memref<16x1024xf32, #tpu.memory_space<vmem>>
          tpu.vector_store_idx %scatter3A_287[%min3A_275, %add3A_277], %sub3A_283 masked %and3A_270 : memref<16x1024xf32, #tpu.memory_space<vmem>>[vector<16xi32>, vector<16xi32>], vector<16xf32>, vector<16xi1>
        }
        %scan3A_236 = arith.constant 64 : i32
        %mul3A_237 = arith.constant 32 : i32
        %mul3A_238 = arith.muli %add3A_118, %mul3A_237 : i32
        %add3A_239 = arith.addi %mul3A_238, %add3A : i32
        %mul3A_240 = arith.constant 16 : i32
        %mul3A_241 = arith.muli %add3A_239, %mul3A_240 : i32
        %multiple_of3A_242 = tpu.assume_multiple %mul3A_241, 16 : i32
        %dma_start3A = arith.constant 2 : i32
        %dma_start3A_243 = arith.constant 0 : i32
        %dma_start3A_244 = arith.constant 0 : i32
        %dma_start3A_245 = tpu.memref_slice %arg8[%dma_start3A, %dma_start3A_243, %dma_start3A_244] : memref<4x16x1024xf32, #tpu.memory_space<vmem>> -> memref<1x16x1024xf32, #tpu.memory_space<vmem>>
        %dma_start3A_246 = tpu.memref_squeeze %dma_start3A_245 : memref<1x16x1024xf32, #tpu.memory_space<vmem>> -> memref<16x1024xf32, #tpu.memory_space<vmem>>
        %dma_start3A_247 = arith.constant 0 : i32
        %dma_start3A_248 = tpu.memref_slice %arg5[%multiple_of3A_242, %dma_start3A_247] : memref<100000x1024xf32, #tpu.memory_space<hbm>> -> memref<16x1024xf32, #tpu.memory_space<hbm>>
        %dma_start3A_249 = arith.constant 0 : i32
        %dma_start3A_250 = tpu.memref_slice %arg5[%multiple_of3A_242, %dma_start3A_249] : memref<100000x1024xf32, #tpu.memory_space<hbm>> -> memref<16x1024xf32, #tpu.memory_space<hbm>>
        %dma_start3A_251 = arith.constant 0 : i32
        %dma_start3A_252 = arith.constant 0 : i32
        %dma_start3A_253 = tpu.memref_slice %arg8[%dma_start3A, %dma_start3A_251, %dma_start3A_252] : memref<4x16x1024xf32, #tpu.memory_space<vmem>> -> memref<1x16x1024xf32, #tpu.memory_space<vmem>>
        %dma_start3A_254 = tpu.memref_squeeze %dma_start3A_253 : memref<1x16x1024xf32, #tpu.memory_space<vmem>> -> memref<16x1024xf32, #tpu.memory_space<vmem>>
        tpu.enqueue_dma source(%dma_start3A_254 : memref<16x1024xf32, #tpu.memory_space<vmem>>) target(%dma_start3A_250 : memref<16x1024xf32, #tpu.memory_space<hbm>>) target_semaphore(%arg10 : memref<!tpu.dma_semaphore, #tpu.memory_space<semaphore_mem>>)
      } else {
      }
      %mul3A_159 = arith.constant 4 : i32
      %mul3A_160 = arith.muli %scan3A_31, %mul3A_159 : i32
      %add3A_161 = arith.constant 3 : i32
      %add3A_162 = arith.addi %mul3A_160, %add3A_161 : i32
      %ge3A_163 = arith.constant 2 : i32
      %ge3A_164 = arith.cmpi sge, %add3A_162, %ge3A_163 : i32
      %sub3A_165 = arith.constant 2 : i32
      %sub3A_166 = arith.subi %add3A_162, %sub3A_165 : i32
      %max3A_167 = arith.constant 0 : i32
      %max3A_168 = arith.maxsi %sub3A_166, %max3A_167 : i32
      %mul3A_169 = arith.constant 32 : i32
      %mul3A_170 = arith.muli %max3A_168, %mul3A_169 : i32
      %add3A_171 = arith.addi %mul3A_170, %add3A : i32
      %lt3A_172 = arith.constant 6250 : i32
      %lt3A_173 = arith.cmpi slt, %add3A_171, %lt3A_172 : i32
      %and3A_174 = arith.andi %ge3A_164, %lt3A_173 : i1
      %convert_element_type3A_175 = arith.extui %and3A_174 : i1 to i32
      %cond3A_176 = arith.constant 0 : i32
      %cond3A_177 = arith.cmpi ne, %convert_element_type3A_175, %cond3A_176 : i32
      scf.if %cond3A_177 {
        %sub3A_203 = arith.constant 2 : i32
        %sub3A_204 = arith.subi %add3A_162, %sub3A_203 : i32
        %max3A_205 = arith.constant 0 : i32
        %max3A_206 = arith.maxsi %sub3A_204, %max3A_205 : i32
        %mul3A_207 = arith.constant 32 : i32
        %mul3A_208 = arith.muli %max3A_206, %mul3A_207 : i32
        %add3A_209 = arith.addi %mul3A_208, %add3A : i32
        %mul3A_210 = arith.constant 16 : i32
        %mul3A_211 = arith.muli %add3A_209, %mul3A_210 : i32
        %multiple_of3A = tpu.assume_multiple %mul3A_211, 16 : i32
        %dma_wait3A = arith.constant 1 : i32
        %dma_wait3A_212 = arith.constant 0 : i32
        %dma_wait3A_213 = arith.constant 0 : i32
        %dma_wait3A_214 = tpu.memref_slice %arg8[%dma_wait3A, %dma_wait3A_212, %dma_wait3A_213] : memref<4x16x1024xf32, #tpu.memory_space<vmem>> -> memref<1x16x1024xf32, #tpu.memory_space<vmem>>
        %dma_wait3A_215 = tpu.memref_squeeze %dma_wait3A_214 : memref<1x16x1024xf32, #tpu.memory_space<vmem>> -> memref<16x1024xf32, #tpu.memory_space<vmem>>
        %dma_wait3A_216 = arith.constant 0 : i32
        %dma_wait3A_217 = tpu.memref_slice %arg5[%multiple_of3A, %dma_wait3A_216] : memref<100000x1024xf32, #tpu.memory_space<hbm>> -> memref<16x1024xf32, #tpu.memory_space<hbm>>
        %dma_wait3A_218 = arith.constant 0 : i32
        %dma_wait3A_219 = tpu.memref_slice %arg5[%multiple_of3A, %dma_wait3A_218] : memref<100000x1024xf32, #tpu.memory_space<hbm>> -> memref<16x1024xf32, #tpu.memory_space<hbm>>
        %dma_wait3A_220 = arith.constant 0 : i32
        %dma_wait3A_221 = arith.constant 0 : i32
        %dma_wait3A_222 = tpu.memref_slice %arg8[%dma_wait3A, %dma_wait3A_220, %dma_wait3A_221] : memref<4x16x1024xf32, #tpu.memory_space<vmem>> -> memref<1x16x1024xf32, #tpu.memory_space<vmem>>
        %dma_wait3A_223 = tpu.memref_squeeze %dma_wait3A_222 : memref<1x16x1024xf32, #tpu.memory_space<vmem>> -> memref<16x1024xf32, #tpu.memory_space<vmem>>
        tpu.wait_dma2 semaphore(%arg10 : memref<!tpu.dma_semaphore, #tpu.memory_space<semaphore_mem>>) src(%dma_wait3A_223 : memref<16x1024xf32, #tpu.memory_space<vmem>>) dst(%dma_wait3A_219 : memref<16x1024xf32, #tpu.memory_space<hbm>>)
      } else {
      }
      %add3A_178 = arith.constant 2 : i32
      %add3A_179 = arith.addi %add3A_162, %add3A_178 : i32
      %lt3A_180 = arith.constant 196 : i32
      %lt3A_181 = arith.cmpi slt, %add3A_179, %lt3A_180 : i32
      %add3A_182 = arith.constant 2 : i32
      %add3A_183 = arith.addi %add3A_162, %add3A_182 : i32
      %min3A_184 = arith.constant 195 : i32
      %min3A_185 = arith.minsi %add3A_183, %min3A_184 : i32
      %mul3A_186 = arith.constant 32 : i32
      %mul3A_187 = arith.muli %min3A_185, %mul3A_186 : i32
      %add3A_188 = arith.addi %mul3A_187, %add3A : i32
      %lt3A_189 = arith.constant 6250 : i32
      %lt3A_190 = arith.cmpi slt, %add3A_188, %lt3A_189 : i32
      %and3A_191 = arith.andi %lt3A_181, %lt3A_190 : i1
      %convert_element_type3A_192 = arith.extui %and3A_191 : i1 to i32
      %cond3A_193 = arith.constant 0 : i32
      %cond3A_194 = arith.cmpi ne, %convert_element_type3A_192, %cond3A_193 : i32
      scf.if %cond3A_194 {
        %add3A_203 = arith.constant 2 : i32
        %add3A_204 = arith.addi %add3A_162, %add3A_203 : i32
        %min3A_205 = arith.constant 195 : i32
        %min3A_206 = arith.minsi %add3A_204, %min3A_205 : i32
        %mul3A_207 = arith.constant 32 : i32
        %mul3A_208 = arith.muli %min3A_206, %mul3A_207 : i32
        %add3A_209 = arith.addi %mul3A_208, %add3A : i32
        %mul3A_210 = arith.constant 16 : i32
        %mul3A_211 = arith.muli %add3A_209, %mul3A_210 : i32
        %multiple_of3A = tpu.assume_multiple %mul3A_211, 16 : i32
        %dma_start3A = arith.constant 1 : i32
        %dma_start3A_212 = arith.constant 0 : i32
        %dma_start3A_213 = arith.constant 0 : i32
        %dma_start3A_214 = tpu.memref_slice %arg8[%dma_start3A, %dma_start3A_212, %dma_start3A_213] : memref<4x16x1024xf32, #tpu.memory_space<vmem>> -> memref<1x16x1024xf32, #tpu.memory_space<vmem>>
        %dma_start3A_215 = tpu.memref_squeeze %dma_start3A_214 : memref<1x16x1024xf32, #tpu.memory_space<vmem>> -> memref<16x1024xf32, #tpu.memory_space<vmem>>
        %dma_start3A_216 = arith.constant 0 : i32
        %dma_start3A_217 = tpu.memref_slice %arg2[%multiple_of3A, %dma_start3A_216] : memref<100000x1024xf32, #tpu.memory_space<hbm>> -> memref<16x1024xf32, #tpu.memory_space<hbm>>
        %dma_start3A_218 = arith.constant 0 : i32
        %dma_start3A_219 = arith.constant 0 : i32
        %dma_start3A_220 = tpu.memref_slice %arg8[%dma_start3A, %dma_start3A_218, %dma_start3A_219] : memref<4x16x1024xf32, #tpu.memory_space<vmem>> -> memref<1x16x1024xf32, #tpu.memory_space<vmem>>
        %dma_start3A_221 = tpu.memref_squeeze %dma_start3A_220 : memref<1x16x1024xf32, #tpu.memory_space<vmem>> -> memref<16x1024xf32, #tpu.memory_space<vmem>>
        %dma_start3A_222 = arith.constant 0 : i32
        %dma_start3A_223 = tpu.memref_slice %arg2[%multiple_of3A, %dma_start3A_222] : memref<100000x1024xf32, #tpu.memory_space<hbm>> -> memref<16x1024xf32, #tpu.memory_space<hbm>>
        tpu.enqueue_dma source(%dma_start3A_223 : memref<16x1024xf32, #tpu.memory_space<hbm>>) target(%dma_start3A_221 : memref<16x1024xf32, #tpu.memory_space<vmem>>) target_semaphore(%arg9 : memref<!tpu.dma_semaphore, #tpu.memory_space<semaphore_mem>>)
      } else {
      }
      %mul3A_195 = arith.constant 32 : i32
      %mul3A_196 = arith.muli %add3A_162, %mul3A_195 : i32
      %add3A_197 = arith.addi %mul3A_196, %add3A : i32
      %lt3A_198 = arith.constant 6250 : i32
      %lt3A_199 = arith.cmpi slt, %add3A_197, %lt3A_198 : i32
      %convert_element_type3A_200 = arith.extui %lt3A_199 : i1 to i32
      %cond3A_201 = arith.constant 0 : i32
      %cond3A_202 = arith.cmpi ne, %convert_element_type3A_200, %cond3A_201 : i32
      scf.if %cond3A_202 {
        %mul3A_203 = arith.constant 32 : i32
        %mul3A_204 = arith.muli %add3A_162, %mul3A_203 : i32
        %add3A_205 = arith.addi %mul3A_204, %add3A : i32
        %mul3A_206 = arith.constant 16 : i32
        %mul3A_207 = arith.muli %add3A_205, %mul3A_206 : i32
        %multiple_of3A = tpu.assume_multiple %mul3A_207, 16 : i32
        %dma_wait3A = arith.constant 3 : i32
        %dma_wait3A_208 = arith.constant 0 : i32
        %dma_wait3A_209 = arith.constant 0 : i32
        %dma_wait3A_210 = tpu.memref_slice %arg8[%dma_wait3A, %dma_wait3A_208, %dma_wait3A_209] : memref<4x16x1024xf32, #tpu.memory_space<vmem>> -> memref<1x16x1024xf32, #tpu.memory_space<vmem>>
        %dma_wait3A_211 = tpu.memref_squeeze %dma_wait3A_210 : memref<1x16x1024xf32, #tpu.memory_space<vmem>> -> memref<16x1024xf32, #tpu.memory_space<vmem>>
        %dma_wait3A_212 = arith.constant 0 : i32
        %dma_wait3A_213 = tpu.memref_slice %arg2[%multiple_of3A, %dma_wait3A_212] : memref<100000x1024xf32, #tpu.memory_space<hbm>> -> memref<16x1024xf32, #tpu.memory_space<hbm>>
        %dma_wait3A_214 = arith.constant 0 : i32
        %dma_wait3A_215 = arith.constant 0 : i32
        %dma_wait3A_216 = tpu.memref_slice %arg8[%dma_wait3A, %dma_wait3A_214, %dma_wait3A_215] : memref<4x16x1024xf32, #tpu.memory_space<vmem>> -> memref<1x16x1024xf32, #tpu.memory_space<vmem>>
        %dma_wait3A_217 = tpu.memref_squeeze %dma_wait3A_216 : memref<1x16x1024xf32, #tpu.memory_space<vmem>> -> memref<16x1024xf32, #tpu.memory_space<vmem>>
        %dma_wait3A_218 = arith.constant 0 : i32
        %dma_wait3A_219 = tpu.memref_slice %arg2[%multiple_of3A, %dma_wait3A_218] : memref<100000x1024xf32, #tpu.memory_space<hbm>> -> memref<16x1024xf32, #tpu.memory_space<hbm>>
        tpu.wait_dma2 semaphore(%arg9 : memref<!tpu.dma_semaphore, #tpu.memory_space<semaphore_mem>>) src(%dma_wait3A_219 : memref<16x1024xf32, #tpu.memory_space<hbm>>) dst(%dma_wait3A_217 : memref<16x1024xf32, #tpu.memory_space<vmem>>)
        %scan3A_220 = arith.constant 0 : i32
        %scan3A_221 = arith.constant 0 : i32
        %scan3A_222 = arith.constant 64 : i32
        %scan3A_223 = arith.addi %scan3A_221, %scan3A_222 : i32
        %scan3A_224 = arith.constant 2 : i32
        scf.for %scan3A_255 = %scan3A_221 to %scan3A_223 step %scan3A_224  : i32 {
          %mul3A_256 = arith.constant 16 : i32
          %mul3A_257 = arith.muli %scan3A_255, %mul3A_256 : i32
          %get3A = arith.constant 3 : i32
          %get3A_258 = arith.constant 0 : i32
          %get3A_259 = arith.index_cast %get3A : i32 to index
          %get3A_260 = arith.index_cast %get3A_258 : i32 to index
          %get3A_261 = arith.index_cast %mul3A_257 : i32 to index
          %get3A_262 = tpu.vector_load %arg8[%get3A_259, %get3A_260, %get3A_261] {strides = array<i32>} : memref<4x16x1024xf32, #tpu.memory_space<vmem>>, vector<16xf32>,
          %mul3A_263 = arith.constant 6.400000e+01 : f32
          %mul3A_264 = vector.broadcast %mul3A_263 : f32 to vector<16xf32>
          %mul3A_265 = arith.mulf %get3A_262, %mul3A_264 : vector<16xf32>
          %swap3A = arith.constant 3 : i32
          %swap3A_266 = arith.constant 0 : i32
          %swap3A_267 = arith.index_cast %swap3A : i32 to index
          %swap3A_268 = arith.index_cast %swap3A_266 : i32 to index
          %swap3A_269 = arith.index_cast %mul3A_257 : i32 to index
          %swap3A_270 = tpu.vector_load %arg8[%swap3A_267, %swap3A_268, %swap3A_269] {strides = array<i32>} : memref<4x16x1024xf32, #tpu.memory_space<vmem>>, vector<16xf32>,
          tpu.vector_store %arg8[%swap3A_267, %swap3A_268, %swap3A_269], %mul3A_265 {strides = array<i32>} : memref<4x16x1024xf32, #tpu.memory_space<vmem>>, vector<16xf32>,
          %get3A_271 = arith.constant 3 : i32
          %get3A_272 = arith.constant 1 : i32
          %get3A_273 = arith.index_cast %get3A_271 : i32 to index
          %get3A_274 = arith.index_cast %get3A_272 : i32 to index
          %get3A_275 = arith.index_cast %mul3A_257 : i32 to index
          %get3A_276 = tpu.vector_load %arg8[%get3A_273, %get3A_274, %get3A_275] {strides = array<i32>} : memref<4x16x1024xf32, #tpu.memory_space<vmem>>, vector<16xf32>,
          %mul3A_277 = arith.constant 6.400000e+01 : f32
          %mul3A_278 = vector.broadcast %mul3A_277 : f32 to vector<16xf32>
          %mul3A_279 = arith.mulf %get3A_276, %mul3A_278 : vector<16xf32>
          %swap3A_280 = arith.constant 3 : i32
          %swap3A_281 = arith.constant 1 : i32
          %swap3A_282 = arith.index_cast %swap3A_280 : i32 to index
          %swap3A_283 = arith.index_cast %swap3A_281 : i32 to index
          %swap3A_284 = arith.index_cast %mul3A_257 : i32 to index
          %swap3A_285 = tpu.vector_load %arg8[%swap3A_282, %swap3A_283, %swap3A_284] {strides = array<i32>} : memref<4x16x1024xf32, #tpu.memory_space<vmem>>, vector<16xf32>,
          tpu.vector_store %arg8[%swap3A_282, %swap3A_283, %swap3A_284], %mul3A_279 {strides = array<i32>} : memref<4x16x1024xf32, #tpu.memory_space<vmem>>, vector<16xf32>,
          %get3A_286 = arith.constant 3 : i32
          %get3A_287 = arith.constant 2 : i32
          %get3A_288 = arith.index_cast %get3A_286 : i32 to index
          %get3A_289 = arith.index_cast %get3A_287 : i32 to index
          %get3A_290 = arith.index_cast %mul3A_257 : i32 to index
          %get3A_291 = tpu.vector_load %arg8[%get3A_288, %get3A_289, %get3A_290] {strides = array<i32>} : memref<4x16x1024xf32, #tpu.memory_space<vmem>>, vector<16xf32>,
          %mul3A_292 = arith.constant 6.400000e+01 : f32
          %mul3A_293 = vector.broadcast %mul3A_292 : f32 to vector<16xf32>
          %mul3A_294 = arith.mulf %get3A_291, %mul3A_293 : vector<16xf32>
          %swap3A_295 = arith.constant 3 : i32
          %swap3A_296 = arith.constant 2 : i32
          %swap3A_297 = arith.index_cast %swap3A_295 : i32 to index
          %swap3A_298 = arith.index_cast %swap3A_296 : i32 to index
          %swap3A_299 = arith.index_cast %mul3A_257 : i32 to index
          %swap3A_300 = tpu.vector_load %arg8[%swap3A_297, %swap3A_298, %swap3A_299] {strides = array<i32>} : memref<4x16x1024xf32, #tpu.memory_space<vmem>>, vector<16xf32>,
          tpu.vector_store %arg8[%swap3A_297, %swap3A_298, %swap3A_299], %mul3A_294 {strides = array<i32>} : memref<4x16x1024xf32, #tpu.memory_space<vmem>>, vector<16xf32>,
          %get3A_301 = arith.constant 3 : i32
          %get3A_302 = arith.constant 3 : i32
          %get3A_303 = arith.index_cast %get3A_301 : i32 to index
          %get3A_304 = arith.index_cast %get3A_302 : i32 to index
          %get3A_305 = arith.index_cast %mul3A_257 : i32 to index
          %get3A_306 = tpu.vector_load %arg8[%get3A_303, %get3A_304, %get3A_305] {strides = array<i32>} : memref<4x16x1024xf32, #tpu.memory_space<vmem>>, vector<16xf32>,
          %mul3A_307 = arith.constant 6.400000e+01 : f32
          %mul3A_308 = vector.broadcast %mul3A_307 : f32 to vector<16xf32>
          %mul3A_309 = arith.mulf %get3A_306, %mul3A_308 : vector<16xf32>
          %swap3A_310 = arith.constant 3 : i32
          %swap3A_311 = arith.constant 3 : i32
          %swap3A_312 = arith.index_cast %swap3A_310 : i32 to index
          %swap3A_313 = arith.index_cast %swap3A_311 : i32 to index
          %swap3A_314 = arith.index_cast %mul3A_257 : i32 to index
          %swap3A_315 = tpu.vector_load %arg8[%swap3A_312, %swap3A_313, %swap3A_314] {strides = array<i32>} : memref<4x16x1024xf32, #tpu.memory_space<vmem>>, vector<16xf32>,
          tpu.vector_store %arg8[%swap3A_312, %swap3A_313, %swap3A_314], %mul3A_309 {strides = array<i32>} : memref<4x16x1024xf32, #tpu.memory_space<vmem>>, vector<16xf32>,
          %get3A_316 = arith.constant 3 : i32
          %get3A_317 = arith.constant 4 : i32
          %get3A_318 = arith.index_cast %get3A_316 : i32 to index
          %get3A_319 = arith.index_cast %get3A_317 : i32 to index
          %get3A_320 = arith.index_cast %mul3A_257 : i32 to index
          %get3A_321 = tpu.vector_load %arg8[%get3A_318, %get3A_319, %get3A_320] {strides = array<i32>} : memref<4x16x1024xf32, #tpu.memory_space<vmem>>, vector<16xf32>,
          %mul3A_322 = arith.constant 6.400000e+01 : f32
          %mul3A_323 = vector.broadcast %mul3A_322 : f32 to vector<16xf32>
          %mul3A_324 = arith.mulf %get3A_321, %mul3A_323 : vector<16xf32>
          %swap3A_325 = arith.constant 3 : i32
          %swap3A_326 = arith.constant 4 : i32
          %swap3A_327 = arith.index_cast %swap3A_325 : i32 to index
          %swap3A_328 = arith.index_cast %swap3A_326 : i32 to index
          %swap3A_329 = arith.index_cast %mul3A_257 : i32 to index
          %swap3A_330 = tpu.vector_load %arg8[%swap3A_327, %swap3A_328, %swap3A_329] {strides = array<i32>} : memref<4x16x1024xf32, #tpu.memory_space<vmem>>, vector<16xf32>,
          tpu.vector_store %arg8[%swap3A_327, %swap3A_328, %swap3A_329], %mul3A_324 {strides = array<i32>} : memref<4x16x1024xf32, #tpu.memory_space<vmem>>, vector<16xf32>,
          %get3A_331 = arith.constant 3 : i32
          %get3A_332 = arith.constant 5 : i32
          %get3A_333 = arith.index_cast %get3A_331 : i32 to index
          %get3A_334 = arith.index_cast %get3A_332 : i32 to index
          %get3A_335 = arith.index_cast %mul3A_257 : i32 to index
          %get3A_336 = tpu.vector_load %arg8[%get3A_333, %get3A_334, %get3A_335] {strides = array<i32>} : memref<4x16x1024xf32, #tpu.memory_space<vmem>>, vector<16xf32>,
          %mul3A_337 = arith.constant 6.400000e+01 : f32
          %mul3A_338 = vector.broadcast %mul3A_337 : f32 to vector<16xf32>
          %mul3A_339 = arith.mulf %get3A_336, %mul3A_338 : vector<16xf32>
          %swap3A_340 = arith.constant 3 : i32
          %swap3A_341 = arith.constant 5 : i32
          %swap3A_342 = arith.index_cast %swap3A_340 : i32 to index
          %swap3A_343 = arith.index_cast %swap3A_341 : i32 to index
          %swap3A_344 = arith.index_cast %mul3A_257 : i32 to index
          %swap3A_345 = tpu.vector_load %arg8[%swap3A_342, %swap3A_343, %swap3A_344] {strides = array<i32>} : memref<4x16x1024xf32, #tpu.memory_space<vmem>>, vector<16xf32>,
          tpu.vector_store %arg8[%swap3A_342, %swap3A_343, %swap3A_344], %mul3A_339 {strides = array<i32>} : memref<4x16x1024xf32, #tpu.memory_space<vmem>>, vector<16xf32>,
          %get3A_346 = arith.constant 3 : i32
          %get3A_347 = arith.constant 6 : i32
          %get3A_348 = arith.index_cast %get3A_346 : i32 to index
          %get3A_349 = arith.index_cast %get3A_347 : i32 to index
          %get3A_350 = arith.index_cast %mul3A_257 : i32 to index
          %get3A_351 = tpu.vector_load %arg8[%get3A_348, %get3A_349, %get3A_350] {strides = array<i32>} : memref<4x16x1024xf32, #tpu.memory_space<vmem>>, vector<16xf32>,
          %mul3A_352 = arith.constant 6.400000e+01 : f32
          %mul3A_353 = vector.broadcast %mul3A_352 : f32 to vector<16xf32>
          %mul3A_354 = arith.mulf %get3A_351, %mul3A_353 : vector<16xf32>
          %swap3A_355 = arith.constant 3 : i32
          %swap3A_356 = arith.constant 6 : i32
          %swap3A_357 = arith.index_cast %swap3A_355 : i32 to index
          %swap3A_358 = arith.index_cast %swap3A_356 : i32 to index
          %swap3A_359 = arith.index_cast %mul3A_257 : i32 to index
          %swap3A_360 = tpu.vector_load %arg8[%swap3A_357, %swap3A_358, %swap3A_359] {strides = array<i32>} : memref<4x16x1024xf32, #tpu.memory_space<vmem>>, vector<16xf32>,
          tpu.vector_store %arg8[%swap3A_357, %swap3A_358, %swap3A_359], %mul3A_354 {strides = array<i32>} : memref<4x16x1024xf32, #tpu.memory_space<vmem>>, vector<16xf32>,
          %get3A_361 = arith.constant 3 : i32
          %get3A_362 = arith.constant 7 : i32
          %get3A_363 = arith.index_cast %get3A_361 : i32 to index
          %get3A_364 = arith.index_cast %get3A_362 : i32 to index
          %get3A_365 = arith.index_cast %mul3A_257 : i32 to index
          %get3A_366 = tpu.vector_load %arg8[%get3A_363, %get3A_364, %get3A_365] {strides = array<i32>} : memref<4x16x1024xf32, #tpu.memory_space<vmem>>, vector<16xf32>,
          %mul3A_367 = arith.constant 6.400000e+01 : f32
          %mul3A_368 = vector.broadcast %mul3A_367 : f32 to vector<16xf32>
          %mul3A_369 = arith.mulf %get3A_366, %mul3A_368 : vector<16xf32>
          %swap3A_370 = arith.constant 3 : i32
          %swap3A_371 = arith.constant 7 : i32
          %swap3A_372 = arith.index_cast %swap3A_370 : i32 to index
          %swap3A_373 = arith.index_cast %swap3A_371 : i32 to index
          %swap3A_374 = arith.index_cast %mul3A_257 : i32 to index
          %swap3A_375 = tpu.vector_load %arg8[%swap3A_372, %swap3A_373, %swap3A_374] {strides = array<i32>} : memref<4x16x1024xf32, #tpu.memory_space<vmem>>, vector<16xf32>,
          tpu.vector_store %arg8[%swap3A_372, %swap3A_373, %swap3A_374], %mul3A_369 {strides = array<i32>} : memref<4x16x1024xf32, #tpu.memory_space<vmem>>, vector<16xf32>,
          %get3A_376 = arith.constant 3 : i32
          %get3A_377 = arith.constant 8 : i32
          %get3A_378 = arith.index_cast %get3A_376 : i32 to index
          %get3A_379 = arith.index_cast %get3A_377 : i32 to index
          %get3A_380 = arith.index_cast %mul3A_257 : i32 to index
          %get3A_381 = tpu.vector_load %arg8[%get3A_378, %get3A_379, %get3A_380] {strides = array<i32>} : memref<4x16x1024xf32, #tpu.memory_space<vmem>>, vector<16xf32>,
          %mul3A_382 = arith.constant 6.400000e+01 : f32
          %mul3A_383 = vector.broadcast %mul3A_382 : f32 to vector<16xf32>
          %mul3A_384 = arith.mulf %get3A_381, %mul3A_383 : vector<16xf32>
          %swap3A_385 = arith.constant 3 : i32
          %swap3A_386 = arith.constant 8 : i32
          %swap3A_387 = arith.index_cast %swap3A_385 : i32 to index
          %swap3A_388 = arith.index_cast %swap3A_386 : i32 to index
          %swap3A_389 = arith.index_cast %mul3A_257 : i32 to index
          %swap3A_390 = tpu.vector_load %arg8[%swap3A_387, %swap3A_388, %swap3A_389] {strides = array<i32>} : memref<4x16x1024xf32, #tpu.memory_space<vmem>>, vector<16xf32>,
          tpu.vector_store %arg8[%swap3A_387, %swap3A_388, %swap3A_389], %mul3A_384 {strides = array<i32>} : memref<4x16x1024xf32, #tpu.memory_space<vmem>>, vector<16xf32>,
          %get3A_391 = arith.constant 3 : i32
          %get3A_392 = arith.constant 9 : i32
          %get3A_393 = arith.index_cast %get3A_391 : i32 to index
          %get3A_394 = arith.index_cast %get3A_392 : i32 to index
          %get3A_395 = arith.index_cast %mul3A_257 : i32 to index
          %get3A_396 = tpu.vector_load %arg8[%get3A_393, %get3A_394, %get3A_395] {strides = array<i32>} : memref<4x16x1024xf32, #tpu.memory_space<vmem>>, vector<16xf32>,
          %mul3A_397 = arith.constant 6.400000e+01 : f32
          %mul3A_398 = vector.broadcast %mul3A_397 : f32 to vector<16xf32>
          %mul3A_399 = arith.mulf %get3A_396, %mul3A_398 : vector<16xf32>
          %swap3A_400 = arith.constant 3 : i32
          %swap3A_401 = arith.constant 9 : i32
          %swap3A_402 = arith.index_cast %swap3A_400 : i32 to index
          %swap3A_403 = arith.index_cast %swap3A_401 : i32 to index
          %swap3A_404 = arith.index_cast %mul3A_257 : i32 to index
          %swap3A_405 = tpu.vector_load %arg8[%swap3A_402, %swap3A_403, %swap3A_404] {strides = array<i32>} : memref<4x16x1024xf32, #tpu.memory_space<vmem>>, vector<16xf32>,
          tpu.vector_store %arg8[%swap3A_402, %swap3A_403, %swap3A_404], %mul3A_399 {strides = array<i32>} : memref<4x16x1024xf32, #tpu.memory_space<vmem>>, vector<16xf32>,
          %get3A_406 = arith.constant 3 : i32
          %get3A_407 = arith.constant 10 : i32
          %get3A_408 = arith.index_cast %get3A_406 : i32 to index
          %get3A_409 = arith.index_cast %get3A_407 : i32 to index
          %get3A_410 = arith.index_cast %mul3A_257 : i32 to index
          %get3A_411 = tpu.vector_load %arg8[%get3A_408, %get3A_409, %get3A_410] {strides = array<i32>} : memref<4x16x1024xf32, #tpu.memory_space<vmem>>, vector<16xf32>,
          %mul3A_412 = arith.constant 6.400000e+01 : f32
          %mul3A_413 = vector.broadcast %mul3A_412 : f32 to vector<16xf32>
          %mul3A_414 = arith.mulf %get3A_411, %mul3A_413 : vector<16xf32>
          %swap3A_415 = arith.constant 3 : i32
          %swap3A_416 = arith.constant 10 : i32
          %swap3A_417 = arith.index_cast %swap3A_415 : i32 to index
          %swap3A_418 = arith.index_cast %swap3A_416 : i32 to index
          %swap3A_419 = arith.index_cast %mul3A_257 : i32 to index
          %swap3A_420 = tpu.vector_load %arg8[%swap3A_417, %swap3A_418, %swap3A_419] {strides = array<i32>} : memref<4x16x1024xf32, #tpu.memory_space<vmem>>, vector<16xf32>,
          tpu.vector_store %arg8[%swap3A_417, %swap3A_418, %swap3A_419], %mul3A_414 {strides = array<i32>} : memref<4x16x1024xf32, #tpu.memory_space<vmem>>, vector<16xf32>,
          %get3A_421 = arith.constant 3 : i32
          %get3A_422 = arith.constant 11 : i32
          %get3A_423 = arith.index_cast %get3A_421 : i32 to index
          %get3A_424 = arith.index_cast %get3A_422 : i32 to index
          %get3A_425 = arith.index_cast %mul3A_257 : i32 to index
          %get3A_426 = tpu.vector_load %arg8[%get3A_423, %get3A_424, %get3A_425] {strides = array<i32>} : memref<4x16x1024xf32, #tpu.memory_space<vmem>>, vector<16xf32>,
          %mul3A_427 = arith.constant 6.400000e+01 : f32
          %mul3A_428 = vector.broadcast %mul3A_427 : f32 to vector<16xf32>
          %mul3A_429 = arith.mulf %get3A_426, %mul3A_428 : vector<16xf32>
          %swap3A_430 = arith.constant 3 : i32
          %swap3A_431 = arith.constant 11 : i32
          %swap3A_432 = arith.index_cast %swap3A_430 : i32 to index
          %swap3A_433 = arith.index_cast %swap3A_431 : i32 to index
          %swap3A_434 = arith.index_cast %mul3A_257 : i32 to index
          %swap3A_435 = tpu.vector_load %arg8[%swap3A_432, %swap3A_433, %swap3A_434] {strides = array<i32>} : memref<4x16x1024xf32, #tpu.memory_space<vmem>>, vector<16xf32>,
          tpu.vector_store %arg8[%swap3A_432, %swap3A_433, %swap3A_434], %mul3A_429 {strides = array<i32>} : memref<4x16x1024xf32, #tpu.memory_space<vmem>>, vector<16xf32>,
          %get3A_436 = arith.constant 3 : i32
          %get3A_437 = arith.constant 12 : i32
          %get3A_438 = arith.index_cast %get3A_436 : i32 to index
          %get3A_439 = arith.index_cast %get3A_437 : i32 to index
          %get3A_440 = arith.index_cast %mul3A_257 : i32 to index
          %get3A_441 = tpu.vector_load %arg8[%get3A_438, %get3A_439, %get3A_440] {strides = array<i32>} : memref<4x16x1024xf32, #tpu.memory_space<vmem>>, vector<16xf32>,
          %mul3A_442 = arith.constant 6.400000e+01 : f32
          %mul3A_443 = vector.broadcast %mul3A_442 : f32 to vector<16xf32>
          %mul3A_444 = arith.mulf %get3A_441, %mul3A_443 : vector<16xf32>
          %swap3A_445 = arith.constant 3 : i32
          %swap3A_446 = arith.constant 12 : i32
          %swap3A_447 = arith.index_cast %swap3A_445 : i32 to index
          %swap3A_448 = arith.index_cast %swap3A_446 : i32 to index
          %swap3A_449 = arith.index_cast %mul3A_257 : i32 to index
          %swap3A_450 = tpu.vector_load %arg8[%swap3A_447, %swap3A_448, %swap3A_449] {strides = array<i32>} : memref<4x16x1024xf32, #tpu.memory_space<vmem>>, vector<16xf32>,
          tpu.vector_store %arg8[%swap3A_447, %swap3A_448, %swap3A_449], %mul3A_444 {strides = array<i32>} : memref<4x16x1024xf32, #tpu.memory_space<vmem>>, vector<16xf32>,
          %get3A_451 = arith.constant 3 : i32
          %get3A_452 = arith.constant 13 : i32
          %get3A_453 = arith.index_cast %get3A_451 : i32 to index
          %get3A_454 = arith.index_cast %get3A_452 : i32 to index
          %get3A_455 = arith.index_cast %mul3A_257 : i32 to index
          %get3A_456 = tpu.vector_load %arg8[%get3A_453, %get3A_454, %get3A_455] {strides = array<i32>} : memref<4x16x1024xf32, #tpu.memory_space<vmem>>, vector<16xf32>,
          %mul3A_457 = arith.constant 6.400000e+01 : f32
          %mul3A_458 = vector.broadcast %mul3A_457 : f32 to vector<16xf32>
          %mul3A_459 = arith.mulf %get3A_456, %mul3A_458 : vector<16xf32>
          %swap3A_460 = arith.constant 3 : i32
          %swap3A_461 = arith.constant 13 : i32
          %swap3A_462 = arith.index_cast %swap3A_460 : i32 to index
          %swap3A_463 = arith.index_cast %swap3A_461 : i32 to index
          %swap3A_464 = arith.index_cast %mul3A_257 : i32 to index
          %swap3A_465 = tpu.vector_load %arg8[%swap3A_462, %swap3A_463, %swap3A_464] {strides = array<i32>} : memref<4x16x1024xf32, #tpu.memory_space<vmem>>, vector<16xf32>,
          tpu.vector_store %arg8[%swap3A_462, %swap3A_463, %swap3A_464], %mul3A_459 {strides = array<i32>} : memref<4x16x1024xf32, #tpu.memory_space<vmem>>, vector<16xf32>,
          %get3A_466 = arith.constant 3 : i32
          %get3A_467 = arith.constant 14 : i32
          %get3A_468 = arith.index_cast %get3A_466 : i32 to index
          %get3A_469 = arith.index_cast %get3A_467 : i32 to index
          %get3A_470 = arith.index_cast %mul3A_257 : i32 to index
          %get3A_471 = tpu.vector_load %arg8[%get3A_468, %get3A_469, %get3A_470] {strides = array<i32>} : memref<4x16x1024xf32, #tpu.memory_space<vmem>>, vector<16xf32>,
          %mul3A_472 = arith.constant 6.400000e+01 : f32
          %mul3A_473 = vector.broadcast %mul3A_472 : f32 to vector<16xf32>
          %mul3A_474 = arith.mulf %get3A_471, %mul3A_473 : vector<16xf32>
          %swap3A_475 = arith.constant 3 : i32
          %swap3A_476 = arith.constant 14 : i32
          %swap3A_477 = arith.index_cast %swap3A_475 : i32 to index
          %swap3A_478 = arith.index_cast %swap3A_476 : i32 to index
          %swap3A_479 = arith.index_cast %mul3A_257 : i32 to index
          %swap3A_480 = tpu.vector_load %arg8[%swap3A_477, %swap3A_478, %swap3A_479] {strides = array<i32>} : memref<4x16x1024xf32, #tpu.memory_space<vmem>>, vector<16xf32>,
          tpu.vector_store %arg8[%swap3A_477, %swap3A_478, %swap3A_479], %mul3A_474 {strides = array<i32>} : memref<4x16x1024xf32, #tpu.memory_space<vmem>>, vector<16xf32>,
          %get3A_481 = arith.constant 3 : i32
          %get3A_482 = arith.constant 15 : i32
          %get3A_483 = arith.index_cast %get3A_481 : i32 to index
          %get3A_484 = arith.index_cast %get3A_482 : i32 to index
          %get3A_485 = arith.index_cast %mul3A_257 : i32 to index
          %get3A_486 = tpu.vector_load %arg8[%get3A_483, %get3A_484, %get3A_485] {strides = array<i32>} : memref<4x16x1024xf32, #tpu.memory_space<vmem>>, vector<16xf32>,
          %mul3A_487 = arith.constant 6.400000e+01 : f32
          %mul3A_488 = vector.broadcast %mul3A_487 : f32 to vector<16xf32>
          %mul3A_489 = arith.mulf %get3A_486, %mul3A_488 : vector<16xf32>
          %swap3A_490 = arith.constant 3 : i32
          %swap3A_491 = arith.constant 15 : i32
          %swap3A_492 = arith.index_cast %swap3A_490 : i32 to index
          %swap3A_493 = arith.index_cast %swap3A_491 : i32 to index
          %swap3A_494 = arith.index_cast %mul3A_257 : i32 to index
          %swap3A_495 = tpu.vector_load %arg8[%swap3A_492, %swap3A_493, %swap3A_494] {strides = array<i32>} : memref<4x16x1024xf32, #tpu.memory_space<vmem>>, vector<16xf32>,
          tpu.vector_store %arg8[%swap3A_492, %swap3A_493, %swap3A_494], %mul3A_489 {strides = array<i32>} : memref<4x16x1024xf32, #tpu.memory_space<vmem>>, vector<16xf32>,
          %scan3A_496 = arith.constant 1 : i32
          %scan3A_497 = arith.addi %scan3A_255, %scan3A_496 : i32
          %mul3A_498 = arith.constant 16 : i32
          %mul3A_499 = arith.muli %scan3A_497, %mul3A_498 : i32
          %get3A_500 = arith.constant 3 : i32
          %get3A_501 = arith.constant 0 : i32
          %get3A_502 = arith.index_cast %get3A_500 : i32 to index
          %get3A_503 = arith.index_cast %get3A_501 : i32 to index
          %get3A_504 = arith.index_cast %mul3A_499 : i32 to index
          %get3A_505 = tpu.vector_load %arg8[%get3A_502, %get3A_503, %get3A_504] {strides = array<i32>} : memref<4x16x1024xf32, #tpu.memory_space<vmem>>, vector<16xf32>,
          %mul3A_506 = arith.constant 6.400000e+01 : f32
          %mul3A_507 = vector.broadcast %mul3A_506 : f32 to vector<16xf32>
          %mul3A_508 = arith.mulf %get3A_505, %mul3A_507 : vector<16xf32>
          %swap3A_509 = arith.constant 3 : i32
          %swap3A_510 = arith.constant 0 : i32
          %swap3A_511 = arith.index_cast %swap3A_509 : i32 to index
          %swap3A_512 = arith.index_cast %swap3A_510 : i32 to index
          %swap3A_513 = arith.index_cast %mul3A_499 : i32 to index
          %swap3A_514 = tpu.vector_load %arg8[%swap3A_511, %swap3A_512, %swap3A_513] {strides = array<i32>} : memref<4x16x1024xf32, #tpu.memory_space<vmem>>, vector<16xf32>,
          tpu.vector_store %arg8[%swap3A_511, %swap3A_512, %swap3A_513], %mul3A_508 {strides = array<i32>} : memref<4x16x1024xf32, #tpu.memory_space<vmem>>, vector<16xf32>,
          %get3A_515 = arith.constant 3 : i32
          %get3A_516 = arith.constant 1 : i32
          %get3A_517 = arith.index_cast %get3A_515 : i32 to index
          %get3A_518 = arith.index_cast %get3A_516 : i32 to index
          %get3A_519 = arith.index_cast %mul3A_499 : i32 to index
          %get3A_520 = tpu.vector_load %arg8[%get3A_517, %get3A_518, %get3A_519] {strides = array<i32>} : memref<4x16x1024xf32, #tpu.memory_space<vmem>>, vector<16xf32>,
          %mul3A_521 = arith.constant 6.400000e+01 : f32
          %mul3A_522 = vector.broadcast %mul3A_521 : f32 to vector<16xf32>
          %mul3A_523 = arith.mulf %get3A_520, %mul3A_522 : vector<16xf32>
          %swap3A_524 = arith.constant 3 : i32
          %swap3A_525 = arith.constant 1 : i32
          %swap3A_526 = arith.index_cast %swap3A_524 : i32 to index
          %swap3A_527 = arith.index_cast %swap3A_525 : i32 to index
          %swap3A_528 = arith.index_cast %mul3A_499 : i32 to index
          %swap3A_529 = tpu.vector_load %arg8[%swap3A_526, %swap3A_527, %swap3A_528] {strides = array<i32>} : memref<4x16x1024xf32, #tpu.memory_space<vmem>>, vector<16xf32>,
          tpu.vector_store %arg8[%swap3A_526, %swap3A_527, %swap3A_528], %mul3A_523 {strides = array<i32>} : memref<4x16x1024xf32, #tpu.memory_space<vmem>>, vector<16xf32>,
          %get3A_530 = arith.constant 3 : i32
          %get3A_531 = arith.constant 2 : i32
          %get3A_532 = arith.index_cast %get3A_530 : i32 to index
          %get3A_533 = arith.index_cast %get3A_531 : i32 to index
          %get3A_534 = arith.index_cast %mul3A_499 : i32 to index
          %get3A_535 = tpu.vector_load %arg8[%get3A_532, %get3A_533, %get3A_534] {strides = array<i32>} : memref<4x16x1024xf32, #tpu.memory_space<vmem>>, vector<16xf32>,
          %mul3A_536 = arith.constant 6.400000e+01 : f32
          %mul3A_537 = vector.broadcast %mul3A_536 : f32 to vector<16xf32>
          %mul3A_538 = arith.mulf %get3A_535, %mul3A_537 : vector<16xf32>
          %swap3A_539 = arith.constant 3 : i32
          %swap3A_540 = arith.constant 2 : i32
          %swap3A_541 = arith.index_cast %swap3A_539 : i32 to index
          %swap3A_542 = arith.index_cast %swap3A_540 : i32 to index
          %swap3A_543 = arith.index_cast %mul3A_499 : i32 to index
          %swap3A_544 = tpu.vector_load %arg8[%swap3A_541, %swap3A_542, %swap3A_543] {strides = array<i32>} : memref<4x16x1024xf32, #tpu.memory_space<vmem>>, vector<16xf32>,
          tpu.vector_store %arg8[%swap3A_541, %swap3A_542, %swap3A_543], %mul3A_538 {strides = array<i32>} : memref<4x16x1024xf32, #tpu.memory_space<vmem>>, vector<16xf32>,
          %get3A_545 = arith.constant 3 : i32
          %get3A_546 = arith.constant 3 : i32
          %get3A_547 = arith.index_cast %get3A_545 : i32 to index
          %get3A_548 = arith.index_cast %get3A_546 : i32 to index
          %get3A_549 = arith.index_cast %mul3A_499 : i32 to index
          %get3A_550 = tpu.vector_load %arg8[%get3A_547, %get3A_548, %get3A_549] {strides = array<i32>} : memref<4x16x1024xf32, #tpu.memory_space<vmem>>, vector<16xf32>,
          %mul3A_551 = arith.constant 6.400000e+01 : f32
          %mul3A_552 = vector.broadcast %mul3A_551 : f32 to vector<16xf32>
          %mul3A_553 = arith.mulf %get3A_550, %mul3A_552 : vector<16xf32>
          %swap3A_554 = arith.constant 3 : i32
          %swap3A_555 = arith.constant 3 : i32
          %swap3A_556 = arith.index_cast %swap3A_554 : i32 to index
          %swap3A_557 = arith.index_cast %swap3A_555 : i32 to index
          %swap3A_558 = arith.index_cast %mul3A_499 : i32 to index
          %swap3A_559 = tpu.vector_load %arg8[%swap3A_556, %swap3A_557, %swap3A_558] {strides = array<i32>} : memref<4x16x1024xf32, #tpu.memory_space<vmem>>, vector<16xf32>,
          tpu.vector_store %arg8[%swap3A_556, %swap3A_557, %swap3A_558], %mul3A_553 {strides = array<i32>} : memref<4x16x1024xf32, #tpu.memory_space<vmem>>, vector<16xf32>,
          %get3A_560 = arith.constant 3 : i32
          %get3A_561 = arith.constant 4 : i32
          %get3A_562 = arith.index_cast %get3A_560 : i32 to index
          %get3A_563 = arith.index_cast %get3A_561 : i32 to index
          %get3A_564 = arith.index_cast %mul3A_499 : i32 to index
          %get3A_565 = tpu.vector_load %arg8[%get3A_562, %get3A_563, %get3A_564] {strides = array<i32>} : memref<4x16x1024xf32, #tpu.memory_space<vmem>>, vector<16xf32>,
          %mul3A_566 = arith.constant 6.400000e+01 : f32
          %mul3A_567 = vector.broadcast %mul3A_566 : f32 to vector<16xf32>
          %mul3A_568 = arith.mulf %get3A_565, %mul3A_567 : vector<16xf32>
          %swap3A_569 = arith.constant 3 : i32
          %swap3A_570 = arith.constant 4 : i32
          %swap3A_571 = arith.index_cast %swap3A_569 : i32 to index
          %swap3A_572 = arith.index_cast %swap3A_570 : i32 to index
          %swap3A_573 = arith.index_cast %mul3A_499 : i32 to index
          %swap3A_574 = tpu.vector_load %arg8[%swap3A_571, %swap3A_572, %swap3A_573] {strides = array<i32>} : memref<4x16x1024xf32, #tpu.memory_space<vmem>>, vector<16xf32>,
          tpu.vector_store %arg8[%swap3A_571, %swap3A_572, %swap3A_573], %mul3A_568 {strides = array<i32>} : memref<4x16x1024xf32, #tpu.memory_space<vmem>>, vector<16xf32>,
          %get3A_575 = arith.constant 3 : i32
          %get3A_576 = arith.constant 5 : i32
          %get3A_577 = arith.index_cast %get3A_575 : i32 to index
          %get3A_578 = arith.index_cast %get3A_576 : i32 to index
          %get3A_579 = arith.index_cast %mul3A_499 : i32 to index
          %get3A_580 = tpu.vector_load %arg8[%get3A_577, %get3A_578, %get3A_579] {strides = array<i32>} : memref<4x16x1024xf32, #tpu.memory_space<vmem>>, vector<16xf32>,
          %mul3A_581 = arith.constant 6.400000e+01 : f32
          %mul3A_582 = vector.broadcast %mul3A_581 : f32 to vector<16xf32>
          %mul3A_583 = arith.mulf %get3A_580, %mul3A_582 : vector<16xf32>
          %swap3A_584 = arith.constant 3 : i32
          %swap3A_585 = arith.constant 5 : i32
          %swap3A_586 = arith.index_cast %swap3A_584 : i32 to index
          %swap3A_587 = arith.index_cast %swap3A_585 : i32 to index
          %swap3A_588 = arith.index_cast %mul3A_499 : i32 to index
          %swap3A_589 = tpu.vector_load %arg8[%swap3A_586, %swap3A_587, %swap3A_588] {strides = array<i32>} : memref<4x16x1024xf32, #tpu.memory_space<vmem>>, vector<16xf32>,
          tpu.vector_store %arg8[%swap3A_586, %swap3A_587, %swap3A_588], %mul3A_583 {strides = array<i32>} : memref<4x16x1024xf32, #tpu.memory_space<vmem>>, vector<16xf32>,
          %get3A_590 = arith.constant 3 : i32
          %get3A_591 = arith.constant 6 : i32
          %get3A_592 = arith.index_cast %get3A_590 : i32 to index
          %get3A_593 = arith.index_cast %get3A_591 : i32 to index
          %get3A_594 = arith.index_cast %mul3A_499 : i32 to index
          %get3A_595 = tpu.vector_load %arg8[%get3A_592, %get3A_593, %get3A_594] {strides = array<i32>} : memref<4x16x1024xf32, #tpu.memory_space<vmem>>, vector<16xf32>,
          %mul3A_596 = arith.constant 6.400000e+01 : f32
          %mul3A_597 = vector.broadcast %mul3A_596 : f32 to vector<16xf32>
          %mul3A_598 = arith.mulf %get3A_595, %mul3A_597 : vector<16xf32>
          %swap3A_599 = arith.constant 3 : i32
          %swap3A_600 = arith.constant 6 : i32
          %swap3A_601 = arith.index_cast %swap3A_599 : i32 to index
          %swap3A_602 = arith.index_cast %swap3A_600 : i32 to index
          %swap3A_603 = arith.index_cast %mul3A_499 : i32 to index
          %swap3A_604 = tpu.vector_load %arg8[%swap3A_601, %swap3A_602, %swap3A_603] {strides = array<i32>} : memref<4x16x1024xf32, #tpu.memory_space<vmem>>, vector<16xf32>,
          tpu.vector_store %arg8[%swap3A_601, %swap3A_602, %swap3A_603], %mul3A_598 {strides = array<i32>} : memref<4x16x1024xf32, #tpu.memory_space<vmem>>, vector<16xf32>,
          %get3A_605 = arith.constant 3 : i32
          %get3A_606 = arith.constant 7 : i32
          %get3A_607 = arith.index_cast %get3A_605 : i32 to index
          %get3A_608 = arith.index_cast %get3A_606 : i32 to index
          %get3A_609 = arith.index_cast %mul3A_499 : i32 to index
          %get3A_610 = tpu.vector_load %arg8[%get3A_607, %get3A_608, %get3A_609] {strides = array<i32>} : memref<4x16x1024xf32, #tpu.memory_space<vmem>>, vector<16xf32>,
          %mul3A_611 = arith.constant 6.400000e+01 : f32
          %mul3A_612 = vector.broadcast %mul3A_611 : f32 to vector<16xf32>
          %mul3A_613 = arith.mulf %get3A_610, %mul3A_612 : vector<16xf32>
          %swap3A_614 = arith.constant 3 : i32
          %swap3A_615 = arith.constant 7 : i32
          %swap3A_616 = arith.index_cast %swap3A_614 : i32 to index
          %swap3A_617 = arith.index_cast %swap3A_615 : i32 to index
          %swap3A_618 = arith.index_cast %mul3A_499 : i32 to index
          %swap3A_619 = tpu.vector_load %arg8[%swap3A_616, %swap3A_617, %swap3A_618] {strides = array<i32>} : memref<4x16x1024xf32, #tpu.memory_space<vmem>>, vector<16xf32>,
          tpu.vector_store %arg8[%swap3A_616, %swap3A_617, %swap3A_618], %mul3A_613 {strides = array<i32>} : memref<4x16x1024xf32, #tpu.memory_space<vmem>>, vector<16xf32>,
          %get3A_620 = arith.constant 3 : i32
          %get3A_621 = arith.constant 8 : i32
          %get3A_622 = arith.index_cast %get3A_620 : i32 to index
          %get3A_623 = arith.index_cast %get3A_621 : i32 to index
          %get3A_624 = arith.index_cast %mul3A_499 : i32 to index
          %get3A_625 = tpu.vector_load %arg8[%get3A_622, %get3A_623, %get3A_624] {strides = array<i32>} : memref<4x16x1024xf32, #tpu.memory_space<vmem>>, vector<16xf32>,
          %mul3A_626 = arith.constant 6.400000e+01 : f32
          %mul3A_627 = vector.broadcast %mul3A_626 : f32 to vector<16xf32>
          %mul3A_628 = arith.mulf %get3A_625, %mul3A_627 : vector<16xf32>
          %swap3A_629 = arith.constant 3 : i32
          %swap3A_630 = arith.constant 8 : i32
          %swap3A_631 = arith.index_cast %swap3A_629 : i32 to index
          %swap3A_632 = arith.index_cast %swap3A_630 : i32 to index
          %swap3A_633 = arith.index_cast %mul3A_499 : i32 to index
          %swap3A_634 = tpu.vector_load %arg8[%swap3A_631, %swap3A_632, %swap3A_633] {strides = array<i32>} : memref<4x16x1024xf32, #tpu.memory_space<vmem>>, vector<16xf32>,
          tpu.vector_store %arg8[%swap3A_631, %swap3A_632, %swap3A_633], %mul3A_628 {strides = array<i32>} : memref<4x16x1024xf32, #tpu.memory_space<vmem>>, vector<16xf32>,
          %get3A_635 = arith.constant 3 : i32
          %get3A_636 = arith.constant 9 : i32
          %get3A_637 = arith.index_cast %get3A_635 : i32 to index
          %get3A_638 = arith.index_cast %get3A_636 : i32 to index
          %get3A_639 = arith.index_cast %mul3A_499 : i32 to index
          %get3A_640 = tpu.vector_load %arg8[%get3A_637, %get3A_638, %get3A_639] {strides = array<i32>} : memref<4x16x1024xf32, #tpu.memory_space<vmem>>, vector<16xf32>,
          %mul3A_641 = arith.constant 6.400000e+01 : f32
          %mul3A_642 = vector.broadcast %mul3A_641 : f32 to vector<16xf32>
          %mul3A_643 = arith.mulf %get3A_640, %mul3A_642 : vector<16xf32>
          %swap3A_644 = arith.constant 3 : i32
          %swap3A_645 = arith.constant 9 : i32
          %swap3A_646 = arith.index_cast %swap3A_644 : i32 to index
          %swap3A_647 = arith.index_cast %swap3A_645 : i32 to index
          %swap3A_648 = arith.index_cast %mul3A_499 : i32 to index
          %swap3A_649 = tpu.vector_load %arg8[%swap3A_646, %swap3A_647, %swap3A_648] {strides = array<i32>} : memref<4x16x1024xf32, #tpu.memory_space<vmem>>, vector<16xf32>,
          tpu.vector_store %arg8[%swap3A_646, %swap3A_647, %swap3A_648], %mul3A_643 {strides = array<i32>} : memref<4x16x1024xf32, #tpu.memory_space<vmem>>, vector<16xf32>,
          %get3A_650 = arith.constant 3 : i32
          %get3A_651 = arith.constant 10 : i32
          %get3A_652 = arith.index_cast %get3A_650 : i32 to index
          %get3A_653 = arith.index_cast %get3A_651 : i32 to index
          %get3A_654 = arith.index_cast %mul3A_499 : i32 to index
          %get3A_655 = tpu.vector_load %arg8[%get3A_652, %get3A_653, %get3A_654] {strides = array<i32>} : memref<4x16x1024xf32, #tpu.memory_space<vmem>>, vector<16xf32>,
          %mul3A_656 = arith.constant 6.400000e+01 : f32
          %mul3A_657 = vector.broadcast %mul3A_656 : f32 to vector<16xf32>
          %mul3A_658 = arith.mulf %get3A_655, %mul3A_657 : vector<16xf32>
          %swap3A_659 = arith.constant 3 : i32
          %swap3A_660 = arith.constant 10 : i32
          %swap3A_661 = arith.index_cast %swap3A_659 : i32 to index
          %swap3A_662 = arith.index_cast %swap3A_660 : i32 to index
          %swap3A_663 = arith.index_cast %mul3A_499 : i32 to index
          %swap3A_664 = tpu.vector_load %arg8[%swap3A_661, %swap3A_662, %swap3A_663] {strides = array<i32>} : memref<4x16x1024xf32, #tpu.memory_space<vmem>>, vector<16xf32>,
          tpu.vector_store %arg8[%swap3A_661, %swap3A_662, %swap3A_663], %mul3A_658 {strides = array<i32>} : memref<4x16x1024xf32, #tpu.memory_space<vmem>>, vector<16xf32>,
          %get3A_665 = arith.constant 3 : i32
          %get3A_666 = arith.constant 11 : i32
          %get3A_667 = arith.index_cast %get3A_665 : i32 to index
          %get3A_668 = arith.index_cast %get3A_666 : i32 to index
          %get3A_669 = arith.index_cast %mul3A_499 : i32 to index
          %get3A_670 = tpu.vector_load %arg8[%get3A_667, %get3A_668, %get3A_669] {strides = array<i32>} : memref<4x16x1024xf32, #tpu.memory_space<vmem>>, vector<16xf32>,
          %mul3A_671 = arith.constant 6.400000e+01 : f32
          %mul3A_672 = vector.broadcast %mul3A_671 : f32 to vector<16xf32>
          %mul3A_673 = arith.mulf %get3A_670, %mul3A_672 : vector<16xf32>
          %swap3A_674 = arith.constant 3 : i32
          %swap3A_675 = arith.constant 11 : i32
          %swap3A_676 = arith.index_cast %swap3A_674 : i32 to index
          %swap3A_677 = arith.index_cast %swap3A_675 : i32 to index
          %swap3A_678 = arith.index_cast %mul3A_499 : i32 to index
          %swap3A_679 = tpu.vector_load %arg8[%swap3A_676, %swap3A_677, %swap3A_678] {strides = array<i32>} : memref<4x16x1024xf32, #tpu.memory_space<vmem>>, vector<16xf32>,
          tpu.vector_store %arg8[%swap3A_676, %swap3A_677, %swap3A_678], %mul3A_673 {strides = array<i32>} : memref<4x16x1024xf32, #tpu.memory_space<vmem>>, vector<16xf32>,
          %get3A_680 = arith.constant 3 : i32
          %get3A_681 = arith.constant 12 : i32
          %get3A_682 = arith.index_cast %get3A_680 : i32 to index
          %get3A_683 = arith.index_cast %get3A_681 : i32 to index
          %get3A_684 = arith.index_cast %mul3A_499 : i32 to index
          %get3A_685 = tpu.vector_load %arg8[%get3A_682, %get3A_683, %get3A_684] {strides = array<i32>} : memref<4x16x1024xf32, #tpu.memory_space<vmem>>, vector<16xf32>,
          %mul3A_686 = arith.constant 6.400000e+01 : f32
          %mul3A_687 = vector.broadcast %mul3A_686 : f32 to vector<16xf32>
          %mul3A_688 = arith.mulf %get3A_685, %mul3A_687 : vector<16xf32>
          %swap3A_689 = arith.constant 3 : i32
          %swap3A_690 = arith.constant 12 : i32
          %swap3A_691 = arith.index_cast %swap3A_689 : i32 to index
          %swap3A_692 = arith.index_cast %swap3A_690 : i32 to index
          %swap3A_693 = arith.index_cast %mul3A_499 : i32 to index
          %swap3A_694 = tpu.vector_load %arg8[%swap3A_691, %swap3A_692, %swap3A_693] {strides = array<i32>} : memref<4x16x1024xf32, #tpu.memory_space<vmem>>, vector<16xf32>,
          tpu.vector_store %arg8[%swap3A_691, %swap3A_692, %swap3A_693], %mul3A_688 {strides = array<i32>} : memref<4x16x1024xf32, #tpu.memory_space<vmem>>, vector<16xf32>,
          %get3A_695 = arith.constant 3 : i32
          %get3A_696 = arith.constant 13 : i32
          %get3A_697 = arith.index_cast %get3A_695 : i32 to index
          %get3A_698 = arith.index_cast %get3A_696 : i32 to index
          %get3A_699 = arith.index_cast %mul3A_499 : i32 to index
          %get3A_700 = tpu.vector_load %arg8[%get3A_697, %get3A_698, %get3A_699] {strides = array<i32>} : memref<4x16x1024xf32, #tpu.memory_space<vmem>>, vector<16xf32>,
          %mul3A_701 = arith.constant 6.400000e+01 : f32
          %mul3A_702 = vector.broadcast %mul3A_701 : f32 to vector<16xf32>
          %mul3A_703 = arith.mulf %get3A_700, %mul3A_702 : vector<16xf32>
          %swap3A_704 = arith.constant 3 : i32
          %swap3A_705 = arith.constant 13 : i32
          %swap3A_706 = arith.index_cast %swap3A_704 : i32 to index
          %swap3A_707 = arith.index_cast %swap3A_705 : i32 to index
          %swap3A_708 = arith.index_cast %mul3A_499 : i32 to index
          %swap3A_709 = tpu.vector_load %arg8[%swap3A_706, %swap3A_707, %swap3A_708] {strides = array<i32>} : memref<4x16x1024xf32, #tpu.memory_space<vmem>>, vector<16xf32>,
          tpu.vector_store %arg8[%swap3A_706, %swap3A_707, %swap3A_708], %mul3A_703 {strides = array<i32>} : memref<4x16x1024xf32, #tpu.memory_space<vmem>>, vector<16xf32>,
          %get3A_710 = arith.constant 3 : i32
          %get3A_711 = arith.constant 14 : i32
          %get3A_712 = arith.index_cast %get3A_710 : i32 to index
          %get3A_713 = arith.index_cast %get3A_711 : i32 to index
          %get3A_714 = arith.index_cast %mul3A_499 : i32 to index
          %get3A_715 = tpu.vector_load %arg8[%get3A_712, %get3A_713, %get3A_714] {strides = array<i32>} : memref<4x16x1024xf32, #tpu.memory_space<vmem>>, vector<16xf32>,
          %mul3A_716 = arith.constant 6.400000e+01 : f32
          %mul3A_717 = vector.broadcast %mul3A_716 : f32 to vector<16xf32>
          %mul3A_718 = arith.mulf %get3A_715, %mul3A_717 : vector<16xf32>
          %swap3A_719 = arith.constant 3 : i32
          %swap3A_720 = arith.constant 14 : i32
          %swap3A_721 = arith.index_cast %swap3A_719 : i32 to index
          %swap3A_722 = arith.index_cast %swap3A_720 : i32 to index
          %swap3A_723 = arith.index_cast %mul3A_499 : i32 to index
          %swap3A_724 = tpu.vector_load %arg8[%swap3A_721, %swap3A_722, %swap3A_723] {strides = array<i32>} : memref<4x16x1024xf32, #tpu.memory_space<vmem>>, vector<16xf32>,
          tpu.vector_store %arg8[%swap3A_721, %swap3A_722, %swap3A_723], %mul3A_718 {strides = array<i32>} : memref<4x16x1024xf32, #tpu.memory_space<vmem>>, vector<16xf32>,
          %get3A_725 = arith.constant 3 : i32
          %get3A_726 = arith.constant 15 : i32
          %get3A_727 = arith.index_cast %get3A_725 : i32 to index
          %get3A_728 = arith.index_cast %get3A_726 : i32 to index
          %get3A_729 = arith.index_cast %mul3A_499 : i32 to index
          %get3A_730 = tpu.vector_load %arg8[%get3A_727, %get3A_728, %get3A_729] {strides = array<i32>} : memref<4x16x1024xf32, #tpu.memory_space<vmem>>, vector<16xf32>,
          %mul3A_731 = arith.constant 6.400000e+01 : f32
          %mul3A_732 = vector.broadcast %mul3A_731 : f32 to vector<16xf32>
          %mul3A_733 = arith.mulf %get3A_730, %mul3A_732 : vector<16xf32>
          %swap3A_734 = arith.constant 3 : i32
          %swap3A_735 = arith.constant 15 : i32
          %swap3A_736 = arith.index_cast %swap3A_734 : i32 to index
          %swap3A_737 = arith.index_cast %swap3A_735 : i32 to index
          %swap3A_738 = arith.index_cast %mul3A_499 : i32 to index
          %swap3A_739 = tpu.vector_load %arg8[%swap3A_736, %swap3A_737, %swap3A_738] {strides = array<i32>} : memref<4x16x1024xf32, #tpu.memory_space<vmem>>, vector<16xf32>,
          tpu.vector_store %arg8[%swap3A_736, %swap3A_737, %swap3A_738], %mul3A_733 {strides = array<i32>} : memref<4x16x1024xf32, #tpu.memory_space<vmem>>, vector<16xf32>,
        }
        %scan3A_225 = arith.constant 64 : i32
        %mul3A_226 = arith.constant 32 : i32
        %mul3A_227 = arith.muli %add3A_162, %mul3A_226 : i32
        %add3A_228 = arith.addi %mul3A_227, %add3A : i32
        %mul3A_229 = arith.constant 16 : i32
        %mul3A_230 = arith.muli %add3A_228, %mul3A_229 : i32
        %scan3A_231 = arith.constant 0 : i32
        %scan3A_232 = arith.constant 0 : i32
        %scan3A_233 = arith.constant 64 : i32
        %scan3A_234 = arith.addi %scan3A_232, %scan3A_233 : i32
        %scan3A_235 = arith.constant 1 : i32
        scf.for %scan3A_255 = %scan3A_232 to %scan3A_234 step %scan3A_235  : i32 {
          %mul3A_256 = arith.constant 16 : i32
          %mul3A_257 = arith.muli %scan3A_255, %mul3A_256 : i32
          %multiple_of3A_258 = tpu.assume_multiple %mul3A_257, 16 : i32
          %get3A = arith.index_cast %multiple_of3A_258 : i32 to index
          %get3A_259 = tpu.vector_load %arg6[%get3A] {strides = array<i32>} : memref<1024xi32, #tpu.memory_space<vmem>>, vector<16xi32>,
          %get3A_260 = arith.index_cast %multiple_of3A_258 : i32 to index
          %get3A_261 = tpu.vector_load %arg7[%get3A_260] {strides = array<i32>} : memref<1024xf32, #tpu.memory_space<vmem>>, vector<16xf32>,
          %sub3A_262 = vector.broadcast %mul3A_230 : i32 to vector<16xi32>
          %sub3A_263 = arith.subi %get3A_259, %sub3A_262 : vector<16xi32>
          %ge3A_264 = arith.constant 0 : i32
          %ge3A_265 = vector.broadcast %ge3A_264 : i32 to vector<16xi32>
          %ge3A_266 = arith.cmpi sge, %sub3A_263, %ge3A_265 : vector<16xi32>
          %lt3A_267 = arith.constant 16 : i32
          %lt3A_268 = vector.broadcast %lt3A_267 : i32 to vector<16xi32>
          %lt3A_269 = arith.cmpi slt, %sub3A_263, %lt3A_268 : vector<16xi32>
          %and3A_270 = arith.andi %ge3A_266, %lt3A_269 : vector<16xi1>
          %jit3A = arith.constant 0 : i32
          %jit3A_271 = arith.constant 15 : i32
          %max3A_272 = vector.broadcast %jit3A : i32 to vector<16xi32>
          %max3A_273 = arith.maxsi %max3A_272, %sub3A_263 : vector<16xi32>
          %min3A_274 = vector.broadcast %jit3A_271 : i32 to vector<16xi32>
          %min3A_275 = arith.minsi %min3A_274, %max3A_273 : vector<16xi32>
          %add3A_276 = vector.broadcast %multiple_of3A_258 : i32 to vector<16xi32>
          %add3A_277 = arith.addi %add3A_276, %iota3A : vector<16xi32>
          %gather3A = arith.constant 3 : i32
          %gather3A_278 = arith.constant 0 : i32
          %gather3A_279 = arith.constant 0 : i32
          %gather3A_280 = tpu.memref_slice %arg8[%gather3A, %gather3A_278, %gather3A_279] : memref<4x16x1024xf32, #tpu.memory_space<vmem>> -> memref<1x16x1024xf32, #tpu.memory_space<vmem>>
          %gather3A_281 = tpu.memref_squeeze %gather3A_280 : memref<1x16x1024xf32, #tpu.memory_space<vmem>> -> memref<16x1024xf32, #tpu.memory_space<vmem>>
          %gather3A_282 = tpu.vector_load_idx %gather3A_281[%min3A_275, %add3A_277] masked %and3A_270 : memref<16x1024xf32, #tpu.memory_space<vmem>>[vector<16xi32>, vector<16xi32>], vector<16xf32>, vector<16xi1>
          %sub3A_283 = arith.subf %gather3A_282, %get3A_261 : vector<16xf32>
          %scatter3A = arith.constant 3 : i32
          %scatter3A_284 = arith.constant 0 : i32
          %scatter3A_285 = arith.constant 0 : i32
          %scatter3A_286 = tpu.memref_slice %arg8[%scatter3A, %scatter3A_284, %scatter3A_285] : memref<4x16x1024xf32, #tpu.memory_space<vmem>> -> memref<1x16x1024xf32, #tpu.memory_space<vmem>>
          %scatter3A_287 = tpu.memref_squeeze %scatter3A_286 : memref<1x16x1024xf32, #tpu.memory_space<vmem>> -> memref<16x1024xf32, #tpu.memory_space<vmem>>
          tpu.vector_store_idx %scatter3A_287[%min3A_275, %add3A_277], %sub3A_283 masked %and3A_270 : memref<16x1024xf32, #tpu.memory_space<vmem>>[vector<16xi32>, vector<16xi32>], vector<16xf32>, vector<16xi1>
        }
        %scan3A_236 = arith.constant 64 : i32
        %mul3A_237 = arith.constant 32 : i32
        %mul3A_238 = arith.muli %add3A_162, %mul3A_237 : i32
        %add3A_239 = arith.addi %mul3A_238, %add3A : i32
        %mul3A_240 = arith.constant 16 : i32
        %mul3A_241 = arith.muli %add3A_239, %mul3A_240 : i32
        %multiple_of3A_242 = tpu.assume_multiple %mul3A_241, 16 : i32
        %dma_start3A = arith.constant 3 : i32
        %dma_start3A_243 = arith.constant 0 : i32
        %dma_start3A_244 = arith.constant 0 : i32
        %dma_start3A_245 = tpu.memref_slice %arg8[%dma_start3A, %dma_start3A_243, %dma_start3A_244] : memref<4x16x1024xf32, #tpu.memory_space<vmem>> -> memref<1x16x1024xf32, #tpu.memory_space<vmem>>
        %dma_start3A_246 = tpu.memref_squeeze %dma_start3A_245 : memref<1x16x1024xf32, #tpu.memory_space<vmem>> -> memref<16x1024xf32, #tpu.memory_space<vmem>>
        %dma_start3A_247 = arith.constant 0 : i32
        %dma_start3A_248 = tpu.memref_slice %arg5[%multiple_of3A_242, %dma_start3A_247] : memref<100000x1024xf32, #tpu.memory_space<hbm>> -> memref<16x1024xf32, #tpu.memory_space<hbm>>
        %dma_start3A_249 = arith.constant 0 : i32
        %dma_start3A_250 = tpu.memref_slice %arg5[%multiple_of3A_242, %dma_start3A_249] : memref<100000x1024xf32, #tpu.memory_space<hbm>> -> memref<16x1024xf32, #tpu.memory_space<hbm>>
        %dma_start3A_251 = arith.constant 0 : i32
        %dma_start3A_252 = arith.constant 0 : i32
        %dma_start3A_253 = tpu.memref_slice %arg8[%dma_start3A, %dma_start3A_251, %dma_start3A_252] : memref<4x16x1024xf32, #tpu.memory_space<vmem>> -> memref<1x16x1024xf32, #tpu.memory_space<vmem>>
        %dma_start3A_254 = tpu.memref_squeeze %dma_start3A_253 : memref<1x16x1024xf32, #tpu.memory_space<vmem>> -> memref<16x1024xf32, #tpu.memory_space<vmem>>
        tpu.enqueue_dma source(%dma_start3A_254 : memref<16x1024xf32, #tpu.memory_space<vmem>>) target(%dma_start3A_250 : memref<16x1024xf32, #tpu.memory_space<hbm>>) target_semaphore(%arg10 : memref<!tpu.dma_semaphore, #tpu.memory_space<semaphore_mem>>)
      } else {
      }
    }
    %scan3A_16 = arith.constant 49 : i32
    %add3A_17 = arith.constant 6208 : i32
    %add3A_18 = arith.addi %add3A_17, %add3A : i32
    %lt3A_19 = arith.constant 6250 : i32
    %lt3A_20 = arith.cmpi slt, %add3A_18, %lt3A_19 : i32
    %convert_element_type3A_21 = arith.extui %lt3A_20 : i1 to i32
    %cond3A_22 = arith.constant 0 : i32
    %cond3A_23 = arith.cmpi ne, %convert_element_type3A_21, %cond3A_22 : i32
    scf.if %cond3A_23 {
      %add3A_31 = arith.constant 6208 : i32
      %add3A_32 = arith.addi %add3A_31, %add3A : i32
      %mul3A_33 = arith.constant 16 : i32
      %mul3A_34 = arith.muli %add3A_32, %mul3A_33 : i32
      %multiple_of3A = tpu.assume_multiple %mul3A_34, 16 : i32
      %dma_wait3A = arith.constant 2 : i32
      %dma_wait3A_35 = arith.constant 0 : i32
      %dma_wait3A_36 = arith.constant 0 : i32
      %dma_wait3A_37 = tpu.memref_slice %arg8[%dma_wait3A, %dma_wait3A_35, %dma_wait3A_36] : memref<4x16x1024xf32, #tpu.memory_space<vmem>> -> memref<1x16x1024xf32, #tpu.memory_space<vmem>>
      %dma_wait3A_38 = tpu.memref_squeeze %dma_wait3A_37 : memref<1x16x1024xf32, #tpu.memory_space<vmem>> -> memref<16x1024xf32, #tpu.memory_space<vmem>>
      %dma_wait3A_39 = arith.constant 0 : i32
      %dma_wait3A_40 = tpu.memref_slice %arg5[%multiple_of3A, %dma_wait3A_39] : memref<100000x1024xf32, #tpu.memory_space<hbm>> -> memref<16x1024xf32, #tpu.memory_space<hbm>>
      %dma_wait3A_41 = arith.constant 0 : i32
      %dma_wait3A_42 = tpu.memref_slice %arg5[%multiple_of3A, %dma_wait3A_41] : memref<100000x1024xf32, #tpu.memory_space<hbm>> -> memref<16x1024xf32, #tpu.memory_space<hbm>>
      %dma_wait3A_43 = arith.constant 0 : i32
      %dma_wait3A_44 = arith.constant 0 : i32
      %dma_wait3A_45 = tpu.memref_slice %arg8[%dma_wait3A, %dma_wait3A_43, %dma_wait3A_44] : memref<4x16x1024xf32, #tpu.memory_space<vmem>> -> memref<1x16x1024xf32, #tpu.memory_space<vmem>>
      %dma_wait3A_46 = tpu.memref_squeeze %dma_wait3A_45 : memref<1x16x1024xf32, #tpu.memory_space<vmem>> -> memref<16x1024xf32, #tpu.memory_space<vmem>>
      tpu.wait_dma2 semaphore(%arg10 : memref<!tpu.dma_semaphore, #tpu.memory_space<semaphore_mem>>) src(%dma_wait3A_46 : memref<16x1024xf32, #tpu.memory_space<vmem>>) dst(%dma_wait3A_42 : memref<16x1024xf32, #tpu.memory_space<hbm>>)
    } else {
    }
    %add3A_24 = arith.constant 6240 : i32
    %add3A_25 = arith.addi %add3A_24, %add3A : i32
    %lt3A_26 = arith.constant 6250 : i32
    %lt3A_27 = arith.cmpi slt, %add3A_25, %lt3A_26 : i32
    %convert_element_type3A_28 = arith.extui %lt3A_27 : i1 to i32
    %cond3A_29 = arith.constant 0 : i32
    %cond3A_30 = arith.cmpi ne, %convert_element_type3A_28, %cond3A_29 : i32
    scf.if %cond3A_30 {
      %add3A_31 = arith.constant 6240 : i32
      %add3A_32 = arith.addi %add3A_31, %add3A : i32
      %mul3A_33 = arith.constant 16 : i32
      %mul3A_34 = arith.muli %add3A_32, %mul3A_33 : i32
      %multiple_of3A = tpu.assume_multiple %mul3A_34, 16 : i32
      %dma_wait3A = arith.constant 3 : i32
      %dma_wait3A_35 = arith.constant 0 : i32
      %dma_wait3A_36 = arith.constant 0 : i32
      %dma_wait3A_37 = tpu.memref_slice %arg8[%dma_wait3A, %dma_wait3A_35, %dma_wait3A_36] : memref<4x16x1024xf32, #tpu.memory_space<vmem>> -> memref<1x16x1024xf32, #tpu.memory_space<vmem>>
      %dma_wait3A_38 = tpu.memref_squeeze %dma_wait3A_37 : memref<1x16x1024xf32, #tpu.memory_space<vmem>> -> memref<16x1024xf32, #tpu.memory_space<vmem>>
      %dma_wait3A_39 = arith.constant 0 : i32
      %dma_wait3A_40 = tpu.memref_slice %arg5[%multiple_of3A, %dma_wait3A_39] : memref<100000x1024xf32, #tpu.memory_space<hbm>> -> memref<16x1024xf32, #tpu.memory_space<hbm>>
      %dma_wait3A_41 = arith.constant 0 : i32
      %dma_wait3A_42 = tpu.memref_slice %arg5[%multiple_of3A, %dma_wait3A_41] : memref<100000x1024xf32, #tpu.memory_space<hbm>> -> memref<16x1024xf32, #tpu.memory_space<hbm>>
      %dma_wait3A_43 = arith.constant 0 : i32
      %dma_wait3A_44 = arith.constant 0 : i32
      %dma_wait3A_45 = tpu.memref_slice %arg8[%dma_wait3A, %dma_wait3A_43, %dma_wait3A_44] : memref<4x16x1024xf32, #tpu.memory_space<vmem>> -> memref<1x16x1024xf32, #tpu.memory_space<vmem>>
      %dma_wait3A_46 = tpu.memref_squeeze %dma_wait3A_45 : memref<1x16x1024xf32, #tpu.memory_space<vmem>> -> memref<16x1024xf32, #tpu.memory_space<vmem>>
      tpu.wait_dma2 semaphore(%arg10 : memref<!tpu.dma_semaphore, #tpu.memory_space<semaphore_mem>>) src(%dma_wait3A_46 : memref<16x1024xf32, #tpu.memory_space<vmem>>) dst(%dma_wait3A_42 : memref<16x1024xf32, #tpu.memory_space<hbm>>)
    } else {
    }
    return
  }
}

</mosaic_0001>

<sc_bundles>
// kernel: kernel.3.cloned.1.call-start
scs
__scs_entry_jumppad:
0x0: {  	(pc) =	sbr.rel $0x88, $3  }
0x1: {  	(tag) =	ssettag $0x0;
	lr =	simm.s32 $0x1  }
0x2: {  	[smem:$0x3F9F] =	sst lr;
	_ =	strace $0xD0000000  }
0x3: {  	_ = 	snop  }
0x4: {  	_ = 	snop  }
0x5: {  	_ = 	snop  }
0x6: {  	_ = 	snop  }
0x7: {  	_ = 	snop  }
__scs_overlays_trampoline_lowered:
0x8: {  	[smem:$0x3FAE] =	sst s0  }
0x9: {  	[smem:$0x3FAF] =	sst s1  }
0xa: {  	[smem:$0x3FB0] =	sst s2  }
0xb: {  	[smem:$0x3FB1] =	sst s3  }
0xc: {  	[smem:$0x3FB2] =	sst s4  }
0xd: {  	[smem:$0x3FB3] =	sst s5  }
0xe: {  	[smem:$0x3FB4] =	sst s6  }
0xf: {  	[smem:$0x3FB5] =	sst s7  }
0x10: {  	[smem:$0x3FB6] =	sst s8  }
0x11: {  	[smem:$0x3FB7] =	sst s9;
	s0 =	simm.s32 @!p0 $0x0  }
0x12: {  	s1 =	sld [smem:$0x3F9D];
	s0 =	simm.s32 @p0 $0x1  }
0x13: {  	[smem:$0x3FB8] =	sst s0;
	s0 =	simm.s32 @!p1 $0x0  }
0x14: {  	s2 =	sld [smem:$0x3F9C];
	s0 =	simm.s32 @p1 $0x1  }
0x15: {  	[smem:$0x3FB9] =	sst s0;
	s0 =	simm.s32 @!p2 $0x0  }
0x16: {  	s3 =	sld [smem:$0x3FDB];
	s0 =	simm.s32 @p2 $0x1  }
0x17: {  	s4 =	simm.s32 $0x1BF5;
	[smem:$0x3FBB] =	sst s0  }
0x18: {  	s0 =	sld [smem:$0x3F9E];
	_ =	swait.ge [sflag:s4], $0x0  }
0x19: {  	s7 =	sld [smem:$0x3F9F]  }
0x1a: {  	s8 =	sadd.s32 $0xFFFFE003, lr  }
0x1b: {  	s9 =	sadd.s32 $0xFFFFFEF7, lr;
	s5 =	simm.s32 $0xFFFFFFFF;
	p2 =	slt.u32 s8, $0xFFFFF086  }
0x1c: {  	p1 =	slt.u32 s9, $0xF7A;
	s5 =	simm.s32 @!p2 $0x0  }
0x1d: {  	s5 =	simm.s32 @p1 $0x1;
	p0 =	seq.s32 s7, s2  }
0x1e: {  	s7 =	smul.u32 @!p0 $0xF7A, s2;
	p2 =	seq.s32 @!p0 s5, $0x0  }
0x1f: {  	s9 =	smul.u32 $0xF7A, s1;
	s8 =	simm.s32 @!p0 $0x1BF5;
	p2 =	por !p2, p0  }
0x20: {  	[sflag:s8] =	ssyncset.s32 @!p0 $0xFFFFF086;
	s6 =	sadd.s32 @!p0 s3, s7;
	s7 =	simm.s32 @!p0 $0x108  }
0x21: {  	s3 =	sadd.s32 s3, s9;
	s6 =	sadd.s32 @!p0 $0x88, s6;
	s7 =	simm.s32 @p2 $0x1082  }
0x22: {  	[simem:s7], [sflag:s8] =	dma.local @!p0 [hbm:s6], $0xF7A  }
0x23: {  	s9 =	sor.u32 $0xD0000000, s2;
	s6 =	simm.s32 $0x108;
	_ =	swait.ge @!p0 [sflag:s8], $0x0  }
0x24: {  	s3 =	sadd.s32 $0x88, s3;
	s6 =	simm.s32 @!p1 $0x1082;
	[sflag:s4] =	ssyncset.s32 $0xFFFFF086  }
0x25: {  	[simem:s6], [sflag:s4] =	dma.local [hbm:s3], $0xF7A  }
0x26: {  	[smem:$0x3F9F] =	sst s1;
	(tag) =	ssettag s2;
	_ =	strace s9  }
0x27: {  	s1 =	sld [smem:$0x3FAF]  }
0x28: {  	s2 =	sld [smem:$0x3FB0]  }
0x29: {  	s4 =	sld [smem:$0x3FB2]  }
0x2a: {  	p0 =	seq.s32 s5, $0x0;
	s5 =	sld [smem:$0x3FB3]  }
0x2b: {  	s6 =	sld [smem:$0x3FB4]  }
0x2c: {  	s7 =	sld [smem:$0x3FB5]  }
0x2d: {  	s3 =	simm.s32 $0x108;
	s8 =	sld [smem:$0x3FB6]  }
0x2e: {  	s3 =	simm.s32 @!p0 $0x1082;
	s9 =	sld [smem:$0x3FB7]  }
0x2f: {  	lr =	sadd.s32 s0, s3;
	s0 =	sld [smem:$0x3FAE]  }
0x30: {  	s3 =	sld [smem:$0x3FB1]  }
0x31: {  	[smem:$0x3FBA] =	sst s10  }
0x32: {  	s10 =	sld [smem:$0x3FB8];
	_ =	sdelay $0x3  }
0x33: {  	p0 =	seq.s32 s10, $0x1;
	s10 =	sld [smem:$0x3FBA];
	_ =	sdelay $0x3  }
0x34: {  	[smem:$0x3FBA] =	sst s10  }
0x35: {  	s10 =	sld [smem:$0x3FB9];
	_ =	sdelay $0x3  }
0x36: {  	p1 =	seq.s32 s10, $0x1;
	s10 =	sld [smem:$0x3FBA];
	_ =	sdelay $0x3  }
0x37: {  	[smem:$0x3FBA] =	sst s10  }
0x38: {  	s10 =	sld [smem:$0x3FBB]  }
0x39: {  	_ = 	snop;
	(pc) =	sbr.ind lr, $3  }
0x3a: {  	_ = 	snop  }
0x3b: {  	_ = 	snop  }
0x3c: {  	p2 =	seq.s32 s10, $0x1;
	s10 =	sld [smem:$0x3FBA]  }
0x3d: {  	_ =	shalt  }
0x3e: {  	_ =	shalt  }
0x3f: {  	_ =	shalt  }
0x40: {  	_ =	shalt  }
0x41: {  	_ =	shalt  }
0x42: {  	_ =	shalt  }
0x43: {  	_ =	shalt  }
0x44: {  	_ =	shalt  }
0x45: {  	_ =	shalt  }
0x46: {  	_ =	shalt  }
0x47: {  	_ =	shalt  }
0x48: {  	_ =	shalt  }
0x49: {  	_ =	shalt  }
0x4a: {  	_ =	shalt  }
0x4b: {  	_ =	shalt  }
0x4c: {  	_ =	shalt  }
0x4d: {  	_ =	shalt  }
0x4e: {  	_ =	shalt  }
0x4f: {  	_ =	shalt  }
0x50: {  	_ =	shalt  }
0x51: {  	_ =	shalt  }
0x52: {  	_ =	shalt  }
0x53: {  	_ =	shalt  }
0x54: {  	_ =	shalt  }
0x55: {  	_ =	shalt  }
0x56: {  	_ =	shalt  }
0x57: {  	_ =	shalt  }
0x58: {  	_ =	shalt  }
0x59: {  	_ =	shalt  }
0x5a: {  	_ =	shalt  }
0x5b: {  	_ =	shalt  }
0x5c: {  	_ =	shalt  }
0x5d: {  	_ =	shalt  }
0x5e: {  	_ =	shalt  }
0x5f: {  	_ =	shalt  }
0x60: {  	_ =	shalt  }
0x61: {  	_ =	shalt  }
0x62: {  	_ =	shalt  }
0x63: {  	_ =	shalt  }
0x64: {  	_ =	shalt  }
0x65: {  	_ =	shalt  }
0x66: {  	_ =	shalt  }
0x67: {  	_ =	shalt  }
0x68: {  	_ =	shalt  }
0x69: {  	_ =	shalt  }
0x6a: {  	_ =	shalt  }
0x6b: {  	_ =	shalt  }
0x6c: {  	_ =	shalt  }
0x6d: {  	_ =	shalt  }
0x6e: {  	_ =	shalt  }
0x6f: {  	_ =	shalt  }
0x70: {  	_ =	shalt  }
0x71: {  	_ =	shalt  }
0x72: {  	_ =	shalt  }
0x73: {  	_ =	shalt  }
0x74: {  	_ =	shalt  }
0x75: {  	_ =	shalt  }
0x76: {  	_ =	shalt  }
0x77: {  	_ =	shalt  }
0x78: {  	_ =	shalt  }
0x79: {  	_ =	shalt  }
0x7a: {  	_ =	shalt  }
0x7b: {  	_ =	shalt  }
0x7c: {  	_ =	shalt  }
0x7d: {  	_ =	shalt  }
0x7e: {  	_ =	shalt  }
0x7f: {  	_ =	shalt  }
0x80: {  	_ =	shalt  }
0x81: {  	_ =	shalt  }
0x82: {  	_ =	shalt  }
0x83: {  	_ =	shalt  }
0x84: {  	_ =	shalt  }
0x85: {  	_ =	shalt  }
0x86: {  	_ =	shalt  }
0x87: {  	_ =	shalt  }
.Lfunc_end0:
.L_simem_size_0:
called_computation_lowered:
.L_overlay_start_0:
0x88: {  	s2 =	sld [smem:$0x3FD9]  }
0x89: {  	s3 =	sld [smem:$0x3FFE];
	_ =	sdelay $0x1  }
0x8a: {  	s1 =	srdreg.scid  }
0x8b: {  	s0 =	sand.u32 $0x1, s1  }
0x8c: {  	s17 =	sshll.u32 s0, $0xA;
	s2 =	sadd.s32 s3, s2  }
0x8d: {  	s2 =	sadd.s32 s2, s17  }
0x8e: {  	[smem:$0x3FC6] =	sst s2  }
0x8f: {  	_ = 	snop  }
0x90: {  	s2 =	sld [smem:$0x3FC9]  }
0x91: {  	s18 =	sld [smem:$0x3FC8]  }
0x92: {  	s4 =	sld [smem:$0x3FD0];
	(tm) =	ssettm $0x1  }
0x93: {  	s5 =	sld [smem:$0x3FFB];
	_ =	sdelay $0x3  }
0x94: {  	_ =	strace s5  }
0x95: {  	s5 =	sld [smem:$0x3FFC];
	_ =	sdelay $0x3  }
0x96: {  	_ =	strace s5  }
0x97: {  	s5 =	sld [smem:$0x3FFD];
	_ =	sdelay $0x3  }
0x98: {  	_ =	strace s5  }
0x99: {  	_ =	strace $0x8FFFFFFF  }
0x9a: {  	s19 =	sld [smem:$0x3FDB];
	_ =	sdelay $0x1  }
0x9b: {  	s6 =	simm.s32 $_scs_section_size  }
0x9c: {  	s7 =	simm.s32 $_size__tile_overlayer_lowered;
	s8 =	simm.s32 $_tile_overlayer_lowered  }
0x9d: {  	s22 =	simm.s32 $0x1BFF;
	s21 =	sshll.u32 s8, $0x1;
	s5 =	sadd.s32 s6, s19  }
0x9e: {  	s9 =	simm.s32 $0x0;
	s20 =	sshll.u32 s7, $0x1;
	s7 =	sadd.s32 s21, s5  }
0x9f: {  	[timem:s9], [sflag:s22] =	dma.local [hbm:s7], s20  }
0xa0: {  	_ =	swait.ge [sflag:s22], s20  }
0xa1: {  	s6 =	ssub.s32 $0x0, s20;
	[sflag:s22] =	ssyncset.done $0x0  }
0xa2: {  	[sflag:s22] =	ssyncadd.s32 s6;
	_ =	sdelay $0x1  }
0xa3: {  	s23 =	simm.s32 $0x1B8B  }
0xa4: {  	_ =	swait.ge [sflag:s23], $0x1  }
0xa5: {  	[sflag:s23] =	ssyncset.done $0x0  }
0xa6: {  	s25 =	simm.s32 $0x1B8E;
	s24 =	sld [smem:$0x3FFE];
	[sflag:s23] =	ssyncadd.s32 $0xFFFFFFFF  }
0xa7: {  	s26 =	simm.s32 $execute0_lowered;
	[smem:$0x3FD2] =	sst s25  }
0xa8: {  	s7 =	sshll.u32 s26, $0x1;
	_ =	strace $0x80000046;
	[dreg:$0x1] =	wrdreg $0xFFFFFFFF  }
0xa9: {  	s28 =	simm.s32 $_size_execute0_lowered;
	s5 =	sadd.s32 s5, s7;
	[dreg:$0x0] =	wrdreg $0x0  }
0xaa: {  	s7 =	sshll.u32 s28, $0x1;
	[dreg:$0x2] =	wrdreg s5  }
0xab: {  	[dreg:$0x3] =	wrdreg s7  }
0xac: {  	[dreg:$0x4] =	wrdreg $0xC0  }
0xad: {  	_ =	task [dreg:s9], $0x5FFFF  }
0xae: {  	[dreg:$0x1] =	wrdreg $0xFFFFFFFF  }
0xaf: {  	[dreg:$0x0] =	wrdreg $0x60  }
0xb0: {  	[dreg:$0x2] =	wrdreg s2  }
0xb1: {  	[dreg:$0x3] =	wrdreg s18  }
0xb2: {  	[dreg:$0x4] =	wrdreg s24  }
0xb3: {  	[dreg:$0x5] =	wrdreg s4  }
0xb4: {  	[dreg:$0x6] =	wrdreg $0x9  }
0xb5: {  	_ =	task.clear_ibuf [dreg:s9], $0x7FFFF;
	_ =	strace $0x90000046  }
0xb6: {  	s29 =	simm.s32 $0x9;
	_ =	strace $0x80000048  }
0xb7: {  	_ =	swait.ge [sflag:s29], $0x1  }
0xb8: {  	[sflag:s29] =	ssyncadd.s32 $0xFFFFFFFF  }
0xb9: {  	_ =	strace $0x90000048  }
0xba: {  	_ =	sfence  }
0xbb: {  	s30 =	sld [smem:$0x0];
	_ =	sdelay $0x2  }
0xbc: {  	s31 =	sshll.u32 s1, $0xD;
	s1 =	sshrl.u32 s1, $0x2  }
0xbd: {  	s3 =	sand.u32 $0x4000, s31;
	s1 =	sadd.s32 s1, s30  }
0xbe: {  	s0 =	sor.u32 s3, s0;
	s1 =	sshll.u32 s1, $0x11  }
0xbf: {  	s0 =	sor.u32 s1, s0  }
0xc0: {  	s0 =	sadd.s32 $0x8F2B, s0  }
0xc1: {  	[sflag:s0] =	ssyncadd.remote.s32 $0x1  }
0xc2: {  	_ =	sfence.sel $0xFFFF  }
0xc3: {  	[dreg:$0x0] =	wrdreg $0xFFFFFFFF;
	(pc) =	sbr.abs _section_cstart, $3  }
0xc4: {  	[dreg:$0x1] =	wrdreg $0xFFFFFFFF  }
0xc5: {  	_ =	task.clear_ibuf [dreg:s9], $0x2FFFF;
	_ =	strace $0x9FFFFFFF  }
0xc6: {  	(tm) =	ssettm $0x7FFFFFFF  }
0xc7: {  	_ =	shalt  }
tec
execute0_lowered:
.L_overlay_start_1:
0x0: {  	(tag) =	ssettag $0x1  }
0x1: {  	s31 =	rddreg [dreg:$0x0]  }
0x2: {  	s0 =	rddreg [dreg:$0x2];
	s1 =	srdreg.scid  }
0x3: {  	s4 =	stileid.u32;
	s3 =	simm.s32 $0x0;
	s1 =	sand.u32 $0x1, s1  }
0x4: {  	s2 =	sshll.u32 s4, $0x1;
	[smem:$0x7FF] =	sst s3;
	s0 =	sadd.s32 $0x400, s0  }
0x5: {  	s5 =	sor.u32 s1, s2;
	_ =	strace $0x80000047;
	[dreg:$0x7] =	wrdreg s0  }
0x6: {  	p0 =	sgt.u32 s4, $0x4;
	s23 =	sor.u32 $0x80, s5;
	[dreg:$0x5] =	wrdreg s5  }
0x7: {  	s1 =	ssub.s32 $0x2, s1;
	s24 =	sor.u32 $0xA0, s5;
	[dreg:$0x9] =	wrdreg s23  }
0x8: {  	s2 =	sshll.u32 s5, $0xB;
	s25 =	ssub.s32 $0x18AA, s5;
	[dreg:$0xa] =	wrdreg s24  }
0x9: {  	s20 =	sshrl.u32 s1, $0x1;
	s26 =	sor.u32 $0x40, s5;
	[dreg:$0xc] =	wrdreg s25  }
0xa: {  	s28 =	ssub.s32 $0x188A, s5;
	s29 =	sor.u32 $0x60, s5;
	[dreg:$0xd] =	wrdreg s26  }
0xb: {  	s30 =	sor.u32 $0x20, s5;
	s2 =	sadd.s32 s31, s2;
	[dreg:$0xe] =	wrdreg s28  }
.Ltmp0:
0xc: {  	s21 =	ssub.s32 s1, s20;
	[dreg:$0xf] =	wrdreg s29;
	(pc) =	sbr.rel .LBB2_1-.Ltmp0, $4  }
0xd: {  	[dreg:$0x10] =	wrdreg s30;
	s20 =	simm.s32 $0x800;
	s23 =	simm.s32 $0x1  }
0xe: {  	s25 =	simm.s32 $0xC800;
	[dreg:$0x6] =	wrdreg s2;
	s22 =	sadd.s32 $0x10000, s2  }
0xf: {  	s0 =	smax.u32 s21, $0x1;
	s21 =	simm.s32 $0x4800;
	[dreg:$0x8] =	wrdreg s22  }
0x10: {  	v0 =	vlaneseq.u32;
	s2 =	simm.s32 $0x0;
	[dreg:$0xb] =	wrdreg s0;
	s22 =	simm.s32 $0x8800  }
.LBB2_21:
0x11: {  	s0 =	simm.s32 $0x2  }
0x12: {  	_ =	swait.ge [sflag:s0], $0x4000  }
0x13: {  	[sflag:s0] =	ssyncset.done $0x0  }
0x14: {  	[sflag:s0] =	ssyncadd.s32 $0xFFFFC000;
	s0 =	simm.s32 @!p0 $0x2  }
0x15: {  	_ =	swait.ge @!p0 [sflag:s0], $0x4000  }
0x16: {  	s2 =	rddreg [dreg:$0x11]  }
0x17: {  	s1 =	rddreg [dreg:$0xb];
	s2 =	sadd.s32 $0x1, s2  }
0x18: {  	p1 =	sne.s32 s2, s1  }
.Ltmp1:
0x19: {  	_ = 	snop;
	(pc) =	sbr.rel @!p1 .LBB2_22-.Ltmp1, $3  }
0x1a: {  	_ =	sdelay $0x1  }
0x1b: {  	[sflag:s0] =	ssyncset.done @!p0 $0x0  }
0x1c: {  	[sflag:s0] =	ssyncadd.s32 @!p0 $0xFFFFC000  }
.LBB2_1:
0x1d: {  	[dreg:$0x11] =	wrdreg s2  }
0x1e: {  	s0 =	rddreg [dreg:$0x1];
	s1 =	simm.s32 $0x0;
	s24 =	simm.s32 $0x3  }
0x1f: {  	[tilespmem:s1], [sflag:$0x3] =	stream.linear.gather [hbm4b:s0+s1], $0x400, $0x38;
	[tilespmem:$0x10800] =	vst v63  }
0x20: {  	_ =	swait.ge [sflag:s24], $0x400  }
0x21: {  	[sflag:s24] =	ssyncset.done $0x0  }
0x22: {  	s3 =	simm.s32 $0x400;
	s26 =	rddreg [dreg:$0x7];
	[sflag:s24] =	ssyncadd.s32 $0xFFFFFC00  }
0x23: {  	[tilespmem:s3], [sflag:$0x3] =	stream.linear.gather [hbm4b:s26+s1], $0x400, $0x38;
	[tilespmem:$0x10800] =	vst v63  }
0x24: {  	_ =	swait.ge [sflag:s24], $0x400  }
.Ltmp2:
0x25: {  	[sflag:s24] =	ssyncset.done $0x0;
	(pc) =	sbr.rel .LBB2_2-.Ltmp2, $4  }
0x26: {  	s29 =	rddreg [dreg:$0x6];
	[sflag:s24] =	ssyncadd.s32 $0xFFFFFC00  }
0x27: {  	[tilespmem:s20], [sflag:$0x1] =	stream.linear.gather [hbm4b:s29+s1], $0x4000, $0x38;
	[tilespmem:$0x10800] =	vst v63  }
0x28: {  	s28 =	simm.s32 $0x0;
	s30 =	rddreg [dreg:$0x8]  }
0x29: {  	[tilespmem:s21], [sflag:$0x1] =	stream.linear.gather [hbm4b:s30+s1], $0x4000, $0x38;
	[tilespmem:$0x10800] =	vst v63  }
.LBB2_20:
0x2a: {  	s28 =	sadd.s32 $0x1, s28  }
0x2b: {  	p1 =	sne.s32 s28, $0x31  }
.Ltmp3:
0x2c: {  	_ = 	snop;
	(pc) =	sbr.rel @!p1 .LBB2_21-.Ltmp3, $1  }
0x2d: {  	_ =	sdelay $0x3  }
.LBB2_2:
0x2e: {  	s30 =	sshll.u32 s28, $0x2  }
0x2f: {  	s0 =	smax.u32 s30, $0x2  }
0x30: {  	p1 =	seq.s32 s28, $0x0;
	s1 =	rddreg [dreg:$0xc];
	s0 =	sshll.u32 s0, $0x5  }
0x31: {  	p2 =	sge.u32 @!p1 s0, s1  }
0x32: {  	p2 =	por p2, p1  }
0x33: {  	s1 =	simm.s32 @!p2 $0x2  }
0x34: {  	_ =	swait.ge @!p2 [sflag:s1], $0x4000  }
0x35: {  	s0 =	sshll.u32 s28, $0x7;
	s2 =	rddreg [dreg:$0xd]  }
0x36: {  	[sflag:s1] =	ssyncset.done @!p2 $0x0;
	s2 =	sor.u32 s2, s0  }
0x37: {  	[sflag:s1] =	ssyncadd.s32 @!p2 $0xFFFFC000;
	[dreg:$0x13] =	wrdreg s2;
	s2 =	sshll.u32 s2, $0xB  }
0x38: {  	[dreg:$0x12] =	wrdreg s2;
	s24 =	sadd.s32 s31, s2;
	s2 =	simm.s32 $0x0  }
0x39: {  	[tilespmem:s22], [sflag:$0x1] =	stream.linear.gather [hbm4b:s24+s2], $0x4000, $0x38;
	[tilespmem:$0x10800] =	vst v63  }
0x3a: {  	s8 =	sand.u32 $0x1C00, s2;
	_ =	swait.ge [sflag:s23], $0x4000  }
0x3b: {  	s4 =	sand.u32 $0x60, s2;
	s3 =	sadd.s32 $0x800, s8;
	[sflag:s23] =	ssyncset.done $0x0  }
0x3c: {  	s5 =	sor.u32 s4, s3;
	[sflag:s23] =	ssyncadd.s32 $0xFFFFC000  }
0x3d: {  	v1 =	vld [tilespmem:s5+$0x280]  }
0x3e: {  	v2 =	vld [tilespmem:s5+$0x200]  }
0x3f: {  	v3 =	vld [tilespmem:s5+$0x80]  }
0x40: {  	v4 =	vld [tilespmem:s5+$0x180]  }
0x41: {  	v5 =	vld [tilespmem:s5+$0x0]  }
0x42: {  	v6 =	vld [tilespmem:s5+$0x100];
	v1 =	vmul.f32 $6.400000000e+01, v1  }
0x43: {  	v2 =	vmul.f32 $6.400000000e+01, v2  }
0x44: {  	[tilespmem:s5+$0x280] =	vst v1;
	v1 =	vmul.f32 $6.400000000e+01, v3  }
0x45: {  	v3 =	vmul.f32 $6.400000000e+01, v4;
	[tilespmem:s5+$0x200] =	vst v2  }
0x46: {  	s6 =	sand.u32 $0x3, s2;
	v2 =	vmul.f32 $6.400000000e+01, v5;
	[tilespmem:s5+$0x80] =	vst v1  }
0x47: {  	s6 =	sshll.u32 s6, $0x5;
	v1 =	vmul.f32 $6.400000000e+01, v6;
	[tilespmem:s5+$0x180] =	vst v3  }
0x48: {  	s7 =	sadd.s32 $0x0, s6;
	[tilespmem:s5+$0x0] =	vst v2  }
0x49: {  	s14 =	sor.u32 $0x300, s7;
	[tilespmem:s5+$0x100] =	vst v1  }
0x4a: {  	v1 =	vld [tilespmem:s14+$0x800];
	_ =	sdelay $0x4  }
0x4b: {  	v1 =	vmul.f32 $6.400000000e+01, v1  }
0x4c: {  	s15 =	sor.u32 s2, s2  }
0x4d: {  	s6 =	sor.u32 $0x380, s15;
	[tilespmem:s14+$0x800] =	vst v1  }
0x4e: {  	v1 =	vld [tilespmem:s6+$0x800];
	_ =	sdelay $0x4  }
0x4f: {  	v1 =	vmul.f32 $6.400000000e+01, v1  }
0x50: {  	s5 =	sadd.s32 $0x2800, s8  }
0x51: {  	s9 =	sor.u32 s4, s5;
	[tilespmem:s6+$0x800] =	vst v1  }
0x52: {  	v1 =	vld [tilespmem:s9+$0x0];
	_ =	sdelay $0x4  }
0x53: {  	v1 =	vmul.f32 $6.400000000e+01, v1  }
0x54: {  	s6 =	sadd.s32 $0x2880, s8  }
0x55: {  	s16 =	sor.u32 s4, s6;
	[tilespmem:s9+$0x0] =	vst v1  }
0x56: {  	v1 =	vld [tilespmem:s16+$0x0];
	_ =	sdelay $0x4  }
0x57: {  	v1 =	vmul.f32 $6.400000000e+01, v1  }
0x58: {  	s10 =	sadd.s32 $0x2900, s8  }
0x59: {  	s17 =	sor.u32 s4, s10;
	[tilespmem:s16+$0x0] =	vst v1  }
0x5a: {  	v1 =	vld [tilespmem:s17+$0x0];
	_ =	sdelay $0x4  }
0x5b: {  	v1 =	vmul.f32 $6.400000000e+01, v1  }
0x5c: {  	s11 =	sadd.s32 $0x2980, s8  }
0x5d: {  	s18 =	sor.u32 s4, s11;
	[tilespmem:s17+$0x0] =	vst v1  }
0x5e: {  	v1 =	vld [tilespmem:s18+$0x0];
	_ =	sdelay $0x4  }
0x5f: {  	v1 =	vmul.f32 $6.400000000e+01, v1  }
0x60: {  	s12 =	sadd.s32 $0x2A00, s8  }
0x61: {  	s19 =	sor.u32 s4, s12;
	[tilespmem:s18+$0x0] =	vst v1  }
0x62: {  	v1 =	vld [tilespmem:s19+$0x0];
	_ =	sdelay $0x4  }
0x63: {  	v1 =	vmul.f32 $6.400000000e+01, v1  }
0x64: {  	s13 =	sadd.s32 $0x2A80, s8  }
0x65: {  	s24 =	sor.u32 s4, s13;
	[tilespmem:s19+$0x0] =	vst v1  }
0x66: {  	v1 =	vld [tilespmem:s24+$0x0];
	_ =	sdelay $0x4  }
0x67: {  	v1 =	vmul.f32 $6.400000000e+01, v1  }
0x68: {  	s26 =	rddreg [dreg:$0x5];
	s14 =	sadd.s32 $0x2B00, s8  }
0x69: {  	s29 =	sor.u32 s26, s0;
	s26 =	sor.u32 s4, s14;
	[tilespmem:s24+$0x0] =	vst v1  }
0x6a: {  	v1 =	vld [tilespmem:s26+$0x0];
	_ =	sdelay $0x4  }
0x6b: {  	v1 =	vmul.f32 $6.400000000e+01, v1  }
0x6c: {  	s8 =	sadd.s32 $0x2B80, s8  }
0x6d: {  	s15 =	sor.u32 s4, s8;
	[tilespmem:s26+$0x0] =	vst v1  }
0x6e: {  	v1 =	vld [tilespmem:s15+$0x0];
	_ =	sdelay $0x4  }
0x6f: {  	v1 =	vmul.f32 $6.400000000e+01, v1  }
0x70: {  	s9 =	sor.u32 $0x10, s4  }
0x71: {  	s1 =	sor.u32 s9, s3;
	[tilespmem:s15+$0x0] =	vst v1  }
0x72: {  	v1 =	vld [tilespmem:s1+$0x280]  }
0x73: {  	v2 =	vld [tilespmem:s1+$0x200]  }
0x74: {  	v3 =	vld [tilespmem:s1+$0x180]  }
0x75: {  	v61 =	vld [tilespmem:s1+$0x100]  }
0x76: {  	v62 =	vld [tilespmem:s1+$0x80]  }
0x77: {  	v63 =	vld [tilespmem:s1+$0x0];
	v1 =	vmul.f32 $6.400000000e+01, v1  }
0x78: {  	v2 =	vmul.f32 $6.400000000e+01, v2  }
0x79: {  	v3 =	vmul.f32 $6.400000000e+01, v3;
	[tilespmem:s1+$0x280] =	vst v1  }
0x7a: {  	v1 =	vmul.f32 $6.400000000e+01, v61;
	[tilespmem:s1+$0x200] =	vst v2  }
0x7b: {  	v2 =	vmul.f32 $6.400000000e+01, v62;
	[tilespmem:s1+$0x180] =	vst v3  }
0x7c: {  	v3 =	vmul.f32 $6.400000000e+01, v63;
	[tilespmem:s1+$0x100] =	vst v1  }
0x7d: {  	s3 =	sadd.s32 $0x10, s7;
	[tilespmem:s1+$0x80] =	vst v2  }
0x7e: {  	s7 =	sor.u32 $0x300, s3;
	[tilespmem:s1+$0x0] =	vst v3  }
0x7f: {  	v1 =	vld [tilespmem:s7+$0x800];
	_ =	sdelay $0x4  }
0x80: {  	v1 =	vmul.f32 $6.400000000e+01, v1;
	_ =	sdelay $0x1  }
0x81: {  	s15 =	sor.u32 $0x380, s3;
	[tilespmem:s7+$0x800] =	vst v1  }
0x82: {  	v1 =	vld [tilespmem:s15+$0x800];
	_ =	sdelay $0x4  }
0x83: {  	v1 =	vmul.f32 $6.400000000e+01, v1;
	_ =	sdelay $0x1  }
0x84: {  	s16 =	sor.u32 s9, s5;
	[tilespmem:s15+$0x800] =	vst v1  }
0x85: {  	v1 =	vld [tilespmem:s16+$0x0];
	_ =	sdelay $0x4  }
0x86: {  	v1 =	vmul.f32 $6.400000000e+01, v1;
	_ =	sdelay $0x1  }
0x87: {  	s17 =	sor.u32 s9, s6;
	[tilespmem:s16+$0x0] =	vst v1  }
0x88: {  	v1 =	vld [tilespmem:s17+$0x0];
	_ =	sdelay $0x4  }
0x89: {  	v1 =	vmul.f32 $6.400000000e+01, v1;
	_ =	sdelay $0x1  }
0x8a: {  	s18 =	sor.u32 s9, s10;
	[tilespmem:s17+$0x0] =	vst v1  }
0x8b: {  	v1 =	vld [tilespmem:s18+$0x0];
	_ =	sdelay $0x4  }
0x8c: {  	v1 =	vmul.f32 $6.400000000e+01, v1;
	_ =	sdelay $0x1  }
0x8d: {  	s19 =	sor.u32 s9, s11;
	[tilespmem:s18+$0x0] =	vst v1  }
0x8e: {  	v1 =	vld [tilespmem:s19+$0x0];
	_ =	sdelay $0x4  }
0x8f: {  	v1 =	vmul.f32 $6.400000000e+01, v1;
	_ =	sdelay $0x1  }
0x90: {  	s24 =	sor.u32 s9, s12;
	[tilespmem:s19+$0x0] =	vst v1  }
0x91: {  	v1 =	vld [tilespmem:s24+$0x0];
	_ =	sdelay $0x4  }
0x92: {  	v1 =	vmul.f32 $6.400000000e+01, v1;
	_ =	sdelay $0x1  }
0x93: {  	s26 =	sor.u32 s9, s13;
	[tilespmem:s24+$0x0] =	vst v1  }
0x94: {  	v1 =	vld [tilespmem:s26+$0x0];
	_ =	sdelay $0x4  }
0x95: {  	v1 =	vmul.f32 $6.400000000e+01, v1;
	_ =	sdelay $0x1  }
0x96: {  	s1 =	sor.u32 s9, s14;
	[tilespmem:s26+$0x0] =	vst v1  }
0x97: {  	v1 =	vld [tilespmem:s1+$0x0];
	_ =	sdelay $0x2  }
0x98: {  	s12 =	simm.s32 $0x20;
	s7 =	simm.s32 $0x0;
	s18 =	simm.s32 $0x0  }
.LBB2_3:
0x99: {  	s7 =	sadd.s32 $0x2, s7;
	s2 =	sadd.s32 $0x100, s2;
	s18 =	sadd.s32 $0x1, s18  }
0x9a: {  	p2 =	slt.u32 s7, $0x3E;
	v1 =	vmul.f32 $6.400000000e+01, v1;
	_ =	sdelay $0x1  }
0x9b: {  	[tilespmem:s1+$0x0] =	vst v1;
	s1 =	sor.u32 s9, s8  }
0x9c: {  	v1 =	vld [tilespmem:s1+$0x0];
	_ =	sdelay $0x4  }
0x9d: {  	s8 =	sand.u32 $0x1C00, s2;
	v1 =	vmul.f32 $6.400000000e+01, v1  }
0x9e: {  	s16 =	sand.u32 $0x60, s12;
	s14 =	sadd.s32 $0x800, s8;
	s13 =	sadd.s32 $0x2800, s8  }
0x9f: {  	s11 =	sadd.s32 $0x2880, s8;
	s5 =	sadd.s32 $0x2900, s8;
	s15 =	sor.u32 s16, s14;
	[tilespmem:s1+$0x0] =	vst v1  }
0xa0: {  	s4 =	sadd.s32 $0x2A00, s8;
	s10 =	sadd.s32 $0x2A80, s8;
	s1 =	sadd.s32 $0x2980, s8;
	v1 =	vld [tilespmem:s15+$0x280]  }
0xa1: {  	s9 =	sor.u32 $0x10, s16;
	s6 =	sadd.s32 $0x2B00, s8;
	s8 =	sadd.s32 $0x2B80, s8;
	v2 =	vld [tilespmem:s15+$0x200]  }
0xa2: {  	v3 =	vld [tilespmem:s15+$0x0]  }
0xa3: {  	v4 =	vld [tilespmem:s15+$0x80]  }
0xa4: {  	v5 =	vld [tilespmem:s15+$0x180]  }
0xa5: {  	v6 =	vld [tilespmem:s15+$0x100];
	v1 =	vmul.f32 $6.400000000e+01, v1  }
0xa6: {  	v2 =	vmul.f32 $6.400000000e+01, v2  }
0xa7: {  	[tilespmem:s15+$0x280] =	vst v1  }
0xa8: {  	v1 =	vmul.f32 $6.400000000e+01, v3;
	v3 =	vmul.f32 $6.400000000e+01, v4  }
0xa9: {  	v4 =	vmul.f32 $6.400000000e+01, v5;
	[tilespmem:s15+$0x200] =	vst v2  }
0xaa: {  	s17 =	sand.u32 $0x3, s18;
	[tilespmem:s15+$0x80] =	vst v3;
	v2 =	vmul.f32 $6.400000000e+01, v6  }
0xab: {  	s17 =	sshll.u32 s17, $0x5;
	[tilespmem:s15+$0x180] =	vst v4  }
0xac: {  	s17 =	sadd.s32 s17, s2;
	[tilespmem:s15+$0x0] =	vst v1  }
0xad: {  	s19 =	sor.u32 $0x300, s17;
	[tilespmem:s15+$0x100] =	vst v2;
	s15 =	sadd.s32 $0x10, s17  }
0xae: {  	v1 =	vld [tilespmem:s19+$0x800];
	_ =	sdelay $0x4  }
0xaf: {  	v1 =	vmul.f32 $6.400000000e+01, v1  }
0xb0: {  	s17 =	sor.u32 s2, s12  }
0xb1: {  	s17 =	sor.u32 $0x380, s17;
	[tilespmem:s19+$0x800] =	vst v1  }
0xb2: {  	v1 =	vld [tilespmem:s17+$0x800];
	_ =	sdelay $0x4  }
0xb3: {  	v1 =	vmul.f32 $6.400000000e+01, v1;
	_ =	sdelay $0x1  }
0xb4: {  	[tilespmem:s17+$0x800] =	vst v1;
	s17 =	sor.u32 s16, s13  }
0xb5: {  	v1 =	vld [tilespmem:s17+$0x0];
	_ =	sdelay $0x4  }
0xb6: {  	v1 =	vmul.f32 $6.400000000e+01, v1;
	_ =	sdelay $0x1  }
0xb7: {  	[tilespmem:s17+$0x0] =	vst v1;
	s17 =	sor.u32 s16, s11  }
0xb8: {  	v1 =	vld [tilespmem:s17+$0x0];
	_ =	sdelay $0x4  }
0xb9: {  	v1 =	vmul.f32 $6.400000000e+01, v1;
	_ =	sdelay $0x1  }
0xba: {  	[tilespmem:s17+$0x0] =	vst v1;
	s17 =	sor.u32 s16, s5  }
0xbb: {  	v1 =	vld [tilespmem:s17+$0x0];
	_ =	sdelay $0x4  }
0xbc: {  	v1 =	vmul.f32 $6.400000000e+01, v1;
	_ =	sdelay $0x1  }
0xbd: {  	[tilespmem:s17+$0x0] =	vst v1;
	s17 =	sor.u32 s16, s1  }
0xbe: {  	v1 =	vld [tilespmem:s17+$0x0];
	_ =	sdelay $0x4  }
0xbf: {  	v1 =	vmul.f32 $6.400000000e+01, v1;
	_ =	sdelay $0x1  }
0xc0: {  	[tilespmem:s17+$0x0] =	vst v1;
	s17 =	sor.u32 s16, s4  }
0xc1: {  	v1 =	vld [tilespmem:s17+$0x0];
	_ =	sdelay $0x4  }
0xc2: {  	v1 =	vmul.f32 $6.400000000e+01, v1;
	_ =	sdelay $0x1  }
0xc3: {  	[tilespmem:s17+$0x0] =	vst v1;
	s17 =	sor.u32 s16, s10  }
0xc4: {  	v1 =	vld [tilespmem:s17+$0x0];
	_ =	sdelay $0x4  }
0xc5: {  	v1 =	vmul.f32 $6.400000000e+01, v1;
	_ =	sdelay $0x1  }
0xc6: {  	[tilespmem:s17+$0x0] =	vst v1;
	s17 =	sor.u32 s16, s6  }
0xc7: {  	v1 =	vld [tilespmem:s17+$0x0];
	_ =	sdelay $0x4  }
0xc8: {  	v1 =	vmul.f32 $6.400000000e+01, v1;
	_ =	sdelay $0x1  }
0xc9: {  	s16 =	sor.u32 s16, s8;
	[tilespmem:s17+$0x0] =	vst v1  }
0xca: {  	v1 =	vld [tilespmem:s16+$0x0];
	_ =	sdelay $0x4  }
0xcb: {  	v1 =	vmul.f32 $6.400000000e+01, v1;
	_ =	sdelay $0x1  }
0xcc: {  	s14 =	sor.u32 s9, s14;
	[tilespmem:s16+$0x0] =	vst v1  }
0xcd: {  	v1 =	vld [tilespmem:s14+$0x280]  }
0xce: {  	v2 =	vld [tilespmem:s14+$0x200]  }
0xcf: {  	v3 =	vld [tilespmem:s14+$0x180]  }
0xd0: {  	v4 =	vld [tilespmem:s14+$0x100]  }
0xd1: {  	v5 =	vld [tilespmem:s14+$0x80]  }
0xd2: {  	v6 =	vld [tilespmem:s14+$0x0];
	v1 =	vmul.f32 $6.400000000e+01, v1  }
0xd3: {  	v2 =	vmul.f32 $6.400000000e+01, v2  }
0xd4: {  	v3 =	vmul.f32 $6.400000000e+01, v3;
	[tilespmem:s14+$0x280] =	vst v1  }
0xd5: {  	v1 =	vmul.f32 $6.400000000e+01, v4;
	[tilespmem:s14+$0x200] =	vst v2  }
0xd6: {  	v2 =	vmul.f32 $6.400000000e+01, v5;
	[tilespmem:s14+$0x180] =	vst v3  }
0xd7: {  	v3 =	vmul.f32 $6.400000000e+01, v6;
	[tilespmem:s14+$0x100] =	vst v1  }
0xd8: {  	[tilespmem:s14+$0x80] =	vst v2  }
0xd9: {  	[tilespmem:s14+$0x0] =	vst v3;
	s14 =	sor.u32 $0x300, s15  }
0xda: {  	v1 =	vld [tilespmem:s14+$0x800];
	_ =	sdelay $0x4  }
0xdb: {  	v1 =	vmul.f32 $6.400000000e+01, v1;
	_ =	sdelay $0x1  }
0xdc: {  	[tilespmem:s14+$0x800] =	vst v1;
	s14 =	sor.u32 $0x380, s15  }
0xdd: {  	v1 =	vld [tilespmem:s14+$0x800];
	_ =	sdelay $0x4  }
0xde: {  	v1 =	vmul.f32 $6.400000000e+01, v1;
	_ =	sdelay $0x1  }
0xdf: {  	s13 =	sor.u32 s9, s13;
	[tilespmem:s14+$0x800] =	vst v1  }
0xe0: {  	v1 =	vld [tilespmem:s13+$0x0];
	_ =	sdelay $0x4  }
0xe1: {  	v1 =	vmul.f32 $6.400000000e+01, v1;
	_ =	sdelay $0x1  }
0xe2: {  	s11 =	sor.u32 s9, s11;
	[tilespmem:s13+$0x0] =	vst v1  }
0xe3: {  	v1 =	vld [tilespmem:s11+$0x0];
	_ =	sdelay $0x4  }
0xe4: {  	v1 =	vmul.f32 $6.400000000e+01, v1;
	_ =	sdelay $0x1  }
0xe5: {  	s5 =	sor.u32 s9, s5;
	[tilespmem:s11+$0x0] =	vst v1  }
0xe6: {  	v1 =	vld [tilespmem:s5+$0x0];
	_ =	sdelay $0x4  }
0xe7: {  	v1 =	vmul.f32 $6.400000000e+01, v1;
	_ =	sdelay $0x1  }
0xe8: {  	s1 =	sor.u32 s9, s1;
	[tilespmem:s5+$0x0] =	vst v1  }
0xe9: {  	v1 =	vld [tilespmem:s1+$0x0];
	_ =	sdelay $0x4  }
0xea: {  	v1 =	vmul.f32 $6.400000000e+01, v1;
	_ =	sdelay $0x1  }
0xeb: {  	[tilespmem:s1+$0x0] =	vst v1;
	s1 =	sor.u32 s9, s4  }
0xec: {  	v1 =	vld [tilespmem:s1+$0x0];
	_ =	sdelay $0x4  }
0xed: {  	v1 =	vmul.f32 $6.400000000e+01, v1;
	_ =	sdelay $0x1  }
0xee: {  	[tilespmem:s1+$0x0] =	vst v1;
	s1 =	sor.u32 s9, s10  }
0xef: {  	v1 =	vld [tilespmem:s1+$0x0];
	_ =	sdelay $0x4  }
0xf0: {  	v1 =	vmul.f32 $6.400000000e+01, v1;
	_ =	sdelay $0x1  }
.Ltmp4:
0xf1: {  	[tilespmem:s1+$0x0] =	vst v1;
	s1 =	sor.u32 s9, s6;
	(pc) =	sbr.rel @p2 .LBB2_3-.Ltmp4, $2  }
0xf2: {  	v1 =	vld [tilespmem:s1+$0x0];
	_ =	sdelay $0x2  }
0xf3: {  	s12 =	sadd.s32 $0x20, s12  }
0xf4: {  	_ = 	snop  }
0xf5: {  	v1 =	vmul.f32 $6.400000000e+01, v1;
	_ =	sdelay $0x1  }
0xf6: {  	s24 =	sor.u32 s9, s8;
	[tilespmem:s1+$0x0] =	vst v1  }
0xf7: {  	v1 =	vld [tilespmem:s24+$0x0];
	_ =	sdelay $0x4  }
0xf8: {  	v1 =	vmul.f32 $6.400000000e+01, v1;
	_ =	sdelay $0x1  }
0xf9: {  	s2 =	simm.s32 $0x0;
	[tilespmem:s24+$0x0] =	vst v1  }
0xfa: {  	v2 =	vld [tilespmem:s2+$0x0];
	_ =	sdelay $0x2  }
0xfb: {  	s26 =	sshll.u32 s29, $0x4  }
0xfc: {  	v1 =	vmov s26  }
0xfd: {  	v2 =	vsub.s32 v2, v1  }
0xfe: {  	vm0 =	vgt.s32 v2, $0x0  }
0xff: {  	v4 =	vmov s2;
	v3 =	vnsel vm0, $0x0, v2  }
0x100: {  	v5 =	vor.u32 s2, v0;
	v4 =	vshll.u32 v4, $0x3;
	v3 =	vmin.u32 v3, $0xF  }
0x101: {  	v5 =	vand.u32 $0x7F, v5;
	v4 =	vand.u32 $0x1C00, v4;
	v6 =	vshll.u32 v3, $0xA  }
0x102: {  	v4 =	vor.u32 v4, v5;
	v3 =	vshll.u32 v3, $0x7;
	v6 =	vand.u32 $0x2000, v6  }
0x103: {  	vm15 =	vlt.u32 v2, $0x10;
	v2 =	vand.u32 $0x380, v3;
	v3 =	vor.u32 v6, v4  }
0x104: {  	v2 =	vor.u32 v2, v3;
	_ =	sdelay $0x2  }
0x105: {  	s1 =	simm.s32 $0x400  }
0x106: {  	v63 =	vld [tilespmem:s1+$0x0]  }
0x107: {  	v3 =	vld.idx.msk [tilespmem:v2+s20+$0x0], vm15;
	_ =	sdelay $0x4  }
0x108: {  	v3 =	vsub.f32 v3, v63;
	_ =	sdelay $0x1  }
0x109: {  	s2 =	simm.s32 $0x10;
	[tilespmem:v2+s20+$0x0] =	vst.idx.msk vm15, v3  }
0x10a: {  	s4 =	simm.s32 $0x20;
	s5 =	simm.s32 $0x10;
	v2 =	vld [tilespmem:s2+$0x0]  }
.LBB2_5:
0x10b: {  	p2 =	sne.s32 s4, $0x3F0;
	_ =	sdelay $0x3  }
0x10c: {  	v2 =	vsub.s32 v2, v1  }
0x10d: {  	vm0 =	vgt.s32 v2, $0x0  }
0x10e: {  	v4 =	vmov s2;
	v3 =	vnsel vm0, $0x0, v2  }
0x10f: {  	v5 =	vor.u32 s2, v0;
	s2 =	smov.u32 s4;
	v4 =	vshll.u32 v4, $0x3;
	v3 =	vmin.u32 v3, $0xF  }
0x110: {  	v5 =	vand.u32 $0x7F, v5;
	v4 =	vand.u32 $0x1C00, v4;
	v6 =	vshll.u32 v3, $0xA  }
0x111: {  	v4 =	vor.u32 v4, v5;
	v3 =	vshll.u32 v3, $0x7;
	v6 =	vand.u32 $0x2000, v6  }
0x112: {  	vm0 =	vlt.u32 v2, $0x10;
	v2 =	vand.u32 $0x380, v3;
	v3 =	vor.u32 v6, v4  }
0x113: {  	v2 =	vor.u32 v2, v3;
	_ =	sdelay $0x4  }
0x114: {  	s1 =	sadd.s32 $0x10, s1;
	v3 =	vld.idx.msk [tilespmem:v2+s20+$0x0], vm0  }
0x115: {  	v4 =	vld [tilespmem:s1+$0x0];
	_ =	sdelay $0x3  }
.Ltmp5:
0x116: {  	(pc) =	sbr.rel @p2 .LBB2_5-.Ltmp5, $3  }
0x117: {  	v3 =	vsub.f32 v3, v4;
	_ =	sdelay $0x1  }
0x118: {  	s5 =	sadd.s32 $0x10, s5;
	[tilespmem:v2+s20+$0x0] =	vst.idx.msk vm0, v3  }
0x119: {  	s4 =	sadd.s32 $0x10, s4;
	v2 =	vld [tilespmem:s5+$0x0]  }
0x11a: {  	_ =	sdelay $0x3  }
0x11b: {  	v1 =	vsub.s32 v2, v1  }
0x11c: {  	vm0 =	vgt.s32 v1, $0x0  }
0x11d: {  	v3 =	vmov s2;
	v2 =	vnsel vm0, $0x0, v1  }
0x11e: {  	v4 =	vor.u32 s2, v0;
	v3 =	vshll.u32 v3, $0x3;
	v2 =	vmin.u32 v2, $0xF  }
0x11f: {  	v4 =	vand.u32 $0x7F, v4;
	v3 =	vand.u32 $0x1C00, v3;
	v5 =	vshll.u32 v2, $0xA  }
0x120: {  	v3 =	vor.u32 v3, v4;
	v2 =	vshll.u32 v2, $0x7;
	v5 =	vand.u32 $0x2000, v5  }
0x121: {  	vm15 =	vlt.u32 v1, $0x10;
	v1 =	vand.u32 $0x380, v2;
	v2 =	vor.u32 v5, v3  }
0x122: {  	v1 =	vor.u32 v1, v2;
	_ =	sdelay $0x2  }
0x123: {  	s1 =	sadd.s32 $0x10, s1  }
0x124: {  	v3 =	vld [tilespmem:s1+$0x0]  }
0x125: {  	v2 =	vld.idx.msk [tilespmem:v1+s20+$0x0], vm15;
	_ =	sdelay $0x4  }
0x126: {  	v2 =	vsub.f32 v2, v3  }
0x127: {  	s13 =	sshll.u32 s29, $0xB;
	s14 =	rddreg [dreg:$0x3]  }
0x128: {  	s15 =	simm.s32 $0x0;
	s16 =	smax.u32 s30, $0x1;
	s1 =	sadd.s32 s14, s13;
	[tilespmem:v1+s20+$0x0] =	vst.idx.msk vm15, v2  }
0x129: {  	[hbm4b:s1+s15] =	stream.linear.scatter [tilespmem:s20], [sflag:$0x2], $0x4000, $0x38;
	[tilespmem:$0x10800] =	vst v63  }
0x12a: {  	s2 =	rddreg [dreg:$0xe];
	s1 =	sshll.u32 s16, $0x5  }
0x12b: {  	p2 =	sge.u32 @!p1 s1, s2  }
0x12c: {  	p2 =	por p2, p1  }
0x12d: {  	s1 =	simm.s32 @!p2 $0x2  }
0x12e: {  	_ =	swait.ge @!p2 [sflag:s1], $0x4000  }
0x12f: {  	s17 =	rddreg [dreg:$0xf]  }
0x130: {  	s29 =	sor.u32 s17, s0  }
0x131: {  	[sflag:s1] =	ssyncset.done @!p2 $0x0;
	p1 =	sgt.u32 s29, $0x1869  }
0x132: {  	s19 =	simm.s32 $0x0;
	[sflag:s1] =	ssyncadd.s32 @!p2 $0xFFFFC000;
	s1 =	sshll.u32 @!p1 s29, $0xB  }
0x133: {  	s2 =	simm.s32 @!p1 $0x0;
	s4 =	simm.s32 @!p1 $0xC800;
	s1 =	sadd.s32 @!p1 s31, s1  }
0x134: {  	[tilespmem:s4], [sflag:$0x1] =	stream.linear.gather @!p1 [hbm4b:s1+s2], $0x4000, $0x38;
	[tilespmem:$0x10800] =	vst v63  }
0x135: {  	s9 =	sand.u32 $0x1C00, s19;
	_ =	swait.ge [sflag:s23], $0x4000  }
0x136: {  	s4 =	sand.u32 $0x60, s19;
	s1 =	sadd.s32 $0x4800, s9;
	[sflag:s23] =	ssyncset.done $0x0  }
0x137: {  	s5 =	sor.u32 s4, s1;
	[sflag:s23] =	ssyncadd.s32 $0xFFFFC000  }
0x138: {  	v1 =	vld [tilespmem:s5+$0x0];
	_ =	sdelay $0x4  }
0x139: {  	v1 =	vmul.f32 $6.400000000e+01, v1  }
0x13a: {  	s2 =	sadd.s32 $0x4880, s9  }
0x13b: {  	s6 =	sor.u32 s4, s2;
	[tilespmem:s5+$0x0] =	vst v1  }
0x13c: {  	v1 =	vld [tilespmem:s6+$0x0];
	_ =	sdelay $0x4  }
0x13d: {  	v1 =	vmul.f32 $6.400000000e+01, v1  }
0x13e: {  	s5 =	sadd.s32 $0x4900, s9  }
0x13f: {  	s7 =	sor.u32 s4, s5;
	[tilespmem:s6+$0x0] =	vst v1  }
0x140: {  	v1 =	vld [tilespmem:s7+$0x0];
	_ =	sdelay $0x4  }
0x141: {  	v1 =	vmul.f32 $6.400000000e+01, v1  }
0x142: {  	s6 =	sadd.s32 $0x4980, s9  }
0x143: {  	s8 =	sor.u32 s4, s6;
	[tilespmem:s7+$0x0] =	vst v1  }
0x144: {  	v1 =	vld [tilespmem:s8+$0x0];
	_ =	sdelay $0x4  }
0x145: {  	v1 =	vmul.f32 $6.400000000e+01, v1  }
0x146: {  	s7 =	sadd.s32 $0x4A00, s9  }
0x147: {  	s10 =	sor.u32 s4, s7;
	[tilespmem:s8+$0x0] =	vst v1  }
0x148: {  	v1 =	vld [tilespmem:s10+$0x0];
	_ =	sdelay $0x4  }
0x149: {  	v1 =	vmul.f32 $6.400000000e+01, v1  }
0x14a: {  	s8 =	sadd.s32 $0x4A80, s9  }
0x14b: {  	s11 =	sor.u32 s4, s8;
	[tilespmem:s10+$0x0] =	vst v1  }
0x14c: {  	v1 =	vld [tilespmem:s11+$0x0];
	_ =	sdelay $0x4  }
0x14d: {  	v1 =	vmul.f32 $6.400000000e+01, v1  }
0x14e: {  	s10 =	sadd.s32 $0x4B00, s9  }
0x14f: {  	s12 =	sor.u32 s4, s10;
	[tilespmem:s11+$0x0] =	vst v1  }
0x150: {  	v1 =	vld [tilespmem:s12+$0x0];
	_ =	sdelay $0x4  }
0x151: {  	v1 =	vmul.f32 $6.400000000e+01, v1  }
0x152: {  	s11 =	sadd.s32 $0x4B80, s9  }
0x153: {  	s13 =	sor.u32 s4, s11;
	[tilespmem:s12+$0x0] =	vst v1  }
0x154: {  	v1 =	vld [tilespmem:s13+$0x0];
	_ =	sdelay $0x4  }
0x155: {  	v1 =	vmul.f32 $6.400000000e+01, v1  }
0x156: {  	s12 =	sadd.s32 $0x6800, s9  }
0x157: {  	s14 =	sor.u32 s4, s12;
	[tilespmem:s13+$0x0] =	vst v1  }
0x158: {  	v1 =	vld [tilespmem:s14+$0x0];
	_ =	sdelay $0x4  }
0x159: {  	v1 =	vmul.f32 $6.400000000e+01, v1  }
0x15a: {  	s13 =	sadd.s32 $0x6880, s9  }
0x15b: {  	s15 =	sor.u32 s4, s13;
	[tilespmem:s14+$0x0] =	vst v1  }
0x15c: {  	v1 =	vld [tilespmem:s15+$0x0];
	_ =	sdelay $0x4  }
0x15d: {  	v1 =	vmul.f32 $6.400000000e+01, v1  }
0x15e: {  	s14 =	sadd.s32 $0x6900, s9  }
0x15f: {  	s16 =	sor.u32 s4, s14;
	[tilespmem:s15+$0x0] =	vst v1  }
0x160: {  	v1 =	vld [tilespmem:s16+$0x0];
	_ =	sdelay $0x4  }
0x161: {  	v1 =	vmul.f32 $6.400000000e+01, v1  }
0x162: {  	s15 =	sadd.s32 $0x6980, s9  }
0x163: {  	s17 =	sor.u32 s4, s15;
	[tilespmem:s16+$0x0] =	vst v1  }
0x164: {  	v1 =	vld [tilespmem:s17+$0x0];
	_ =	sdelay $0x4  }
0x165: {  	v1 =	vmul.f32 $6.400000000e+01, v1  }
0x166: {  	s24 =	sadd.s32 $0x6A00, s9;
	s18 =	rddreg [dreg:$0x10]  }
0x167: {  	s0 =	sor.u32 s18, s0;
	s18 =	sor.u32 s4, s24;
	[tilespmem:s17+$0x0] =	vst v1  }
0x168: {  	v1 =	vld [tilespmem:s18+$0x0];
	_ =	sdelay $0x4  }
0x169: {  	v1 =	vmul.f32 $6.400000000e+01, v1  }
0x16a: {  	s17 =	sadd.s32 $0x6A80, s9  }
0x16b: {  	s19 =	sor.u32 s4, s17;
	[tilespmem:s18+$0x0] =	vst v1  }
0x16c: {  	v1 =	vld [tilespmem:s19+$0x0];
	_ =	sdelay $0x4  }
0x16d: {  	v1 =	vmul.f32 $6.400000000e+01, v1  }
0x16e: {  	s18 =	sadd.s32 $0x6B00, s9  }
0x16f: {  	s26 =	sor.u32 s4, s18;
	[tilespmem:s19+$0x0] =	vst v1  }
0x170: {  	v1 =	vld [tilespmem:s26+$0x0];
	_ =	sdelay $0x4  }
0x171: {  	v1 =	vmul.f32 $6.400000000e+01, v1  }
0x172: {  	s9 =	sadd.s32 $0x6B80, s9  }
0x173: {  	s3 =	smov.u32 s31;
	s31 =	sor.u32 s4, s9;
	[tilespmem:s26+$0x0] =	vst v1  }
0x174: {  	v1 =	vld [tilespmem:s31+$0x0];
	_ =	sdelay $0x4  }
0x175: {  	v1 =	vmul.f32 $6.400000000e+01, v1  }
0x176: {  	s4 =	sor.u32 $0x10, s4  }
0x177: {  	s1 =	sor.u32 s4, s1;
	[tilespmem:s31+$0x0] =	vst v1  }
0x178: {  	v1 =	vld [tilespmem:s1+$0x0];
	_ =	sdelay $0x4  }
0x179: {  	v1 =	vmul.f32 $6.400000000e+01, v1;
	_ =	sdelay $0x1  }
0x17a: {  	s2 =	sor.u32 s4, s2;
	[tilespmem:s1+$0x0] =	vst v1  }
0x17b: {  	v1 =	vld [tilespmem:s2+$0x0];
	_ =	sdelay $0x4  }
0x17c: {  	v1 =	vmul.f32 $6.400000000e+01, v1;
	_ =	sdelay $0x1  }
0x17d: {  	s5 =	sor.u32 s4, s5;
	[tilespmem:s2+$0x0] =	vst v1  }
0x17e: {  	v1 =	vld [tilespmem:s5+$0x0];
	_ =	sdelay $0x4  }
0x17f: {  	v1 =	vmul.f32 $6.400000000e+01, v1;
	_ =	sdelay $0x1  }
0x180: {  	s6 =	sor.u32 s4, s6;
	[tilespmem:s5+$0x0] =	vst v1  }
0x181: {  	v1 =	vld [tilespmem:s6+$0x0];
	_ =	sdelay $0x4  }
0x182: {  	v1 =	vmul.f32 $6.400000000e+01, v1;
	_ =	sdelay $0x1  }
0x183: {  	s7 =	sor.u32 s4, s7;
	[tilespmem:s6+$0x0] =	vst v1  }
0x184: {  	v1 =	vld [tilespmem:s7+$0x0];
	_ =	sdelay $0x4  }
0x185: {  	v1 =	vmul.f32 $6.400000000e+01, v1;
	_ =	sdelay $0x1  }
0x186: {  	s8 =	sor.u32 s4, s8;
	[tilespmem:s7+$0x0] =	vst v1  }
0x187: {  	v1 =	vld [tilespmem:s8+$0x0];
	_ =	sdelay $0x4  }
0x188: {  	v1 =	vmul.f32 $6.400000000e+01, v1;
	_ =	sdelay $0x1  }
0x189: {  	s10 =	sor.u32 s4, s10;
	[tilespmem:s8+$0x0] =	vst v1  }
0x18a: {  	v1 =	vld [tilespmem:s10+$0x0];
	_ =	sdelay $0x4  }
0x18b: {  	v1 =	vmul.f32 $6.400000000e+01, v1;
	_ =	sdelay $0x1  }
0x18c: {  	s11 =	sor.u32 s4, s11;
	[tilespmem:s10+$0x0] =	vst v1  }
0x18d: {  	v1 =	vld [tilespmem:s11+$0x0];
	_ =	sdelay $0x4  }
0x18e: {  	v1 =	vmul.f32 $6.400000000e+01, v1;
	_ =	sdelay $0x1  }
0x18f: {  	s12 =	sor.u32 s4, s12;
	[tilespmem:s11+$0x0] =	vst v1  }
0x190: {  	v1 =	vld [tilespmem:s12+$0x0];
	_ =	sdelay $0x4  }
0x191: {  	v1 =	vmul.f32 $6.400000000e+01, v1;
	_ =	sdelay $0x1  }
0x192: {  	s13 =	sor.u32 s4, s13;
	[tilespmem:s12+$0x0] =	vst v1  }
0x193: {  	v1 =	vld [tilespmem:s13+$0x0];
	_ =	sdelay $0x4  }
0x194: {  	v1 =	vmul.f32 $6.400000000e+01, v1;
	_ =	sdelay $0x1  }
0x195: {  	s14 =	sor.u32 s4, s14;
	[tilespmem:s13+$0x0] =	vst v1  }
0x196: {  	v1 =	vld [tilespmem:s14+$0x0];
	_ =	sdelay $0x4  }
0x197: {  	v1 =	vmul.f32 $6.400000000e+01, v1;
	_ =	sdelay $0x1  }
0x198: {  	s19 =	sor.u32 s4, s15;
	[tilespmem:s14+$0x0] =	vst v1  }
0x199: {  	v1 =	vld [tilespmem:s19+$0x0];
	_ =	sdelay $0x4  }
0x19a: {  	v1 =	vmul.f32 $6.400000000e+01, v1;
	_ =	sdelay $0x1  }
0x19b: {  	s24 =	sor.u32 s4, s24;
	[tilespmem:s19+$0x0] =	vst v1  }
0x19c: {  	v1 =	vld [tilespmem:s24+$0x0];
	_ =	sdelay $0x4  }
0x19d: {  	v1 =	vmul.f32 $6.400000000e+01, v1;
	_ =	sdelay $0x1  }
0x19e: {  	s26 =	sor.u32 s4, s17;
	[tilespmem:s24+$0x0] =	vst v1  }
0x19f: {  	v1 =	vld [tilespmem:s26+$0x0];
	_ =	sdelay $0x4  }
0x1a0: {  	v1 =	vmul.f32 $6.400000000e+01, v1;
	_ =	sdelay $0x1  }
0x1a1: {  	s31 =	sor.u32 s4, s18;
	[tilespmem:s26+$0x0] =	vst v1  }
0x1a2: {  	v1 =	vld [tilespmem:s31+$0x0];
	_ =	sdelay $0x4  }
0x1a3: {  	v1 =	vmul.f32 $6.400000000e+01, v1;
	_ =	sdelay $0x1  }
0x1a4: {  	s4 =	sor.u32 s4, s9;
	[tilespmem:s31+$0x0] =	vst v1  }
0x1a5: {  	v1 =	vld [tilespmem:s4+$0x0];
	_ =	sdelay $0x2  }
0x1a6: {  	s2 =	simm.s32 $0x100  }
0x1a7: {  	s9 =	sand.u32 $0x1C00, s2  }
0x1a8: {  	s16 =	sadd.s32 $0x4800, s9;
	s8 =	simm.s32 $0x2;
	s19 =	simm.s32 $0x20;
	v1 =	vmul.f32 $6.400000000e+01, v1  }
0x1a9: {  	s10 =	sadd.s32 $0x4900, s9;
	s13 =	sadd.s32 $0x4880, s9;
	s15 =	sand.u32 $0x60, s19  }
.LBB2_7:
0x1aa: {  	s31 =	sor.u32 s15, s16;
	s24 =	sadd.s32 $0x4980, s9;
	s1 =	sadd.s32 $0x4A00, s9;
	[tilespmem:s4+$0x0] =	vst v1  }
0x1ab: {  	s5 =	sadd.s32 $0x4A80, s9;
	s4 =	sadd.s32 $0x4B00, s9;
	s6 =	sadd.s32 $0x4B80, s9;
	v1 =	vld [tilespmem:s31+$0x0]  }
0x1ac: {  	s17 =	sadd.s32 $0x6800, s9;
	s14 =	sadd.s32 $0x6880, s9;
	s11 =	sadd.s32 $0x6900, s9  }
0x1ad: {  	s26 =	sadd.s32 $0x6980, s9;
	s18 =	sadd.s32 $0x6A00, s9;
	s7 =	sadd.s32 $0x6A80, s9  }
0x1ae: {  	s8 =	sadd.s32 $0x2, s8;
	s12 =	sadd.s32 $0x6B00, s9;
	s9 =	sadd.s32 $0x6B80, s9  }
0x1af: {  	p2 =	slt.u32 s8, $0x3E  }
0x1b0: {  	v1 =	vmul.f32 $6.400000000e+01, v1;
	_ =	sdelay $0x1  }
0x1b1: {  	[tilespmem:s31+$0x0] =	vst v1;
	s31 =	sor.u32 s15, s13  }
0x1b2: {  	v1 =	vld [tilespmem:s31+$0x0];
	_ =	sdelay $0x4  }
0x1b3: {  	v1 =	vmul.f32 $6.400000000e+01, v1;
	_ =	sdelay $0x1  }
0x1b4: {  	[tilespmem:s31+$0x0] =	vst v1;
	s31 =	sor.u32 s15, s10  }
0x1b5: {  	v1 =	vld [tilespmem:s31+$0x0];
	_ =	sdelay $0x4  }
0x1b6: {  	v1 =	vmul.f32 $6.400000000e+01, v1;
	_ =	sdelay $0x1  }
0x1b7: {  	[tilespmem:s31+$0x0] =	vst v1;
	s31 =	sor.u32 s15, s24  }
0x1b8: {  	v1 =	vld [tilespmem:s31+$0x0];
	_ =	sdelay $0x4  }
0x1b9: {  	v1 =	vmul.f32 $6.400000000e+01, v1;
	_ =	sdelay $0x1  }
0x1ba: {  	[tilespmem:s31+$0x0] =	vst v1;
	s31 =	sor.u32 s15, s1  }
0x1bb: {  	v1 =	vld [tilespmem:s31+$0x0];
	_ =	sdelay $0x4  }
0x1bc: {  	v1 =	vmul.f32 $6.400000000e+01, v1;
	_ =	sdelay $0x1  }
0x1bd: {  	[tilespmem:s31+$0x0] =	vst v1;
	s31 =	sor.u32 s15, s5  }
0x1be: {  	v1 =	vld [tilespmem:s31+$0x0];
	_ =	sdelay $0x4  }
0x1bf: {  	v1 =	vmul.f32 $6.400000000e+01, v1;
	_ =	sdelay $0x1  }
0x1c0: {  	[tilespmem:s31+$0x0] =	vst v1;
	s31 =	sor.u32 s15, s4  }
0x1c1: {  	v1 =	vld [tilespmem:s31+$0x0];
	_ =	sdelay $0x4  }
0x1c2: {  	v1 =	vmul.f32 $6.400000000e+01, v1;
	_ =	sdelay $0x1  }
0x1c3: {  	[tilespmem:s31+$0x0] =	vst v1;
	s31 =	sor.u32 s15, s6  }
0x1c4: {  	v1 =	vld [tilespmem:s31+$0x0];
	_ =	sdelay $0x4  }
0x1c5: {  	v1 =	vmul.f32 $6.400000000e+01, v1;
	_ =	sdelay $0x1  }
0x1c6: {  	[tilespmem:s31+$0x0] =	vst v1;
	s31 =	sor.u32 s15, s17  }
0x1c7: {  	v1 =	vld [tilespmem:s31+$0x0];
	_ =	sdelay $0x4  }
0x1c8: {  	v1 =	vmul.f32 $6.400000000e+01, v1;
	_ =	sdelay $0x1  }
0x1c9: {  	[tilespmem:s31+$0x0] =	vst v1;
	s31 =	sor.u32 s15, s14  }
0x1ca: {  	v1 =	vld [tilespmem:s31+$0x0];
	_ =	sdelay $0x4  }
0x1cb: {  	v1 =	vmul.f32 $6.400000000e+01, v1;
	_ =	sdelay $0x1  }
0x1cc: {  	[tilespmem:s31+$0x0] =	vst v1;
	s31 =	sor.u32 s15, s11  }
0x1cd: {  	v1 =	vld [tilespmem:s31+$0x0];
	_ =	sdelay $0x4  }
0x1ce: {  	v1 =	vmul.f32 $6.400000000e+01, v1;
	_ =	sdelay $0x1  }
0x1cf: {  	[tilespmem:s31+$0x0] =	vst v1;
	s31 =	sor.u32 s15, s26  }
0x1d0: {  	v1 =	vld [tilespmem:s31+$0x0];
	_ =	sdelay $0x4  }
0x1d1: {  	v1 =	vmul.f32 $6.400000000e+01, v1;
	_ =	sdelay $0x1  }
0x1d2: {  	[tilespmem:s31+$0x0] =	vst v1;
	s31 =	sor.u32 s15, s18  }
0x1d3: {  	v1 =	vld [tilespmem:s31+$0x0];
	_ =	sdelay $0x4  }
0x1d4: {  	v1 =	vmul.f32 $6.400000000e+01, v1;
	_ =	sdelay $0x1  }
0x1d5: {  	[tilespmem:s31+$0x0] =	vst v1;
	s31 =	sor.u32 s15, s7  }
0x1d6: {  	v1 =	vld [tilespmem:s31+$0x0];
	_ =	sdelay $0x4  }
0x1d7: {  	v1 =	vmul.f32 $6.400000000e+01, v1;
	_ =	sdelay $0x1  }
0x1d8: {  	[tilespmem:s31+$0x0] =	vst v1;
	s31 =	sor.u32 s15, s12  }
0x1d9: {  	v1 =	vld [tilespmem:s31+$0x0];
	_ =	sdelay $0x4  }
0x1da: {  	v1 =	vmul.f32 $6.400000000e+01, v1;
	_ =	sdelay $0x1  }
0x1db: {  	[tilespmem:s31+$0x0] =	vst v1;
	s31 =	sor.u32 s15, s9  }
0x1dc: {  	v1 =	vld [tilespmem:s31+$0x0];
	_ =	sdelay $0x4  }
0x1dd: {  	v1 =	vmul.f32 $6.400000000e+01, v1  }
0x1de: {  	s15 =	sor.u32 $0x10, s15  }
0x1df: {  	s16 =	sor.u32 s15, s16;
	[tilespmem:s31+$0x0] =	vst v1  }
0x1e0: {  	v1 =	vld [tilespmem:s16+$0x0];
	_ =	sdelay $0x4  }
0x1e1: {  	v1 =	vmul.f32 $6.400000000e+01, v1;
	_ =	sdelay $0x1  }
0x1e2: {  	s13 =	sor.u32 s15, s13;
	[tilespmem:s16+$0x0] =	vst v1  }
0x1e3: {  	v1 =	vld [tilespmem:s13+$0x0];
	_ =	sdelay $0x4  }
0x1e4: {  	v1 =	vmul.f32 $6.400000000e+01, v1;
	_ =	sdelay $0x1  }
0x1e5: {  	s10 =	sor.u32 s15, s10;
	[tilespmem:s13+$0x0] =	vst v1  }
0x1e6: {  	v1 =	vld [tilespmem:s10+$0x0];
	_ =	sdelay $0x4  }
0x1e7: {  	v1 =	vmul.f32 $6.400000000e+01, v1;
	_ =	sdelay $0x1  }
0x1e8: {  	[tilespmem:s10+$0x0] =	vst v1;
	s10 =	sor.u32 s15, s24  }
0x1e9: {  	v1 =	vld [tilespmem:s10+$0x0];
	_ =	sdelay $0x4  }
0x1ea: {  	v1 =	vmul.f32 $6.400000000e+01, v1;
	_ =	sdelay $0x1  }
0x1eb: {  	s1 =	sor.u32 s15, s1;
	[tilespmem:s10+$0x0] =	vst v1  }
0x1ec: {  	v1 =	vld [tilespmem:s1+$0x0];
	_ =	sdelay $0x4  }
0x1ed: {  	v1 =	vmul.f32 $6.400000000e+01, v1;
	_ =	sdelay $0x1  }
0x1ee: {  	[tilespmem:s1+$0x0] =	vst v1;
	s1 =	sor.u32 s15, s5  }
0x1ef: {  	v1 =	vld [tilespmem:s1+$0x0];
	_ =	sdelay $0x4  }
0x1f0: {  	v1 =	vmul.f32 $6.400000000e+01, v1;
	_ =	sdelay $0x1  }
0x1f1: {  	[tilespmem:s1+$0x0] =	vst v1;
	s1 =	sor.u32 s15, s4  }
0x1f2: {  	v1 =	vld [tilespmem:s1+$0x0];
	_ =	sdelay $0x4  }
0x1f3: {  	v1 =	vmul.f32 $6.400000000e+01, v1;
	_ =	sdelay $0x1  }
0x1f4: {  	[tilespmem:s1+$0x0] =	vst v1;
	s1 =	sor.u32 s15, s6  }
0x1f5: {  	v1 =	vld [tilespmem:s1+$0x0];
	_ =	sdelay $0x4  }
0x1f6: {  	v1 =	vmul.f32 $6.400000000e+01, v1;
	_ =	sdelay $0x1  }
0x1f7: {  	[tilespmem:s1+$0x0] =	vst v1;
	s1 =	sor.u32 s15, s17  }
0x1f8: {  	v1 =	vld [tilespmem:s1+$0x0];
	_ =	sdelay $0x4  }
0x1f9: {  	v1 =	vmul.f32 $6.400000000e+01, v1;
	_ =	sdelay $0x1  }
0x1fa: {  	[tilespmem:s1+$0x0] =	vst v1;
	s1 =	sor.u32 s15, s14  }
0x1fb: {  	v1 =	vld [tilespmem:s1+$0x0];
	_ =	sdelay $0x4  }
0x1fc: {  	v1 =	vmul.f32 $6.400000000e+01, v1;
	_ =	sdelay $0x1  }
0x1fd: {  	[tilespmem:s1+$0x0] =	vst v1;
	s1 =	sor.u32 s15, s11  }
0x1fe: {  	v1 =	vld [tilespmem:s1+$0x0];
	_ =	sdelay $0x4  }
0x1ff: {  	v1 =	vmul.f32 $6.400000000e+01, v1;
	_ =	sdelay $0x1  }
0x200: {  	[tilespmem:s1+$0x0] =	vst v1;
	s1 =	sor.u32 s15, s26  }
0x201: {  	v1 =	vld [tilespmem:s1+$0x0];
	_ =	sdelay $0x4  }
0x202: {  	v1 =	vmul.f32 $6.400000000e+01, v1;
	_ =	sdelay $0x1  }
0x203: {  	[tilespmem:s1+$0x0] =	vst v1;
	s1 =	sor.u32 s15, s18  }
0x204: {  	v1 =	vld [tilespmem:s1+$0x0];
	_ =	sdelay $0x4  }
0x205: {  	v1 =	vmul.f32 $6.400000000e+01, v1;
	_ =	sdelay $0x1  }
0x206: {  	[tilespmem:s1+$0x0] =	vst v1;
	s1 =	sor.u32 s15, s7  }
0x207: {  	v1 =	vld [tilespmem:s1+$0x0];
	_ =	sdelay $0x4  }
0x208: {  	v1 =	vmul.f32 $6.400000000e+01, v1;
	_ =	sdelay $0x1  }
0x209: {  	[tilespmem:s1+$0x0] =	vst v1;
	s1 =	sor.u32 s15, s12  }
0x20a: {  	v1 =	vld [tilespmem:s1+$0x0];
	_ =	sdelay $0x4  }
0x20b: {  	v1 =	vmul.f32 $6.400000000e+01, v1;
	_ =	sdelay $0x1  }
0x20c: {  	s4 =	sor.u32 s15, s9;
	[tilespmem:s1+$0x0] =	vst v1  }
0x20d: {  	v1 =	vld [tilespmem:s4+$0x0];
	_ =	sdelay $0x1  }
.Ltmp6:
0x20e: {  	(pc) =	sbr.rel @p2 .LBB2_7-.Ltmp6, $4  }
0x20f: {  	_ = 	snop  }
0x210: {  	s2 =	sadd.s32 $0x100, s2;
	s19 =	sadd.s32 $0x20, s19  }
0x211: {  	s9 =	sand.u32 $0x1C00, s2;
	s15 =	sand.u32 $0x60, s19;
	v1 =	vmul.f32 $6.400000000e+01, v1  }
0x212: {  	s16 =	sadd.s32 $0x4800, s9;
	s13 =	sadd.s32 $0x4880, s9;
	s10 =	sadd.s32 $0x4900, s9  }
0x213: {  	s1 =	sor.u32 s15, s16;
	[tilespmem:s4+$0x0] =	vst v1  }
0x214: {  	v1 =	vld [tilespmem:s1+$0x0];
	_ =	sdelay $0x4  }
0x215: {  	v1 =	vmul.f32 $6.400000000e+01, v1;
	_ =	sdelay $0x1  }
0x216: {  	s18 =	sor.u32 s15, s13;
	[tilespmem:s1+$0x0] =	vst v1  }
0x217: {  	v1 =	vld [tilespmem:s18+$0x0];
	_ =	sdelay $0x4  }
0x218: {  	v1 =	vmul.f32 $6.400000000e+01, v1;
	_ =	sdelay $0x1  }
0x219: {  	s2 =	sor.u32 s15, s10;
	[tilespmem:s18+$0x0] =	vst v1  }
0x21a: {  	v1 =	vld [tilespmem:s2+$0x0];
	_ =	sdelay $0x4  }
0x21b: {  	v1 =	vmul.f32 $6.400000000e+01, v1  }
0x21c: {  	s1 =	sadd.s32 $0x4980, s9  }
0x21d: {  	s19 =	sor.u32 s15, s1;
	[tilespmem:s2+$0x0] =	vst v1  }
0x21e: {  	v1 =	vld [tilespmem:s19+$0x0];
	_ =	sdelay $0x4  }
0x21f: {  	v1 =	vmul.f32 $6.400000000e+01, v1  }
0x220: {  	s2 =	sadd.s32 $0x4A00, s9  }
0x221: {  	s5 =	sor.u32 s15, s2;
	[tilespmem:s19+$0x0] =	vst v1  }
0x222: {  	v1 =	vld [tilespmem:s5+$0x0];
	_ =	sdelay $0x4  }
0x223: {  	v1 =	vmul.f32 $6.400000000e+01, v1  }
0x224: {  	s4 =	sadd.s32 $0x4A80, s9  }
0x225: {  	s6 =	sor.u32 s15, s4;
	[tilespmem:s5+$0x0] =	vst v1  }
0x226: {  	v1 =	vld [tilespmem:s6+$0x0];
	_ =	sdelay $0x4  }
0x227: {  	v1 =	vmul.f32 $6.400000000e+01, v1  }
0x228: {  	s5 =	sadd.s32 $0x4B00, s9  }
0x229: {  	s7 =	sor.u32 s15, s5;
	[tilespmem:s6+$0x0] =	vst v1  }
0x22a: {  	v1 =	vld [tilespmem:s7+$0x0];
	_ =	sdelay $0x4  }
0x22b: {  	v1 =	vmul.f32 $6.400000000e+01, v1  }
0x22c: {  	s6 =	sadd.s32 $0x4B80, s9  }
0x22d: {  	s8 =	sor.u32 s15, s6;
	[tilespmem:s7+$0x0] =	vst v1  }
0x22e: {  	v1 =	vld [tilespmem:s8+$0x0];
	_ =	sdelay $0x4  }
0x22f: {  	v1 =	vmul.f32 $6.400000000e+01, v1  }
0x230: {  	s7 =	sadd.s32 $0x6800, s9  }
0x231: {  	s11 =	sor.u32 s15, s7;
	[tilespmem:s8+$0x0] =	vst v1  }
0x232: {  	v1 =	vld [tilespmem:s11+$0x0];
	_ =	sdelay $0x4  }
0x233: {  	v1 =	vmul.f32 $6.400000000e+01, v1  }
0x234: {  	s8 =	sadd.s32 $0x6880, s9  }
0x235: {  	s12 =	sor.u32 s15, s8;
	[tilespmem:s11+$0x0] =	vst v1  }
0x236: {  	v1 =	vld [tilespmem:s12+$0x0];
	_ =	sdelay $0x4  }
0x237: {  	v1 =	vmul.f32 $6.400000000e+01, v1  }
0x238: {  	s11 =	sadd.s32 $0x6900, s9  }
0x239: {  	s14 =	sor.u32 s15, s11;
	[tilespmem:s12+$0x0] =	vst v1  }
0x23a: {  	v1 =	vld [tilespmem:s14+$0x0];
	_ =	sdelay $0x4  }
0x23b: {  	v1 =	vmul.f32 $6.400000000e+01, v1  }
0x23c: {  	s12 =	sadd.s32 $0x6980, s9  }
0x23d: {  	s17 =	sor.u32 s15, s12;
	[tilespmem:s14+$0x0] =	vst v1  }
0x23e: {  	v1 =	vld [tilespmem:s17+$0x0];
	_ =	sdelay $0x4  }
0x23f: {  	v1 =	vmul.f32 $6.400000000e+01, v1  }
0x240: {  	s14 =	sadd.s32 $0x6A00, s9  }
0x241: {  	s18 =	sor.u32 s15, s14;
	[tilespmem:s17+$0x0] =	vst v1  }
0x242: {  	v1 =	vld [tilespmem:s18+$0x0];
	_ =	sdelay $0x4  }
0x243: {  	v1 =	vmul.f32 $6.400000000e+01, v1  }
0x244: {  	s17 =	sadd.s32 $0x6A80, s9  }
0x245: {  	s19 =	sor.u32 s15, s17;
	[tilespmem:s18+$0x0] =	vst v1  }
0x246: {  	v1 =	vld [tilespmem:s19+$0x0];
	_ =	sdelay $0x4  }
0x247: {  	v1 =	vmul.f32 $6.400000000e+01, v1  }
0x248: {  	s18 =	sadd.s32 $0x6B00, s9  }
0x249: {  	s24 =	sor.u32 s15, s18;
	[tilespmem:s19+$0x0] =	vst v1  }
0x24a: {  	v1 =	vld [tilespmem:s24+$0x0];
	_ =	sdelay $0x4  }
0x24b: {  	v1 =	vmul.f32 $6.400000000e+01, v1  }
0x24c: {  	s9 =	sadd.s32 $0x6B80, s9  }
0x24d: {  	s26 =	sor.u32 s15, s9;
	[tilespmem:s24+$0x0] =	vst v1  }
0x24e: {  	v1 =	vld [tilespmem:s26+$0x0];
	_ =	sdelay $0x4  }
0x24f: {  	v1 =	vmul.f32 $6.400000000e+01, v1  }
0x250: {  	s15 =	sor.u32 $0x10, s15  }
0x251: {  	s19 =	sor.u32 s15, s16;
	[tilespmem:s26+$0x0] =	vst v1  }
0x252: {  	v1 =	vld [tilespmem:s19+$0x0];
	_ =	sdelay $0x4  }
0x253: {  	v1 =	vmul.f32 $6.400000000e+01, v1;
	_ =	sdelay $0x1  }
0x254: {  	s24 =	sor.u32 s15, s13;
	[tilespmem:s19+$0x0] =	vst v1  }
0x255: {  	v1 =	vld [tilespmem:s24+$0x0];
	_ =	sdelay $0x4  }
0x256: {  	v1 =	vmul.f32 $6.400000000e+01, v1;
	_ =	sdelay $0x1  }
0x257: {  	s26 =	sor.u32 s15, s10;
	[tilespmem:s24+$0x0] =	vst v1  }
0x258: {  	v1 =	vld [tilespmem:s26+$0x0];
	_ =	sdelay $0x4  }
0x259: {  	v1 =	vmul.f32 $6.400000000e+01, v1;
	_ =	sdelay $0x1  }
0x25a: {  	s1 =	sor.u32 s15, s1;
	[tilespmem:s26+$0x0] =	vst v1  }
0x25b: {  	v1 =	vld [tilespmem:s1+$0x0];
	_ =	sdelay $0x4  }
0x25c: {  	v1 =	vmul.f32 $6.400000000e+01, v1;
	_ =	sdelay $0x1  }
0x25d: {  	s2 =	sor.u32 s15, s2;
	[tilespmem:s1+$0x0] =	vst v1  }
0x25e: {  	v1 =	vld [tilespmem:s2+$0x0];
	_ =	sdelay $0x4  }
0x25f: {  	v1 =	vmul.f32 $6.400000000e+01, v1;
	_ =	sdelay $0x1  }
0x260: {  	s4 =	sor.u32 s15, s4;
	[tilespmem:s2+$0x0] =	vst v1  }
0x261: {  	v1 =	vld [tilespmem:s4+$0x0];
	_ =	sdelay $0x4  }
0x262: {  	v1 =	vmul.f32 $6.400000000e+01, v1;
	_ =	sdelay $0x1  }
0x263: {  	s5 =	sor.u32 s15, s5;
	[tilespmem:s4+$0x0] =	vst v1  }
0x264: {  	v1 =	vld [tilespmem:s5+$0x0];
	_ =	sdelay $0x4  }
0x265: {  	v1 =	vmul.f32 $6.400000000e+01, v1;
	_ =	sdelay $0x1  }
0x266: {  	s6 =	sor.u32 s15, s6;
	[tilespmem:s5+$0x0] =	vst v1  }
0x267: {  	v1 =	vld [tilespmem:s6+$0x0];
	_ =	sdelay $0x4  }
0x268: {  	v1 =	vmul.f32 $6.400000000e+01, v1;
	_ =	sdelay $0x1  }
0x269: {  	s7 =	sor.u32 s15, s7;
	[tilespmem:s6+$0x0] =	vst v1  }
0x26a: {  	v1 =	vld [tilespmem:s7+$0x0];
	_ =	sdelay $0x4  }
0x26b: {  	v1 =	vmul.f32 $6.400000000e+01, v1;
	_ =	sdelay $0x1  }
0x26c: {  	s10 =	sor.u32 s15, s8;
	[tilespmem:s7+$0x0] =	vst v1  }
0x26d: {  	v1 =	vld [tilespmem:s10+$0x0];
	_ =	sdelay $0x4  }
0x26e: {  	v1 =	vmul.f32 $6.400000000e+01, v1;
	_ =	sdelay $0x1  }
0x26f: {  	s11 =	sor.u32 s15, s11;
	[tilespmem:s10+$0x0] =	vst v1  }
0x270: {  	v1 =	vld [tilespmem:s11+$0x0];
	_ =	sdelay $0x4  }
0x271: {  	v1 =	vmul.f32 $6.400000000e+01, v1;
	_ =	sdelay $0x1  }
0x272: {  	s13 =	sor.u32 s15, s12;
	[tilespmem:s11+$0x0] =	vst v1  }
0x273: {  	v1 =	vld [tilespmem:s13+$0x0];
	_ =	sdelay $0x4  }
0x274: {  	v1 =	vmul.f32 $6.400000000e+01, v1;
	_ =	sdelay $0x1  }
0x275: {  	s16 =	sor.u32 s15, s14;
	[tilespmem:s13+$0x0] =	vst v1  }
0x276: {  	v1 =	vld [tilespmem:s16+$0x0];
	_ =	sdelay $0x4  }
0x277: {  	v1 =	vmul.f32 $6.400000000e+01, v1;
	_ =	sdelay $0x1  }
0x278: {  	s17 =	sor.u32 s15, s17;
	[tilespmem:s16+$0x0] =	vst v1  }
0x279: {  	v1 =	vld [tilespmem:s17+$0x0];
	_ =	sdelay $0x4  }
0x27a: {  	v1 =	vmul.f32 $6.400000000e+01, v1;
	_ =	sdelay $0x1  }
0x27b: {  	s18 =	sor.u32 s15, s18;
	[tilespmem:s17+$0x0] =	vst v1  }
0x27c: {  	v1 =	vld [tilespmem:s18+$0x0];
	_ =	sdelay $0x4  }
0x27d: {  	v1 =	vmul.f32 $6.400000000e+01, v1;
	_ =	sdelay $0x1  }
0x27e: {  	s19 =	sor.u32 s15, s9;
	[tilespmem:s18+$0x0] =	vst v1  }
0x27f: {  	v1 =	vld [tilespmem:s19+$0x0];
	_ =	sdelay $0x4  }
0x280: {  	v1 =	vmul.f32 $6.400000000e+01, v1;
	_ =	sdelay $0x1  }
0x281: {  	s26 =	simm.s32 $0x0;
	[tilespmem:s19+$0x0] =	vst v1  }
0x282: {  	v2 =	vld [tilespmem:s26+$0x0];
	_ =	sdelay $0x2  }
0x283: {  	s24 =	sshll.u32 s0, $0x4  }
0x284: {  	v1 =	vmov s24  }
0x285: {  	v2 =	vsub.s32 v2, v1  }
0x286: {  	vm0 =	vgt.s32 v2, $0x0  }
0x287: {  	v4 =	vmov s26;
	v3 =	vnsel vm0, $0x0, v2  }
0x288: {  	v5 =	vor.u32 s26, v0;
	v4 =	vshll.u32 v4, $0x3;
	v3 =	vmin.u32 v3, $0xF  }
0x289: {  	v5 =	vand.u32 $0x7F, v5;
	v4 =	vand.u32 $0x1C00, v4;
	v6 =	vshll.u32 v3, $0xA  }
0x28a: {  	v4 =	vor.u32 v4, v5;
	v3 =	vshll.u32 v3, $0x7;
	v6 =	vand.u32 $0x2000, v6  }
0x28b: {  	vm15 =	vlt.u32 v2, $0x10;
	v2 =	vand.u32 $0x380, v3;
	v3 =	vor.u32 v6, v4  }
0x28c: {  	v2 =	vor.u32 v2, v3;
	_ =	sdelay $0x2  }
0x28d: {  	s1 =	simm.s32 $0x400  }
0x28e: {  	v63 =	vld [tilespmem:s1+$0x0]  }
0x28f: {  	v3 =	vld.idx.msk [tilespmem:v2+s21+$0x0], vm15;
	_ =	sdelay $0x4  }
0x290: {  	v3 =	vsub.f32 v3, v63;
	_ =	sdelay $0x1  }
0x291: {  	s2 =	simm.s32 $0x10;
	[tilespmem:v2+s21+$0x0] =	vst.idx.msk vm15, v3  }
0x292: {  	s31 =	smov.u32 s3;
	s4 =	simm.s32 $0x20;
	s5 =	simm.s32 $0x10;
	v2 =	vld [tilespmem:s2+$0x0]  }
.LBB2_9:
0x293: {  	p2 =	sne.s32 s4, $0x3F0;
	_ =	sdelay $0x3  }
0x294: {  	v2 =	vsub.s32 v2, v1  }
0x295: {  	vm0 =	vgt.s32 v2, $0x0  }
0x296: {  	v4 =	vmov s2;
	v3 =	vnsel vm0, $0x0, v2  }
0x297: {  	v5 =	vor.u32 s2, v0;
	s2 =	smov.u32 s4;
	v4 =	vshll.u32 v4, $0x3;
	v3 =	vmin.u32 v3, $0xF  }
0x298: {  	v5 =	vand.u32 $0x7F, v5;
	v4 =	vand.u32 $0x1C00, v4;
	v6 =	vshll.u32 v3, $0xA  }
0x299: {  	v4 =	vor.u32 v4, v5;
	v3 =	vshll.u32 v3, $0x7;
	v6 =	vand.u32 $0x2000, v6  }
0x29a: {  	vm0 =	vlt.u32 v2, $0x10;
	v2 =	vand.u32 $0x380, v3;
	v3 =	vor.u32 v6, v4  }
0x29b: {  	v2 =	vor.u32 v2, v3;
	_ =	sdelay $0x4  }
0x29c: {  	s1 =	sadd.s32 $0x10, s1;
	v3 =	vld.idx.msk [tilespmem:v2+s21+$0x0], vm0  }
0x29d: {  	v4 =	vld [tilespmem:s1+$0x0];
	_ =	sdelay $0x3  }
.Ltmp7:
0x29e: {  	(pc) =	sbr.rel @p2 .LBB2_9-.Ltmp7, $3  }
0x29f: {  	v3 =	vsub.f32 v3, v4;
	_ =	sdelay $0x1  }
0x2a0: {  	s5 =	sadd.s32 $0x10, s5;
	[tilespmem:v2+s21+$0x0] =	vst.idx.msk vm0, v3  }
0x2a1: {  	s4 =	sadd.s32 $0x10, s4;
	v2 =	vld [tilespmem:s5+$0x0]  }
0x2a2: {  	_ =	sdelay $0x3  }
0x2a3: {  	v1 =	vsub.s32 v2, v1  }
0x2a4: {  	vm0 =	vgt.s32 v1, $0x0  }
0x2a5: {  	v3 =	vmov s2;
	v2 =	vnsel vm0, $0x0, v1  }
0x2a6: {  	v4 =	vor.u32 s2, v0;
	v3 =	vshll.u32 v3, $0x3;
	v2 =	vmin.u32 v2, $0xF  }
0x2a7: {  	v4 =	vand.u32 $0x7F, v4;
	v3 =	vand.u32 $0x1C00, v3;
	v5 =	vshll.u32 v2, $0xA  }
0x2a8: {  	v3 =	vor.u32 v3, v4;
	v2 =	vshll.u32 v2, $0x7;
	v5 =	vand.u32 $0x2000, v5  }
0x2a9: {  	vm15 =	vlt.u32 v1, $0x10;
	v1 =	vand.u32 $0x380, v2;
	v2 =	vor.u32 v5, v3  }
0x2aa: {  	v1 =	vor.u32 v1, v2;
	_ =	sdelay $0x2  }
0x2ab: {  	s1 =	sadd.s32 $0x10, s1  }
0x2ac: {  	v3 =	vld [tilespmem:s1+$0x0]  }
0x2ad: {  	v2 =	vld.idx.msk [tilespmem:v1+s21+$0x0], vm15;
	_ =	sdelay $0x4  }
0x2ae: {  	v2 =	vsub.f32 v2, v3  }
0x2af: {  	s0 =	sshll.u32 s0, $0xB;
	s16 =	rddreg [dreg:$0x3]  }
0x2b0: {  	s17 =	simm.s32 $0x0;
	s18 =	smin.u32 s30, $0xBF;
	s0 =	sadd.s32 s16, s0;
	[tilespmem:v1+s21+$0x0] =	vst.idx.msk vm15, v2  }
0x2b1: {  	[hbm4b:s0+s17] =	stream.linear.scatter [tilespmem:s21], [sflag:$0x2], $0x4000, $0x38;
	[tilespmem:$0x10800] =	vst v63  }
0x2b2: {  	s19 =	rddreg [dreg:$0x9];
	s0 =	sshll.u32 s18, $0x5  }
0x2b3: {  	p2 =	seq.s32 s28, $0x30;
	s24 =	simm.s32 $0x2;
	s0 =	sadd.s32 s19, s0  }
0x2b4: {  	_ =	swait.ge [sflag:s24], $0x4000;
	p3 =	sgt.u32 @!p2 s0, $0x1869  }
0x2b5: {  	[sflag:s24] =	ssyncset.done $0x0;
	p3 =	por p3, p2  }
0x2b6: {  	s26 =	simm.s32 $0x0;
	[sflag:s24] =	ssyncadd.s32 $0xFFFFC000;
	s0 =	sshll.u32 @!p3 s0, $0xB  }
0x2b7: {  	s1 =	simm.s32 @!p3 $0x0;
	s2 =	simm.s32 @!p3 $0x800;
	s0 =	sadd.s32 @!p3 s31, s0  }
0x2b8: {  	[tilespmem:s2], [sflag:$0x1] =	stream.linear.gather @!p3 [hbm4b:s0+s1], $0x4000, $0x38;
	[tilespmem:$0x10800] =	vst v63  }
0x2b9: {  	s8 =	sand.u32 $0x1C00, s26;
	_ =	swait.ge [sflag:s23], $0x4000  }
0x2ba: {  	s0 =	sand.u32 $0x60, s26;
	s1 =	sadd.s32 $0x8800, s8;
	[sflag:s23] =	ssyncset.done $0x0  }
0x2bb: {  	s4 =	sor.u32 s0, s1;
	[sflag:s23] =	ssyncadd.s32 $0xFFFFC000  }
0x2bc: {  	v1 =	vld [tilespmem:s4+$0x0];
	_ =	sdelay $0x4  }
0x2bd: {  	v1 =	vmul.f32 $6.400000000e+01, v1  }
0x2be: {  	s3 =	sadd.s32 $0x8880, s8  }
0x2bf: {  	s5 =	sor.u32 s0, s3;
	[tilespmem:s4+$0x0] =	vst v1  }
0x2c0: {  	v1 =	vld [tilespmem:s5+$0x0];
	_ =	sdelay $0x4  }
0x2c1: {  	v1 =	vmul.f32 $6.400000000e+01, v1  }
0x2c2: {  	s4 =	sadd.s32 $0x8900, s8  }
0x2c3: {  	s6 =	sor.u32 s0, s4;
	[tilespmem:s5+$0x0] =	vst v1  }
0x2c4: {  	v1 =	vld [tilespmem:s6+$0x0];
	_ =	sdelay $0x4  }
0x2c5: {  	v1 =	vmul.f32 $6.400000000e+01, v1  }
0x2c6: {  	s5 =	sadd.s32 $0x8980, s8  }
0x2c7: {  	s7 =	sor.u32 s0, s5;
	[tilespmem:s6+$0x0] =	vst v1  }
0x2c8: {  	v1 =	vld [tilespmem:s7+$0x0];
	_ =	sdelay $0x4  }
0x2c9: {  	v1 =	vmul.f32 $6.400000000e+01, v1  }
0x2ca: {  	s6 =	sadd.s32 $0x8A00, s8  }
0x2cb: {  	s9 =	sor.u32 s0, s6;
	[tilespmem:s7+$0x0] =	vst v1  }
0x2cc: {  	v1 =	vld [tilespmem:s9+$0x0];
	_ =	sdelay $0x4  }
0x2cd: {  	v1 =	vmul.f32 $6.400000000e+01, v1  }
0x2ce: {  	s7 =	sadd.s32 $0x8A80, s8  }
0x2cf: {  	s10 =	sor.u32 s0, s7;
	[tilespmem:s9+$0x0] =	vst v1  }
0x2d0: {  	v1 =	vld [tilespmem:s10+$0x0];
	_ =	sdelay $0x4  }
0x2d1: {  	v1 =	vmul.f32 $6.400000000e+01, v1  }
0x2d2: {  	s9 =	sadd.s32 $0x8B00, s8  }
0x2d3: {  	s11 =	sor.u32 s0, s9;
	[tilespmem:s10+$0x0] =	vst v1  }
0x2d4: {  	v1 =	vld [tilespmem:s11+$0x0];
	_ =	sdelay $0x4  }
0x2d5: {  	v1 =	vmul.f32 $6.400000000e+01, v1  }
0x2d6: {  	s10 =	sadd.s32 $0x8B80, s8  }
0x2d7: {  	s12 =	sor.u32 s0, s10;
	[tilespmem:s11+$0x0] =	vst v1  }
0x2d8: {  	v1 =	vld [tilespmem:s12+$0x0];
	_ =	sdelay $0x4  }
0x2d9: {  	v1 =	vmul.f32 $6.400000000e+01, v1  }
0x2da: {  	s11 =	sadd.s32 $0xA800, s8  }
0x2db: {  	s13 =	sor.u32 s0, s11;
	[tilespmem:s12+$0x0] =	vst v1  }
0x2dc: {  	v1 =	vld [tilespmem:s13+$0x0];
	_ =	sdelay $0x4  }
0x2dd: {  	v1 =	vmul.f32 $6.400000000e+01, v1  }
0x2de: {  	s12 =	sadd.s32 $0xA880, s8  }
0x2df: {  	s14 =	sor.u32 s0, s12;
	[tilespmem:s13+$0x0] =	vst v1  }
0x2e0: {  	v1 =	vld [tilespmem:s14+$0x0];
	_ =	sdelay $0x4  }
0x2e1: {  	v1 =	vmul.f32 $6.400000000e+01, v1  }
0x2e2: {  	s13 =	sadd.s32 $0xA900, s8  }
0x2e3: {  	s15 =	sor.u32 s0, s13;
	[tilespmem:s14+$0x0] =	vst v1  }
0x2e4: {  	v1 =	vld [tilespmem:s15+$0x0];
	_ =	sdelay $0x4  }
0x2e5: {  	v1 =	vmul.f32 $6.400000000e+01, v1  }
0x2e6: {  	s14 =	sadd.s32 $0xA980, s8  }
0x2e7: {  	s16 =	sor.u32 s0, s14;
	[tilespmem:s15+$0x0] =	vst v1  }
0x2e8: {  	v1 =	vld [tilespmem:s16+$0x0];
	_ =	sdelay $0x4  }
0x2e9: {  	v1 =	vmul.f32 $6.400000000e+01, v1  }
0x2ea: {  	s19 =	sadd.s32 $0xAA00, s8  }
0x2eb: {  	s17 =	sor.u32 s0, s19;
	[tilespmem:s16+$0x0] =	vst v1  }
0x2ec: {  	v1 =	vld [tilespmem:s17+$0x0];
	_ =	sdelay $0x4  }
0x2ed: {  	v1 =	vmul.f32 $6.400000000e+01, v1  }
0x2ee: {  	s16 =	sadd.s32 $0xAA80, s8  }
0x2ef: {  	s18 =	sor.u32 s0, s16;
	[tilespmem:s17+$0x0] =	vst v1  }
0x2f0: {  	v1 =	vld [tilespmem:s18+$0x0];
	_ =	sdelay $0x4  }
0x2f1: {  	v1 =	vmul.f32 $6.400000000e+01, v1  }
0x2f2: {  	s17 =	sadd.s32 $0xAB00, s8  }
0x2f3: {  	s24 =	sor.u32 s0, s17;
	[tilespmem:s18+$0x0] =	vst v1  }
0x2f4: {  	v1 =	vld [tilespmem:s24+$0x0];
	_ =	sdelay $0x4  }
0x2f5: {  	v1 =	vmul.f32 $6.400000000e+01, v1  }
0x2f6: {  	s8 =	sadd.s32 $0xAB80, s8  }
0x2f7: {  	s26 =	sor.u32 s0, s8;
	[tilespmem:s24+$0x0] =	vst v1  }
0x2f8: {  	v1 =	vld [tilespmem:s26+$0x0];
	_ =	sdelay $0x4  }
0x2f9: {  	v1 =	vmul.f32 $6.400000000e+01, v1  }
0x2fa: {  	s2 =	sor.u32 $0x10, s0  }
0x2fb: {  	s0 =	sor.u32 s2, s1;
	[tilespmem:s26+$0x0] =	vst v1  }
0x2fc: {  	v1 =	vld [tilespmem:s0+$0x0];
	_ =	sdelay $0x4  }
0x2fd: {  	v1 =	vmul.f32 $6.400000000e+01, v1;
	_ =	sdelay $0x1  }
0x2fe: {  	s3 =	sor.u32 s2, s3;
	[tilespmem:s0+$0x0] =	vst v1  }
0x2ff: {  	v1 =	vld [tilespmem:s3+$0x0];
	_ =	sdelay $0x4  }
0x300: {  	v1 =	vmul.f32 $6.400000000e+01, v1;
	_ =	sdelay $0x1  }
0x301: {  	s4 =	sor.u32 s2, s4;
	[tilespmem:s3+$0x0] =	vst v1  }
0x302: {  	v1 =	vld [tilespmem:s4+$0x0];
	_ =	sdelay $0x4  }
0x303: {  	v1 =	vmul.f32 $6.400000000e+01, v1;
	_ =	sdelay $0x1  }
0x304: {  	s5 =	sor.u32 s2, s5;
	[tilespmem:s4+$0x0] =	vst v1  }
0x305: {  	v1 =	vld [tilespmem:s5+$0x0];
	_ =	sdelay $0x4  }
0x306: {  	v1 =	vmul.f32 $6.400000000e+01, v1;
	_ =	sdelay $0x1  }
0x307: {  	s6 =	sor.u32 s2, s6;
	[tilespmem:s5+$0x0] =	vst v1  }
0x308: {  	v1 =	vld [tilespmem:s6+$0x0];
	_ =	sdelay $0x4  }
0x309: {  	v1 =	vmul.f32 $6.400000000e+01, v1;
	_ =	sdelay $0x1  }
0x30a: {  	s7 =	sor.u32 s2, s7;
	[tilespmem:s6+$0x0] =	vst v1  }
0x30b: {  	v1 =	vld [tilespmem:s7+$0x0];
	_ =	sdelay $0x4  }
0x30c: {  	v1 =	vmul.f32 $6.400000000e+01, v1;
	_ =	sdelay $0x1  }
0x30d: {  	s9 =	sor.u32 s2, s9;
	[tilespmem:s7+$0x0] =	vst v1  }
0x30e: {  	v1 =	vld [tilespmem:s9+$0x0];
	_ =	sdelay $0x4  }
0x30f: {  	v1 =	vmul.f32 $6.400000000e+01, v1;
	_ =	sdelay $0x1  }
0x310: {  	s10 =	sor.u32 s2, s10;
	[tilespmem:s9+$0x0] =	vst v1  }
0x311: {  	v1 =	vld [tilespmem:s10+$0x0];
	_ =	sdelay $0x4  }
0x312: {  	v1 =	vmul.f32 $6.400000000e+01, v1;
	_ =	sdelay $0x1  }
0x313: {  	s11 =	sor.u32 s2, s11;
	[tilespmem:s10+$0x0] =	vst v1  }
0x314: {  	v1 =	vld [tilespmem:s11+$0x0];
	_ =	sdelay $0x4  }
0x315: {  	v1 =	vmul.f32 $6.400000000e+01, v1;
	_ =	sdelay $0x1  }
0x316: {  	s12 =	sor.u32 s2, s12;
	[tilespmem:s11+$0x0] =	vst v1  }
0x317: {  	v1 =	vld [tilespmem:s12+$0x0];
	_ =	sdelay $0x4  }
0x318: {  	v1 =	vmul.f32 $6.400000000e+01, v1;
	_ =	sdelay $0x1  }
0x319: {  	s13 =	sor.u32 s2, s13;
	[tilespmem:s12+$0x0] =	vst v1  }
0x31a: {  	v1 =	vld [tilespmem:s13+$0x0];
	_ =	sdelay $0x4  }
0x31b: {  	v1 =	vmul.f32 $6.400000000e+01, v1;
	_ =	sdelay $0x1  }
0x31c: {  	s18 =	sor.u32 s2, s14;
	[tilespmem:s13+$0x0] =	vst v1  }
0x31d: {  	v1 =	vld [tilespmem:s18+$0x0];
	_ =	sdelay $0x4  }
0x31e: {  	v1 =	vmul.f32 $6.400000000e+01, v1;
	_ =	sdelay $0x1  }
0x31f: {  	s19 =	sor.u32 s2, s19;
	[tilespmem:s18+$0x0] =	vst v1  }
0x320: {  	v1 =	vld [tilespmem:s19+$0x0];
	_ =	sdelay $0x4  }
0x321: {  	v1 =	vmul.f32 $6.400000000e+01, v1;
	_ =	sdelay $0x1  }
0x322: {  	s24 =	sor.u32 s2, s16;
	[tilespmem:s19+$0x0] =	vst v1  }
0x323: {  	v1 =	vld [tilespmem:s24+$0x0];
	_ =	sdelay $0x4  }
0x324: {  	v1 =	vmul.f32 $6.400000000e+01, v1;
	_ =	sdelay $0x1  }
0x325: {  	s26 =	sor.u32 s2, s17;
	[tilespmem:s24+$0x0] =	vst v1  }
0x326: {  	v1 =	vld [tilespmem:s26+$0x0];
	_ =	sdelay $0x4  }
0x327: {  	v1 =	vmul.f32 $6.400000000e+01, v1;
	_ =	sdelay $0x1  }
0x328: {  	s4 =	sor.u32 s2, s8;
	[tilespmem:s26+$0x0] =	vst v1  }
0x329: {  	v1 =	vld [tilespmem:s4+$0x0];
	_ =	sdelay $0x3  }
0x32a: {  	s0 =	simm.s32 $0x100;
	s2 =	simm.s32 $0x20  }
0x32b: {  	s8 =	simm.s32 $0x2;
	s15 =	sand.u32 $0x60, s2;
	s9 =	sand.u32 $0x1C00, s0;
	v1 =	vmul.f32 $6.400000000e+01, v1  }
0x32c: {  	s16 =	sadd.s32 $0x8800, s9;
	s10 =	sadd.s32 $0x8900, s9;
	s13 =	sadd.s32 $0x8880, s9  }
.LBB2_11:
0x32d: {  	s26 =	sor.u32 s15, s16;
	s24 =	sadd.s32 $0x8980, s9;
	s1 =	sadd.s32 $0x8A00, s9;
	[tilespmem:s4+$0x0] =	vst v1  }
0x32e: {  	s5 =	sadd.s32 $0x8A80, s9;
	s4 =	sadd.s32 $0x8B00, s9;
	s6 =	sadd.s32 $0x8B80, s9;
	v1 =	vld [tilespmem:s26+$0x0]  }
0x32f: {  	s17 =	sadd.s32 $0xA800, s9;
	s14 =	sadd.s32 $0xA880, s9;
	s11 =	sadd.s32 $0xA900, s9  }
0x330: {  	s19 =	sadd.s32 $0xA980, s9;
	s18 =	sadd.s32 $0xAA00, s9;
	s7 =	sadd.s32 $0xAA80, s9  }
0x331: {  	s8 =	sadd.s32 $0x2, s8;
	s12 =	sadd.s32 $0xAB00, s9;
	s9 =	sadd.s32 $0xAB80, s9  }
0x332: {  	p3 =	slt.u32 s8, $0x3E  }
0x333: {  	v1 =	vmul.f32 $6.400000000e+01, v1;
	_ =	sdelay $0x1  }
0x334: {  	[tilespmem:s26+$0x0] =	vst v1;
	s26 =	sor.u32 s15, s13  }
0x335: {  	v1 =	vld [tilespmem:s26+$0x0];
	_ =	sdelay $0x4  }
0x336: {  	v1 =	vmul.f32 $6.400000000e+01, v1;
	_ =	sdelay $0x1  }
0x337: {  	[tilespmem:s26+$0x0] =	vst v1;
	s26 =	sor.u32 s15, s10  }
0x338: {  	v1 =	vld [tilespmem:s26+$0x0];
	_ =	sdelay $0x4  }
0x339: {  	v1 =	vmul.f32 $6.400000000e+01, v1;
	_ =	sdelay $0x1  }
0x33a: {  	[tilespmem:s26+$0x0] =	vst v1;
	s26 =	sor.u32 s15, s24  }
0x33b: {  	v1 =	vld [tilespmem:s26+$0x0];
	_ =	sdelay $0x4  }
0x33c: {  	v1 =	vmul.f32 $6.400000000e+01, v1;
	_ =	sdelay $0x1  }
0x33d: {  	[tilespmem:s26+$0x0] =	vst v1;
	s26 =	sor.u32 s15, s1  }
0x33e: {  	v1 =	vld [tilespmem:s26+$0x0];
	_ =	sdelay $0x4  }
0x33f: {  	v1 =	vmul.f32 $6.400000000e+01, v1;
	_ =	sdelay $0x1  }
0x340: {  	[tilespmem:s26+$0x0] =	vst v1;
	s26 =	sor.u32 s15, s5  }
0x341: {  	v1 =	vld [tilespmem:s26+$0x0];
	_ =	sdelay $0x4  }
0x342: {  	v1 =	vmul.f32 $6.400000000e+01, v1;
	_ =	sdelay $0x1  }
0x343: {  	[tilespmem:s26+$0x0] =	vst v1;
	s26 =	sor.u32 s15, s4  }
0x344: {  	v1 =	vld [tilespmem:s26+$0x0];
	_ =	sdelay $0x4  }
0x345: {  	v1 =	vmul.f32 $6.400000000e+01, v1;
	_ =	sdelay $0x1  }
0x346: {  	[tilespmem:s26+$0x0] =	vst v1;
	s26 =	sor.u32 s15, s6  }
0x347: {  	v1 =	vld [tilespmem:s26+$0x0];
	_ =	sdelay $0x4  }
0x348: {  	v1 =	vmul.f32 $6.400000000e+01, v1;
	_ =	sdelay $0x1  }
0x349: {  	[tilespmem:s26+$0x0] =	vst v1;
	s26 =	sor.u32 s15, s17  }
0x34a: {  	v1 =	vld [tilespmem:s26+$0x0];
	_ =	sdelay $0x4  }
0x34b: {  	v1 =	vmul.f32 $6.400000000e+01, v1;
	_ =	sdelay $0x1  }
0x34c: {  	[tilespmem:s26+$0x0] =	vst v1;
	s26 =	sor.u32 s15, s14  }
0x34d: {  	v1 =	vld [tilespmem:s26+$0x0];
	_ =	sdelay $0x4  }
0x34e: {  	v1 =	vmul.f32 $6.400000000e+01, v1;
	_ =	sdelay $0x1  }
0x34f: {  	[tilespmem:s26+$0x0] =	vst v1;
	s26 =	sor.u32 s15, s11  }
0x350: {  	v1 =	vld [tilespmem:s26+$0x0];
	_ =	sdelay $0x4  }
0x351: {  	v1 =	vmul.f32 $6.400000000e+01, v1;
	_ =	sdelay $0x1  }
0x352: {  	[tilespmem:s26+$0x0] =	vst v1;
	s26 =	sor.u32 s15, s19  }
0x353: {  	v1 =	vld [tilespmem:s26+$0x0];
	_ =	sdelay $0x4  }
0x354: {  	v1 =	vmul.f32 $6.400000000e+01, v1;
	_ =	sdelay $0x1  }
0x355: {  	[tilespmem:s26+$0x0] =	vst v1;
	s26 =	sor.u32 s15, s18  }
0x356: {  	v1 =	vld [tilespmem:s26+$0x0];
	_ =	sdelay $0x4  }
0x357: {  	v1 =	vmul.f32 $6.400000000e+01, v1;
	_ =	sdelay $0x1  }
0x358: {  	[tilespmem:s26+$0x0] =	vst v1;
	s26 =	sor.u32 s15, s7  }
0x359: {  	v1 =	vld [tilespmem:s26+$0x0];
	_ =	sdelay $0x4  }
0x35a: {  	v1 =	vmul.f32 $6.400000000e+01, v1;
	_ =	sdelay $0x1  }
0x35b: {  	[tilespmem:s26+$0x0] =	vst v1;
	s26 =	sor.u32 s15, s12  }
0x35c: {  	v1 =	vld [tilespmem:s26+$0x0];
	_ =	sdelay $0x4  }
0x35d: {  	v1 =	vmul.f32 $6.400000000e+01, v1;
	_ =	sdelay $0x1  }
0x35e: {  	[tilespmem:s26+$0x0] =	vst v1;
	s26 =	sor.u32 s15, s9  }
0x35f: {  	v1 =	vld [tilespmem:s26+$0x0];
	_ =	sdelay $0x4  }
0x360: {  	v1 =	vmul.f32 $6.400000000e+01, v1  }
0x361: {  	s15 =	sor.u32 $0x10, s15  }
0x362: {  	s16 =	sor.u32 s15, s16;
	[tilespmem:s26+$0x0] =	vst v1  }
0x363: {  	v1 =	vld [tilespmem:s16+$0x0];
	_ =	sdelay $0x4  }
0x364: {  	v1 =	vmul.f32 $6.400000000e+01, v1;
	_ =	sdelay $0x1  }
0x365: {  	s13 =	sor.u32 s15, s13;
	[tilespmem:s16+$0x0] =	vst v1  }
0x366: {  	v1 =	vld [tilespmem:s13+$0x0];
	_ =	sdelay $0x4  }
0x367: {  	v1 =	vmul.f32 $6.400000000e+01, v1;
	_ =	sdelay $0x1  }
0x368: {  	s10 =	sor.u32 s15, s10;
	[tilespmem:s13+$0x0] =	vst v1  }
0x369: {  	v1 =	vld [tilespmem:s10+$0x0];
	_ =	sdelay $0x4  }
0x36a: {  	v1 =	vmul.f32 $6.400000000e+01, v1;
	_ =	sdelay $0x1  }
0x36b: {  	[tilespmem:s10+$0x0] =	vst v1;
	s10 =	sor.u32 s15, s24  }
0x36c: {  	v1 =	vld [tilespmem:s10+$0x0];
	_ =	sdelay $0x4  }
0x36d: {  	v1 =	vmul.f32 $6.400000000e+01, v1;
	_ =	sdelay $0x1  }
0x36e: {  	s1 =	sor.u32 s15, s1;
	[tilespmem:s10+$0x0] =	vst v1  }
0x36f: {  	v1 =	vld [tilespmem:s1+$0x0];
	_ =	sdelay $0x4  }
0x370: {  	v1 =	vmul.f32 $6.400000000e+01, v1;
	_ =	sdelay $0x1  }
0x371: {  	[tilespmem:s1+$0x0] =	vst v1;
	s1 =	sor.u32 s15, s5  }
0x372: {  	v1 =	vld [tilespmem:s1+$0x0];
	_ =	sdelay $0x4  }
0x373: {  	v1 =	vmul.f32 $6.400000000e+01, v1;
	_ =	sdelay $0x1  }
0x374: {  	[tilespmem:s1+$0x0] =	vst v1;
	s1 =	sor.u32 s15, s4  }
0x375: {  	v1 =	vld [tilespmem:s1+$0x0];
	_ =	sdelay $0x4  }
0x376: {  	v1 =	vmul.f32 $6.400000000e+01, v1;
	_ =	sdelay $0x1  }
0x377: {  	[tilespmem:s1+$0x0] =	vst v1;
	s1 =	sor.u32 s15, s6  }
0x378: {  	v1 =	vld [tilespmem:s1+$0x0];
	_ =	sdelay $0x4  }
0x379: {  	v1 =	vmul.f32 $6.400000000e+01, v1;
	_ =	sdelay $0x1  }
0x37a: {  	[tilespmem:s1+$0x0] =	vst v1;
	s1 =	sor.u32 s15, s17  }
0x37b: {  	v1 =	vld [tilespmem:s1+$0x0];
	_ =	sdelay $0x4  }
0x37c: {  	v1 =	vmul.f32 $6.400000000e+01, v1;
	_ =	sdelay $0x1  }
0x37d: {  	[tilespmem:s1+$0x0] =	vst v1;
	s1 =	sor.u32 s15, s14  }
0x37e: {  	v1 =	vld [tilespmem:s1+$0x0];
	_ =	sdelay $0x4  }
0x37f: {  	v1 =	vmul.f32 $6.400000000e+01, v1;
	_ =	sdelay $0x1  }
0x380: {  	[tilespmem:s1+$0x0] =	vst v1;
	s1 =	sor.u32 s15, s11  }
0x381: {  	v1 =	vld [tilespmem:s1+$0x0];
	_ =	sdelay $0x4  }
0x382: {  	v1 =	vmul.f32 $6.400000000e+01, v1;
	_ =	sdelay $0x1  }
0x383: {  	[tilespmem:s1+$0x0] =	vst v1;
	s1 =	sor.u32 s15, s19  }
0x384: {  	v1 =	vld [tilespmem:s1+$0x0];
	_ =	sdelay $0x4  }
0x385: {  	v1 =	vmul.f32 $6.400000000e+01, v1;
	_ =	sdelay $0x1  }
0x386: {  	[tilespmem:s1+$0x0] =	vst v1;
	s1 =	sor.u32 s15, s18  }
0x387: {  	v1 =	vld [tilespmem:s1+$0x0];
	_ =	sdelay $0x4  }
0x388: {  	v1 =	vmul.f32 $6.400000000e+01, v1;
	_ =	sdelay $0x1  }
0x389: {  	[tilespmem:s1+$0x0] =	vst v1;
	s1 =	sor.u32 s15, s7  }
0x38a: {  	v1 =	vld [tilespmem:s1+$0x0];
	_ =	sdelay $0x4  }
0x38b: {  	v1 =	vmul.f32 $6.400000000e+01, v1;
	_ =	sdelay $0x1  }
0x38c: {  	[tilespmem:s1+$0x0] =	vst v1;
	s1 =	sor.u32 s15, s12  }
0x38d: {  	v1 =	vld [tilespmem:s1+$0x0];
	_ =	sdelay $0x4  }
0x38e: {  	v1 =	vmul.f32 $6.400000000e+01, v1;
	_ =	sdelay $0x1  }
0x38f: {  	s4 =	sor.u32 s15, s9;
	[tilespmem:s1+$0x0] =	vst v1  }
0x390: {  	v1 =	vld [tilespmem:s4+$0x0];
	_ =	sdelay $0x1  }
.Ltmp8:
0x391: {  	(pc) =	sbr.rel @p3 .LBB2_11-.Ltmp8, $4  }
0x392: {  	_ = 	snop  }
0x393: {  	s0 =	sadd.s32 $0x100, s0;
	s2 =	sadd.s32 $0x20, s2  }
0x394: {  	s9 =	sand.u32 $0x1C00, s0;
	s15 =	sand.u32 $0x60, s2;
	v1 =	vmul.f32 $6.400000000e+01, v1  }
0x395: {  	s16 =	sadd.s32 $0x8800, s9;
	s13 =	sadd.s32 $0x8880, s9;
	s10 =	sadd.s32 $0x8900, s9  }
0x396: {  	s0 =	sor.u32 s15, s16;
	[tilespmem:s4+$0x0] =	vst v1  }
0x397: {  	v1 =	vld [tilespmem:s0+$0x0];
	_ =	sdelay $0x4  }
0x398: {  	v1 =	vmul.f32 $6.400000000e+01, v1;
	_ =	sdelay $0x1  }
0x399: {  	s19 =	sor.u32 s15, s13;
	[tilespmem:s0+$0x0] =	vst v1  }
0x39a: {  	v1 =	vld [tilespmem:s19+$0x0];
	_ =	sdelay $0x4  }
0x39b: {  	v1 =	vmul.f32 $6.400000000e+01, v1;
	_ =	sdelay $0x1  }
0x39c: {  	s1 =	sor.u32 s15, s10;
	[tilespmem:s19+$0x0] =	vst v1  }
0x39d: {  	v1 =	vld [tilespmem:s1+$0x0];
	_ =	sdelay $0x4  }
0x39e: {  	v1 =	vmul.f32 $6.400000000e+01, v1  }
0x39f: {  	s0 =	sadd.s32 $0x8980, s9  }
0x3a0: {  	s2 =	sor.u32 s15, s0;
	[tilespmem:s1+$0x0] =	vst v1  }
0x3a1: {  	v1 =	vld [tilespmem:s2+$0x0];
	_ =	sdelay $0x4  }
0x3a2: {  	v1 =	vmul.f32 $6.400000000e+01, v1  }
0x3a3: {  	s1 =	sadd.s32 $0x8A00, s9  }
0x3a4: {  	s24 =	sor.u32 s15, s1;
	[tilespmem:s2+$0x0] =	vst v1  }
0x3a5: {  	v1 =	vld [tilespmem:s24+$0x0];
	_ =	sdelay $0x4  }
0x3a6: {  	v1 =	vmul.f32 $6.400000000e+01, v1  }
0x3a7: {  	s2 =	sadd.s32 $0x8A80, s9  }
0x3a8: {  	s5 =	sor.u32 s15, s2;
	[tilespmem:s24+$0x0] =	vst v1  }
0x3a9: {  	v1 =	vld [tilespmem:s5+$0x0];
	_ =	sdelay $0x4  }
0x3aa: {  	v1 =	vmul.f32 $6.400000000e+01, v1  }
0x3ab: {  	s4 =	sadd.s32 $0x8B00, s9  }
0x3ac: {  	s6 =	sor.u32 s15, s4;
	[tilespmem:s5+$0x0] =	vst v1  }
0x3ad: {  	v1 =	vld [tilespmem:s6+$0x0];
	_ =	sdelay $0x4  }
0x3ae: {  	v1 =	vmul.f32 $6.400000000e+01, v1  }
0x3af: {  	s5 =	sadd.s32 $0x8B80, s9  }
0x3b0: {  	s7 =	sor.u32 s15, s5;
	[tilespmem:s6+$0x0] =	vst v1  }
0x3b1: {  	v1 =	vld [tilespmem:s7+$0x0];
	_ =	sdelay $0x4  }
0x3b2: {  	v1 =	vmul.f32 $6.400000000e+01, v1  }
0x3b3: {  	s6 =	sadd.s32 $0xA800, s9  }
0x3b4: {  	s8 =	sor.u32 s15, s6;
	[tilespmem:s7+$0x0] =	vst v1  }
0x3b5: {  	v1 =	vld [tilespmem:s8+$0x0];
	_ =	sdelay $0x4  }
0x3b6: {  	v1 =	vmul.f32 $6.400000000e+01, v1  }
0x3b7: {  	s7 =	sadd.s32 $0xA880, s9  }
0x3b8: {  	s11 =	sor.u32 s15, s7;
	[tilespmem:s8+$0x0] =	vst v1  }
0x3b9: {  	v1 =	vld [tilespmem:s11+$0x0];
	_ =	sdelay $0x4  }
0x3ba: {  	v1 =	vmul.f32 $6.400000000e+01, v1  }
0x3bb: {  	s8 =	sadd.s32 $0xA900, s9  }
0x3bc: {  	s12 =	sor.u32 s15, s8;
	[tilespmem:s11+$0x0] =	vst v1  }
0x3bd: {  	v1 =	vld [tilespmem:s12+$0x0];
	_ =	sdelay $0x4  }
0x3be: {  	v1 =	vmul.f32 $6.400000000e+01, v1  }
0x3bf: {  	s11 =	sadd.s32 $0xA980, s9  }
0x3c0: {  	s14 =	sor.u32 s15, s11;
	[tilespmem:s12+$0x0] =	vst v1  }
0x3c1: {  	v1 =	vld [tilespmem:s14+$0x0];
	_ =	sdelay $0x4  }
0x3c2: {  	v1 =	vmul.f32 $6.400000000e+01, v1  }
0x3c3: {  	s12 =	sadd.s32 $0xAA00, s9  }
0x3c4: {  	s17 =	sor.u32 s15, s12;
	[tilespmem:s14+$0x0] =	vst v1  }
0x3c5: {  	v1 =	vld [tilespmem:s17+$0x0];
	_ =	sdelay $0x4  }
0x3c6: {  	v1 =	vmul.f32 $6.400000000e+01, v1  }
0x3c7: {  	s14 =	sadd.s32 $0xAA80, s9  }
0x3c8: {  	s18 =	sor.u32 s15, s14;
	[tilespmem:s17+$0x0] =	vst v1  }
0x3c9: {  	v1 =	vld [tilespmem:s18+$0x0];
	_ =	sdelay $0x4  }
0x3ca: {  	v1 =	vmul.f32 $6.400000000e+01, v1  }
0x3cb: {  	s17 =	sadd.s32 $0xAB00, s9  }
0x3cc: {  	s26 =	sor.u32 s15, s17;
	[tilespmem:s18+$0x0] =	vst v1  }
0x3cd: {  	v1 =	vld [tilespmem:s26+$0x0];
	_ =	sdelay $0x4  }
0x3ce: {  	v1 =	vmul.f32 $6.400000000e+01, v1  }
0x3cf: {  	s9 =	sadd.s32 $0xAB80, s9  }
0x3d0: {  	s3 =	sor.u32 s15, s9;
	[tilespmem:s26+$0x0] =	vst v1  }
0x3d1: {  	v1 =	vld [tilespmem:s3+$0x0];
	_ =	sdelay $0x4  }
0x3d2: {  	v1 =	vmul.f32 $6.400000000e+01, v1  }
0x3d3: {  	s15 =	sor.u32 $0x10, s15  }
0x3d4: {  	s19 =	sor.u32 s15, s16;
	[tilespmem:s3+$0x0] =	vst v1  }
0x3d5: {  	v1 =	vld [tilespmem:s19+$0x0];
	_ =	sdelay $0x4  }
0x3d6: {  	v1 =	vmul.f32 $6.400000000e+01, v1;
	_ =	sdelay $0x1  }
0x3d7: {  	s24 =	sor.u32 s15, s13;
	[tilespmem:s19+$0x0] =	vst v1  }
0x3d8: {  	v1 =	vld [tilespmem:s24+$0x0];
	_ =	sdelay $0x4  }
0x3d9: {  	v1 =	vmul.f32 $6.400000000e+01, v1;
	_ =	sdelay $0x1  }
0x3da: {  	s26 =	sor.u32 s15, s10;
	[tilespmem:s24+$0x0] =	vst v1  }
0x3db: {  	v1 =	vld [tilespmem:s26+$0x0];
	_ =	sdelay $0x4  }
0x3dc: {  	v1 =	vmul.f32 $6.400000000e+01, v1;
	_ =	sdelay $0x1  }
0x3dd: {  	s0 =	sor.u32 s15, s0;
	[tilespmem:s26+$0x0] =	vst v1  }
0x3de: {  	v1 =	vld [tilespmem:s0+$0x0];
	_ =	sdelay $0x4  }
0x3df: {  	v1 =	vmul.f32 $6.400000000e+01, v1;
	_ =	sdelay $0x1  }
0x3e0: {  	s1 =	sor.u32 s15, s1;
	[tilespmem:s0+$0x0] =	vst v1  }
0x3e1: {  	v1 =	vld [tilespmem:s1+$0x0];
	_ =	sdelay $0x4  }
0x3e2: {  	v1 =	vmul.f32 $6.400000000e+01, v1;
	_ =	sdelay $0x1  }
0x3e3: {  	s3 =	sor.u32 s15, s2;
	[tilespmem:s1+$0x0] =	vst v1  }
0x3e4: {  	v1 =	vld [tilespmem:s3+$0x0];
	_ =	sdelay $0x4  }
0x3e5: {  	v1 =	vmul.f32 $6.400000000e+01, v1;
	_ =	sdelay $0x1  }
0x3e6: {  	s4 =	sor.u32 s15, s4;
	[tilespmem:s3+$0x0] =	vst v1  }
0x3e7: {  	v1 =	vld [tilespmem:s4+$0x0];
	_ =	sdelay $0x4  }
0x3e8: {  	v1 =	vmul.f32 $6.400000000e+01, v1;
	_ =	sdelay $0x1  }
0x3e9: {  	s5 =	sor.u32 s15, s5;
	[tilespmem:s4+$0x0] =	vst v1  }
0x3ea: {  	v1 =	vld [tilespmem:s5+$0x0];
	_ =	sdelay $0x4  }
0x3eb: {  	v1 =	vmul.f32 $6.400000000e+01, v1;
	_ =	sdelay $0x1  }
0x3ec: {  	s6 =	sor.u32 s15, s6;
	[tilespmem:s5+$0x0] =	vst v1  }
0x3ed: {  	v1 =	vld [tilespmem:s6+$0x0];
	_ =	sdelay $0x4  }
0x3ee: {  	v1 =	vmul.f32 $6.400000000e+01, v1;
	_ =	sdelay $0x1  }
0x3ef: {  	s7 =	sor.u32 s15, s7;
	[tilespmem:s6+$0x0] =	vst v1  }
0x3f0: {  	v1 =	vld [tilespmem:s7+$0x0];
	_ =	sdelay $0x4  }
0x3f1: {  	v1 =	vmul.f32 $6.400000000e+01, v1;
	_ =	sdelay $0x1  }
0x3f2: {  	s10 =	sor.u32 s15, s8;
	[tilespmem:s7+$0x0] =	vst v1  }
0x3f3: {  	v1 =	vld [tilespmem:s10+$0x0];
	_ =	sdelay $0x4  }
0x3f4: {  	v1 =	vmul.f32 $6.400000000e+01, v1;
	_ =	sdelay $0x1  }
0x3f5: {  	s11 =	sor.u32 s15, s11;
	[tilespmem:s10+$0x0] =	vst v1  }
0x3f6: {  	v1 =	vld [tilespmem:s11+$0x0];
	_ =	sdelay $0x4  }
0x3f7: {  	v1 =	vmul.f32 $6.400000000e+01, v1;
	_ =	sdelay $0x1  }
0x3f8: {  	s13 =	sor.u32 s15, s12;
	[tilespmem:s11+$0x0] =	vst v1  }
0x3f9: {  	v1 =	vld [tilespmem:s13+$0x0];
	_ =	sdelay $0x4  }
0x3fa: {  	v1 =	vmul.f32 $6.400000000e+01, v1;
	_ =	sdelay $0x1  }
0x3fb: {  	s16 =	sor.u32 s15, s14;
	[tilespmem:s13+$0x0] =	vst v1  }
0x3fc: {  	v1 =	vld [tilespmem:s16+$0x0];
	_ =	sdelay $0x4  }
0x3fd: {  	v1 =	vmul.f32 $6.400000000e+01, v1;
	_ =	sdelay $0x1  }
0x3fe: {  	s18 =	sor.u32 s15, s17;
	[tilespmem:s16+$0x0] =	vst v1  }
0x3ff: {  	v1 =	vld [tilespmem:s18+$0x0];
	_ =	sdelay $0x4  }
0x400: {  	v1 =	vmul.f32 $6.400000000e+01, v1;
	_ =	sdelay $0x1  }
0x401: {  	s19 =	sor.u32 s15, s9;
	[tilespmem:s18+$0x0] =	vst v1  }
0x402: {  	v1 =	vld [tilespmem:s19+$0x0];
	_ =	sdelay $0x4  }
0x403: {  	v1 =	vmul.f32 $6.400000000e+01, v1;
	_ =	sdelay $0x1  }
0x404: {  	s26 =	simm.s32 $0x0;
	[tilespmem:s19+$0x0] =	vst v1  }
0x405: {  	v2 =	vld [tilespmem:s26+$0x0];
	_ =	sdelay $0x1  }
0x406: {  	s24 =	rddreg [dreg:$0x13]  }
0x407: {  	s0 =	sshll.u32 s24, $0x4  }
0x408: {  	v1 =	vmov s0  }
0x409: {  	v2 =	vsub.s32 v2, v1  }
0x40a: {  	vm0 =	vgt.s32 v2, $0x0  }
0x40b: {  	v4 =	vmov s26;
	v3 =	vnsel vm0, $0x0, v2  }
0x40c: {  	v5 =	vor.u32 s26, v0;
	v4 =	vshll.u32 v4, $0x3;
	v3 =	vmin.u32 v3, $0xF  }
0x40d: {  	v5 =	vand.u32 $0x7F, v5;
	v4 =	vand.u32 $0x1C00, v4;
	v6 =	vshll.u32 v3, $0xA  }
0x40e: {  	v4 =	vor.u32 v4, v5;
	v3 =	vshll.u32 v3, $0x7;
	v6 =	vand.u32 $0x2000, v6  }
0x40f: {  	vm15 =	vlt.u32 v2, $0x10;
	v2 =	vand.u32 $0x380, v3;
	v3 =	vor.u32 v6, v4  }
0x410: {  	v2 =	vor.u32 v2, v3;
	_ =	sdelay $0x2  }
0x411: {  	s0 =	simm.s32 $0x400  }
0x412: {  	v63 =	vld [tilespmem:s0+$0x0]  }
0x413: {  	v3 =	vld.idx.msk [tilespmem:v2+s22+$0x0], vm15;
	_ =	sdelay $0x4  }
0x414: {  	v3 =	vsub.f32 v3, v63;
	_ =	sdelay $0x1  }
0x415: {  	s1 =	simm.s32 $0x10;
	[tilespmem:v2+s22+$0x0] =	vst.idx.msk vm15, v3  }
0x416: {  	s2 =	simm.s32 $0x20;
	s3 =	simm.s32 $0x10;
	v2 =	vld [tilespmem:s1+$0x0]  }
.LBB2_13:
0x417: {  	p3 =	sne.s32 s2, $0x3F0;
	_ =	sdelay $0x3  }
0x418: {  	v2 =	vsub.s32 v2, v1  }
0x419: {  	vm0 =	vgt.s32 v2, $0x0  }
0x41a: {  	v4 =	vmov s1;
	v3 =	vnsel vm0, $0x0, v2  }
0x41b: {  	v5 =	vor.u32 s1, v0;
	s1 =	smov.u32 s2;
	v4 =	vshll.u32 v4, $0x3;
	v3 =	vmin.u32 v3, $0xF  }
0x41c: {  	v5 =	vand.u32 $0x7F, v5;
	v4 =	vand.u32 $0x1C00, v4;
	v6 =	vshll.u32 v3, $0xA  }
0x41d: {  	v4 =	vor.u32 v4, v5;
	v3 =	vshll.u32 v3, $0x7;
	v6 =	vand.u32 $0x2000, v6  }
0x41e: {  	vm0 =	vlt.u32 v2, $0x10;
	v2 =	vand.u32 $0x380, v3;
	v3 =	vor.u32 v6, v4  }
0x41f: {  	v2 =	vor.u32 v2, v3;
	_ =	sdelay $0x4  }
0x420: {  	s0 =	sadd.s32 $0x10, s0;
	v3 =	vld.idx.msk [tilespmem:v2+s22+$0x0], vm0  }
0x421: {  	v4 =	vld [tilespmem:s0+$0x0];
	_ =	sdelay $0x3  }
.Ltmp9:
0x422: {  	(pc) =	sbr.rel @p3 .LBB2_13-.Ltmp9, $3  }
0x423: {  	v3 =	vsub.f32 v3, v4;
	_ =	sdelay $0x1  }
0x424: {  	s3 =	sadd.s32 $0x10, s3;
	[tilespmem:v2+s22+$0x0] =	vst.idx.msk vm0, v3  }
0x425: {  	s2 =	sadd.s32 $0x10, s2;
	v2 =	vld [tilespmem:s3+$0x0]  }
0x426: {  	_ =	sdelay $0x3  }
0x427: {  	v1 =	vsub.s32 v2, v1  }
0x428: {  	vm0 =	vgt.s32 v1, $0x0  }
0x429: {  	v3 =	vmov s1;
	v2 =	vnsel vm0, $0x0, v1  }
0x42a: {  	v4 =	vor.u32 s1, v0;
	v3 =	vshll.u32 v3, $0x3;
	v2 =	vmin.u32 v2, $0xF  }
0x42b: {  	v4 =	vand.u32 $0x7F, v4;
	v3 =	vand.u32 $0x1C00, v3;
	v5 =	vshll.u32 v2, $0xA  }
0x42c: {  	v3 =	vor.u32 v3, v4;
	v2 =	vshll.u32 v2, $0x7;
	v5 =	vand.u32 $0x2000, v5  }
0x42d: {  	vm15 =	vlt.u32 v1, $0x10;
	v1 =	vand.u32 $0x380, v2;
	v2 =	vor.u32 v5, v3  }
0x42e: {  	v1 =	vor.u32 v1, v2;
	_ =	sdelay $0x2  }
0x42f: {  	s0 =	sadd.s32 $0x10, s0  }
0x430: {  	v3 =	vld [tilespmem:s0+$0x0]  }
0x431: {  	v2 =	vld.idx.msk [tilespmem:v1+s22+$0x0], vm15;
	_ =	sdelay $0x4  }
0x432: {  	s17 =	rddreg [dreg:$0x3];
	v2 =	vsub.f32 v2, v3  }
0x433: {  	s18 =	rddreg [dreg:$0x12]  }
0x434: {  	s19 =	simm.s32 $0x0;
	s24 =	smin.u32 s30, $0xBE;
	s0 =	sadd.s32 s17, s18;
	[tilespmem:v1+s22+$0x0] =	vst.idx.msk vm15, v2  }
0x435: {  	[hbm4b:s0+s19] =	stream.linear.scatter [tilespmem:s22], [sflag:$0x2], $0x4000, $0x38;
	[tilespmem:$0x10800] =	vst v63  }
0x436: {  	s26 =	rddreg [dreg:$0xa];
	s0 =	sshll.u32 s24, $0x5  }
0x437: {  	s30 =	simm.s32 $0x2;
	s0 =	sadd.s32 s26, s0  }
.Ltmp10:
0x438: {  	_ =	swait.ge [sflag:s30], $0x4000;
	p3 =	sgt.u32 @!p2 s0, $0x1869;
	(pc) =	sbr.rel @p1 .LBB2_20-.Ltmp10, $4  }
0x439: {  	[sflag:s30] =	ssyncset.done $0x0;
	p2 =	por p3, p2  }
0x43a: {  	[sflag:s30] =	ssyncadd.s32 $0xFFFFC000;
	s0 =	sshll.u32 @!p2 s0, $0xB  }
0x43b: {  	s1 =	simm.s32 @!p2 $0x0;
	s2 =	simm.s32 @!p2 $0x4800;
	s0 =	sadd.s32 @!p2 s31, s0  }
0x43c: {  	[tilespmem:s2], [sflag:$0x1] =	stream.linear.gather @!p2 [hbm4b:s0+s1], $0x4000, $0x38;
	[tilespmem:$0x10800] =	vst v63  }
0x43d: {  	s0 =	simm.s32 $0x0  }
0x43e: {  	_ =	swait.ge [sflag:s23], $0x4000;
	s7 =	sand.u32 $0x1C00, s0  }
0x43f: {  	[sflag:s23] =	ssyncset.done $0x0;
	s2 =	sand.u32 $0x60, s0;
	s0 =	sadd.s32 $0xC800, s7  }
0x440: {  	[sflag:s23] =	ssyncadd.s32 $0xFFFFC000;
	s3 =	sor.u32 s2, s0  }
0x441: {  	v1 =	vld [tilespmem:s3+$0x0];
	_ =	sdelay $0x4  }
0x442: {  	v1 =	vmul.f32 $6.400000000e+01, v1  }
0x443: {  	s1 =	sadd.s32 $0xC880, s7  }
0x444: {  	s4 =	sor.u32 s2, s1;
	[tilespmem:s3+$0x0] =	vst v1  }
0x445: {  	v1 =	vld [tilespmem:s4+$0x0];
	_ =	sdelay $0x4  }
0x446: {  	v1 =	vmul.f32 $6.400000000e+01, v1  }
0x447: {  	s3 =	sadd.s32 $0xC900, s7  }
0x448: {  	s5 =	sor.u32 s2, s3;
	[tilespmem:s4+$0x0] =	vst v1  }
0x449: {  	v1 =	vld [tilespmem:s5+$0x0];
	_ =	sdelay $0x4  }
0x44a: {  	v1 =	vmul.f32 $6.400000000e+01, v1  }
0x44b: {  	s4 =	sadd.s32 $0xC980, s7  }
0x44c: {  	s6 =	sor.u32 s2, s4;
	[tilespmem:s5+$0x0] =	vst v1  }
0x44d: {  	v1 =	vld [tilespmem:s6+$0x0];
	_ =	sdelay $0x4  }
0x44e: {  	v1 =	vmul.f32 $6.400000000e+01, v1  }
0x44f: {  	s5 =	sadd.s32 $0xCA00, s7  }
0x450: {  	s8 =	sor.u32 s2, s5;
	[tilespmem:s6+$0x0] =	vst v1  }
0x451: {  	v1 =	vld [tilespmem:s8+$0x0];
	_ =	sdelay $0x4  }
0x452: {  	v1 =	vmul.f32 $6.400000000e+01, v1  }
0x453: {  	s6 =	sadd.s32 $0xCA80, s7  }
0x454: {  	s9 =	sor.u32 s2, s6;
	[tilespmem:s8+$0x0] =	vst v1  }
0x455: {  	v1 =	vld [tilespmem:s9+$0x0];
	_ =	sdelay $0x4  }
0x456: {  	v1 =	vmul.f32 $6.400000000e+01, v1  }
0x457: {  	s8 =	sadd.s32 $0xCB00, s7  }
0x458: {  	s10 =	sor.u32 s2, s8;
	[tilespmem:s9+$0x0] =	vst v1  }
0x459: {  	v1 =	vld [tilespmem:s10+$0x0];
	_ =	sdelay $0x4  }
0x45a: {  	v1 =	vmul.f32 $6.400000000e+01, v1  }
0x45b: {  	s9 =	sadd.s32 $0xCB80, s7  }
0x45c: {  	s11 =	sor.u32 s2, s9;
	[tilespmem:s10+$0x0] =	vst v1  }
0x45d: {  	v1 =	vld [tilespmem:s11+$0x0];
	_ =	sdelay $0x4  }
0x45e: {  	v1 =	vmul.f32 $6.400000000e+01, v1  }
0x45f: {  	s10 =	sadd.s32 $0xE800, s7  }
0x460: {  	s12 =	sor.u32 s2, s10;
	[tilespmem:s11+$0x0] =	vst v1  }
0x461: {  	v1 =	vld [tilespmem:s12+$0x0];
	_ =	sdelay $0x4  }
0x462: {  	v1 =	vmul.f32 $6.400000000e+01, v1  }
0x463: {  	s11 =	sadd.s32 $0xE880, s7  }
0x464: {  	s13 =	sor.u32 s2, s11;
	[tilespmem:s12+$0x0] =	vst v1  }
0x465: {  	v1 =	vld [tilespmem:s13+$0x0];
	_ =	sdelay $0x4  }
0x466: {  	v1 =	vmul.f32 $6.400000000e+01, v1  }
0x467: {  	s18 =	sadd.s32 $0xE900, s7  }
0x468: {  	s14 =	sor.u32 s2, s18;
	[tilespmem:s13+$0x0] =	vst v1  }
0x469: {  	v1 =	vld [tilespmem:s14+$0x0];
	_ =	sdelay $0x4  }
0x46a: {  	v1 =	vmul.f32 $6.400000000e+01, v1  }
0x46b: {  	s19 =	sadd.s32 $0xE980, s7  }
0x46c: {  	s15 =	sor.u32 s2, s19;
	[tilespmem:s14+$0x0] =	vst v1  }
0x46d: {  	v1 =	vld [tilespmem:s15+$0x0];
	_ =	sdelay $0x4  }
0x46e: {  	v1 =	vmul.f32 $6.400000000e+01, v1  }
0x46f: {  	s24 =	sadd.s32 $0xEA00, s7  }
0x470: {  	s16 =	sor.u32 s2, s24;
	[tilespmem:s15+$0x0] =	vst v1  }
0x471: {  	v1 =	vld [tilespmem:s16+$0x0];
	_ =	sdelay $0x4  }
0x472: {  	v1 =	vmul.f32 $6.400000000e+01, v1  }
0x473: {  	s15 =	sadd.s32 $0xEA80, s7  }
0x474: {  	s17 =	sor.u32 s2, s15;
	[tilespmem:s16+$0x0] =	vst v1  }
0x475: {  	v1 =	vld [tilespmem:s17+$0x0];
	_ =	sdelay $0x4  }
0x476: {  	v1 =	vmul.f32 $6.400000000e+01, v1  }
0x477: {  	s16 =	sadd.s32 $0xEB00, s7  }
0x478: {  	s26 =	sor.u32 s2, s16;
	[tilespmem:s17+$0x0] =	vst v1  }
0x479: {  	v1 =	vld [tilespmem:s26+$0x0];
	_ =	sdelay $0x4  }
0x47a: {  	v1 =	vmul.f32 $6.400000000e+01, v1  }
0x47b: {  	s7 =	sadd.s32 $0xEB80, s7  }
0x47c: {  	s30 =	sor.u32 s2, s7;
	[tilespmem:s26+$0x0] =	vst v1  }
0x47d: {  	v1 =	vld [tilespmem:s30+$0x0];
	_ =	sdelay $0x4  }
0x47e: {  	v1 =	vmul.f32 $6.400000000e+01, v1  }
0x47f: {  	s2 =	sor.u32 $0x10, s2  }
0x480: {  	s0 =	sor.u32 s2, s0;
	[tilespmem:s30+$0x0] =	vst v1  }
0x481: {  	v1 =	vld [tilespmem:s0+$0x0];
	_ =	sdelay $0x4  }
0x482: {  	v1 =	vmul.f32 $6.400000000e+01, v1;
	_ =	sdelay $0x1  }
0x483: {  	s1 =	sor.u32 s2, s1;
	[tilespmem:s0+$0x0] =	vst v1  }
0x484: {  	v1 =	vld [tilespmem:s1+$0x0];
	_ =	sdelay $0x4  }
0x485: {  	v1 =	vmul.f32 $6.400000000e+01, v1;
	_ =	sdelay $0x1  }
0x486: {  	s3 =	sor.u32 s2, s3;
	[tilespmem:s1+$0x0] =	vst v1  }
0x487: {  	v1 =	vld [tilespmem:s3+$0x0];
	_ =	sdelay $0x4  }
0x488: {  	v1 =	vmul.f32 $6.400000000e+01, v1;
	_ =	sdelay $0x1  }
0x489: {  	s4 =	sor.u32 s2, s4;
	[tilespmem:s3+$0x0] =	vst v1  }
0x48a: {  	v1 =	vld [tilespmem:s4+$0x0];
	_ =	sdelay $0x4  }
0x48b: {  	v1 =	vmul.f32 $6.400000000e+01, v1;
	_ =	sdelay $0x1  }
0x48c: {  	s5 =	sor.u32 s2, s5;
	[tilespmem:s4+$0x0] =	vst v1  }
0x48d: {  	v1 =	vld [tilespmem:s5+$0x0];
	_ =	sdelay $0x4  }
0x48e: {  	v1 =	vmul.f32 $6.400000000e+01, v1;
	_ =	sdelay $0x1  }
0x48f: {  	s6 =	sor.u32 s2, s6;
	[tilespmem:s5+$0x0] =	vst v1  }
0x490: {  	v1 =	vld [tilespmem:s6+$0x0];
	_ =	sdelay $0x4  }
0x491: {  	v1 =	vmul.f32 $6.400000000e+01, v1;
	_ =	sdelay $0x1  }
0x492: {  	s8 =	sor.u32 s2, s8;
	[tilespmem:s6+$0x0] =	vst v1  }
0x493: {  	v1 =	vld [tilespmem:s8+$0x0];
	_ =	sdelay $0x4  }
0x494: {  	v1 =	vmul.f32 $6.400000000e+01, v1;
	_ =	sdelay $0x1  }
0x495: {  	s9 =	sor.u32 s2, s9;
	[tilespmem:s8+$0x0] =	vst v1  }
0x496: {  	v1 =	vld [tilespmem:s9+$0x0];
	_ =	sdelay $0x4  }
0x497: {  	v1 =	vmul.f32 $6.400000000e+01, v1;
	_ =	sdelay $0x1  }
0x498: {  	s10 =	sor.u32 s2, s10;
	[tilespmem:s9+$0x0] =	vst v1  }
0x499: {  	v1 =	vld [tilespmem:s10+$0x0];
	_ =	sdelay $0x4  }
0x49a: {  	v1 =	vmul.f32 $6.400000000e+01, v1;
	_ =	sdelay $0x1  }
0x49b: {  	s17 =	sor.u32 s2, s11;
	[tilespmem:s10+$0x0] =	vst v1  }
0x49c: {  	v1 =	vld [tilespmem:s17+$0x0];
	_ =	sdelay $0x4  }
0x49d: {  	v1 =	vmul.f32 $6.400000000e+01, v1;
	_ =	sdelay $0x1  }
0x49e: {  	s18 =	sor.u32 s2, s18;
	[tilespmem:s17+$0x0] =	vst v1  }
0x49f: {  	v1 =	vld [tilespmem:s18+$0x0];
	_ =	sdelay $0x4  }
0x4a0: {  	v1 =	vmul.f32 $6.400000000e+01, v1;
	_ =	sdelay $0x1  }
0x4a1: {  	s19 =	sor.u32 s2, s19;
	[tilespmem:s18+$0x0] =	vst v1  }
0x4a2: {  	v1 =	vld [tilespmem:s19+$0x0];
	_ =	sdelay $0x4  }
0x4a3: {  	v1 =	vmul.f32 $6.400000000e+01, v1;
	_ =	sdelay $0x1  }
0x4a4: {  	s24 =	sor.u32 s2, s24;
	[tilespmem:s19+$0x0] =	vst v1  }
0x4a5: {  	v1 =	vld [tilespmem:s24+$0x0];
	_ =	sdelay $0x4  }
0x4a6: {  	v1 =	vmul.f32 $6.400000000e+01, v1;
	_ =	sdelay $0x1  }
0x4a7: {  	s26 =	sor.u32 s2, s15;
	[tilespmem:s24+$0x0] =	vst v1  }
0x4a8: {  	v1 =	vld [tilespmem:s26+$0x0];
	_ =	sdelay $0x4  }
0x4a9: {  	v1 =	vmul.f32 $6.400000000e+01, v1;
	_ =	sdelay $0x1  }
0x4aa: {  	s30 =	sor.u32 s2, s16;
	[tilespmem:s26+$0x0] =	vst v1  }
0x4ab: {  	v1 =	vld [tilespmem:s30+$0x0];
	_ =	sdelay $0x4  }
0x4ac: {  	v1 =	vmul.f32 $6.400000000e+01, v1;
	_ =	sdelay $0x1  }
0x4ad: {  	s4 =	sor.u32 s2, s7;
	[tilespmem:s30+$0x0] =	vst v1  }
0x4ae: {  	v1 =	vld [tilespmem:s4+$0x0];
	_ =	sdelay $0x3  }
0x4af: {  	s0 =	simm.s32 $0x100;
	s2 =	simm.s32 $0x20  }
0x4b0: {  	s3 =	simm.s32 $0x2;
	s15 =	sand.u32 $0x60, s2;
	s8 =	sand.u32 $0x1C00, s0;
	v1 =	vmul.f32 $6.400000000e+01, v1  }
0x4b1: {  	s16 =	sadd.s32 $0xC800, s8;
	s13 =	sadd.s32 $0xC880, s8;
	s10 =	sadd.s32 $0xC900, s8  }
.LBB2_16:
0x4b2: {  	s24 =	sor.u32 s15, s16;
	s19 =	sadd.s32 $0xC980, s8;
	s1 =	sadd.s32 $0xCA00, s8;
	[tilespmem:s4+$0x0] =	vst v1  }
0x4b3: {  	s5 =	sadd.s32 $0xCA80, s8;
	s4 =	sadd.s32 $0xCB00, s8;
	s6 =	sadd.s32 $0xCB80, s8;
	v1 =	vld [tilespmem:s24+$0x0]  }
0x4b4: {  	s17 =	sadd.s32 $0xE800, s8;
	s14 =	sadd.s32 $0xE880, s8;
	s11 =	sadd.s32 $0xE900, s8  }
0x4b5: {  	s18 =	sadd.s32 $0xE980, s8;
	s12 =	sadd.s32 $0xEA00, s8;
	s7 =	sadd.s32 $0xEA80, s8  }
0x4b6: {  	s3 =	sadd.s32 $0x2, s3;
	s9 =	sadd.s32 $0xEB00, s8;
	s8 =	sadd.s32 $0xEB80, s8  }
0x4b7: {  	p1 =	slt.u32 s3, $0x3E  }
0x4b8: {  	v1 =	vmul.f32 $6.400000000e+01, v1;
	_ =	sdelay $0x1  }
0x4b9: {  	[tilespmem:s24+$0x0] =	vst v1;
	s24 =	sor.u32 s15, s13  }
0x4ba: {  	v1 =	vld [tilespmem:s24+$0x0];
	_ =	sdelay $0x4  }
0x4bb: {  	v1 =	vmul.f32 $6.400000000e+01, v1;
	_ =	sdelay $0x1  }
0x4bc: {  	[tilespmem:s24+$0x0] =	vst v1;
	s24 =	sor.u32 s15, s10  }
0x4bd: {  	v1 =	vld [tilespmem:s24+$0x0];
	_ =	sdelay $0x4  }
0x4be: {  	v1 =	vmul.f32 $6.400000000e+01, v1;
	_ =	sdelay $0x1  }
0x4bf: {  	[tilespmem:s24+$0x0] =	vst v1;
	s24 =	sor.u32 s15, s19  }
0x4c0: {  	v1 =	vld [tilespmem:s24+$0x0];
	_ =	sdelay $0x4  }
0x4c1: {  	v1 =	vmul.f32 $6.400000000e+01, v1;
	_ =	sdelay $0x1  }
0x4c2: {  	[tilespmem:s24+$0x0] =	vst v1;
	s24 =	sor.u32 s15, s1  }
0x4c3: {  	v1 =	vld [tilespmem:s24+$0x0];
	_ =	sdelay $0x4  }
0x4c4: {  	v1 =	vmul.f32 $6.400000000e+01, v1;
	_ =	sdelay $0x1  }
0x4c5: {  	[tilespmem:s24+$0x0] =	vst v1;
	s24 =	sor.u32 s15, s5  }
0x4c6: {  	v1 =	vld [tilespmem:s24+$0x0];
	_ =	sdelay $0x4  }
0x4c7: {  	v1 =	vmul.f32 $6.400000000e+01, v1;
	_ =	sdelay $0x1  }
0x4c8: {  	[tilespmem:s24+$0x0] =	vst v1;
	s24 =	sor.u32 s15, s4  }
0x4c9: {  	v1 =	vld [tilespmem:s24+$0x0];
	_ =	sdelay $0x4  }
0x4ca: {  	v1 =	vmul.f32 $6.400000000e+01, v1;
	_ =	sdelay $0x1  }
0x4cb: {  	[tilespmem:s24+$0x0] =	vst v1;
	s24 =	sor.u32 s15, s6  }
0x4cc: {  	v1 =	vld [tilespmem:s24+$0x0];
	_ =	sdelay $0x4  }
0x4cd: {  	v1 =	vmul.f32 $6.400000000e+01, v1;
	_ =	sdelay $0x1  }
0x4ce: {  	[tilespmem:s24+$0x0] =	vst v1;
	s24 =	sor.u32 s15, s17  }
0x4cf: {  	v1 =	vld [tilespmem:s24+$0x0];
	_ =	sdelay $0x4  }
0x4d0: {  	v1 =	vmul.f32 $6.400000000e+01, v1;
	_ =	sdelay $0x1  }
0x4d1: {  	[tilespmem:s24+$0x0] =	vst v1;
	s24 =	sor.u32 s15, s14  }
0x4d2: {  	v1 =	vld [tilespmem:s24+$0x0];
	_ =	sdelay $0x4  }
0x4d3: {  	v1 =	vmul.f32 $6.400000000e+01, v1;
	_ =	sdelay $0x1  }
0x4d4: {  	[tilespmem:s24+$0x0] =	vst v1;
	s24 =	sor.u32 s15, s11  }
0x4d5: {  	v1 =	vld [tilespmem:s24+$0x0];
	_ =	sdelay $0x4  }
0x4d6: {  	v1 =	vmul.f32 $6.400000000e+01, v1;
	_ =	sdelay $0x1  }
0x4d7: {  	[tilespmem:s24+$0x0] =	vst v1;
	s24 =	sor.u32 s15, s18  }
0x4d8: {  	v1 =	vld [tilespmem:s24+$0x0];
	_ =	sdelay $0x4  }
0x4d9: {  	v1 =	vmul.f32 $6.400000000e+01, v1;
	_ =	sdelay $0x1  }
0x4da: {  	[tilespmem:s24+$0x0] =	vst v1;
	s24 =	sor.u32 s15, s12  }
0x4db: {  	v1 =	vld [tilespmem:s24+$0x0];
	_ =	sdelay $0x4  }
0x4dc: {  	v1 =	vmul.f32 $6.400000000e+01, v1;
	_ =	sdelay $0x1  }
0x4dd: {  	[tilespmem:s24+$0x0] =	vst v1;
	s24 =	sor.u32 s15, s7  }
0x4de: {  	v1 =	vld [tilespmem:s24+$0x0];
	_ =	sdelay $0x4  }
0x4df: {  	v1 =	vmul.f32 $6.400000000e+01, v1;
	_ =	sdelay $0x1  }
0x4e0: {  	[tilespmem:s24+$0x0] =	vst v1;
	s24 =	sor.u32 s15, s9  }
0x4e1: {  	v1 =	vld [tilespmem:s24+$0x0];
	_ =	sdelay $0x4  }
0x4e2: {  	v1 =	vmul.f32 $6.400000000e+01, v1;
	_ =	sdelay $0x1  }
0x4e3: {  	[tilespmem:s24+$0x0] =	vst v1;
	s24 =	sor.u32 s15, s8  }
0x4e4: {  	v1 =	vld [tilespmem:s24+$0x0];
	_ =	sdelay $0x4  }
0x4e5: {  	v1 =	vmul.f32 $6.400000000e+01, v1  }
0x4e6: {  	s15 =	sor.u32 $0x10, s15  }
0x4e7: {  	s16 =	sor.u32 s15, s16;
	[tilespmem:s24+$0x0] =	vst v1  }
0x4e8: {  	v1 =	vld [tilespmem:s16+$0x0];
	_ =	sdelay $0x4  }
0x4e9: {  	v1 =	vmul.f32 $6.400000000e+01, v1;
	_ =	sdelay $0x1  }
0x4ea: {  	s13 =	sor.u32 s15, s13;
	[tilespmem:s16+$0x0] =	vst v1  }
0x4eb: {  	v1 =	vld [tilespmem:s13+$0x0];
	_ =	sdelay $0x4  }
0x4ec: {  	v1 =	vmul.f32 $6.400000000e+01, v1;
	_ =	sdelay $0x1  }
0x4ed: {  	s10 =	sor.u32 s15, s10;
	[tilespmem:s13+$0x0] =	vst v1  }
0x4ee: {  	v1 =	vld [tilespmem:s10+$0x0];
	_ =	sdelay $0x4  }
0x4ef: {  	v1 =	vmul.f32 $6.400000000e+01, v1;
	_ =	sdelay $0x1  }
0x4f0: {  	[tilespmem:s10+$0x0] =	vst v1;
	s10 =	sor.u32 s15, s19  }
0x4f1: {  	v1 =	vld [tilespmem:s10+$0x0];
	_ =	sdelay $0x4  }
0x4f2: {  	v1 =	vmul.f32 $6.400000000e+01, v1;
	_ =	sdelay $0x1  }
0x4f3: {  	s1 =	sor.u32 s15, s1;
	[tilespmem:s10+$0x0] =	vst v1  }
0x4f4: {  	v1 =	vld [tilespmem:s1+$0x0];
	_ =	sdelay $0x4  }
0x4f5: {  	v1 =	vmul.f32 $6.400000000e+01, v1;
	_ =	sdelay $0x1  }
0x4f6: {  	[tilespmem:s1+$0x0] =	vst v1;
	s1 =	sor.u32 s15, s5  }
0x4f7: {  	v1 =	vld [tilespmem:s1+$0x0];
	_ =	sdelay $0x4  }
0x4f8: {  	v1 =	vmul.f32 $6.400000000e+01, v1;
	_ =	sdelay $0x1  }
0x4f9: {  	[tilespmem:s1+$0x0] =	vst v1;
	s1 =	sor.u32 s15, s4  }
0x4fa: {  	v1 =	vld [tilespmem:s1+$0x0];
	_ =	sdelay $0x4  }
0x4fb: {  	v1 =	vmul.f32 $6.400000000e+01, v1;
	_ =	sdelay $0x1  }
0x4fc: {  	[tilespmem:s1+$0x0] =	vst v1;
	s1 =	sor.u32 s15, s6  }
0x4fd: {  	v1 =	vld [tilespmem:s1+$0x0];
	_ =	sdelay $0x4  }
0x4fe: {  	v1 =	vmul.f32 $6.400000000e+01, v1;
	_ =	sdelay $0x1  }
0x4ff: {  	[tilespmem:s1+$0x0] =	vst v1;
	s1 =	sor.u32 s15, s17  }
0x500: {  	v1 =	vld [tilespmem:s1+$0x0];
	_ =	sdelay $0x4  }
0x501: {  	v1 =	vmul.f32 $6.400000000e+01, v1;
	_ =	sdelay $0x1  }
0x502: {  	[tilespmem:s1+$0x0] =	vst v1;
	s1 =	sor.u32 s15, s14  }
0x503: {  	v1 =	vld [tilespmem:s1+$0x0];
	_ =	sdelay $0x4  }
0x504: {  	v1 =	vmul.f32 $6.400000000e+01, v1;
	_ =	sdelay $0x1  }
0x505: {  	[tilespmem:s1+$0x0] =	vst v1;
	s1 =	sor.u32 s15, s11  }
0x506: {  	v1 =	vld [tilespmem:s1+$0x0];
	_ =	sdelay $0x4  }
0x507: {  	v1 =	vmul.f32 $6.400000000e+01, v1;
	_ =	sdelay $0x1  }
0x508: {  	[tilespmem:s1+$0x0] =	vst v1;
	s1 =	sor.u32 s15, s18  }
0x509: {  	v1 =	vld [tilespmem:s1+$0x0];
	_ =	sdelay $0x4  }
0x50a: {  	v1 =	vmul.f32 $6.400000000e+01, v1;
	_ =	sdelay $0x1  }
0x50b: {  	[tilespmem:s1+$0x0] =	vst v1;
	s1 =	sor.u32 s15, s12  }
0x50c: {  	v1 =	vld [tilespmem:s1+$0x0];
	_ =	sdelay $0x4  }
0x50d: {  	v1 =	vmul.f32 $6.400000000e+01, v1;
	_ =	sdelay $0x1  }
0x50e: {  	[tilespmem:s1+$0x0] =	vst v1;
	s1 =	sor.u32 s15, s7  }
0x50f: {  	v1 =	vld [tilespmem:s1+$0x0];
	_ =	sdelay $0x4  }
0x510: {  	v1 =	vmul.f32 $6.400000000e+01, v1;
	_ =	sdelay $0x1  }
0x511: {  	[tilespmem:s1+$0x0] =	vst v1;
	s1 =	sor.u32 s15, s9  }
0x512: {  	v1 =	vld [tilespmem:s1+$0x0];
	_ =	sdelay $0x4  }
0x513: {  	v1 =	vmul.f32 $6.400000000e+01, v1;
	_ =	sdelay $0x1  }
0x514: {  	s4 =	sor.u32 s15, s8;
	[tilespmem:s1+$0x0] =	vst v1  }
0x515: {  	v1 =	vld [tilespmem:s4+$0x0];
	_ =	sdelay $0x1  }
.Ltmp11:
0x516: {  	(pc) =	sbr.rel @p1 .LBB2_16-.Ltmp11, $4  }
0x517: {  	_ = 	snop  }
0x518: {  	s0 =	sadd.s32 $0x100, s0;
	s2 =	sadd.s32 $0x20, s2  }
0x519: {  	s8 =	sand.u32 $0x1C00, s0;
	s15 =	sand.u32 $0x60, s2;
	v1 =	vmul.f32 $6.400000000e+01, v1  }
0x51a: {  	s16 =	sadd.s32 $0xC800, s8;
	s13 =	sadd.s32 $0xC880, s8;
	s10 =	sadd.s32 $0xC900, s8  }
0x51b: {  	s0 =	sor.u32 s15, s16;
	[tilespmem:s4+$0x0] =	vst v1  }
0x51c: {  	v1 =	vld [tilespmem:s0+$0x0];
	_ =	sdelay $0x4  }
0x51d: {  	v1 =	vmul.f32 $6.400000000e+01, v1;
	_ =	sdelay $0x1  }
0x51e: {  	s14 =	sor.u32 s15, s13;
	[tilespmem:s0+$0x0] =	vst v1  }
0x51f: {  	v1 =	vld [tilespmem:s14+$0x0];
	_ =	sdelay $0x4  }
0x520: {  	v1 =	vmul.f32 $6.400000000e+01, v1;
	_ =	sdelay $0x1  }
0x521: {  	s1 =	sor.u32 s15, s10;
	[tilespmem:s14+$0x0] =	vst v1  }
0x522: {  	v1 =	vld [tilespmem:s1+$0x0];
	_ =	sdelay $0x4  }
0x523: {  	v1 =	vmul.f32 $6.400000000e+01, v1  }
0x524: {  	s0 =	sadd.s32 $0xC980, s8  }
0x525: {  	s2 =	sor.u32 s15, s0;
	[tilespmem:s1+$0x0] =	vst v1  }
0x526: {  	v1 =	vld [tilespmem:s2+$0x0];
	_ =	sdelay $0x4  }
0x527: {  	v1 =	vmul.f32 $6.400000000e+01, v1  }
0x528: {  	s1 =	sadd.s32 $0xCA00, s8  }
0x529: {  	s3 =	sor.u32 s15, s1;
	[tilespmem:s2+$0x0] =	vst v1  }
0x52a: {  	v1 =	vld [tilespmem:s3+$0x0];
	_ =	sdelay $0x4  }
0x52b: {  	v1 =	vmul.f32 $6.400000000e+01, v1  }
0x52c: {  	s2 =	sadd.s32 $0xCA80, s8  }
0x52d: {  	s17 =	sor.u32 s15, s2;
	[tilespmem:s3+$0x0] =	vst v1  }
0x52e: {  	v1 =	vld [tilespmem:s17+$0x0];
	_ =	sdelay $0x4  }
0x52f: {  	v1 =	vmul.f32 $6.400000000e+01, v1  }
0x530: {  	s3 =	sadd.s32 $0xCB00, s8  }
0x531: {  	s5 =	sor.u32 s15, s3;
	[tilespmem:s17+$0x0] =	vst v1  }
0x532: {  	v1 =	vld [tilespmem:s5+$0x0];
	_ =	sdelay $0x4  }
0x533: {  	v1 =	vmul.f32 $6.400000000e+01, v1  }
0x534: {  	s4 =	sadd.s32 $0xCB80, s8  }
0x535: {  	s6 =	sor.u32 s15, s4;
	[tilespmem:s5+$0x0] =	vst v1  }
0x536: {  	v1 =	vld [tilespmem:s6+$0x0];
	_ =	sdelay $0x4  }
0x537: {  	v1 =	vmul.f32 $6.400000000e+01, v1  }
0x538: {  	s5 =	sadd.s32 $0xE800, s8  }
0x539: {  	s7 =	sor.u32 s15, s5;
	[tilespmem:s6+$0x0] =	vst v1  }
0x53a: {  	v1 =	vld [tilespmem:s7+$0x0];
	_ =	sdelay $0x4  }
0x53b: {  	v1 =	vmul.f32 $6.400000000e+01, v1  }
0x53c: {  	s6 =	sadd.s32 $0xE880, s8  }
0x53d: {  	s9 =	sor.u32 s15, s6;
	[tilespmem:s7+$0x0] =	vst v1  }
0x53e: {  	v1 =	vld [tilespmem:s9+$0x0];
	_ =	sdelay $0x4  }
0x53f: {  	v1 =	vmul.f32 $6.400000000e+01, v1  }
0x540: {  	s7 =	sadd.s32 $0xE900, s8  }
0x541: {  	s11 =	sor.u32 s15, s7;
	[tilespmem:s9+$0x0] =	vst v1  }
0x542: {  	v1 =	vld [tilespmem:s11+$0x0];
	_ =	sdelay $0x4  }
0x543: {  	v1 =	vmul.f32 $6.400000000e+01, v1  }
0x544: {  	s9 =	sadd.s32 $0xE980, s8  }
0x545: {  	s12 =	sor.u32 s15, s9;
	[tilespmem:s11+$0x0] =	vst v1  }
0x546: {  	v1 =	vld [tilespmem:s12+$0x0];
	_ =	sdelay $0x4  }
0x547: {  	v1 =	vmul.f32 $6.400000000e+01, v1  }
0x548: {  	s11 =	sadd.s32 $0xEA00, s8  }
0x549: {  	s14 =	sor.u32 s15, s11;
	[tilespmem:s12+$0x0] =	vst v1  }
0x54a: {  	v1 =	vld [tilespmem:s14+$0x0];
	_ =	sdelay $0x4  }
0x54b: {  	v1 =	vmul.f32 $6.400000000e+01, v1  }
0x54c: {  	s12 =	sadd.s32 $0xEA80, s8  }
0x54d: {  	s17 =	sor.u32 s15, s12;
	[tilespmem:s14+$0x0] =	vst v1  }
0x54e: {  	v1 =	vld [tilespmem:s17+$0x0];
	_ =	sdelay $0x4  }
0x54f: {  	v1 =	vmul.f32 $6.400000000e+01, v1  }
0x550: {  	s14 =	sadd.s32 $0xEB00, s8  }
0x551: {  	s18 =	sor.u32 s15, s14;
	[tilespmem:s17+$0x0] =	vst v1  }
0x552: {  	v1 =	vld [tilespmem:s18+$0x0];
	_ =	sdelay $0x4  }
0x553: {  	v1 =	vmul.f32 $6.400000000e+01, v1  }
0x554: {  	s8 =	sadd.s32 $0xEB80, s8  }
0x555: {  	s19 =	sor.u32 s15, s8;
	[tilespmem:s18+$0x0] =	vst v1  }
0x556: {  	v1 =	vld [tilespmem:s19+$0x0];
	_ =	sdelay $0x4  }
0x557: {  	v1 =	vmul.f32 $6.400000000e+01, v1  }
0x558: {  	s15 =	sor.u32 $0x10, s15  }
0x559: {  	s24 =	sor.u32 s15, s16;
	[tilespmem:s19+$0x0] =	vst v1  }
0x55a: {  	v1 =	vld [tilespmem:s24+$0x0];
	_ =	sdelay $0x4  }
0x55b: {  	v1 =	vmul.f32 $6.400000000e+01, v1;
	_ =	sdelay $0x1  }
0x55c: {  	s26 =	sor.u32 s15, s13;
	[tilespmem:s24+$0x0] =	vst v1  }
0x55d: {  	v1 =	vld [tilespmem:s26+$0x0];
	_ =	sdelay $0x4  }
0x55e: {  	v1 =	vmul.f32 $6.400000000e+01, v1;
	_ =	sdelay $0x1  }
0x55f: {  	s30 =	sor.u32 s15, s10;
	[tilespmem:s26+$0x0] =	vst v1  }
0x560: {  	v1 =	vld [tilespmem:s30+$0x0];
	_ =	sdelay $0x4  }
0x561: {  	v1 =	vmul.f32 $6.400000000e+01, v1;
	_ =	sdelay $0x1  }
0x562: {  	s0 =	sor.u32 s15, s0;
	[tilespmem:s30+$0x0] =	vst v1  }
0x563: {  	v1 =	vld [tilespmem:s0+$0x0];
	_ =	sdelay $0x4  }
0x564: {  	v1 =	vmul.f32 $6.400000000e+01, v1;
	_ =	sdelay $0x1  }
0x565: {  	s1 =	sor.u32 s15, s1;
	[tilespmem:s0+$0x0] =	vst v1  }
0x566: {  	v1 =	vld [tilespmem:s1+$0x0];
	_ =	sdelay $0x4  }
0x567: {  	v1 =	vmul.f32 $6.400000000e+01, v1;
	_ =	sdelay $0x1  }
0x568: {  	s2 =	sor.u32 s15, s2;
	[tilespmem:s1+$0x0] =	vst v1  }
0x569: {  	v1 =	vld [tilespmem:s2+$0x0];
	_ =	sdelay $0x4  }
0x56a: {  	v1 =	vmul.f32 $6.400000000e+01, v1;
	_ =	sdelay $0x1  }
0x56b: {  	s3 =	sor.u32 s15, s3;
	[tilespmem:s2+$0x0] =	vst v1  }
0x56c: {  	v1 =	vld [tilespmem:s3+$0x0];
	_ =	sdelay $0x4  }
0x56d: {  	v1 =	vmul.f32 $6.400000000e+01, v1;
	_ =	sdelay $0x1  }
0x56e: {  	s4 =	sor.u32 s15, s4;
	[tilespmem:s3+$0x0] =	vst v1  }
0x56f: {  	v1 =	vld [tilespmem:s4+$0x0];
	_ =	sdelay $0x4  }
0x570: {  	v1 =	vmul.f32 $6.400000000e+01, v1;
	_ =	sdelay $0x1  }
0x571: {  	s5 =	sor.u32 s15, s5;
	[tilespmem:s4+$0x0] =	vst v1  }
0x572: {  	v1 =	vld [tilespmem:s5+$0x0];
	_ =	sdelay $0x4  }
0x573: {  	v1 =	vmul.f32 $6.400000000e+01, v1;
	_ =	sdelay $0x1  }
0x574: {  	s10 =	sor.u32 s15, s6;
	[tilespmem:s5+$0x0] =	vst v1  }
0x575: {  	v1 =	vld [tilespmem:s10+$0x0];
	_ =	sdelay $0x4  }
0x576: {  	v1 =	vmul.f32 $6.400000000e+01, v1;
	_ =	sdelay $0x1  }
0x577: {  	s13 =	sor.u32 s15, s7;
	[tilespmem:s10+$0x0] =	vst v1  }
0x578: {  	v1 =	vld [tilespmem:s13+$0x0];
	_ =	sdelay $0x4  }
0x579: {  	v1 =	vmul.f32 $6.400000000e+01, v1;
	_ =	sdelay $0x1  }
0x57a: {  	s16 =	sor.u32 s15, s9;
	[tilespmem:s13+$0x0] =	vst v1  }
0x57b: {  	v1 =	vld [tilespmem:s16+$0x0];
	_ =	sdelay $0x4  }
0x57c: {  	v1 =	vmul.f32 $6.400000000e+01, v1;
	_ =	sdelay $0x1  }
0x57d: {  	s17 =	sor.u32 s15, s11;
	[tilespmem:s16+$0x0] =	vst v1  }
0x57e: {  	v1 =	vld [tilespmem:s17+$0x0];
	_ =	sdelay $0x4  }
0x57f: {  	v1 =	vmul.f32 $6.400000000e+01, v1;
	_ =	sdelay $0x1  }
0x580: {  	s18 =	sor.u32 s15, s12;
	[tilespmem:s17+$0x0] =	vst v1  }
0x581: {  	v1 =	vld [tilespmem:s18+$0x0];
	_ =	sdelay $0x4  }
0x582: {  	v1 =	vmul.f32 $6.400000000e+01, v1;
	_ =	sdelay $0x1  }
0x583: {  	s19 =	sor.u32 s15, s14;
	[tilespmem:s18+$0x0] =	vst v1  }
0x584: {  	v1 =	vld [tilespmem:s19+$0x0];
	_ =	sdelay $0x4  }
0x585: {  	v1 =	vmul.f32 $6.400000000e+01, v1;
	_ =	sdelay $0x1  }
0x586: {  	s24 =	sor.u32 s15, s8;
	[tilespmem:s19+$0x0] =	vst v1  }
0x587: {  	v1 =	vld [tilespmem:s24+$0x0];
	_ =	sdelay $0x4  }
0x588: {  	v1 =	vmul.f32 $6.400000000e+01, v1;
	_ =	sdelay $0x1  }
0x589: {  	s30 =	simm.s32 $0x0;
	[tilespmem:s24+$0x0] =	vst v1  }
0x58a: {  	v2 =	vld [tilespmem:s30+$0x0];
	_ =	sdelay $0x2  }
0x58b: {  	s26 =	sshll.u32 s29, $0x4  }
0x58c: {  	v1 =	vmov s26  }
0x58d: {  	v2 =	vsub.s32 v2, v1  }
0x58e: {  	vm0 =	vgt.s32 v2, $0x0  }
0x58f: {  	v4 =	vmov s30;
	v3 =	vnsel vm0, $0x0, v2  }
0x590: {  	v5 =	vor.u32 s30, v0;
	v4 =	vshll.u32 v4, $0x3;
	v3 =	vmin.u32 v3, $0xF  }
0x591: {  	v5 =	vand.u32 $0x7F, v5;
	v4 =	vand.u32 $0x1C00, v4;
	v6 =	vshll.u32 v3, $0xA  }
0x592: {  	v4 =	vor.u32 v4, v5;
	v3 =	vshll.u32 v3, $0x7;
	v6 =	vand.u32 $0x2000, v6  }
0x593: {  	vm15 =	vlt.u32 v2, $0x10;
	v2 =	vand.u32 $0x380, v3;
	v3 =	vor.u32 v6, v4  }
0x594: {  	v2 =	vor.u32 v2, v3;
	_ =	sdelay $0x2  }
0x595: {  	s0 =	simm.s32 $0x400  }
0x596: {  	v63 =	vld [tilespmem:s0+$0x0]  }
0x597: {  	v3 =	vld.idx.msk [tilespmem:v2+s25+$0x0], vm15;
	_ =	sdelay $0x4  }
0x598: {  	v3 =	vsub.f32 v3, v63;
	_ =	sdelay $0x1  }
0x599: {  	s1 =	simm.s32 $0x10;
	[tilespmem:v2+s25+$0x0] =	vst.idx.msk vm15, v3  }
0x59a: {  	s2 =	simm.s32 $0x20;
	s3 =	simm.s32 $0x10;
	v2 =	vld [tilespmem:s1+$0x0]  }
.LBB2_18:
0x59b: {  	p1 =	sne.s32 s2, $0x3F0;
	_ =	sdelay $0x3  }
0x59c: {  	v2 =	vsub.s32 v2, v1  }
0x59d: {  	vm0 =	vgt.s32 v2, $0x0  }
0x59e: {  	v4 =	vmov s1;
	v3 =	vnsel vm0, $0x0, v2  }
0x59f: {  	v5 =	vor.u32 s1, v0;
	s1 =	smov.u32 s2;
	v4 =	vshll.u32 v4, $0x3;
	v3 =	vmin.u32 v3, $0xF  }
0x5a0: {  	v5 =	vand.u32 $0x7F, v5;
	v4 =	vand.u32 $0x1C00, v4;
	v6 =	vshll.u32 v3, $0xA  }
0x5a1: {  	v4 =	vor.u32 v4, v5;
	v3 =	vshll.u32 v3, $0x7;
	v6 =	vand.u32 $0x2000, v6  }
0x5a2: {  	vm0 =	vlt.u32 v2, $0x10;
	v2 =	vand.u32 $0x380, v3;
	v3 =	vor.u32 v6, v4  }
0x5a3: {  	v2 =	vor.u32 v2, v3;
	_ =	sdelay $0x4  }
0x5a4: {  	s0 =	sadd.s32 $0x10, s0;
	v3 =	vld.idx.msk [tilespmem:v2+s25+$0x0], vm0  }
0x5a5: {  	v4 =	vld [tilespmem:s0+$0x0];
	_ =	sdelay $0x3  }
.Ltmp12:
0x5a6: {  	(pc) =	sbr.rel @p1 .LBB2_18-.Ltmp12, $3  }
0x5a7: {  	v3 =	vsub.f32 v3, v4;
	_ =	sdelay $0x1  }
0x5a8: {  	s3 =	sadd.s32 $0x10, s3;
	[tilespmem:v2+s25+$0x0] =	vst.idx.msk vm0, v3  }
0x5a9: {  	s2 =	sadd.s32 $0x10, s2;
	v2 =	vld [tilespmem:s3+$0x0]  }
0x5aa: {  	_ =	sdelay $0x3  }
0x5ab: {  	v1 =	vsub.s32 v2, v1  }
0x5ac: {  	vm0 =	vgt.s32 v1, $0x0  }
0x5ad: {  	v3 =	vmov s1;
	v2 =	vnsel vm0, $0x0, v1  }
0x5ae: {  	v4 =	vor.u32 s1, v0;
	v3 =	vshll.u32 v3, $0x3;
	v2 =	vmin.u32 v2, $0xF  }
0x5af: {  	v4 =	vand.u32 $0x7F, v4;
	v3 =	vand.u32 $0x1C00, v3;
	v5 =	vshll.u32 v2, $0xA  }
0x5b0: {  	v3 =	vor.u32 v3, v4;
	v2 =	vshll.u32 v2, $0x7;
	v5 =	vand.u32 $0x2000, v5  }
0x5b1: {  	vm15 =	vlt.u32 v1, $0x10;
	v1 =	vand.u32 $0x380, v2;
	v2 =	vor.u32 v5, v3  }
0x5b2: {  	v1 =	vor.u32 v1, v2;
	_ =	sdelay $0x2  }
0x5b3: {  	s0 =	sadd.s32 $0x10, s0  }
0x5b4: {  	v3 =	vld [tilespmem:s0+$0x0]  }
0x5b5: {  	v2 =	vld.idx.msk [tilespmem:v1+s25+$0x0], vm15;
	_ =	sdelay $0x3  }
.Ltmp13:
0x5b6: {  	_ = 	snop;
	(pc) =	sbr.rel .LBB2_20-.Ltmp13, $4  }
0x5b7: {  	v2 =	vsub.f32 v2, v3  }
0x5b8: {  	s26 =	sshll.u32 s29, $0xB;
	s29 =	rddreg [dreg:$0x3]  }
0x5b9: {  	s30 =	simm.s32 $0x0;
	s0 =	sadd.s32 s29, s26;
	[tilespmem:v1+s25+$0x0] =	vst.idx.msk vm15, v2  }
0x5ba: {  	[hbm4b:s0+s30] =	stream.linear.scatter [tilespmem:s25], [sflag:$0x2], $0x4000, $0x38;
	[tilespmem:$0x10800] =	vst v63  }
.LBB2_22:
0x5bb: {  	_ =	sfence.sel $0x180000  }
0x5bc: {  	[bflag:$0x0] =	sbarrier.arrive $0xFFFF  }
0x5bd: {  	_ =	strace $0x90000047  }
0x5be: {  	s0 =	stileid.u32;
	[bflag:$0x2] =	sbarrier.arrive $0xFFFF  }
0x5bf: {  	p0 =	sne.s32 s0, $0x0;
	s0 =	rddreg [dreg:$0x4]  }
0x5c0: {  	s0 =	sadd.s32 @!p0 $0x100000, s0  }
0x5c1: {  	[sflag:s0] =	ssyncadd.tile.s32 @!p0 $0x1;
	_ =	shalt  }
.Lfunc_end2:
_tile_overlayer_lowered:
.L_overlay_start_2:
0x5c2: {  	(tag) =	ssettag $0x2  }
0x5c3: {  	s0 =	rddreg [dreg:$0x0];
	s2 =	stileid.u32  }
0x5c4: {  	s1 =	rddreg [dreg:$0x1];
	p0 =	sne.s32 s2, $0x0  }
0x5c5: {  	s3 =	rddreg [dreg:$0x2];
	[bflag:$0x3] =	sbarrier.arrive $0xFFFF;
	s2 =	simm.s32 @!p0 $0x1C03  }
0x5c6: {  	[timem:s3], [sflag:s2] =	dma.local @!p0 [hbm:s0], s1  }
0x5c7: {  	s0 =	simm.s32 @!p0 $0x3  }
0x5c8: {  	_ =	swait.ge @!p0 [sflag:s0], s1  }
0x5c9: {  	s1 =	ssub.s32 @!p0 $0x0, s1;
	[sflag:s0] =	ssyncset.done @!p0 $0x0  }
0x5ca: {  	[sflag:s0] =	ssyncadd.s32 @!p0 s1  }
0x5cb: {  	[bflag:$0x3] =	sbarrier.arrive $0xFFFF  }
0x5cc: {  	_ =	shalt  }

</sc_bundles>
